<compile_context>
chip_gen: v7x
topology: tpu7x:2x2x1
jax: 0.10.2.dev20260603
libtpu: 0.0.44.dev20260713+nightly
codegen_flags: <defaults>
</compile_context>

<pallas_src>
import jax
import jax.numpy as jnp
from jax import lax
from jax.experimental import pallas as pl
from jax.experimental.pallas import tpu as pltpu
from jax.experimental.pallas import tpu_sc as plsc

_B, _S, _D = 4, 4096, 1024
_NC, _NS, _L = 2, 16, 16
_NW = _NC * _NS
_ROWS_PER_W = _S // _NW
_C = 16
_NCH = _ROWS_PER_W // _C
_JOBS = [(ci, b) for ci in range(_NCH) for b in range(_B)]


def _sc_body(x_hbm, w_hbm, o_hbm,
             wb0, wb1, xb0, xb1, xb2,
             sw0, sw1, si0, si1, si2, so0, so1, so2):
    wbufs = (wb0, wb1)
    xbufs = (xb0, xb1, xb2)
    sws = (sw0, sw1)
    sis = (si0, si1, si2)
    sos = (so0, so1, so2)

    wid = lax.axis_index("s") * _NC + lax.axis_index("c")
    row0 = wid * _ROWS_PER_W

    def rows(ci):
        return pl.multiple_of(row0 + ci * _C, _C)

    def start_w(ci):
        pltpu.async_copy(w_hbm.at[pl.ds(rows(ci), _C), :],
                         wbufs[ci % 2], sws[ci % 2])

    def wait_w(ci):
        pltpu.make_async_copy(w_hbm.at[pl.ds(rows(ci), _C), :],
                              wbufs[ci % 2], sws[ci % 2]).wait()

    def start_in(j):
        ci, b = _JOBS[j]
        pltpu.async_copy(x_hbm.at[b, pl.ds(rows(ci), _C), :],
                         xbufs[j % 3], sis[j % 3])

    def wait_in(j):
        ci, b = _JOBS[j]
        pltpu.make_async_copy(x_hbm.at[b, pl.ds(rows(ci), _C), :],
                              xbufs[j % 3], sis[j % 3]).wait()

    def start_out(j):
        ci, b = _JOBS[j]
        pltpu.async_copy(xbufs[j % 3],
                         o_hbm.at[b, pl.ds(rows(ci), _C), :], sos[j % 3])

    def wait_out(j):
        ci, b = _JOBS[j]
        pltpu.make_async_copy(xbufs[j % 3],
                              o_hbm.at[b, pl.ds(rows(ci), _C), :],
                              sos[j % 3]).wait()

    start_w(0)
    start_in(0)
    start_in(1)

    for j, (ci, b) in enumerate(_JOBS):
        if b == 0 and ci + 1 < _NCH:
            start_w(ci + 1)
        jn = j + 2
        if jn < len(_JOBS):
            if jn - 3 >= 0:
                wait_out(jn - 3)
            start_in(jn)
        if b == 0:
            wait_w(ci)
        wait_in(j)

        xb = xbufs[j % 3]
        wb = wbufs[ci % 2]

        def row_body(r, carry):
            @plsc.parallel_loop(0, _D, step=_L, unroll=8)
            def _add(i):
                xb[r, pl.ds(i, _L)] = xb[r, pl.ds(i, _L)] + wb[r, pl.ds(i, _L)]

            return carry

        lax.fori_loop(0, _C, row_body, 0)
        start_out(j)

    for j in range(len(_JOBS) - 3, len(_JOBS)):
        wait_out(j)


def kernel(x, weight):
    mesh = plsc.VectorSubcoreMesh(core_axis_name="c", subcore_axis_name="s")
    out = pl.kernel(
        _sc_body,
        out_type=jax.ShapeDtypeStruct((_B, _S, _D), jnp.float32),
        mesh=mesh,
        scratch_types=[
            pltpu.VMEM((_C, _D), jnp.float32),
            pltpu.VMEM((_C, _D), jnp.float32),
            pltpu.VMEM((_C, _D), jnp.float32),
            pltpu.VMEM((_C, _D), jnp.float32),
            pltpu.VMEM((_C, _D), jnp.float32),
            pltpu.SemaphoreType.DMA,
            pltpu.SemaphoreType.DMA,
            pltpu.SemaphoreType.DMA,
            pltpu.SemaphoreType.DMA,
            pltpu.SemaphoreType.DMA,
            pltpu.SemaphoreType.DMA,
            pltpu.SemaphoreType.DMA,
            pltpu.SemaphoreType.DMA,
        ],
    )(x, weight)
    return out

# --- scband reference (transcript-rebuilt; emitter-appended) ---
"""Pipeline reference for scband-position-embedding-10436770529467 (READ-ONLY COPY).

The authoritative reference and input builder live on the scoring server;
editing this copy changes nothing except your own understanding.
"""

import jax, jax.numpy as jnp
import numpy as np

NUM_EMBEDDINGS = 4096
EMBEDDING_DIM = 1024

def setup_inputs(seed: int = 0) -> dict:
    key = jax.random.key(seed)
    k1, k2 = jax.random.split(key)
    x = jax.random.normal(k1, (4, 4096, 1024), dtype=jnp.float32)
    # xavier-normal style init for the position embedding table
    std = float(np.sqrt(2.0 / (NUM_EMBEDDINGS + EMBEDDING_DIM)))
    weight = jax.random.normal(k2, (NUM_EMBEDDINGS, EMBEDDING_DIM), dtype=jnp.float32) * std
    return {"x": x, "weight": weight}

def reference(x, weight):
    # MODE_ADD: add position embeddings (first seq_len rows) broadcast over batch
    batch_size, seq_len = x.shape[0], x.shape[1]
    embeddings = weight[:seq_len, :].reshape(1, seq_len, EMBEDDING_DIM)
    return x + embeddings

if __name__ == "__main__":
    import jax
    _d = setup_inputs()
    print(jax.jit(kernel)(*tuple(_d.values())))

</pallas_src>

<mosaic_0001>
#map = affine_map<(d0, d1) -> (0, 0, 0)>
#map1 = affine_map<(d0, d1) -> (0, 0)>
module attributes {stable_mosaic.version = 14 : i64} {
  func.func @_sc_body(%arg0: i32, %arg1: i32, %arg2: memref<4x4096x1024xf32, #tpu.memory_space<hbm>>, %arg3: memref<4096x1024xf32, #tpu.memory_space<hbm>>, %arg4: memref<4x4096x1024xf32, #tpu.memory_space<hbm>>, %arg5: memref<16x1024xf32, #tpu.memory_space<vmem>>, %arg6: memref<16x1024xf32, #tpu.memory_space<vmem>>, %arg7: memref<16x1024xf32, #tpu.memory_space<vmem>>, %arg8: memref<16x1024xf32, #tpu.memory_space<vmem>>, %arg9: memref<16x1024xf32, #tpu.memory_space<vmem>>, %arg10: memref<!tpu.dma_semaphore, #tpu.memory_space<semaphore_mem>>, %arg11: memref<!tpu.dma_semaphore, #tpu.memory_space<semaphore_mem>>, %arg12: memref<!tpu.dma_semaphore, #tpu.memory_space<semaphore_mem>>, %arg13: memref<!tpu.dma_semaphore, #tpu.memory_space<semaphore_mem>>, %arg14: memref<!tpu.dma_semaphore, #tpu.memory_space<semaphore_mem>>, %arg15: memref<!tpu.dma_semaphore, #tpu.memory_space<semaphore_mem>>, %arg16: memref<!tpu.dma_semaphore, #tpu.memory_space<semaphore_mem>>, %arg17: memref<!tpu.dma_semaphore, #tpu.memory_space<semaphore_mem>>) attributes {dimension_semantics = [#tpu.dimension_semantics<core_parallel>, #tpu.dimension_semantics<subcore_parallel>], iteration_bounds = array<i64: 2, 16>, scalar_prefetch = 0 : i64, scratch_operands = 13 : i64, tpu.core_type = #tpu.core_type<sc_vector_subcore>, window_params = [{transform_indices = #map}, {transform_indices = #map1}, {transform_indices = #map}]} {
    %mul3A = arith.constant 2 : i32
    %mul3A_0 = arith.muli %arg1, %mul3A : i32
    %add3A = arith.addi %mul3A_0, %arg0 : i32
    %mul3A_1 = arith.constant 128 : i32
    %mul3A_2 = arith.muli %add3A, %mul3A_1 : i32
    %add3A_3 = arith.constant 0 : i32
    %add3A_4 = arith.addi %mul3A_2, %add3A_3 : i32
    %multiple_of3A = tpu.assume_multiple %add3A_4, 16 : i32
    %dma_start3A = arith.constant 0 : i32
    %dma_start3A_5 = tpu.memref_slice %arg3[%multiple_of3A, %dma_start3A] : memref<4096x1024xf32, #tpu.memory_space<hbm>> -> memref<16x1024xf32, #tpu.memory_space<hbm>>
    %dma_start3A_6 = arith.constant 0 : i32
    %dma_start3A_7 = tpu.memref_slice %arg3[%multiple_of3A, %dma_start3A_6] : memref<4096x1024xf32, #tpu.memory_space<hbm>> -> memref<16x1024xf32, #tpu.memory_space<hbm>>
    tpu.enqueue_dma source(%dma_start3A_7 : memref<16x1024xf32, #tpu.memory_space<hbm>>) target(%arg5 : memref<16x1024xf32, #tpu.memory_space<vmem>>) target_semaphore(%arg10 : memref<!tpu.dma_semaphore, #tpu.memory_space<semaphore_mem>>)
    %add3A_8 = arith.constant 0 : i32
    %add3A_9 = arith.addi %mul3A_2, %add3A_8 : i32
    %multiple_of3A_10 = tpu.assume_multiple %add3A_9, 16 : i32
    %dma_start3A_11 = arith.constant 0 : i32
    %dma_start3A_12 = arith.constant 0 : i32
    %dma_start3A_13 = tpu.memref_slice %arg2[%dma_start3A_11, %multiple_of3A_10, %dma_start3A_12] : memref<4x4096x1024xf32, #tpu.memory_space<hbm>> -> memref<1x16x1024xf32, #tpu.memory_space<hbm>>
    %dma_start3A_14 = tpu.memref_squeeze %dma_start3A_13 : memref<1x16x1024xf32, #tpu.memory_space<hbm>> -> memref<16x1024xf32, #tpu.memory_space<hbm>>
    %dma_start3A_15 = arith.constant 0 : i32
    %dma_start3A_16 = tpu.memref_slice %arg2[%dma_start3A_11, %multiple_of3A_10, %dma_start3A_15] : memref<4x4096x1024xf32, #tpu.memory_space<hbm>> -> memref<1x16x1024xf32, #tpu.memory_space<hbm>>
    %dma_start3A_17 = tpu.memref_squeeze %dma_start3A_16 : memref<1x16x1024xf32, #tpu.memory_space<hbm>> -> memref<16x1024xf32, #tpu.memory_space<hbm>>
    tpu.enqueue_dma source(%dma_start3A_17 : memref<16x1024xf32, #tpu.memory_space<hbm>>) target(%arg7 : memref<16x1024xf32, #tpu.memory_space<vmem>>) target_semaphore(%arg12 : memref<!tpu.dma_semaphore, #tpu.memory_space<semaphore_mem>>)
    %add3A_18 = arith.constant 0 : i32
    %add3A_19 = arith.addi %mul3A_2, %add3A_18 : i32
    %multiple_of3A_20 = tpu.assume_multiple %add3A_19, 16 : i32
    %dma_start3A_21 = arith.constant 1 : i32
    %dma_start3A_22 = arith.constant 0 : i32
    %dma_start3A_23 = tpu.memref_slice %arg2[%dma_start3A_21, %multiple_of3A_20, %dma_start3A_22] : memref<4x4096x1024xf32, #tpu.memory_space<hbm>> -> memref<1x16x1024xf32, #tpu.memory_space<hbm>>
    %dma_start3A_24 = tpu.memref_squeeze %dma_start3A_23 : memref<1x16x1024xf32, #tpu.memory_space<hbm>> -> memref<16x1024xf32, #tpu.memory_space<hbm>>
    %dma_start3A_25 = arith.constant 0 : i32
    %dma_start3A_26 = tpu.memref_slice %arg2[%dma_start3A_21, %multiple_of3A_20, %dma_start3A_25] : memref<4x4096x1024xf32, #tpu.memory_space<hbm>> -> memref<1x16x1024xf32, #tpu.memory_space<hbm>>
    %dma_start3A_27 = tpu.memref_squeeze %dma_start3A_26 : memref<1x16x1024xf32, #tpu.memory_space<hbm>> -> memref<16x1024xf32, #tpu.memory_space<hbm>>
    tpu.enqueue_dma source(%dma_start3A_27 : memref<16x1024xf32, #tpu.memory_space<hbm>>) target(%arg8 : memref<16x1024xf32, #tpu.memory_space<vmem>>) target_semaphore(%arg13 : memref<!tpu.dma_semaphore, #tpu.memory_space<semaphore_mem>>)
    %add3A_28 = arith.constant 16 : i32
    %add3A_29 = arith.addi %mul3A_2, %add3A_28 : i32
    %multiple_of3A_30 = tpu.assume_multiple %add3A_29, 16 : i32
    %dma_start3A_31 = arith.constant 0 : i32
    %dma_start3A_32 = tpu.memref_slice %arg3[%multiple_of3A_30, %dma_start3A_31] : memref<4096x1024xf32, #tpu.memory_space<hbm>> -> memref<16x1024xf32, #tpu.memory_space<hbm>>
    %dma_start3A_33 = arith.constant 0 : i32
    %dma_start3A_34 = tpu.memref_slice %arg3[%multiple_of3A_30, %dma_start3A_33] : memref<4096x1024xf32, #tpu.memory_space<hbm>> -> memref<16x1024xf32, #tpu.memory_space<hbm>>
    tpu.enqueue_dma source(%dma_start3A_34 : memref<16x1024xf32, #tpu.memory_space<hbm>>) target(%arg6 : memref<16x1024xf32, #tpu.memory_space<vmem>>) target_semaphore(%arg11 : memref<!tpu.dma_semaphore, #tpu.memory_space<semaphore_mem>>)
    %add3A_35 = arith.constant 0 : i32
    %add3A_36 = arith.addi %mul3A_2, %add3A_35 : i32
    %multiple_of3A_37 = tpu.assume_multiple %add3A_36, 16 : i32
    %dma_start3A_38 = arith.constant 2 : i32
    %dma_start3A_39 = arith.constant 0 : i32
    %dma_start3A_40 = tpu.memref_slice %arg2[%dma_start3A_38, %multiple_of3A_37, %dma_start3A_39] : memref<4x4096x1024xf32, #tpu.memory_space<hbm>> -> memref<1x16x1024xf32, #tpu.memory_space<hbm>>
    %dma_start3A_41 = tpu.memref_squeeze %dma_start3A_40 : memref<1x16x1024xf32, #tpu.memory_space<hbm>> -> memref<16x1024xf32, #tpu.memory_space<hbm>>
    %dma_start3A_42 = arith.constant 0 : i32
    %dma_start3A_43 = tpu.memref_slice %arg2[%dma_start3A_38, %multiple_of3A_37, %dma_start3A_42] : memref<4x4096x1024xf32, #tpu.memory_space<hbm>> -> memref<1x16x1024xf32, #tpu.memory_space<hbm>>
    %dma_start3A_44 = tpu.memref_squeeze %dma_start3A_43 : memref<1x16x1024xf32, #tpu.memory_space<hbm>> -> memref<16x1024xf32, #tpu.memory_space<hbm>>
    tpu.enqueue_dma source(%dma_start3A_44 : memref<16x1024xf32, #tpu.memory_space<hbm>>) target(%arg9 : memref<16x1024xf32, #tpu.memory_space<vmem>>) target_semaphore(%arg14 : memref<!tpu.dma_semaphore, #tpu.memory_space<semaphore_mem>>)
    %add3A_45 = arith.constant 0 : i32
    %add3A_46 = arith.addi %mul3A_2, %add3A_45 : i32
    %multiple_of3A_47 = tpu.assume_multiple %add3A_46, 16 : i32
    %dma_wait3A = arith.constant 0 : i32
    %dma_wait3A_48 = tpu.memref_slice %arg3[%multiple_of3A_47, %dma_wait3A] : memref<4096x1024xf32, #tpu.memory_space<hbm>> -> memref<16x1024xf32, #tpu.memory_space<hbm>>
    %dma_wait3A_49 = arith.constant 0 : i32
    %dma_wait3A_50 = tpu.memref_slice %arg3[%multiple_of3A_47, %dma_wait3A_49] : memref<4096x1024xf32, #tpu.memory_space<hbm>> -> memref<16x1024xf32, #tpu.memory_space<hbm>>
    tpu.wait_dma2 semaphore(%arg10 : memref<!tpu.dma_semaphore, #tpu.memory_space<semaphore_mem>>) src(%dma_wait3A_50 : memref<16x1024xf32, #tpu.memory_space<hbm>>) dst(%arg5 : memref<16x1024xf32, #tpu.memory_space<vmem>>)
    %add3A_51 = arith.constant 0 : i32
    %add3A_52 = arith.addi %mul3A_2, %add3A_51 : i32
    %multiple_of3A_53 = tpu.assume_multiple %add3A_52, 16 : i32
    %dma_wait3A_54 = arith.constant 0 : i32
    %dma_wait3A_55 = arith.constant 0 : i32
    %dma_wait3A_56 = tpu.memref_slice %arg2[%dma_wait3A_54, %multiple_of3A_53, %dma_wait3A_55] : memref<4x4096x1024xf32, #tpu.memory_space<hbm>> -> memref<1x16x1024xf32, #tpu.memory_space<hbm>>
    %dma_wait3A_57 = tpu.memref_squeeze %dma_wait3A_56 : memref<1x16x1024xf32, #tpu.memory_space<hbm>> -> memref<16x1024xf32, #tpu.memory_space<hbm>>
    %dma_wait3A_58 = arith.constant 0 : i32
    %dma_wait3A_59 = tpu.memref_slice %arg2[%dma_wait3A_54, %multiple_of3A_53, %dma_wait3A_58] : memref<4x4096x1024xf32, #tpu.memory_space<hbm>> -> memref<1x16x1024xf32, #tpu.memory_space<hbm>>
    %dma_wait3A_60 = tpu.memref_squeeze %dma_wait3A_59 : memref<1x16x1024xf32, #tpu.memory_space<hbm>> -> memref<16x1024xf32, #tpu.memory_space<hbm>>
    tpu.wait_dma2 semaphore(%arg12 : memref<!tpu.dma_semaphore, #tpu.memory_space<semaphore_mem>>) src(%dma_wait3A_60 : memref<16x1024xf32, #tpu.memory_space<hbm>>) dst(%arg7 : memref<16x1024xf32, #tpu.memory_space<vmem>>)
    %scan3A = arith.constant 0 : i32
    %scan3A_61 = arith.constant 0 : i32
    %scan3A_62 = arith.constant 16 : i32
    %scan3A_63 = arith.addi %scan3A_61, %scan3A_62 : i32
    %scan3A_64 = arith.constant 1 : i32
    scf.for %scan3A_1583 = %scan3A_61 to %scan3A_63 step %scan3A_64  : i32 {
      %parallel_loop3A = arith.constant 0 : i32
      %parallel_loop3A_1584 = arith.constant 1024 : i32
      %parallel_loop3A_1585 = arith.constant 16 : i32
      scf.for %parallel_loop3A_1586 = %parallel_loop3A to %parallel_loop3A_1584 step %parallel_loop3A_1585  : i32 {
        %parallel_loop3A_1587 = arith.index_cast %scan3A_1583 : i32 to index
        %parallel_loop3A_1588 = arith.index_cast %parallel_loop3A_1586 : i32 to index
        %parallel_loop3A_1589 = tpu.vector_load %arg7[%parallel_loop3A_1587, %parallel_loop3A_1588] {strides = array<i32>} : memref<16x1024xf32, #tpu.memory_space<vmem>>, vector<1x16xf32>,
        %parallel_loop3A_1590 = vector.shape_cast %parallel_loop3A_1589 : vector<1x16xf32> to vector<16xf32>
        %parallel_loop3A_1591 = arith.index_cast %scan3A_1583 : i32 to index
        %parallel_loop3A_1592 = arith.index_cast %parallel_loop3A_1586 : i32 to index
        %parallel_loop3A_1593 = tpu.vector_load %arg5[%parallel_loop3A_1591, %parallel_loop3A_1592] {strides = array<i32>} : memref<16x1024xf32, #tpu.memory_space<vmem>>, vector<1x16xf32>,
        %parallel_loop3A_1594 = vector.shape_cast %parallel_loop3A_1593 : vector<1x16xf32> to vector<16xf32>
        %parallel_loop3A_1595 = arith.addf %parallel_loop3A_1590, %parallel_loop3A_1594 : vector<16xf32>
        %parallel_loop3A_1596 = arith.index_cast %scan3A_1583 : i32 to index
        %parallel_loop3A_1597 = arith.index_cast %parallel_loop3A_1586 : i32 to index
        %parallel_loop3A_1598 = tpu.vector_load %arg7[%parallel_loop3A_1596, %parallel_loop3A_1597] {strides = array<i32>} : memref<16x1024xf32, #tpu.memory_space<vmem>>, vector<1x16xf32>,
        %parallel_loop3A_1599 = vector.shape_cast %parallel_loop3A_1598 : vector<1x16xf32> to vector<16xf32>
        %parallel_loop3A_1600 = vector.shape_cast %parallel_loop3A_1595 : vector<16xf32> to vector<1x16xf32>
        tpu.vector_store %arg7[%parallel_loop3A_1596, %parallel_loop3A_1597], %parallel_loop3A_1600 {strides = array<i32>} : memref<16x1024xf32, #tpu.memory_space<vmem>>, vector<1x16xf32>,
      } {sc.loop_unroll_factor = 8 : i64, sc.parallel_access}
    }
    %scan3A_65 = arith.constant 16 : i32
    %add3A_66 = arith.constant 0 : i32
    %add3A_67 = arith.addi %mul3A_2, %add3A_66 : i32
    %multiple_of3A_68 = tpu.assume_multiple %add3A_67, 16 : i32
    %dma_start3A_69 = arith.constant 0 : i32
    %dma_start3A_70 = arith.constant 0 : i32
    %dma_start3A_71 = tpu.memref_slice %arg4[%dma_start3A_69, %multiple_of3A_68, %dma_start3A_70] : memref<4x4096x1024xf32, #tpu.memory_space<hbm>> -> memref<1x16x1024xf32, #tpu.memory_space<hbm>>
    %dma_start3A_72 = tpu.memref_squeeze %dma_start3A_71 : memref<1x16x1024xf32, #tpu.memory_space<hbm>> -> memref<16x1024xf32, #tpu.memory_space<hbm>>
    %dma_start3A_73 = arith.constant 0 : i32
    %dma_start3A_74 = tpu.memref_slice %arg4[%dma_start3A_69, %multiple_of3A_68, %dma_start3A_73] : memref<4x4096x1024xf32, #tpu.memory_space<hbm>> -> memref<1x16x1024xf32, #tpu.memory_space<hbm>>
    %dma_start3A_75 = tpu.memref_squeeze %dma_start3A_74 : memref<1x16x1024xf32, #tpu.memory_space<hbm>> -> memref<16x1024xf32, #tpu.memory_space<hbm>>
    tpu.enqueue_dma source(%arg7 : memref<16x1024xf32, #tpu.memory_space<vmem>>) target(%dma_start3A_75 : memref<16x1024xf32, #tpu.memory_space<hbm>>) target_semaphore(%arg15 : memref<!tpu.dma_semaphore, #tpu.memory_space<semaphore_mem>>)
    %add3A_76 = arith.constant 0 : i32
    %add3A_77 = arith.addi %mul3A_2, %add3A_76 : i32
    %multiple_of3A_78 = tpu.assume_multiple %add3A_77, 16 : i32
    %dma_wait3A_79 = arith.constant 0 : i32
    %dma_wait3A_80 = arith.constant 0 : i32
    %dma_wait3A_81 = tpu.memref_slice %arg4[%dma_wait3A_79, %multiple_of3A_78, %dma_wait3A_80] : memref<4x4096x1024xf32, #tpu.memory_space<hbm>> -> memref<1x16x1024xf32, #tpu.memory_space<hbm>>
    %dma_wait3A_82 = tpu.memref_squeeze %dma_wait3A_81 : memref<1x16x1024xf32, #tpu.memory_space<hbm>> -> memref<16x1024xf32, #tpu.memory_space<hbm>>
    %dma_wait3A_83 = arith.constant 0 : i32
    %dma_wait3A_84 = tpu.memref_slice %arg4[%dma_wait3A_79, %multiple_of3A_78, %dma_wait3A_83] : memref<4x4096x1024xf32, #tpu.memory_space<hbm>> -> memref<1x16x1024xf32, #tpu.memory_space<hbm>>
    %dma_wait3A_85 = tpu.memref_squeeze %dma_wait3A_84 : memref<1x16x1024xf32, #tpu.memory_space<hbm>> -> memref<16x1024xf32, #tpu.memory_space<hbm>>
    tpu.wait_dma2 semaphore(%arg15 : memref<!tpu.dma_semaphore, #tpu.memory_space<semaphore_mem>>) src(%arg7 : memref<16x1024xf32, #tpu.memory_space<vmem>>) dst(%dma_wait3A_85 : memref<16x1024xf32, #tpu.memory_space<hbm>>)
    %add3A_86 = arith.constant 0 : i32
    %add3A_87 = arith.addi %mul3A_2, %add3A_86 : i32
    %multiple_of3A_88 = tpu.assume_multiple %add3A_87, 16 : i32
    %dma_start3A_89 = arith.constant 3 : i32
    %dma_start3A_90 = arith.constant 0 : i32
    %dma_start3A_91 = tpu.memref_slice %arg2[%dma_start3A_89, %multiple_of3A_88, %dma_start3A_90] : memref<4x4096x1024xf32, #tpu.memory_space<hbm>> -> memref<1x16x1024xf32, #tpu.memory_space<hbm>>
    %dma_start3A_92 = tpu.memref_squeeze %dma_start3A_91 : memref<1x16x1024xf32, #tpu.memory_space<hbm>> -> memref<16x1024xf32, #tpu.memory_space<hbm>>
    %dma_start3A_93 = arith.constant 0 : i32
    %dma_start3A_94 = tpu.memref_slice %arg2[%dma_start3A_89, %multiple_of3A_88, %dma_start3A_93] : memref<4x4096x1024xf32, #tpu.memory_space<hbm>> -> memref<1x16x1024xf32, #tpu.memory_space<hbm>>
    %dma_start3A_95 = tpu.memref_squeeze %dma_start3A_94 : memref<1x16x1024xf32, #tpu.memory_space<hbm>> -> memref<16x1024xf32, #tpu.memory_space<hbm>>
    tpu.enqueue_dma source(%dma_start3A_95 : memref<16x1024xf32, #tpu.memory_space<hbm>>) target(%arg7 : memref<16x1024xf32, #tpu.memory_space<vmem>>) target_semaphore(%arg12 : memref<!tpu.dma_semaphore, #tpu.memory_space<semaphore_mem>>)
    %add3A_96 = arith.constant 0 : i32
    %add3A_97 = arith.addi %mul3A_2, %add3A_96 : i32
    %multiple_of3A_98 = tpu.assume_multiple %add3A_97, 16 : i32
    %dma_wait3A_99 = arith.constant 1 : i32
    %dma_wait3A_100 = arith.constant 0 : i32
    %dma_wait3A_101 = tpu.memref_slice %arg2[%dma_wait3A_99, %multiple_of3A_98, %dma_wait3A_100] : memref<4x4096x1024xf32, #tpu.memory_space<hbm>> -> memref<1x16x1024xf32, #tpu.memory_space<hbm>>
    %dma_wait3A_102 = tpu.memref_squeeze %dma_wait3A_101 : memref<1x16x1024xf32, #tpu.memory_space<hbm>> -> memref<16x1024xf32, #tpu.memory_space<hbm>>
    %dma_wait3A_103 = arith.constant 0 : i32
    %dma_wait3A_104 = tpu.memref_slice %arg2[%dma_wait3A_99, %multiple_of3A_98, %dma_wait3A_103] : memref<4x4096x1024xf32, #tpu.memory_space<hbm>> -> memref<1x16x1024xf32, #tpu.memory_space<hbm>>
    %dma_wait3A_105 = tpu.memref_squeeze %dma_wait3A_104 : memref<1x16x1024xf32, #tpu.memory_space<hbm>> -> memref<16x1024xf32, #tpu.memory_space<hbm>>
    tpu.wait_dma2 semaphore(%arg13 : memref<!tpu.dma_semaphore, #tpu.memory_space<semaphore_mem>>) src(%dma_wait3A_105 : memref<16x1024xf32, #tpu.memory_space<hbm>>) dst(%arg8 : memref<16x1024xf32, #tpu.memory_space<vmem>>)
    %scan3A_106 = arith.constant 0 : i32
    %scan3A_107 = arith.constant 0 : i32
    %scan3A_108 = arith.constant 16 : i32
    %scan3A_109 = arith.addi %scan3A_107, %scan3A_108 : i32
    %scan3A_110 = arith.constant 1 : i32
    scf.for %scan3A_1583 = %scan3A_107 to %scan3A_109 step %scan3A_110  : i32 {
      %parallel_loop3A = arith.constant 0 : i32
      %parallel_loop3A_1584 = arith.constant 1024 : i32
      %parallel_loop3A_1585 = arith.constant 16 : i32
      scf.for %parallel_loop3A_1586 = %parallel_loop3A to %parallel_loop3A_1584 step %parallel_loop3A_1585  : i32 {
        %parallel_loop3A_1587 = arith.index_cast %scan3A_1583 : i32 to index
        %parallel_loop3A_1588 = arith.index_cast %parallel_loop3A_1586 : i32 to index
        %parallel_loop3A_1589 = tpu.vector_load %arg8[%parallel_loop3A_1587, %parallel_loop3A_1588] {strides = array<i32>} : memref<16x1024xf32, #tpu.memory_space<vmem>>, vector<1x16xf32>,
        %parallel_loop3A_1590 = vector.shape_cast %parallel_loop3A_1589 : vector<1x16xf32> to vector<16xf32>
        %parallel_loop3A_1591 = arith.index_cast %scan3A_1583 : i32 to index
        %parallel_loop3A_1592 = arith.index_cast %parallel_loop3A_1586 : i32 to index
        %parallel_loop3A_1593 = tpu.vector_load %arg5[%parallel_loop3A_1591, %parallel_loop3A_1592] {strides = array<i32>} : memref<16x1024xf32, #tpu.memory_space<vmem>>, vector<1x16xf32>,
        %parallel_loop3A_1594 = vector.shape_cast %parallel_loop3A_1593 : vector<1x16xf32> to vector<16xf32>
        %parallel_loop3A_1595 = arith.addf %parallel_loop3A_1590, %parallel_loop3A_1594 : vector<16xf32>
        %parallel_loop3A_1596 = arith.index_cast %scan3A_1583 : i32 to index
        %parallel_loop3A_1597 = arith.index_cast %parallel_loop3A_1586 : i32 to index
        %parallel_loop3A_1598 = tpu.vector_load %arg8[%parallel_loop3A_1596, %parallel_loop3A_1597] {strides = array<i32>} : memref<16x1024xf32, #tpu.memory_space<vmem>>, vector<1x16xf32>,
        %parallel_loop3A_1599 = vector.shape_cast %parallel_loop3A_1598 : vector<1x16xf32> to vector<16xf32>
        %parallel_loop3A_1600 = vector.shape_cast %parallel_loop3A_1595 : vector<16xf32> to vector<1x16xf32>
        tpu.vector_store %arg8[%parallel_loop3A_1596, %parallel_loop3A_1597], %parallel_loop3A_1600 {strides = array<i32>} : memref<16x1024xf32, #tpu.memory_space<vmem>>, vector<1x16xf32>,
      } {sc.loop_unroll_factor = 8 : i64, sc.parallel_access}
    }
    %scan3A_111 = arith.constant 16 : i32
    %add3A_112 = arith.constant 0 : i32
    %add3A_113 = arith.addi %mul3A_2, %add3A_112 : i32
    %multiple_of3A_114 = tpu.assume_multiple %add3A_113, 16 : i32
    %dma_start3A_115 = arith.constant 1 : i32
    %dma_start3A_116 = arith.constant 0 : i32
    %dma_start3A_117 = tpu.memref_slice %arg4[%dma_start3A_115, %multiple_of3A_114, %dma_start3A_116] : memref<4x4096x1024xf32, #tpu.memory_space<hbm>> -> memref<1x16x1024xf32, #tpu.memory_space<hbm>>
    %dma_start3A_118 = tpu.memref_squeeze %dma_start3A_117 : memref<1x16x1024xf32, #tpu.memory_space<hbm>> -> memref<16x1024xf32, #tpu.memory_space<hbm>>
    %dma_start3A_119 = arith.constant 0 : i32
    %dma_start3A_120 = tpu.memref_slice %arg4[%dma_start3A_115, %multiple_of3A_114, %dma_start3A_119] : memref<4x4096x1024xf32, #tpu.memory_space<hbm>> -> memref<1x16x1024xf32, #tpu.memory_space<hbm>>
    %dma_start3A_121 = tpu.memref_squeeze %dma_start3A_120 : memref<1x16x1024xf32, #tpu.memory_space<hbm>> -> memref<16x1024xf32, #tpu.memory_space<hbm>>
    tpu.enqueue_dma source(%arg8 : memref<16x1024xf32, #tpu.memory_space<vmem>>) target(%dma_start3A_121 : memref<16x1024xf32, #tpu.memory_space<hbm>>) target_semaphore(%arg16 : memref<!tpu.dma_semaphore, #tpu.memory_space<semaphore_mem>>)
    %add3A_122 = arith.constant 0 : i32
    %add3A_123 = arith.addi %mul3A_2, %add3A_122 : i32
    %multiple_of3A_124 = tpu.assume_multiple %add3A_123, 16 : i32
    %dma_wait3A_125 = arith.constant 1 : i32
    %dma_wait3A_126 = arith.constant 0 : i32
    %dma_wait3A_127 = tpu.memref_slice %arg4[%dma_wait3A_125, %multiple_of3A_124, %dma_wait3A_126] : memref<4x4096x1024xf32, #tpu.memory_space<hbm>> -> memref<1x16x1024xf32, #tpu.memory_space<hbm>>
    %dma_wait3A_128 = tpu.memref_squeeze %dma_wait3A_127 : memref<1x16x1024xf32, #tpu.memory_space<hbm>> -> memref<16x1024xf32, #tpu.memory_space<hbm>>
    %dma_wait3A_129 = arith.constant 0 : i32
    %dma_wait3A_130 = tpu.memref_slice %arg4[%dma_wait3A_125, %multiple_of3A_124, %dma_wait3A_129] : memref<4x4096x1024xf32, #tpu.memory_space<hbm>> -> memref<1x16x1024xf32, #tpu.memory_space<hbm>>
    %dma_wait3A_131 = tpu.memref_squeeze %dma_wait3A_130 : memref<1x16x1024xf32, #tpu.memory_space<hbm>> -> memref<16x1024xf32, #tpu.memory_space<hbm>>
    tpu.wait_dma2 semaphore(%arg16 : memref<!tpu.dma_semaphore, #tpu.memory_space<semaphore_mem>>) src(%arg8 : memref<16x1024xf32, #tpu.memory_space<vmem>>) dst(%dma_wait3A_131 : memref<16x1024xf32, #tpu.memory_space<hbm>>)
    %add3A_132 = arith.constant 16 : i32
    %add3A_133 = arith.addi %mul3A_2, %add3A_132 : i32
    %multiple_of3A_134 = tpu.assume_multiple %add3A_133, 16 : i32
    %dma_start3A_135 = arith.constant 0 : i32
    %dma_start3A_136 = arith.constant 0 : i32
    %dma_start3A_137 = tpu.memref_slice %arg2[%dma_start3A_135, %multiple_of3A_134, %dma_start3A_136] : memref<4x4096x1024xf32, #tpu.memory_space<hbm>> -> memref<1x16x1024xf32, #tpu.memory_space<hbm>>
    %dma_start3A_138 = tpu.memref_squeeze %dma_start3A_137 : memref<1x16x1024xf32, #tpu.memory_space<hbm>> -> memref<16x1024xf32, #tpu.memory_space<hbm>>
    %dma_start3A_139 = arith.constant 0 : i32
    %dma_start3A_140 = tpu.memref_slice %arg2[%dma_start3A_135, %multiple_of3A_134, %dma_start3A_139] : memref<4x4096x1024xf32, #tpu.memory_space<hbm>> -> memref<1x16x1024xf32, #tpu.memory_space<hbm>>
    %dma_start3A_141 = tpu.memref_squeeze %dma_start3A_140 : memref<1x16x1024xf32, #tpu.memory_space<hbm>> -> memref<16x1024xf32, #tpu.memory_space<hbm>>
    tpu.enqueue_dma source(%dma_start3A_141 : memref<16x1024xf32, #tpu.memory_space<hbm>>) target(%arg8 : memref<16x1024xf32, #tpu.memory_space<vmem>>) target_semaphore(%arg13 : memref<!tpu.dma_semaphore, #tpu.memory_space<semaphore_mem>>)
    %add3A_142 = arith.constant 0 : i32
    %add3A_143 = arith.addi %mul3A_2, %add3A_142 : i32
    %multiple_of3A_144 = tpu.assume_multiple %add3A_143, 16 : i32
    %dma_wait3A_145 = arith.constant 2 : i32
    %dma_wait3A_146 = arith.constant 0 : i32
    %dma_wait3A_147 = tpu.memref_slice %arg2[%dma_wait3A_145, %multiple_of3A_144, %dma_wait3A_146] : memref<4x4096x1024xf32, #tpu.memory_space<hbm>> -> memref<1x16x1024xf32, #tpu.memory_space<hbm>>
    %dma_wait3A_148 = tpu.memref_squeeze %dma_wait3A_147 : memref<1x16x1024xf32, #tpu.memory_space<hbm>> -> memref<16x1024xf32, #tpu.memory_space<hbm>>
    %dma_wait3A_149 = arith.constant 0 : i32
    %dma_wait3A_150 = tpu.memref_slice %arg2[%dma_wait3A_145, %multiple_of3A_144, %dma_wait3A_149] : memref<4x4096x1024xf32, #tpu.memory_space<hbm>> -> memref<1x16x1024xf32, #tpu.memory_space<hbm>>
    %dma_wait3A_151 = tpu.memref_squeeze %dma_wait3A_150 : memref<1x16x1024xf32, #tpu.memory_space<hbm>> -> memref<16x1024xf32, #tpu.memory_space<hbm>>
    tpu.wait_dma2 semaphore(%arg14 : memref<!tpu.dma_semaphore, #tpu.memory_space<semaphore_mem>>) src(%dma_wait3A_151 : memref<16x1024xf32, #tpu.memory_space<hbm>>) dst(%arg9 : memref<16x1024xf32, #tpu.memory_space<vmem>>)
    %scan3A_152 = arith.constant 0 : i32
    %scan3A_153 = arith.constant 0 : i32
    %scan3A_154 = arith.constant 16 : i32
    %scan3A_155 = arith.addi %scan3A_153, %scan3A_154 : i32
    %scan3A_156 = arith.constant 1 : i32
    scf.for %scan3A_1583 = %scan3A_153 to %scan3A_155 step %scan3A_156  : i32 {
      %parallel_loop3A = arith.constant 0 : i32
      %parallel_loop3A_1584 = arith.constant 1024 : i32
      %parallel_loop3A_1585 = arith.constant 16 : i32
      scf.for %parallel_loop3A_1586 = %parallel_loop3A to %parallel_loop3A_1584 step %parallel_loop3A_1585  : i32 {
        %parallel_loop3A_1587 = arith.index_cast %scan3A_1583 : i32 to index
        %parallel_loop3A_1588 = arith.index_cast %parallel_loop3A_1586 : i32 to index
        %parallel_loop3A_1589 = tpu.vector_load %arg9[%parallel_loop3A_1587, %parallel_loop3A_1588] {strides = array<i32>} : memref<16x1024xf32, #tpu.memory_space<vmem>>, vector<1x16xf32>,
        %parallel_loop3A_1590 = vector.shape_cast %parallel_loop3A_1589 : vector<1x16xf32> to vector<16xf32>
        %parallel_loop3A_1591 = arith.index_cast %scan3A_1583 : i32 to index
        %parallel_loop3A_1592 = arith.index_cast %parallel_loop3A_1586 : i32 to index
        %parallel_loop3A_1593 = tpu.vector_load %arg5[%parallel_loop3A_1591, %parallel_loop3A_1592] {strides = array<i32>} : memref<16x1024xf32, #tpu.memory_space<vmem>>, vector<1x16xf32>,
        %parallel_loop3A_1594 = vector.shape_cast %parallel_loop3A_1593 : vector<1x16xf32> to vector<16xf32>
        %parallel_loop3A_1595 = arith.addf %parallel_loop3A_1590, %parallel_loop3A_1594 : vector<16xf32>
        %parallel_loop3A_1596 = arith.index_cast %scan3A_1583 : i32 to index
        %parallel_loop3A_1597 = arith.index_cast %parallel_loop3A_1586 : i32 to index
        %parallel_loop3A_1598 = tpu.vector_load %arg9[%parallel_loop3A_1596, %parallel_loop3A_1597] {strides = array<i32>} : memref<16x1024xf32, #tpu.memory_space<vmem>>, vector<1x16xf32>,
        %parallel_loop3A_1599 = vector.shape_cast %parallel_loop3A_1598 : vector<1x16xf32> to vector<16xf32>
        %parallel_loop3A_1600 = vector.shape_cast %parallel_loop3A_1595 : vector<16xf32> to vector<1x16xf32>
        tpu.vector_store %arg9[%parallel_loop3A_1596, %parallel_loop3A_1597], %parallel_loop3A_1600 {strides = array<i32>} : memref<16x1024xf32, #tpu.memory_space<vmem>>, vector<1x16xf32>,
      } {sc.loop_unroll_factor = 8 : i64, sc.parallel_access}
    }
    %scan3A_157 = arith.constant 16 : i32
    %add3A_158 = arith.constant 0 : i32
    %add3A_159 = arith.addi %mul3A_2, %add3A_158 : i32
    %multiple_of3A_160 = tpu.assume_multiple %add3A_159, 16 : i32
    %dma_start3A_161 = arith.constant 2 : i32
    %dma_start3A_162 = arith.constant 0 : i32
    %dma_start3A_163 = tpu.memref_slice %arg4[%dma_start3A_161, %multiple_of3A_160, %dma_start3A_162] : memref<4x4096x1024xf32, #tpu.memory_space<hbm>> -> memref<1x16x1024xf32, #tpu.memory_space<hbm>>
    %dma_start3A_164 = tpu.memref_squeeze %dma_start3A_163 : memref<1x16x1024xf32, #tpu.memory_space<hbm>> -> memref<16x1024xf32, #tpu.memory_space<hbm>>
    %dma_start3A_165 = arith.constant 0 : i32
    %dma_start3A_166 = tpu.memref_slice %arg4[%dma_start3A_161, %multiple_of3A_160, %dma_start3A_165] : memref<4x4096x1024xf32, #tpu.memory_space<hbm>> -> memref<1x16x1024xf32, #tpu.memory_space<hbm>>
    %dma_start3A_167 = tpu.memref_squeeze %dma_start3A_166 : memref<1x16x1024xf32, #tpu.memory_space<hbm>> -> memref<16x1024xf32, #tpu.memory_space<hbm>>
    tpu.enqueue_dma source(%arg9 : memref<16x1024xf32, #tpu.memory_space<vmem>>) target(%dma_start3A_167 : memref<16x1024xf32, #tpu.memory_space<hbm>>) target_semaphore(%arg17 : memref<!tpu.dma_semaphore, #tpu.memory_space<semaphore_mem>>)
    %add3A_168 = arith.constant 0 : i32
    %add3A_169 = arith.addi %mul3A_2, %add3A_168 : i32
    %multiple_of3A_170 = tpu.assume_multiple %add3A_169, 16 : i32
    %dma_wait3A_171 = arith.constant 2 : i32
    %dma_wait3A_172 = arith.constant 0 : i32
    %dma_wait3A_173 = tpu.memref_slice %arg4[%dma_wait3A_171, %multiple_of3A_170, %dma_wait3A_172] : memref<4x4096x1024xf32, #tpu.memory_space<hbm>> -> memref<1x16x1024xf32, #tpu.memory_space<hbm>>
    %dma_wait3A_174 = tpu.memref_squeeze %dma_wait3A_173 : memref<1x16x1024xf32, #tpu.memory_space<hbm>> -> memref<16x1024xf32, #tpu.memory_space<hbm>>
    %dma_wait3A_175 = arith.constant 0 : i32
    %dma_wait3A_176 = tpu.memref_slice %arg4[%dma_wait3A_171, %multiple_of3A_170, %dma_wait3A_175] : memref<4x4096x1024xf32, #tpu.memory_space<hbm>> -> memref<1x16x1024xf32, #tpu.memory_space<hbm>>
    %dma_wait3A_177 = tpu.memref_squeeze %dma_wait3A_176 : memref<1x16x1024xf32, #tpu.memory_space<hbm>> -> memref<16x1024xf32, #tpu.memory_space<hbm>>
    tpu.wait_dma2 semaphore(%arg17 : memref<!tpu.dma_semaphore, #tpu.memory_space<semaphore_mem>>) src(%arg9 : memref<16x1024xf32, #tpu.memory_space<vmem>>) dst(%dma_wait3A_177 : memref<16x1024xf32, #tpu.memory_space<hbm>>)
    %add3A_178 = arith.constant 16 : i32
    %add3A_179 = arith.addi %mul3A_2, %add3A_178 : i32
    %multiple_of3A_180 = tpu.assume_multiple %add3A_179, 16 : i32
    %dma_start3A_181 = arith.constant 1 : i32
    %dma_start3A_182 = arith.constant 0 : i32
    %dma_start3A_183 = tpu.memref_slice %arg2[%dma_start3A_181, %multiple_of3A_180, %dma_start3A_182] : memref<4x4096x1024xf32, #tpu.memory_space<hbm>> -> memref<1x16x1024xf32, #tpu.memory_space<hbm>>
    %dma_start3A_184 = tpu.memref_squeeze %dma_start3A_183 : memref<1x16x1024xf32, #tpu.memory_space<hbm>> -> memref<16x1024xf32, #tpu.memory_space<hbm>>
    %dma_start3A_185 = arith.constant 0 : i32
    %dma_start3A_186 = tpu.memref_slice %arg2[%dma_start3A_181, %multiple_of3A_180, %dma_start3A_185] : memref<4x4096x1024xf32, #tpu.memory_space<hbm>> -> memref<1x16x1024xf32, #tpu.memory_space<hbm>>
    %dma_start3A_187 = tpu.memref_squeeze %dma_start3A_186 : memref<1x16x1024xf32, #tpu.memory_space<hbm>> -> memref<16x1024xf32, #tpu.memory_space<hbm>>
    tpu.enqueue_dma source(%dma_start3A_187 : memref<16x1024xf32, #tpu.memory_space<hbm>>) target(%arg9 : memref<16x1024xf32, #tpu.memory_space<vmem>>) target_semaphore(%arg14 : memref<!tpu.dma_semaphore, #tpu.memory_space<semaphore_mem>>)
    %add3A_188 = arith.constant 0 : i32
    %add3A_189 = arith.addi %mul3A_2, %add3A_188 : i32
    %multiple_of3A_190 = tpu.assume_multiple %add3A_189, 16 : i32
    %dma_wait3A_191 = arith.constant 3 : i32
    %dma_wait3A_192 = arith.constant 0 : i32
    %dma_wait3A_193 = tpu.memref_slice %arg2[%dma_wait3A_191, %multiple_of3A_190, %dma_wait3A_192] : memref<4x4096x1024xf32, #tpu.memory_space<hbm>> -> memref<1x16x1024xf32, #tpu.memory_space<hbm>>
    %dma_wait3A_194 = tpu.memref_squeeze %dma_wait3A_193 : memref<1x16x1024xf32, #tpu.memory_space<hbm>> -> memref<16x1024xf32, #tpu.memory_space<hbm>>
    %dma_wait3A_195 = arith.constant 0 : i32
    %dma_wait3A_196 = tpu.memref_slice %arg2[%dma_wait3A_191, %multiple_of3A_190, %dma_wait3A_195] : memref<4x4096x1024xf32, #tpu.memory_space<hbm>> -> memref<1x16x1024xf32, #tpu.memory_space<hbm>>
    %dma_wait3A_197 = tpu.memref_squeeze %dma_wait3A_196 : memref<1x16x1024xf32, #tpu.memory_space<hbm>> -> memref<16x1024xf32, #tpu.memory_space<hbm>>
    tpu.wait_dma2 semaphore(%arg12 : memref<!tpu.dma_semaphore, #tpu.memory_space<semaphore_mem>>) src(%dma_wait3A_197 : memref<16x1024xf32, #tpu.memory_space<hbm>>) dst(%arg7 : memref<16x1024xf32, #tpu.memory_space<vmem>>)
    %scan3A_198 = arith.constant 0 : i32
    %scan3A_199 = arith.constant 0 : i32
    %scan3A_200 = arith.constant 16 : i32
    %scan3A_201 = arith.addi %scan3A_199, %scan3A_200 : i32
    %scan3A_202 = arith.constant 1 : i32
    scf.for %scan3A_1583 = %scan3A_199 to %scan3A_201 step %scan3A_202  : i32 {
      %parallel_loop3A = arith.constant 0 : i32
      %parallel_loop3A_1584 = arith.constant 1024 : i32
      %parallel_loop3A_1585 = arith.constant 16 : i32
      scf.for %parallel_loop3A_1586 = %parallel_loop3A to %parallel_loop3A_1584 step %parallel_loop3A_1585  : i32 {
        %parallel_loop3A_1587 = arith.index_cast %scan3A_1583 : i32 to index
        %parallel_loop3A_1588 = arith.index_cast %parallel_loop3A_1586 : i32 to index
        %parallel_loop3A_1589 = tpu.vector_load %arg7[%parallel_loop3A_1587, %parallel_loop3A_1588] {strides = array<i32>} : memref<16x1024xf32, #tpu.memory_space<vmem>>, vector<1x16xf32>,
        %parallel_loop3A_1590 = vector.shape_cast %parallel_loop3A_1589 : vector<1x16xf32> to vector<16xf32>
        %parallel_loop3A_1591 = arith.index_cast %scan3A_1583 : i32 to index
        %parallel_loop3A_1592 = arith.index_cast %parallel_loop3A_1586 : i32 to index
        %parallel_loop3A_1593 = tpu.vector_load %arg5[%parallel_loop3A_1591, %parallel_loop3A_1592] {strides = array<i32>} : memref<16x1024xf32, #tpu.memory_space<vmem>>, vector<1x16xf32>,
        %parallel_loop3A_1594 = vector.shape_cast %parallel_loop3A_1593 : vector<1x16xf32> to vector<16xf32>
        %parallel_loop3A_1595 = arith.addf %parallel_loop3A_1590, %parallel_loop3A_1594 : vector<16xf32>
        %parallel_loop3A_1596 = arith.index_cast %scan3A_1583 : i32 to index
        %parallel_loop3A_1597 = arith.index_cast %parallel_loop3A_1586 : i32 to index
        %parallel_loop3A_1598 = tpu.vector_load %arg7[%parallel_loop3A_1596, %parallel_loop3A_1597] {strides = array<i32>} : memref<16x1024xf32, #tpu.memory_space<vmem>>, vector<1x16xf32>,
        %parallel_loop3A_1599 = vector.shape_cast %parallel_loop3A_1598 : vector<1x16xf32> to vector<16xf32>
        %parallel_loop3A_1600 = vector.shape_cast %parallel_loop3A_1595 : vector<16xf32> to vector<1x16xf32>
        tpu.vector_store %arg7[%parallel_loop3A_1596, %parallel_loop3A_1597], %parallel_loop3A_1600 {strides = array<i32>} : memref<16x1024xf32, #tpu.memory_space<vmem>>, vector<1x16xf32>,
      } {sc.loop_unroll_factor = 8 : i64, sc.parallel_access}
    }
    %scan3A_203 = arith.constant 16 : i32
    %add3A_204 = arith.constant 0 : i32
    %add3A_205 = arith.addi %mul3A_2, %add3A_204 : i32
    %multiple_of3A_206 = tpu.assume_multiple %add3A_205, 16 : i32
    %dma_start3A_207 = arith.constant 3 : i32
    %dma_start3A_208 = arith.constant 0 : i32
    %dma_start3A_209 = tpu.memref_slice %arg4[%dma_start3A_207, %multiple_of3A_206, %dma_start3A_208] : memref<4x4096x1024xf32, #tpu.memory_space<hbm>> -> memref<1x16x1024xf32, #tpu.memory_space<hbm>>
    %dma_start3A_210 = tpu.memref_squeeze %dma_start3A_209 : memref<1x16x1024xf32, #tpu.memory_space<hbm>> -> memref<16x1024xf32, #tpu.memory_space<hbm>>
    %dma_start3A_211 = arith.constant 0 : i32
    %dma_start3A_212 = tpu.memref_slice %arg4[%dma_start3A_207, %multiple_of3A_206, %dma_start3A_211] : memref<4x4096x1024xf32, #tpu.memory_space<hbm>> -> memref<1x16x1024xf32, #tpu.memory_space<hbm>>
    %dma_start3A_213 = tpu.memref_squeeze %dma_start3A_212 : memref<1x16x1024xf32, #tpu.memory_space<hbm>> -> memref<16x1024xf32, #tpu.memory_space<hbm>>
    tpu.enqueue_dma source(%arg7 : memref<16x1024xf32, #tpu.memory_space<vmem>>) target(%dma_start3A_213 : memref<16x1024xf32, #tpu.memory_space<hbm>>) target_semaphore(%arg15 : memref<!tpu.dma_semaphore, #tpu.memory_space<semaphore_mem>>)
    %add3A_214 = arith.constant 32 : i32
    %add3A_215 = arith.addi %mul3A_2, %add3A_214 : i32
    %multiple_of3A_216 = tpu.assume_multiple %add3A_215, 16 : i32
    %dma_start3A_217 = arith.constant 0 : i32
    %dma_start3A_218 = tpu.memref_slice %arg3[%multiple_of3A_216, %dma_start3A_217] : memref<4096x1024xf32, #tpu.memory_space<hbm>> -> memref<16x1024xf32, #tpu.memory_space<hbm>>
    %dma_start3A_219 = arith.constant 0 : i32
    %dma_start3A_220 = tpu.memref_slice %arg3[%multiple_of3A_216, %dma_start3A_219] : memref<4096x1024xf32, #tpu.memory_space<hbm>> -> memref<16x1024xf32, #tpu.memory_space<hbm>>
    tpu.enqueue_dma source(%dma_start3A_220 : memref<16x1024xf32, #tpu.memory_space<hbm>>) target(%arg5 : memref<16x1024xf32, #tpu.memory_space<vmem>>) target_semaphore(%arg10 : memref<!tpu.dma_semaphore, #tpu.memory_space<semaphore_mem>>)
    %add3A_221 = arith.constant 0 : i32
    %add3A_222 = arith.addi %mul3A_2, %add3A_221 : i32
    %multiple_of3A_223 = tpu.assume_multiple %add3A_222, 16 : i32
    %dma_wait3A_224 = arith.constant 3 : i32
    %dma_wait3A_225 = arith.constant 0 : i32
    %dma_wait3A_226 = tpu.memref_slice %arg4[%dma_wait3A_224, %multiple_of3A_223, %dma_wait3A_225] : memref<4x4096x1024xf32, #tpu.memory_space<hbm>> -> memref<1x16x1024xf32, #tpu.memory_space<hbm>>
    %dma_wait3A_227 = tpu.memref_squeeze %dma_wait3A_226 : memref<1x16x1024xf32, #tpu.memory_space<hbm>> -> memref<16x1024xf32, #tpu.memory_space<hbm>>
    %dma_wait3A_228 = arith.constant 0 : i32
    %dma_wait3A_229 = tpu.memref_slice %arg4[%dma_wait3A_224, %multiple_of3A_223, %dma_wait3A_228] : memref<4x4096x1024xf32, #tpu.memory_space<hbm>> -> memref<1x16x1024xf32, #tpu.memory_space<hbm>>
    %dma_wait3A_230 = tpu.memref_squeeze %dma_wait3A_229 : memref<1x16x1024xf32, #tpu.memory_space<hbm>> -> memref<16x1024xf32, #tpu.memory_space<hbm>>
    tpu.wait_dma2 semaphore(%arg15 : memref<!tpu.dma_semaphore, #tpu.memory_space<semaphore_mem>>) src(%arg7 : memref<16x1024xf32, #tpu.memory_space<vmem>>) dst(%dma_wait3A_230 : memref<16x1024xf32, #tpu.memory_space<hbm>>)
    %add3A_231 = arith.constant 16 : i32
    %add3A_232 = arith.addi %mul3A_2, %add3A_231 : i32
    %multiple_of3A_233 = tpu.assume_multiple %add3A_232, 16 : i32
    %dma_start3A_234 = arith.constant 2 : i32
    %dma_start3A_235 = arith.constant 0 : i32
    %dma_start3A_236 = tpu.memref_slice %arg2[%dma_start3A_234, %multiple_of3A_233, %dma_start3A_235] : memref<4x4096x1024xf32, #tpu.memory_space<hbm>> -> memref<1x16x1024xf32, #tpu.memory_space<hbm>>
    %dma_start3A_237 = tpu.memref_squeeze %dma_start3A_236 : memref<1x16x1024xf32, #tpu.memory_space<hbm>> -> memref<16x1024xf32, #tpu.memory_space<hbm>>
    %dma_start3A_238 = arith.constant 0 : i32
    %dma_start3A_239 = tpu.memref_slice %arg2[%dma_start3A_234, %multiple_of3A_233, %dma_start3A_238] : memref<4x4096x1024xf32, #tpu.memory_space<hbm>> -> memref<1x16x1024xf32, #tpu.memory_space<hbm>>
    %dma_start3A_240 = tpu.memref_squeeze %dma_start3A_239 : memref<1x16x1024xf32, #tpu.memory_space<hbm>> -> memref<16x1024xf32, #tpu.memory_space<hbm>>
    tpu.enqueue_dma source(%dma_start3A_240 : memref<16x1024xf32, #tpu.memory_space<hbm>>) target(%arg7 : memref<16x1024xf32, #tpu.memory_space<vmem>>) target_semaphore(%arg12 : memref<!tpu.dma_semaphore, #tpu.memory_space<semaphore_mem>>)
    %add3A_241 = arith.constant 16 : i32
    %add3A_242 = arith.addi %mul3A_2, %add3A_241 : i32
    %multiple_of3A_243 = tpu.assume_multiple %add3A_242, 16 : i32
    %dma_wait3A_244 = arith.constant 0 : i32
    %dma_wait3A_245 = tpu.memref_slice %arg3[%multiple_of3A_243, %dma_wait3A_244] : memref<4096x1024xf32, #tpu.memory_space<hbm>> -> memref<16x1024xf32, #tpu.memory_space<hbm>>
    %dma_wait3A_246 = arith.constant 0 : i32
    %dma_wait3A_247 = tpu.memref_slice %arg3[%multiple_of3A_243, %dma_wait3A_246] : memref<4096x1024xf32, #tpu.memory_space<hbm>> -> memref<16x1024xf32, #tpu.memory_space<hbm>>
    tpu.wait_dma2 semaphore(%arg11 : memref<!tpu.dma_semaphore, #tpu.memory_space<semaphore_mem>>) src(%dma_wait3A_247 : memref<16x1024xf32, #tpu.memory_space<hbm>>) dst(%arg6 : memref<16x1024xf32, #tpu.memory_space<vmem>>)
    %add3A_248 = arith.constant 16 : i32
    %add3A_249 = arith.addi %mul3A_2, %add3A_248 : i32
    %multiple_of3A_250 = tpu.assume_multiple %add3A_249, 16 : i32
    %dma_wait3A_251 = arith.constant 0 : i32
    %dma_wait3A_252 = arith.constant 0 : i32
    %dma_wait3A_253 = tpu.memref_slice %arg2[%dma_wait3A_251, %multiple_of3A_250, %dma_wait3A_252] : memref<4x4096x1024xf32, #tpu.memory_space<hbm>> -> memref<1x16x1024xf32, #tpu.memory_space<hbm>>
    %dma_wait3A_254 = tpu.memref_squeeze %dma_wait3A_253 : memref<1x16x1024xf32, #tpu.memory_space<hbm>> -> memref<16x1024xf32, #tpu.memory_space<hbm>>
    %dma_wait3A_255 = arith.constant 0 : i32
    %dma_wait3A_256 = tpu.memref_slice %arg2[%dma_wait3A_251, %multiple_of3A_250, %dma_wait3A_255] : memref<4x4096x1024xf32, #tpu.memory_space<hbm>> -> memref<1x16x1024xf32, #tpu.memory_space<hbm>>
    %dma_wait3A_257 = tpu.memref_squeeze %dma_wait3A_256 : memref<1x16x1024xf32, #tpu.memory_space<hbm>> -> memref<16x1024xf32, #tpu.memory_space<hbm>>
    tpu.wait_dma2 semaphore(%arg13 : memref<!tpu.dma_semaphore, #tpu.memory_space<semaphore_mem>>) src(%dma_wait3A_257 : memref<16x1024xf32, #tpu.memory_space<hbm>>) dst(%arg8 : memref<16x1024xf32, #tpu.memory_space<vmem>>)
    %scan3A_258 = arith.constant 0 : i32
    %scan3A_259 = arith.constant 0 : i32
    %scan3A_260 = arith.constant 16 : i32
    %scan3A_261 = arith.addi %scan3A_259, %scan3A_260 : i32
    %scan3A_262 = arith.constant 1 : i32
    scf.for %scan3A_1583 = %scan3A_259 to %scan3A_261 step %scan3A_262  : i32 {
      %parallel_loop3A = arith.constant 0 : i32
      %parallel_loop3A_1584 = arith.constant 1024 : i32
      %parallel_loop3A_1585 = arith.constant 16 : i32
      scf.for %parallel_loop3A_1586 = %parallel_loop3A to %parallel_loop3A_1584 step %parallel_loop3A_1585  : i32 {
        %parallel_loop3A_1587 = arith.index_cast %scan3A_1583 : i32 to index
        %parallel_loop3A_1588 = arith.index_cast %parallel_loop3A_1586 : i32 to index
        %parallel_loop3A_1589 = tpu.vector_load %arg8[%parallel_loop3A_1587, %parallel_loop3A_1588] {strides = array<i32>} : memref<16x1024xf32, #tpu.memory_space<vmem>>, vector<1x16xf32>,
        %parallel_loop3A_1590 = vector.shape_cast %parallel_loop3A_1589 : vector<1x16xf32> to vector<16xf32>
        %parallel_loop3A_1591 = arith.index_cast %scan3A_1583 : i32 to index
        %parallel_loop3A_1592 = arith.index_cast %parallel_loop3A_1586 : i32 to index
        %parallel_loop3A_1593 = tpu.vector_load %arg6[%parallel_loop3A_1591, %parallel_loop3A_1592] {strides = array<i32>} : memref<16x1024xf32, #tpu.memory_space<vmem>>, vector<1x16xf32>,
        %parallel_loop3A_1594 = vector.shape_cast %parallel_loop3A_1593 : vector<1x16xf32> to vector<16xf32>
        %parallel_loop3A_1595 = arith.addf %parallel_loop3A_1590, %parallel_loop3A_1594 : vector<16xf32>
        %parallel_loop3A_1596 = arith.index_cast %scan3A_1583 : i32 to index
        %parallel_loop3A_1597 = arith.index_cast %parallel_loop3A_1586 : i32 to index
        %parallel_loop3A_1598 = tpu.vector_load %arg8[%parallel_loop3A_1596, %parallel_loop3A_1597] {strides = array<i32>} : memref<16x1024xf32, #tpu.memory_space<vmem>>, vector<1x16xf32>,
        %parallel_loop3A_1599 = vector.shape_cast %parallel_loop3A_1598 : vector<1x16xf32> to vector<16xf32>
        %parallel_loop3A_1600 = vector.shape_cast %parallel_loop3A_1595 : vector<16xf32> to vector<1x16xf32>
        tpu.vector_store %arg8[%parallel_loop3A_1596, %parallel_loop3A_1597], %parallel_loop3A_1600 {strides = array<i32>} : memref<16x1024xf32, #tpu.memory_space<vmem>>, vector<1x16xf32>,
      } {sc.loop_unroll_factor = 8 : i64, sc.parallel_access}
    }
    %scan3A_263 = arith.constant 16 : i32
    %add3A_264 = arith.constant 16 : i32
    %add3A_265 = arith.addi %mul3A_2, %add3A_264 : i32
    %multiple_of3A_266 = tpu.assume_multiple %add3A_265, 16 : i32
    %dma_start3A_267 = arith.constant 0 : i32
    %dma_start3A_268 = arith.constant 0 : i32
    %dma_start3A_269 = tpu.memref_slice %arg4[%dma_start3A_267, %multiple_of3A_266, %dma_start3A_268] : memref<4x4096x1024xf32, #tpu.memory_space<hbm>> -> memref<1x16x1024xf32, #tpu.memory_space<hbm>>
    %dma_start3A_270 = tpu.memref_squeeze %dma_start3A_269 : memref<1x16x1024xf32, #tpu.memory_space<hbm>> -> memref<16x1024xf32, #tpu.memory_space<hbm>>
    %dma_start3A_271 = arith.constant 0 : i32
    %dma_start3A_272 = tpu.memref_slice %arg4[%dma_start3A_267, %multiple_of3A_266, %dma_start3A_271] : memref<4x4096x1024xf32, #tpu.memory_space<hbm>> -> memref<1x16x1024xf32, #tpu.memory_space<hbm>>
    %dma_start3A_273 = tpu.memref_squeeze %dma_start3A_272 : memref<1x16x1024xf32, #tpu.memory_space<hbm>> -> memref<16x1024xf32, #tpu.memory_space<hbm>>
    tpu.enqueue_dma source(%arg8 : memref<16x1024xf32, #tpu.memory_space<vmem>>) target(%dma_start3A_273 : memref<16x1024xf32, #tpu.memory_space<hbm>>) target_semaphore(%arg16 : memref<!tpu.dma_semaphore, #tpu.memory_space<semaphore_mem>>)
    %add3A_274 = arith.constant 16 : i32
    %add3A_275 = arith.addi %mul3A_2, %add3A_274 : i32
    %multiple_of3A_276 = tpu.assume_multiple %add3A_275, 16 : i32
    %dma_wait3A_277 = arith.constant 0 : i32
    %dma_wait3A_278 = arith.constant 0 : i32
    %dma_wait3A_279 = tpu.memref_slice %arg4[%dma_wait3A_277, %multiple_of3A_276, %dma_wait3A_278] : memref<4x4096x1024xf32, #tpu.memory_space<hbm>> -> memref<1x16x1024xf32, #tpu.memory_space<hbm>>
    %dma_wait3A_280 = tpu.memref_squeeze %dma_wait3A_279 : memref<1x16x1024xf32, #tpu.memory_space<hbm>> -> memref<16x1024xf32, #tpu.memory_space<hbm>>
    %dma_wait3A_281 = arith.constant 0 : i32
    %dma_wait3A_282 = tpu.memref_slice %arg4[%dma_wait3A_277, %multiple_of3A_276, %dma_wait3A_281] : memref<4x4096x1024xf32, #tpu.memory_space<hbm>> -> memref<1x16x1024xf32, #tpu.memory_space<hbm>>
    %dma_wait3A_283 = tpu.memref_squeeze %dma_wait3A_282 : memref<1x16x1024xf32, #tpu.memory_space<hbm>> -> memref<16x1024xf32, #tpu.memory_space<hbm>>
    tpu.wait_dma2 semaphore(%arg16 : memref<!tpu.dma_semaphore, #tpu.memory_space<semaphore_mem>>) src(%arg8 : memref<16x1024xf32, #tpu.memory_space<vmem>>) dst(%dma_wait3A_283 : memref<16x1024xf32, #tpu.memory_space<hbm>>)
    %add3A_284 = arith.constant 16 : i32
    %add3A_285 = arith.addi %mul3A_2, %add3A_284 : i32
    %multiple_of3A_286 = tpu.assume_multiple %add3A_285, 16 : i32
    %dma_start3A_287 = arith.constant 3 : i32
    %dma_start3A_288 = arith.constant 0 : i32
    %dma_start3A_289 = tpu.memref_slice %arg2[%dma_start3A_287, %multiple_of3A_286, %dma_start3A_288] : memref<4x4096x1024xf32, #tpu.memory_space<hbm>> -> memref<1x16x1024xf32, #tpu.memory_space<hbm>>
    %dma_start3A_290 = tpu.memref_squeeze %dma_start3A_289 : memref<1x16x1024xf32, #tpu.memory_space<hbm>> -> memref<16x1024xf32, #tpu.memory_space<hbm>>
    %dma_start3A_291 = arith.constant 0 : i32
    %dma_start3A_292 = tpu.memref_slice %arg2[%dma_start3A_287, %multiple_of3A_286, %dma_start3A_291] : memref<4x4096x1024xf32, #tpu.memory_space<hbm>> -> memref<1x16x1024xf32, #tpu.memory_space<hbm>>
    %dma_start3A_293 = tpu.memref_squeeze %dma_start3A_292 : memref<1x16x1024xf32, #tpu.memory_space<hbm>> -> memref<16x1024xf32, #tpu.memory_space<hbm>>
    tpu.enqueue_dma source(%dma_start3A_293 : memref<16x1024xf32, #tpu.memory_space<hbm>>) target(%arg8 : memref<16x1024xf32, #tpu.memory_space<vmem>>) target_semaphore(%arg13 : memref<!tpu.dma_semaphore, #tpu.memory_space<semaphore_mem>>)
    %add3A_294 = arith.constant 16 : i32
    %add3A_295 = arith.addi %mul3A_2, %add3A_294 : i32
    %multiple_of3A_296 = tpu.assume_multiple %add3A_295, 16 : i32
    %dma_wait3A_297 = arith.constant 1 : i32
    %dma_wait3A_298 = arith.constant 0 : i32
    %dma_wait3A_299 = tpu.memref_slice %arg2[%dma_wait3A_297, %multiple_of3A_296, %dma_wait3A_298] : memref<4x4096x1024xf32, #tpu.memory_space<hbm>> -> memref<1x16x1024xf32, #tpu.memory_space<hbm>>
    %dma_wait3A_300 = tpu.memref_squeeze %dma_wait3A_299 : memref<1x16x1024xf32, #tpu.memory_space<hbm>> -> memref<16x1024xf32, #tpu.memory_space<hbm>>
    %dma_wait3A_301 = arith.constant 0 : i32
    %dma_wait3A_302 = tpu.memref_slice %arg2[%dma_wait3A_297, %multiple_of3A_296, %dma_wait3A_301] : memref<4x4096x1024xf32, #tpu.memory_space<hbm>> -> memref<1x16x1024xf32, #tpu.memory_space<hbm>>
    %dma_wait3A_303 = tpu.memref_squeeze %dma_wait3A_302 : memref<1x16x1024xf32, #tpu.memory_space<hbm>> -> memref<16x1024xf32, #tpu.memory_space<hbm>>
    tpu.wait_dma2 semaphore(%arg14 : memref<!tpu.dma_semaphore, #tpu.memory_space<semaphore_mem>>) src(%dma_wait3A_303 : memref<16x1024xf32, #tpu.memory_space<hbm>>) dst(%arg9 : memref<16x1024xf32, #tpu.memory_space<vmem>>)
    %scan3A_304 = arith.constant 0 : i32
    %scan3A_305 = arith.constant 0 : i32
    %scan3A_306 = arith.constant 16 : i32
    %scan3A_307 = arith.addi %scan3A_305, %scan3A_306 : i32
    %scan3A_308 = arith.constant 1 : i32
    scf.for %scan3A_1583 = %scan3A_305 to %scan3A_307 step %scan3A_308  : i32 {
      %parallel_loop3A = arith.constant 0 : i32
      %parallel_loop3A_1584 = arith.constant 1024 : i32
      %parallel_loop3A_1585 = arith.constant 16 : i32
      scf.for %parallel_loop3A_1586 = %parallel_loop3A to %parallel_loop3A_1584 step %parallel_loop3A_1585  : i32 {
        %parallel_loop3A_1587 = arith.index_cast %scan3A_1583 : i32 to index
        %parallel_loop3A_1588 = arith.index_cast %parallel_loop3A_1586 : i32 to index
        %parallel_loop3A_1589 = tpu.vector_load %arg9[%parallel_loop3A_1587, %parallel_loop3A_1588] {strides = array<i32>} : memref<16x1024xf32, #tpu.memory_space<vmem>>, vector<1x16xf32>,
        %parallel_loop3A_1590 = vector.shape_cast %parallel_loop3A_1589 : vector<1x16xf32> to vector<16xf32>
        %parallel_loop3A_1591 = arith.index_cast %scan3A_1583 : i32 to index
        %parallel_loop3A_1592 = arith.index_cast %parallel_loop3A_1586 : i32 to index
        %parallel_loop3A_1593 = tpu.vector_load %arg6[%parallel_loop3A_1591, %parallel_loop3A_1592] {strides = array<i32>} : memref<16x1024xf32, #tpu.memory_space<vmem>>, vector<1x16xf32>,
        %parallel_loop3A_1594 = vector.shape_cast %parallel_loop3A_1593 : vector<1x16xf32> to vector<16xf32>
        %parallel_loop3A_1595 = arith.addf %parallel_loop3A_1590, %parallel_loop3A_1594 : vector<16xf32>
        %parallel_loop3A_1596 = arith.index_cast %scan3A_1583 : i32 to index
        %parallel_loop3A_1597 = arith.index_cast %parallel_loop3A_1586 : i32 to index
        %parallel_loop3A_1598 = tpu.vector_load %arg9[%parallel_loop3A_1596, %parallel_loop3A_1597] {strides = array<i32>} : memref<16x1024xf32, #tpu.memory_space<vmem>>, vector<1x16xf32>,
        %parallel_loop3A_1599 = vector.shape_cast %parallel_loop3A_1598 : vector<1x16xf32> to vector<16xf32>
        %parallel_loop3A_1600 = vector.shape_cast %parallel_loop3A_1595 : vector<16xf32> to vector<1x16xf32>
        tpu.vector_store %arg9[%parallel_loop3A_1596, %parallel_loop3A_1597], %parallel_loop3A_1600 {strides = array<i32>} : memref<16x1024xf32, #tpu.memory_space<vmem>>, vector<1x16xf32>,
      } {sc.loop_unroll_factor = 8 : i64, sc.parallel_access}
    }
    %scan3A_309 = arith.constant 16 : i32
    %add3A_310 = arith.constant 16 : i32
    %add3A_311 = arith.addi %mul3A_2, %add3A_310 : i32
    %multiple_of3A_312 = tpu.assume_multiple %add3A_311, 16 : i32
    %dma_start3A_313 = arith.constant 1 : i32
    %dma_start3A_314 = arith.constant 0 : i32
    %dma_start3A_315 = tpu.memref_slice %arg4[%dma_start3A_313, %multiple_of3A_312, %dma_start3A_314] : memref<4x4096x1024xf32, #tpu.memory_space<hbm>> -> memref<1x16x1024xf32, #tpu.memory_space<hbm>>
    %dma_start3A_316 = tpu.memref_squeeze %dma_start3A_315 : memref<1x16x1024xf32, #tpu.memory_space<hbm>> -> memref<16x1024xf32, #tpu.memory_space<hbm>>
    %dma_start3A_317 = arith.constant 0 : i32
    %dma_start3A_318 = tpu.memref_slice %arg4[%dma_start3A_313, %multiple_of3A_312, %dma_start3A_317] : memref<4x4096x1024xf32, #tpu.memory_space<hbm>> -> memref<1x16x1024xf32, #tpu.memory_space<hbm>>
    %dma_start3A_319 = tpu.memref_squeeze %dma_start3A_318 : memref<1x16x1024xf32, #tpu.memory_space<hbm>> -> memref<16x1024xf32, #tpu.memory_space<hbm>>
    tpu.enqueue_dma source(%arg9 : memref<16x1024xf32, #tpu.memory_space<vmem>>) target(%dma_start3A_319 : memref<16x1024xf32, #tpu.memory_space<hbm>>) target_semaphore(%arg17 : memref<!tpu.dma_semaphore, #tpu.memory_space<semaphore_mem>>)
    %add3A_320 = arith.constant 16 : i32
    %add3A_321 = arith.addi %mul3A_2, %add3A_320 : i32
    %multiple_of3A_322 = tpu.assume_multiple %add3A_321, 16 : i32
    %dma_wait3A_323 = arith.constant 1 : i32
    %dma_wait3A_324 = arith.constant 0 : i32
    %dma_wait3A_325 = tpu.memref_slice %arg4[%dma_wait3A_323, %multiple_of3A_322, %dma_wait3A_324] : memref<4x4096x1024xf32, #tpu.memory_space<hbm>> -> memref<1x16x1024xf32, #tpu.memory_space<hbm>>
    %dma_wait3A_326 = tpu.memref_squeeze %dma_wait3A_325 : memref<1x16x1024xf32, #tpu.memory_space<hbm>> -> memref<16x1024xf32, #tpu.memory_space<hbm>>
    %dma_wait3A_327 = arith.constant 0 : i32
    %dma_wait3A_328 = tpu.memref_slice %arg4[%dma_wait3A_323, %multiple_of3A_322, %dma_wait3A_327] : memref<4x4096x1024xf32, #tpu.memory_space<hbm>> -> memref<1x16x1024xf32, #tpu.memory_space<hbm>>
    %dma_wait3A_329 = tpu.memref_squeeze %dma_wait3A_328 : memref<1x16x1024xf32, #tpu.memory_space<hbm>> -> memref<16x1024xf32, #tpu.memory_space<hbm>>
    tpu.wait_dma2 semaphore(%arg17 : memref<!tpu.dma_semaphore, #tpu.memory_space<semaphore_mem>>) src(%arg9 : memref<16x1024xf32, #tpu.memory_space<vmem>>) dst(%dma_wait3A_329 : memref<16x1024xf32, #tpu.memory_space<hbm>>)
    %add3A_330 = arith.constant 32 : i32
    %add3A_331 = arith.addi %mul3A_2, %add3A_330 : i32
    %multiple_of3A_332 = tpu.assume_multiple %add3A_331, 16 : i32
    %dma_start3A_333 = arith.constant 0 : i32
    %dma_start3A_334 = arith.constant 0 : i32
    %dma_start3A_335 = tpu.memref_slice %arg2[%dma_start3A_333, %multiple_of3A_332, %dma_start3A_334] : memref<4x4096x1024xf32, #tpu.memory_space<hbm>> -> memref<1x16x1024xf32, #tpu.memory_space<hbm>>
    %dma_start3A_336 = tpu.memref_squeeze %dma_start3A_335 : memref<1x16x1024xf32, #tpu.memory_space<hbm>> -> memref<16x1024xf32, #tpu.memory_space<hbm>>
    %dma_start3A_337 = arith.constant 0 : i32
    %dma_start3A_338 = tpu.memref_slice %arg2[%dma_start3A_333, %multiple_of3A_332, %dma_start3A_337] : memref<4x4096x1024xf32, #tpu.memory_space<hbm>> -> memref<1x16x1024xf32, #tpu.memory_space<hbm>>
    %dma_start3A_339 = tpu.memref_squeeze %dma_start3A_338 : memref<1x16x1024xf32, #tpu.memory_space<hbm>> -> memref<16x1024xf32, #tpu.memory_space<hbm>>
    tpu.enqueue_dma source(%dma_start3A_339 : memref<16x1024xf32, #tpu.memory_space<hbm>>) target(%arg9 : memref<16x1024xf32, #tpu.memory_space<vmem>>) target_semaphore(%arg14 : memref<!tpu.dma_semaphore, #tpu.memory_space<semaphore_mem>>)
    %add3A_340 = arith.constant 16 : i32
    %add3A_341 = arith.addi %mul3A_2, %add3A_340 : i32
    %multiple_of3A_342 = tpu.assume_multiple %add3A_341, 16 : i32
    %dma_wait3A_343 = arith.constant 2 : i32
    %dma_wait3A_344 = arith.constant 0 : i32
    %dma_wait3A_345 = tpu.memref_slice %arg2[%dma_wait3A_343, %multiple_of3A_342, %dma_wait3A_344] : memref<4x4096x1024xf32, #tpu.memory_space<hbm>> -> memref<1x16x1024xf32, #tpu.memory_space<hbm>>
    %dma_wait3A_346 = tpu.memref_squeeze %dma_wait3A_345 : memref<1x16x1024xf32, #tpu.memory_space<hbm>> -> memref<16x1024xf32, #tpu.memory_space<hbm>>
    %dma_wait3A_347 = arith.constant 0 : i32
    %dma_wait3A_348 = tpu.memref_slice %arg2[%dma_wait3A_343, %multiple_of3A_342, %dma_wait3A_347] : memref<4x4096x1024xf32, #tpu.memory_space<hbm>> -> memref<1x16x1024xf32, #tpu.memory_space<hbm>>
    %dma_wait3A_349 = tpu.memref_squeeze %dma_wait3A_348 : memref<1x16x1024xf32, #tpu.memory_space<hbm>> -> memref<16x1024xf32, #tpu.memory_space<hbm>>
    tpu.wait_dma2 semaphore(%arg12 : memref<!tpu.dma_semaphore, #tpu.memory_space<semaphore_mem>>) src(%dma_wait3A_349 : memref<16x1024xf32, #tpu.memory_space<hbm>>) dst(%arg7 : memref<16x1024xf32, #tpu.memory_space<vmem>>)
    %scan3A_350 = arith.constant 0 : i32
    %scan3A_351 = arith.constant 0 : i32
    %scan3A_352 = arith.constant 16 : i32
    %scan3A_353 = arith.addi %scan3A_351, %scan3A_352 : i32
    %scan3A_354 = arith.constant 1 : i32
    scf.for %scan3A_1583 = %scan3A_351 to %scan3A_353 step %scan3A_354  : i32 {
      %parallel_loop3A = arith.constant 0 : i32
      %parallel_loop3A_1584 = arith.constant 1024 : i32
      %parallel_loop3A_1585 = arith.constant 16 : i32
      scf.for %parallel_loop3A_1586 = %parallel_loop3A to %parallel_loop3A_1584 step %parallel_loop3A_1585  : i32 {
        %parallel_loop3A_1587 = arith.index_cast %scan3A_1583 : i32 to index
        %parallel_loop3A_1588 = arith.index_cast %parallel_loop3A_1586 : i32 to index
        %parallel_loop3A_1589 = tpu.vector_load %arg7[%parallel_loop3A_1587, %parallel_loop3A_1588] {strides = array<i32>} : memref<16x1024xf32, #tpu.memory_space<vmem>>, vector<1x16xf32>,
        %parallel_loop3A_1590 = vector.shape_cast %parallel_loop3A_1589 : vector<1x16xf32> to vector<16xf32>
        %parallel_loop3A_1591 = arith.index_cast %scan3A_1583 : i32 to index
        %parallel_loop3A_1592 = arith.index_cast %parallel_loop3A_1586 : i32 to index
        %parallel_loop3A_1593 = tpu.vector_load %arg6[%parallel_loop3A_1591, %parallel_loop3A_1592] {strides = array<i32>} : memref<16x1024xf32, #tpu.memory_space<vmem>>, vector<1x16xf32>,
        %parallel_loop3A_1594 = vector.shape_cast %parallel_loop3A_1593 : vector<1x16xf32> to vector<16xf32>
        %parallel_loop3A_1595 = arith.addf %parallel_loop3A_1590, %parallel_loop3A_1594 : vector<16xf32>
        %parallel_loop3A_1596 = arith.index_cast %scan3A_1583 : i32 to index
        %parallel_loop3A_1597 = arith.index_cast %parallel_loop3A_1586 : i32 to index
        %parallel_loop3A_1598 = tpu.vector_load %arg7[%parallel_loop3A_1596, %parallel_loop3A_1597] {strides = array<i32>} : memref<16x1024xf32, #tpu.memory_space<vmem>>, vector<1x16xf32>,
        %parallel_loop3A_1599 = vector.shape_cast %parallel_loop3A_1598 : vector<1x16xf32> to vector<16xf32>
        %parallel_loop3A_1600 = vector.shape_cast %parallel_loop3A_1595 : vector<16xf32> to vector<1x16xf32>
        tpu.vector_store %arg7[%parallel_loop3A_1596, %parallel_loop3A_1597], %parallel_loop3A_1600 {strides = array<i32>} : memref<16x1024xf32, #tpu.memory_space<vmem>>, vector<1x16xf32>,
      } {sc.loop_unroll_factor = 8 : i64, sc.parallel_access}
    }
    %scan3A_355 = arith.constant 16 : i32
    %add3A_356 = arith.constant 16 : i32
    %add3A_357 = arith.addi %mul3A_2, %add3A_356 : i32
    %multiple_of3A_358 = tpu.assume_multiple %add3A_357, 16 : i32
    %dma_start3A_359 = arith.constant 2 : i32
    %dma_start3A_360 = arith.constant 0 : i32
    %dma_start3A_361 = tpu.memref_slice %arg4[%dma_start3A_359, %multiple_of3A_358, %dma_start3A_360] : memref<4x4096x1024xf32, #tpu.memory_space<hbm>> -> memref<1x16x1024xf32, #tpu.memory_space<hbm>>
    %dma_start3A_362 = tpu.memref_squeeze %dma_start3A_361 : memref<1x16x1024xf32, #tpu.memory_space<hbm>> -> memref<16x1024xf32, #tpu.memory_space<hbm>>
    %dma_start3A_363 = arith.constant 0 : i32
    %dma_start3A_364 = tpu.memref_slice %arg4[%dma_start3A_359, %multiple_of3A_358, %dma_start3A_363] : memref<4x4096x1024xf32, #tpu.memory_space<hbm>> -> memref<1x16x1024xf32, #tpu.memory_space<hbm>>
    %dma_start3A_365 = tpu.memref_squeeze %dma_start3A_364 : memref<1x16x1024xf32, #tpu.memory_space<hbm>> -> memref<16x1024xf32, #tpu.memory_space<hbm>>
    tpu.enqueue_dma source(%arg7 : memref<16x1024xf32, #tpu.memory_space<vmem>>) target(%dma_start3A_365 : memref<16x1024xf32, #tpu.memory_space<hbm>>) target_semaphore(%arg15 : memref<!tpu.dma_semaphore, #tpu.memory_space<semaphore_mem>>)
    %add3A_366 = arith.constant 16 : i32
    %add3A_367 = arith.addi %mul3A_2, %add3A_366 : i32
    %multiple_of3A_368 = tpu.assume_multiple %add3A_367, 16 : i32
    %dma_wait3A_369 = arith.constant 2 : i32
    %dma_wait3A_370 = arith.constant 0 : i32
    %dma_wait3A_371 = tpu.memref_slice %arg4[%dma_wait3A_369, %multiple_of3A_368, %dma_wait3A_370] : memref<4x4096x1024xf32, #tpu.memory_space<hbm>> -> memref<1x16x1024xf32, #tpu.memory_space<hbm>>
    %dma_wait3A_372 = tpu.memref_squeeze %dma_wait3A_371 : memref<1x16x1024xf32, #tpu.memory_space<hbm>> -> memref<16x1024xf32, #tpu.memory_space<hbm>>
    %dma_wait3A_373 = arith.constant 0 : i32
    %dma_wait3A_374 = tpu.memref_slice %arg4[%dma_wait3A_369, %multiple_of3A_368, %dma_wait3A_373] : memref<4x4096x1024xf32, #tpu.memory_space<hbm>> -> memref<1x16x1024xf32, #tpu.memory_space<hbm>>
    %dma_wait3A_375 = tpu.memref_squeeze %dma_wait3A_374 : memref<1x16x1024xf32, #tpu.memory_space<hbm>> -> memref<16x1024xf32, #tpu.memory_space<hbm>>
    tpu.wait_dma2 semaphore(%arg15 : memref<!tpu.dma_semaphore, #tpu.memory_space<semaphore_mem>>) src(%arg7 : memref<16x1024xf32, #tpu.memory_space<vmem>>) dst(%dma_wait3A_375 : memref<16x1024xf32, #tpu.memory_space<hbm>>)
    %add3A_376 = arith.constant 32 : i32
    %add3A_377 = arith.addi %mul3A_2, %add3A_376 : i32
    %multiple_of3A_378 = tpu.assume_multiple %add3A_377, 16 : i32
    %dma_start3A_379 = arith.constant 1 : i32
    %dma_start3A_380 = arith.constant 0 : i32
    %dma_start3A_381 = tpu.memref_slice %arg2[%dma_start3A_379, %multiple_of3A_378, %dma_start3A_380] : memref<4x4096x1024xf32, #tpu.memory_space<hbm>> -> memref<1x16x1024xf32, #tpu.memory_space<hbm>>
    %dma_start3A_382 = tpu.memref_squeeze %dma_start3A_381 : memref<1x16x1024xf32, #tpu.memory_space<hbm>> -> memref<16x1024xf32, #tpu.memory_space<hbm>>
    %dma_start3A_383 = arith.constant 0 : i32
    %dma_start3A_384 = tpu.memref_slice %arg2[%dma_start3A_379, %multiple_of3A_378, %dma_start3A_383] : memref<4x4096x1024xf32, #tpu.memory_space<hbm>> -> memref<1x16x1024xf32, #tpu.memory_space<hbm>>
    %dma_start3A_385 = tpu.memref_squeeze %dma_start3A_384 : memref<1x16x1024xf32, #tpu.memory_space<hbm>> -> memref<16x1024xf32, #tpu.memory_space<hbm>>
    tpu.enqueue_dma source(%dma_start3A_385 : memref<16x1024xf32, #tpu.memory_space<hbm>>) target(%arg7 : memref<16x1024xf32, #tpu.memory_space<vmem>>) target_semaphore(%arg12 : memref<!tpu.dma_semaphore, #tpu.memory_space<semaphore_mem>>)
    %add3A_386 = arith.constant 16 : i32
    %add3A_387 = arith.addi %mul3A_2, %add3A_386 : i32
    %multiple_of3A_388 = tpu.assume_multiple %add3A_387, 16 : i32
    %dma_wait3A_389 = arith.constant 3 : i32
    %dma_wait3A_390 = arith.constant 0 : i32
    %dma_wait3A_391 = tpu.memref_slice %arg2[%dma_wait3A_389, %multiple_of3A_388, %dma_wait3A_390] : memref<4x4096x1024xf32, #tpu.memory_space<hbm>> -> memref<1x16x1024xf32, #tpu.memory_space<hbm>>
    %dma_wait3A_392 = tpu.memref_squeeze %dma_wait3A_391 : memref<1x16x1024xf32, #tpu.memory_space<hbm>> -> memref<16x1024xf32, #tpu.memory_space<hbm>>
    %dma_wait3A_393 = arith.constant 0 : i32
    %dma_wait3A_394 = tpu.memref_slice %arg2[%dma_wait3A_389, %multiple_of3A_388, %dma_wait3A_393] : memref<4x4096x1024xf32, #tpu.memory_space<hbm>> -> memref<1x16x1024xf32, #tpu.memory_space<hbm>>
    %dma_wait3A_395 = tpu.memref_squeeze %dma_wait3A_394 : memref<1x16x1024xf32, #tpu.memory_space<hbm>> -> memref<16x1024xf32, #tpu.memory_space<hbm>>
    tpu.wait_dma2 semaphore(%arg13 : memref<!tpu.dma_semaphore, #tpu.memory_space<semaphore_mem>>) src(%dma_wait3A_395 : memref<16x1024xf32, #tpu.memory_space<hbm>>) dst(%arg8 : memref<16x1024xf32, #tpu.memory_space<vmem>>)
    %scan3A_396 = arith.constant 0 : i32
    %scan3A_397 = arith.constant 0 : i32
    %scan3A_398 = arith.constant 16 : i32
    %scan3A_399 = arith.addi %scan3A_397, %scan3A_398 : i32
    %scan3A_400 = arith.constant 1 : i32
    scf.for %scan3A_1583 = %scan3A_397 to %scan3A_399 step %scan3A_400  : i32 {
      %parallel_loop3A = arith.constant 0 : i32
      %parallel_loop3A_1584 = arith.constant 1024 : i32
      %parallel_loop3A_1585 = arith.constant 16 : i32
      scf.for %parallel_loop3A_1586 = %parallel_loop3A to %parallel_loop3A_1584 step %parallel_loop3A_1585  : i32 {
        %parallel_loop3A_1587 = arith.index_cast %scan3A_1583 : i32 to index
        %parallel_loop3A_1588 = arith.index_cast %parallel_loop3A_1586 : i32 to index
        %parallel_loop3A_1589 = tpu.vector_load %arg8[%parallel_loop3A_1587, %parallel_loop3A_1588] {strides = array<i32>} : memref<16x1024xf32, #tpu.memory_space<vmem>>, vector<1x16xf32>,
        %parallel_loop3A_1590 = vector.shape_cast %parallel_loop3A_1589 : vector<1x16xf32> to vector<16xf32>
        %parallel_loop3A_1591 = arith.index_cast %scan3A_1583 : i32 to index
        %parallel_loop3A_1592 = arith.index_cast %parallel_loop3A_1586 : i32 to index
        %parallel_loop3A_1593 = tpu.vector_load %arg6[%parallel_loop3A_1591, %parallel_loop3A_1592] {strides = array<i32>} : memref<16x1024xf32, #tpu.memory_space<vmem>>, vector<1x16xf32>,
        %parallel_loop3A_1594 = vector.shape_cast %parallel_loop3A_1593 : vector<1x16xf32> to vector<16xf32>
        %parallel_loop3A_1595 = arith.addf %parallel_loop3A_1590, %parallel_loop3A_1594 : vector<16xf32>
        %parallel_loop3A_1596 = arith.index_cast %scan3A_1583 : i32 to index
        %parallel_loop3A_1597 = arith.index_cast %parallel_loop3A_1586 : i32 to index
        %parallel_loop3A_1598 = tpu.vector_load %arg8[%parallel_loop3A_1596, %parallel_loop3A_1597] {strides = array<i32>} : memref<16x1024xf32, #tpu.memory_space<vmem>>, vector<1x16xf32>,
        %parallel_loop3A_1599 = vector.shape_cast %parallel_loop3A_1598 : vector<1x16xf32> to vector<16xf32>
        %parallel_loop3A_1600 = vector.shape_cast %parallel_loop3A_1595 : vector<16xf32> to vector<1x16xf32>
        tpu.vector_store %arg8[%parallel_loop3A_1596, %parallel_loop3A_1597], %parallel_loop3A_1600 {strides = array<i32>} : memref<16x1024xf32, #tpu.memory_space<vmem>>, vector<1x16xf32>,
      } {sc.loop_unroll_factor = 8 : i64, sc.parallel_access}
    }
    %scan3A_401 = arith.constant 16 : i32
    %add3A_402 = arith.constant 16 : i32
    %add3A_403 = arith.addi %mul3A_2, %add3A_402 : i32
    %multiple_of3A_404 = tpu.assume_multiple %add3A_403, 16 : i32
    %dma_start3A_405 = arith.constant 3 : i32
    %dma_start3A_406 = arith.constant 0 : i32
    %dma_start3A_407 = tpu.memref_slice %arg4[%dma_start3A_405, %multiple_of3A_404, %dma_start3A_406] : memref<4x4096x1024xf32, #tpu.memory_space<hbm>> -> memref<1x16x1024xf32, #tpu.memory_space<hbm>>
    %dma_start3A_408 = tpu.memref_squeeze %dma_start3A_407 : memref<1x16x1024xf32, #tpu.memory_space<hbm>> -> memref<16x1024xf32, #tpu.memory_space<hbm>>
    %dma_start3A_409 = arith.constant 0 : i32
    %dma_start3A_410 = tpu.memref_slice %arg4[%dma_start3A_405, %multiple_of3A_404, %dma_start3A_409] : memref<4x4096x1024xf32, #tpu.memory_space<hbm>> -> memref<1x16x1024xf32, #tpu.memory_space<hbm>>
    %dma_start3A_411 = tpu.memref_squeeze %dma_start3A_410 : memref<1x16x1024xf32, #tpu.memory_space<hbm>> -> memref<16x1024xf32, #tpu.memory_space<hbm>>
    tpu.enqueue_dma source(%arg8 : memref<16x1024xf32, #tpu.memory_space<vmem>>) target(%dma_start3A_411 : memref<16x1024xf32, #tpu.memory_space<hbm>>) target_semaphore(%arg16 : memref<!tpu.dma_semaphore, #tpu.memory_space<semaphore_mem>>)
    %add3A_412 = arith.constant 48 : i32
    %add3A_413 = arith.addi %mul3A_2, %add3A_412 : i32
    %multiple_of3A_414 = tpu.assume_multiple %add3A_413, 16 : i32
    %dma_start3A_415 = arith.constant 0 : i32
    %dma_start3A_416 = tpu.memref_slice %arg3[%multiple_of3A_414, %dma_start3A_415] : memref<4096x1024xf32, #tpu.memory_space<hbm>> -> memref<16x1024xf32, #tpu.memory_space<hbm>>
    %dma_start3A_417 = arith.constant 0 : i32
    %dma_start3A_418 = tpu.memref_slice %arg3[%multiple_of3A_414, %dma_start3A_417] : memref<4096x1024xf32, #tpu.memory_space<hbm>> -> memref<16x1024xf32, #tpu.memory_space<hbm>>
    tpu.enqueue_dma source(%dma_start3A_418 : memref<16x1024xf32, #tpu.memory_space<hbm>>) target(%arg6 : memref<16x1024xf32, #tpu.memory_space<vmem>>) target_semaphore(%arg11 : memref<!tpu.dma_semaphore, #tpu.memory_space<semaphore_mem>>)
    %add3A_419 = arith.constant 16 : i32
    %add3A_420 = arith.addi %mul3A_2, %add3A_419 : i32
    %multiple_of3A_421 = tpu.assume_multiple %add3A_420, 16 : i32
    %dma_wait3A_422 = arith.constant 3 : i32
    %dma_wait3A_423 = arith.constant 0 : i32
    %dma_wait3A_424 = tpu.memref_slice %arg4[%dma_wait3A_422, %multiple_of3A_421, %dma_wait3A_423] : memref<4x4096x1024xf32, #tpu.memory_space<hbm>> -> memref<1x16x1024xf32, #tpu.memory_space<hbm>>
    %dma_wait3A_425 = tpu.memref_squeeze %dma_wait3A_424 : memref<1x16x1024xf32, #tpu.memory_space<hbm>> -> memref<16x1024xf32, #tpu.memory_space<hbm>>
    %dma_wait3A_426 = arith.constant 0 : i32
    %dma_wait3A_427 = tpu.memref_slice %arg4[%dma_wait3A_422, %multiple_of3A_421, %dma_wait3A_426] : memref<4x4096x1024xf32, #tpu.memory_space<hbm>> -> memref<1x16x1024xf32, #tpu.memory_space<hbm>>
    %dma_wait3A_428 = tpu.memref_squeeze %dma_wait3A_427 : memref<1x16x1024xf32, #tpu.memory_space<hbm>> -> memref<16x1024xf32, #tpu.memory_space<hbm>>
    tpu.wait_dma2 semaphore(%arg16 : memref<!tpu.dma_semaphore, #tpu.memory_space<semaphore_mem>>) src(%arg8 : memref<16x1024xf32, #tpu.memory_space<vmem>>) dst(%dma_wait3A_428 : memref<16x1024xf32, #tpu.memory_space<hbm>>)
    %add3A_429 = arith.constant 32 : i32
    %add3A_430 = arith.addi %mul3A_2, %add3A_429 : i32
    %multiple_of3A_431 = tpu.assume_multiple %add3A_430, 16 : i32
    %dma_start3A_432 = arith.constant 2 : i32
    %dma_start3A_433 = arith.constant 0 : i32
    %dma_start3A_434 = tpu.memref_slice %arg2[%dma_start3A_432, %multiple_of3A_431, %dma_start3A_433] : memref<4x4096x1024xf32, #tpu.memory_space<hbm>> -> memref<1x16x1024xf32, #tpu.memory_space<hbm>>
    %dma_start3A_435 = tpu.memref_squeeze %dma_start3A_434 : memref<1x16x1024xf32, #tpu.memory_space<hbm>> -> memref<16x1024xf32, #tpu.memory_space<hbm>>
    %dma_start3A_436 = arith.constant 0 : i32
    %dma_start3A_437 = tpu.memref_slice %arg2[%dma_start3A_432, %multiple_of3A_431, %dma_start3A_436] : memref<4x4096x1024xf32, #tpu.memory_space<hbm>> -> memref<1x16x1024xf32, #tpu.memory_space<hbm>>
    %dma_start3A_438 = tpu.memref_squeeze %dma_start3A_437 : memref<1x16x1024xf32, #tpu.memory_space<hbm>> -> memref<16x1024xf32, #tpu.memory_space<hbm>>
    tpu.enqueue_dma source(%dma_start3A_438 : memref<16x1024xf32, #tpu.memory_space<hbm>>) target(%arg8 : memref<16x1024xf32, #tpu.memory_space<vmem>>) target_semaphore(%arg13 : memref<!tpu.dma_semaphore, #tpu.memory_space<semaphore_mem>>)
    %add3A_439 = arith.constant 32 : i32
    %add3A_440 = arith.addi %mul3A_2, %add3A_439 : i32
    %multiple_of3A_441 = tpu.assume_multiple %add3A_440, 16 : i32
    %dma_wait3A_442 = arith.constant 0 : i32
    %dma_wait3A_443 = tpu.memref_slice %arg3[%multiple_of3A_441, %dma_wait3A_442] : memref<4096x1024xf32, #tpu.memory_space<hbm>> -> memref<16x1024xf32, #tpu.memory_space<hbm>>
    %dma_wait3A_444 = arith.constant 0 : i32
    %dma_wait3A_445 = tpu.memref_slice %arg3[%multiple_of3A_441, %dma_wait3A_444] : memref<4096x1024xf32, #tpu.memory_space<hbm>> -> memref<16x1024xf32, #tpu.memory_space<hbm>>
    tpu.wait_dma2 semaphore(%arg10 : memref<!tpu.dma_semaphore, #tpu.memory_space<semaphore_mem>>) src(%dma_wait3A_445 : memref<16x1024xf32, #tpu.memory_space<hbm>>) dst(%arg5 : memref<16x1024xf32, #tpu.memory_space<vmem>>)
    %add3A_446 = arith.constant 32 : i32
    %add3A_447 = arith.addi %mul3A_2, %add3A_446 : i32
    %multiple_of3A_448 = tpu.assume_multiple %add3A_447, 16 : i32
    %dma_wait3A_449 = arith.constant 0 : i32
    %dma_wait3A_450 = arith.constant 0 : i32
    %dma_wait3A_451 = tpu.memref_slice %arg2[%dma_wait3A_449, %multiple_of3A_448, %dma_wait3A_450] : memref<4x4096x1024xf32, #tpu.memory_space<hbm>> -> memref<1x16x1024xf32, #tpu.memory_space<hbm>>
    %dma_wait3A_452 = tpu.memref_squeeze %dma_wait3A_451 : memref<1x16x1024xf32, #tpu.memory_space<hbm>> -> memref<16x1024xf32, #tpu.memory_space<hbm>>
    %dma_wait3A_453 = arith.constant 0 : i32
    %dma_wait3A_454 = tpu.memref_slice %arg2[%dma_wait3A_449, %multiple_of3A_448, %dma_wait3A_453] : memref<4x4096x1024xf32, #tpu.memory_space<hbm>> -> memref<1x16x1024xf32, #tpu.memory_space<hbm>>
    %dma_wait3A_455 = tpu.memref_squeeze %dma_wait3A_454 : memref<1x16x1024xf32, #tpu.memory_space<hbm>> -> memref<16x1024xf32, #tpu.memory_space<hbm>>
    tpu.wait_dma2 semaphore(%arg14 : memref<!tpu.dma_semaphore, #tpu.memory_space<semaphore_mem>>) src(%dma_wait3A_455 : memref<16x1024xf32, #tpu.memory_space<hbm>>) dst(%arg9 : memref<16x1024xf32, #tpu.memory_space<vmem>>)
    %scan3A_456 = arith.constant 0 : i32
    %scan3A_457 = arith.constant 0 : i32
    %scan3A_458 = arith.constant 16 : i32
    %scan3A_459 = arith.addi %scan3A_457, %scan3A_458 : i32
    %scan3A_460 = arith.constant 1 : i32
    scf.for %scan3A_1583 = %scan3A_457 to %scan3A_459 step %scan3A_460  : i32 {
      %parallel_loop3A = arith.constant 0 : i32
      %parallel_loop3A_1584 = arith.constant 1024 : i32
      %parallel_loop3A_1585 = arith.constant 16 : i32
      scf.for %parallel_loop3A_1586 = %parallel_loop3A to %parallel_loop3A_1584 step %parallel_loop3A_1585  : i32 {
        %parallel_loop3A_1587 = arith.index_cast %scan3A_1583 : i32 to index
        %parallel_loop3A_1588 = arith.index_cast %parallel_loop3A_1586 : i32 to index
        %parallel_loop3A_1589 = tpu.vector_load %arg9[%parallel_loop3A_1587, %parallel_loop3A_1588] {strides = array<i32>} : memref<16x1024xf32, #tpu.memory_space<vmem>>, vector<1x16xf32>,
        %parallel_loop3A_1590 = vector.shape_cast %parallel_loop3A_1589 : vector<1x16xf32> to vector<16xf32>
        %parallel_loop3A_1591 = arith.index_cast %scan3A_1583 : i32 to index
        %parallel_loop3A_1592 = arith.index_cast %parallel_loop3A_1586 : i32 to index
        %parallel_loop3A_1593 = tpu.vector_load %arg5[%parallel_loop3A_1591, %parallel_loop3A_1592] {strides = array<i32>} : memref<16x1024xf32, #tpu.memory_space<vmem>>, vector<1x16xf32>,
        %parallel_loop3A_1594 = vector.shape_cast %parallel_loop3A_1593 : vector<1x16xf32> to vector<16xf32>
        %parallel_loop3A_1595 = arith.addf %parallel_loop3A_1590, %parallel_loop3A_1594 : vector<16xf32>
        %parallel_loop3A_1596 = arith.index_cast %scan3A_1583 : i32 to index
        %parallel_loop3A_1597 = arith.index_cast %parallel_loop3A_1586 : i32 to index
        %parallel_loop3A_1598 = tpu.vector_load %arg9[%parallel_loop3A_1596, %parallel_loop3A_1597] {strides = array<i32>} : memref<16x1024xf32, #tpu.memory_space<vmem>>, vector<1x16xf32>,
        %parallel_loop3A_1599 = vector.shape_cast %parallel_loop3A_1598 : vector<1x16xf32> to vector<16xf32>
        %parallel_loop3A_1600 = vector.shape_cast %parallel_loop3A_1595 : vector<16xf32> to vector<1x16xf32>
        tpu.vector_store %arg9[%parallel_loop3A_1596, %parallel_loop3A_1597], %parallel_loop3A_1600 {strides = array<i32>} : memref<16x1024xf32, #tpu.memory_space<vmem>>, vector<1x16xf32>,
      } {sc.loop_unroll_factor = 8 : i64, sc.parallel_access}
    }
    %scan3A_461 = arith.constant 16 : i32
    %add3A_462 = arith.constant 32 : i32
    %add3A_463 = arith.addi %mul3A_2, %add3A_462 : i32
    %multiple_of3A_464 = tpu.assume_multiple %add3A_463, 16 : i32
    %dma_start3A_465 = arith.constant 0 : i32
    %dma_start3A_466 = arith.constant 0 : i32
    %dma_start3A_467 = tpu.memref_slice %arg4[%dma_start3A_465, %multiple_of3A_464, %dma_start3A_466] : memref<4x4096x1024xf32, #tpu.memory_space<hbm>> -> memref<1x16x1024xf32, #tpu.memory_space<hbm>>
    %dma_start3A_468 = tpu.memref_squeeze %dma_start3A_467 : memref<1x16x1024xf32, #tpu.memory_space<hbm>> -> memref<16x1024xf32, #tpu.memory_space<hbm>>
    %dma_start3A_469 = arith.constant 0 : i32
    %dma_start3A_470 = tpu.memref_slice %arg4[%dma_start3A_465, %multiple_of3A_464, %dma_start3A_469] : memref<4x4096x1024xf32, #tpu.memory_space<hbm>> -> memref<1x16x1024xf32, #tpu.memory_space<hbm>>
    %dma_start3A_471 = tpu.memref_squeeze %dma_start3A_470 : memref<1x16x1024xf32, #tpu.memory_space<hbm>> -> memref<16x1024xf32, #tpu.memory_space<hbm>>
    tpu.enqueue_dma source(%arg9 : memref<16x1024xf32, #tpu.memory_space<vmem>>) target(%dma_start3A_471 : memref<16x1024xf32, #tpu.memory_space<hbm>>) target_semaphore(%arg17 : memref<!tpu.dma_semaphore, #tpu.memory_space<semaphore_mem>>)
    %add3A_472 = arith.constant 32 : i32
    %add3A_473 = arith.addi %mul3A_2, %add3A_472 : i32
    %multiple_of3A_474 = tpu.assume_multiple %add3A_473, 16 : i32
    %dma_wait3A_475 = arith.constant 0 : i32
    %dma_wait3A_476 = arith.constant 0 : i32
    %dma_wait3A_477 = tpu.memref_slice %arg4[%dma_wait3A_475, %multiple_of3A_474, %dma_wait3A_476] : memref<4x4096x1024xf32, #tpu.memory_space<hbm>> -> memref<1x16x1024xf32, #tpu.memory_space<hbm>>
    %dma_wait3A_478 = tpu.memref_squeeze %dma_wait3A_477 : memref<1x16x1024xf32, #tpu.memory_space<hbm>> -> memref<16x1024xf32, #tpu.memory_space<hbm>>
    %dma_wait3A_479 = arith.constant 0 : i32
    %dma_wait3A_480 = tpu.memref_slice %arg4[%dma_wait3A_475, %multiple_of3A_474, %dma_wait3A_479] : memref<4x4096x1024xf32, #tpu.memory_space<hbm>> -> memref<1x16x1024xf32, #tpu.memory_space<hbm>>
    %dma_wait3A_481 = tpu.memref_squeeze %dma_wait3A_480 : memref<1x16x1024xf32, #tpu.memory_space<hbm>> -> memref<16x1024xf32, #tpu.memory_space<hbm>>
    tpu.wait_dma2 semaphore(%arg17 : memref<!tpu.dma_semaphore, #tpu.memory_space<semaphore_mem>>) src(%arg9 : memref<16x1024xf32, #tpu.memory_space<vmem>>) dst(%dma_wait3A_481 : memref<16x1024xf32, #tpu.memory_space<hbm>>)
    %add3A_482 = arith.constant 32 : i32
    %add3A_483 = arith.addi %mul3A_2, %add3A_482 : i32
    %multiple_of3A_484 = tpu.assume_multiple %add3A_483, 16 : i32
    %dma_start3A_485 = arith.constant 3 : i32
    %dma_start3A_486 = arith.constant 0 : i32
    %dma_start3A_487 = tpu.memref_slice %arg2[%dma_start3A_485, %multiple_of3A_484, %dma_start3A_486] : memref<4x4096x1024xf32, #tpu.memory_space<hbm>> -> memref<1x16x1024xf32, #tpu.memory_space<hbm>>
    %dma_start3A_488 = tpu.memref_squeeze %dma_start3A_487 : memref<1x16x1024xf32, #tpu.memory_space<hbm>> -> memref<16x1024xf32, #tpu.memory_space<hbm>>
    %dma_start3A_489 = arith.constant 0 : i32
    %dma_start3A_490 = tpu.memref_slice %arg2[%dma_start3A_485, %multiple_of3A_484, %dma_start3A_489] : memref<4x4096x1024xf32, #tpu.memory_space<hbm>> -> memref<1x16x1024xf32, #tpu.memory_space<hbm>>
    %dma_start3A_491 = tpu.memref_squeeze %dma_start3A_490 : memref<1x16x1024xf32, #tpu.memory_space<hbm>> -> memref<16x1024xf32, #tpu.memory_space<hbm>>
    tpu.enqueue_dma source(%dma_start3A_491 : memref<16x1024xf32, #tpu.memory_space<hbm>>) target(%arg9 : memref<16x1024xf32, #tpu.memory_space<vmem>>) target_semaphore(%arg14 : memref<!tpu.dma_semaphore, #tpu.memory_space<semaphore_mem>>)
    %add3A_492 = arith.constant 32 : i32
    %add3A_493 = arith.addi %mul3A_2, %add3A_492 : i32
    %multiple_of3A_494 = tpu.assume_multiple %add3A_493, 16 : i32
    %dma_wait3A_495 = arith.constant 1 : i32
    %dma_wait3A_496 = arith.constant 0 : i32
    %dma_wait3A_497 = tpu.memref_slice %arg2[%dma_wait3A_495, %multiple_of3A_494, %dma_wait3A_496] : memref<4x4096x1024xf32, #tpu.memory_space<hbm>> -> memref<1x16x1024xf32, #tpu.memory_space<hbm>>
    %dma_wait3A_498 = tpu.memref_squeeze %dma_wait3A_497 : memref<1x16x1024xf32, #tpu.memory_space<hbm>> -> memref<16x1024xf32, #tpu.memory_space<hbm>>
    %dma_wait3A_499 = arith.constant 0 : i32
    %dma_wait3A_500 = tpu.memref_slice %arg2[%dma_wait3A_495, %multiple_of3A_494, %dma_wait3A_499] : memref<4x4096x1024xf32, #tpu.memory_space<hbm>> -> memref<1x16x1024xf32, #tpu.memory_space<hbm>>
    %dma_wait3A_501 = tpu.memref_squeeze %dma_wait3A_500 : memref<1x16x1024xf32, #tpu.memory_space<hbm>> -> memref<16x1024xf32, #tpu.memory_space<hbm>>
    tpu.wait_dma2 semaphore(%arg12 : memref<!tpu.dma_semaphore, #tpu.memory_space<semaphore_mem>>) src(%dma_wait3A_501 : memref<16x1024xf32, #tpu.memory_space<hbm>>) dst(%arg7 : memref<16x1024xf32, #tpu.memory_space<vmem>>)
    %scan3A_502 = arith.constant 0 : i32
    %scan3A_503 = arith.constant 0 : i32
    %scan3A_504 = arith.constant 16 : i32
    %scan3A_505 = arith.addi %scan3A_503, %scan3A_504 : i32
    %scan3A_506 = arith.constant 1 : i32
    scf.for %scan3A_1583 = %scan3A_503 to %scan3A_505 step %scan3A_506  : i32 {
      %parallel_loop3A = arith.constant 0 : i32
      %parallel_loop3A_1584 = arith.constant 1024 : i32
      %parallel_loop3A_1585 = arith.constant 16 : i32
      scf.for %parallel_loop3A_1586 = %parallel_loop3A to %parallel_loop3A_1584 step %parallel_loop3A_1585  : i32 {
        %parallel_loop3A_1587 = arith.index_cast %scan3A_1583 : i32 to index
        %parallel_loop3A_1588 = arith.index_cast %parallel_loop3A_1586 : i32 to index
        %parallel_loop3A_1589 = tpu.vector_load %arg7[%parallel_loop3A_1587, %parallel_loop3A_1588] {strides = array<i32>} : memref<16x1024xf32, #tpu.memory_space<vmem>>, vector<1x16xf32>,
        %parallel_loop3A_1590 = vector.shape_cast %parallel_loop3A_1589 : vector<1x16xf32> to vector<16xf32>
        %parallel_loop3A_1591 = arith.index_cast %scan3A_1583 : i32 to index
        %parallel_loop3A_1592 = arith.index_cast %parallel_loop3A_1586 : i32 to index
        %parallel_loop3A_1593 = tpu.vector_load %arg5[%parallel_loop3A_1591, %parallel_loop3A_1592] {strides = array<i32>} : memref<16x1024xf32, #tpu.memory_space<vmem>>, vector<1x16xf32>,
        %parallel_loop3A_1594 = vector.shape_cast %parallel_loop3A_1593 : vector<1x16xf32> to vector<16xf32>
        %parallel_loop3A_1595 = arith.addf %parallel_loop3A_1590, %parallel_loop3A_1594 : vector<16xf32>
        %parallel_loop3A_1596 = arith.index_cast %scan3A_1583 : i32 to index
        %parallel_loop3A_1597 = arith.index_cast %parallel_loop3A_1586 : i32 to index
        %parallel_loop3A_1598 = tpu.vector_load %arg7[%parallel_loop3A_1596, %parallel_loop3A_1597] {strides = array<i32>} : memref<16x1024xf32, #tpu.memory_space<vmem>>, vector<1x16xf32>,
        %parallel_loop3A_1599 = vector.shape_cast %parallel_loop3A_1598 : vector<1x16xf32> to vector<16xf32>
        %parallel_loop3A_1600 = vector.shape_cast %parallel_loop3A_1595 : vector<16xf32> to vector<1x16xf32>
        tpu.vector_store %arg7[%parallel_loop3A_1596, %parallel_loop3A_1597], %parallel_loop3A_1600 {strides = array<i32>} : memref<16x1024xf32, #tpu.memory_space<vmem>>, vector<1x16xf32>,
      } {sc.loop_unroll_factor = 8 : i64, sc.parallel_access}
    }
    %scan3A_507 = arith.constant 16 : i32
    %add3A_508 = arith.constant 32 : i32
    %add3A_509 = arith.addi %mul3A_2, %add3A_508 : i32
    %multiple_of3A_510 = tpu.assume_multiple %add3A_509, 16 : i32
    %dma_start3A_511 = arith.constant 1 : i32
    %dma_start3A_512 = arith.constant 0 : i32
    %dma_start3A_513 = tpu.memref_slice %arg4[%dma_start3A_511, %multiple_of3A_510, %dma_start3A_512] : memref<4x4096x1024xf32, #tpu.memory_space<hbm>> -> memref<1x16x1024xf32, #tpu.memory_space<hbm>>
    %dma_start3A_514 = tpu.memref_squeeze %dma_start3A_513 : memref<1x16x1024xf32, #tpu.memory_space<hbm>> -> memref<16x1024xf32, #tpu.memory_space<hbm>>
    %dma_start3A_515 = arith.constant 0 : i32
    %dma_start3A_516 = tpu.memref_slice %arg4[%dma_start3A_511, %multiple_of3A_510, %dma_start3A_515] : memref<4x4096x1024xf32, #tpu.memory_space<hbm>> -> memref<1x16x1024xf32, #tpu.memory_space<hbm>>
    %dma_start3A_517 = tpu.memref_squeeze %dma_start3A_516 : memref<1x16x1024xf32, #tpu.memory_space<hbm>> -> memref<16x1024xf32, #tpu.memory_space<hbm>>
    tpu.enqueue_dma source(%arg7 : memref<16x1024xf32, #tpu.memory_space<vmem>>) target(%dma_start3A_517 : memref<16x1024xf32, #tpu.memory_space<hbm>>) target_semaphore(%arg15 : memref<!tpu.dma_semaphore, #tpu.memory_space<semaphore_mem>>)
    %add3A_518 = arith.constant 32 : i32
    %add3A_519 = arith.addi %mul3A_2, %add3A_518 : i32
    %multiple_of3A_520 = tpu.assume_multiple %add3A_519, 16 : i32
    %dma_wait3A_521 = arith.constant 1 : i32
    %dma_wait3A_522 = arith.constant 0 : i32
    %dma_wait3A_523 = tpu.memref_slice %arg4[%dma_wait3A_521, %multiple_of3A_520, %dma_wait3A_522] : memref<4x4096x1024xf32, #tpu.memory_space<hbm>> -> memref<1x16x1024xf32, #tpu.memory_space<hbm>>
    %dma_wait3A_524 = tpu.memref_squeeze %dma_wait3A_523 : memref<1x16x1024xf32, #tpu.memory_space<hbm>> -> memref<16x1024xf32, #tpu.memory_space<hbm>>
    %dma_wait3A_525 = arith.constant 0 : i32
    %dma_wait3A_526 = tpu.memref_slice %arg4[%dma_wait3A_521, %multiple_of3A_520, %dma_wait3A_525] : memref<4x4096x1024xf32, #tpu.memory_space<hbm>> -> memref<1x16x1024xf32, #tpu.memory_space<hbm>>
    %dma_wait3A_527 = tpu.memref_squeeze %dma_wait3A_526 : memref<1x16x1024xf32, #tpu.memory_space<hbm>> -> memref<16x1024xf32, #tpu.memory_space<hbm>>
    tpu.wait_dma2 semaphore(%arg15 : memref<!tpu.dma_semaphore, #tpu.memory_space<semaphore_mem>>) src(%arg7 : memref<16x1024xf32, #tpu.memory_space<vmem>>) dst(%dma_wait3A_527 : memref<16x1024xf32, #tpu.memory_space<hbm>>)
    %add3A_528 = arith.constant 48 : i32
    %add3A_529 = arith.addi %mul3A_2, %add3A_528 : i32
    %multiple_of3A_530 = tpu.assume_multiple %add3A_529, 16 : i32
    %dma_start3A_531 = arith.constant 0 : i32
    %dma_start3A_532 = arith.constant 0 : i32
    %dma_start3A_533 = tpu.memref_slice %arg2[%dma_start3A_531, %multiple_of3A_530, %dma_start3A_532] : memref<4x4096x1024xf32, #tpu.memory_space<hbm>> -> memref<1x16x1024xf32, #tpu.memory_space<hbm>>
    %dma_start3A_534 = tpu.memref_squeeze %dma_start3A_533 : memref<1x16x1024xf32, #tpu.memory_space<hbm>> -> memref<16x1024xf32, #tpu.memory_space<hbm>>
    %dma_start3A_535 = arith.constant 0 : i32
    %dma_start3A_536 = tpu.memref_slice %arg2[%dma_start3A_531, %multiple_of3A_530, %dma_start3A_535] : memref<4x4096x1024xf32, #tpu.memory_space<hbm>> -> memref<1x16x1024xf32, #tpu.memory_space<hbm>>
    %dma_start3A_537 = tpu.memref_squeeze %dma_start3A_536 : memref<1x16x1024xf32, #tpu.memory_space<hbm>> -> memref<16x1024xf32, #tpu.memory_space<hbm>>
    tpu.enqueue_dma source(%dma_start3A_537 : memref<16x1024xf32, #tpu.memory_space<hbm>>) target(%arg7 : memref<16x1024xf32, #tpu.memory_space<vmem>>) target_semaphore(%arg12 : memref<!tpu.dma_semaphore, #tpu.memory_space<semaphore_mem>>)
    %add3A_538 = arith.constant 32 : i32
    %add3A_539 = arith.addi %mul3A_2, %add3A_538 : i32
    %multiple_of3A_540 = tpu.assume_multiple %add3A_539, 16 : i32
    %dma_wait3A_541 = arith.constant 2 : i32
    %dma_wait3A_542 = arith.constant 0 : i32
    %dma_wait3A_543 = tpu.memref_slice %arg2[%dma_wait3A_541, %multiple_of3A_540, %dma_wait3A_542] : memref<4x4096x1024xf32, #tpu.memory_space<hbm>> -> memref<1x16x1024xf32, #tpu.memory_space<hbm>>
    %dma_wait3A_544 = tpu.memref_squeeze %dma_wait3A_543 : memref<1x16x1024xf32, #tpu.memory_space<hbm>> -> memref<16x1024xf32, #tpu.memory_space<hbm>>
    %dma_wait3A_545 = arith.constant 0 : i32
    %dma_wait3A_546 = tpu.memref_slice %arg2[%dma_wait3A_541, %multiple_of3A_540, %dma_wait3A_545] : memref<4x4096x1024xf32, #tpu.memory_space<hbm>> -> memref<1x16x1024xf32, #tpu.memory_space<hbm>>
    %dma_wait3A_547 = tpu.memref_squeeze %dma_wait3A_546 : memref<1x16x1024xf32, #tpu.memory_space<hbm>> -> memref<16x1024xf32, #tpu.memory_space<hbm>>
    tpu.wait_dma2 semaphore(%arg13 : memref<!tpu.dma_semaphore, #tpu.memory_space<semaphore_mem>>) src(%dma_wait3A_547 : memref<16x1024xf32, #tpu.memory_space<hbm>>) dst(%arg8 : memref<16x1024xf32, #tpu.memory_space<vmem>>)
    %scan3A_548 = arith.constant 0 : i32
    %scan3A_549 = arith.constant 0 : i32
    %scan3A_550 = arith.constant 16 : i32
    %scan3A_551 = arith.addi %scan3A_549, %scan3A_550 : i32
    %scan3A_552 = arith.constant 1 : i32
    scf.for %scan3A_1583 = %scan3A_549 to %scan3A_551 step %scan3A_552  : i32 {
      %parallel_loop3A = arith.constant 0 : i32
      %parallel_loop3A_1584 = arith.constant 1024 : i32
      %parallel_loop3A_1585 = arith.constant 16 : i32
      scf.for %parallel_loop3A_1586 = %parallel_loop3A to %parallel_loop3A_1584 step %parallel_loop3A_1585  : i32 {
        %parallel_loop3A_1587 = arith.index_cast %scan3A_1583 : i32 to index
        %parallel_loop3A_1588 = arith.index_cast %parallel_loop3A_1586 : i32 to index
        %parallel_loop3A_1589 = tpu.vector_load %arg8[%parallel_loop3A_1587, %parallel_loop3A_1588] {strides = array<i32>} : memref<16x1024xf32, #tpu.memory_space<vmem>>, vector<1x16xf32>,
        %parallel_loop3A_1590 = vector.shape_cast %parallel_loop3A_1589 : vector<1x16xf32> to vector<16xf32>
        %parallel_loop3A_1591 = arith.index_cast %scan3A_1583 : i32 to index
        %parallel_loop3A_1592 = arith.index_cast %parallel_loop3A_1586 : i32 to index
        %parallel_loop3A_1593 = tpu.vector_load %arg5[%parallel_loop3A_1591, %parallel_loop3A_1592] {strides = array<i32>} : memref<16x1024xf32, #tpu.memory_space<vmem>>, vector<1x16xf32>,
        %parallel_loop3A_1594 = vector.shape_cast %parallel_loop3A_1593 : vector<1x16xf32> to vector<16xf32>
        %parallel_loop3A_1595 = arith.addf %parallel_loop3A_1590, %parallel_loop3A_1594 : vector<16xf32>
        %parallel_loop3A_1596 = arith.index_cast %scan3A_1583 : i32 to index
        %parallel_loop3A_1597 = arith.index_cast %parallel_loop3A_1586 : i32 to index
        %parallel_loop3A_1598 = tpu.vector_load %arg8[%parallel_loop3A_1596, %parallel_loop3A_1597] {strides = array<i32>} : memref<16x1024xf32, #tpu.memory_space<vmem>>, vector<1x16xf32>,
        %parallel_loop3A_1599 = vector.shape_cast %parallel_loop3A_1598 : vector<1x16xf32> to vector<16xf32>
        %parallel_loop3A_1600 = vector.shape_cast %parallel_loop3A_1595 : vector<16xf32> to vector<1x16xf32>
        tpu.vector_store %arg8[%parallel_loop3A_1596, %parallel_loop3A_1597], %parallel_loop3A_1600 {strides = array<i32>} : memref<16x1024xf32, #tpu.memory_space<vmem>>, vector<1x16xf32>,
      } {sc.loop_unroll_factor = 8 : i64, sc.parallel_access}
    }
    %scan3A_553 = arith.constant 16 : i32
    %add3A_554 = arith.constant 32 : i32
    %add3A_555 = arith.addi %mul3A_2, %add3A_554 : i32
    %multiple_of3A_556 = tpu.assume_multiple %add3A_555, 16 : i32
    %dma_start3A_557 = arith.constant 2 : i32
    %dma_start3A_558 = arith.constant 0 : i32
    %dma_start3A_559 = tpu.memref_slice %arg4[%dma_start3A_557, %multiple_of3A_556, %dma_start3A_558] : memref<4x4096x1024xf32, #tpu.memory_space<hbm>> -> memref<1x16x1024xf32, #tpu.memory_space<hbm>>
    %dma_start3A_560 = tpu.memref_squeeze %dma_start3A_559 : memref<1x16x1024xf32, #tpu.memory_space<hbm>> -> memref<16x1024xf32, #tpu.memory_space<hbm>>
    %dma_start3A_561 = arith.constant 0 : i32
    %dma_start3A_562 = tpu.memref_slice %arg4[%dma_start3A_557, %multiple_of3A_556, %dma_start3A_561] : memref<4x4096x1024xf32, #tpu.memory_space<hbm>> -> memref<1x16x1024xf32, #tpu.memory_space<hbm>>
    %dma_start3A_563 = tpu.memref_squeeze %dma_start3A_562 : memref<1x16x1024xf32, #tpu.memory_space<hbm>> -> memref<16x1024xf32, #tpu.memory_space<hbm>>
    tpu.enqueue_dma source(%arg8 : memref<16x1024xf32, #tpu.memory_space<vmem>>) target(%dma_start3A_563 : memref<16x1024xf32, #tpu.memory_space<hbm>>) target_semaphore(%arg16 : memref<!tpu.dma_semaphore, #tpu.memory_space<semaphore_mem>>)
    %add3A_564 = arith.constant 32 : i32
    %add3A_565 = arith.addi %mul3A_2, %add3A_564 : i32
    %multiple_of3A_566 = tpu.assume_multiple %add3A_565, 16 : i32
    %dma_wait3A_567 = arith.constant 2 : i32
    %dma_wait3A_568 = arith.constant 0 : i32
    %dma_wait3A_569 = tpu.memref_slice %arg4[%dma_wait3A_567, %multiple_of3A_566, %dma_wait3A_568] : memref<4x4096x1024xf32, #tpu.memory_space<hbm>> -> memref<1x16x1024xf32, #tpu.memory_space<hbm>>
    %dma_wait3A_570 = tpu.memref_squeeze %dma_wait3A_569 : memref<1x16x1024xf32, #tpu.memory_space<hbm>> -> memref<16x1024xf32, #tpu.memory_space<hbm>>
    %dma_wait3A_571 = arith.constant 0 : i32
    %dma_wait3A_572 = tpu.memref_slice %arg4[%dma_wait3A_567, %multiple_of3A_566, %dma_wait3A_571] : memref<4x4096x1024xf32, #tpu.memory_space<hbm>> -> memref<1x16x1024xf32, #tpu.memory_space<hbm>>
    %dma_wait3A_573 = tpu.memref_squeeze %dma_wait3A_572 : memref<1x16x1024xf32, #tpu.memory_space<hbm>> -> memref<16x1024xf32, #tpu.memory_space<hbm>>
    tpu.wait_dma2 semaphore(%arg16 : memref<!tpu.dma_semaphore, #tpu.memory_space<semaphore_mem>>) src(%arg8 : memref<16x1024xf32, #tpu.memory_space<vmem>>) dst(%dma_wait3A_573 : memref<16x1024xf32, #tpu.memory_space<hbm>>)
    %add3A_574 = arith.constant 48 : i32
    %add3A_575 = arith.addi %mul3A_2, %add3A_574 : i32
    %multiple_of3A_576 = tpu.assume_multiple %add3A_575, 16 : i32
    %dma_start3A_577 = arith.constant 1 : i32
    %dma_start3A_578 = arith.constant 0 : i32
    %dma_start3A_579 = tpu.memref_slice %arg2[%dma_start3A_577, %multiple_of3A_576, %dma_start3A_578] : memref<4x4096x1024xf32, #tpu.memory_space<hbm>> -> memref<1x16x1024xf32, #tpu.memory_space<hbm>>
    %dma_start3A_580 = tpu.memref_squeeze %dma_start3A_579 : memref<1x16x1024xf32, #tpu.memory_space<hbm>> -> memref<16x1024xf32, #tpu.memory_space<hbm>>
    %dma_start3A_581 = arith.constant 0 : i32
    %dma_start3A_582 = tpu.memref_slice %arg2[%dma_start3A_577, %multiple_of3A_576, %dma_start3A_581] : memref<4x4096x1024xf32, #tpu.memory_space<hbm>> -> memref<1x16x1024xf32, #tpu.memory_space<hbm>>
    %dma_start3A_583 = tpu.memref_squeeze %dma_start3A_582 : memref<1x16x1024xf32, #tpu.memory_space<hbm>> -> memref<16x1024xf32, #tpu.memory_space<hbm>>
    tpu.enqueue_dma source(%dma_start3A_583 : memref<16x1024xf32, #tpu.memory_space<hbm>>) target(%arg8 : memref<16x1024xf32, #tpu.memory_space<vmem>>) target_semaphore(%arg13 : memref<!tpu.dma_semaphore, #tpu.memory_space<semaphore_mem>>)
    %add3A_584 = arith.constant 32 : i32
    %add3A_585 = arith.addi %mul3A_2, %add3A_584 : i32
    %multiple_of3A_586 = tpu.assume_multiple %add3A_585, 16 : i32
    %dma_wait3A_587 = arith.constant 3 : i32
    %dma_wait3A_588 = arith.constant 0 : i32
    %dma_wait3A_589 = tpu.memref_slice %arg2[%dma_wait3A_587, %multiple_of3A_586, %dma_wait3A_588] : memref<4x4096x1024xf32, #tpu.memory_space<hbm>> -> memref<1x16x1024xf32, #tpu.memory_space<hbm>>
    %dma_wait3A_590 = tpu.memref_squeeze %dma_wait3A_589 : memref<1x16x1024xf32, #tpu.memory_space<hbm>> -> memref<16x1024xf32, #tpu.memory_space<hbm>>
    %dma_wait3A_591 = arith.constant 0 : i32
    %dma_wait3A_592 = tpu.memref_slice %arg2[%dma_wait3A_587, %multiple_of3A_586, %dma_wait3A_591] : memref<4x4096x1024xf32, #tpu.memory_space<hbm>> -> memref<1x16x1024xf32, #tpu.memory_space<hbm>>
    %dma_wait3A_593 = tpu.memref_squeeze %dma_wait3A_592 : memref<1x16x1024xf32, #tpu.memory_space<hbm>> -> memref<16x1024xf32, #tpu.memory_space<hbm>>
    tpu.wait_dma2 semaphore(%arg14 : memref<!tpu.dma_semaphore, #tpu.memory_space<semaphore_mem>>) src(%dma_wait3A_593 : memref<16x1024xf32, #tpu.memory_space<hbm>>) dst(%arg9 : memref<16x1024xf32, #tpu.memory_space<vmem>>)
    %scan3A_594 = arith.constant 0 : i32
    %scan3A_595 = arith.constant 0 : i32
    %scan3A_596 = arith.constant 16 : i32
    %scan3A_597 = arith.addi %scan3A_595, %scan3A_596 : i32
    %scan3A_598 = arith.constant 1 : i32
    scf.for %scan3A_1583 = %scan3A_595 to %scan3A_597 step %scan3A_598  : i32 {
      %parallel_loop3A = arith.constant 0 : i32
      %parallel_loop3A_1584 = arith.constant 1024 : i32
      %parallel_loop3A_1585 = arith.constant 16 : i32
      scf.for %parallel_loop3A_1586 = %parallel_loop3A to %parallel_loop3A_1584 step %parallel_loop3A_1585  : i32 {
        %parallel_loop3A_1587 = arith.index_cast %scan3A_1583 : i32 to index
        %parallel_loop3A_1588 = arith.index_cast %parallel_loop3A_1586 : i32 to index
        %parallel_loop3A_1589 = tpu.vector_load %arg9[%parallel_loop3A_1587, %parallel_loop3A_1588] {strides = array<i32>} : memref<16x1024xf32, #tpu.memory_space<vmem>>, vector<1x16xf32>,
        %parallel_loop3A_1590 = vector.shape_cast %parallel_loop3A_1589 : vector<1x16xf32> to vector<16xf32>
        %parallel_loop3A_1591 = arith.index_cast %scan3A_1583 : i32 to index
        %parallel_loop3A_1592 = arith.index_cast %parallel_loop3A_1586 : i32 to index
        %parallel_loop3A_1593 = tpu.vector_load %arg5[%parallel_loop3A_1591, %parallel_loop3A_1592] {strides = array<i32>} : memref<16x1024xf32, #tpu.memory_space<vmem>>, vector<1x16xf32>,
        %parallel_loop3A_1594 = vector.shape_cast %parallel_loop3A_1593 : vector<1x16xf32> to vector<16xf32>
        %parallel_loop3A_1595 = arith.addf %parallel_loop3A_1590, %parallel_loop3A_1594 : vector<16xf32>
        %parallel_loop3A_1596 = arith.index_cast %scan3A_1583 : i32 to index
        %parallel_loop3A_1597 = arith.index_cast %parallel_loop3A_1586 : i32 to index
        %parallel_loop3A_1598 = tpu.vector_load %arg9[%parallel_loop3A_1596, %parallel_loop3A_1597] {strides = array<i32>} : memref<16x1024xf32, #tpu.memory_space<vmem>>, vector<1x16xf32>,
        %parallel_loop3A_1599 = vector.shape_cast %parallel_loop3A_1598 : vector<1x16xf32> to vector<16xf32>
        %parallel_loop3A_1600 = vector.shape_cast %parallel_loop3A_1595 : vector<16xf32> to vector<1x16xf32>
        tpu.vector_store %arg9[%parallel_loop3A_1596, %parallel_loop3A_1597], %parallel_loop3A_1600 {strides = array<i32>} : memref<16x1024xf32, #tpu.memory_space<vmem>>, vector<1x16xf32>,
      } {sc.loop_unroll_factor = 8 : i64, sc.parallel_access}
    }
    %scan3A_599 = arith.constant 16 : i32
    %add3A_600 = arith.constant 32 : i32
    %add3A_601 = arith.addi %mul3A_2, %add3A_600 : i32
    %multiple_of3A_602 = tpu.assume_multiple %add3A_601, 16 : i32
    %dma_start3A_603 = arith.constant 3 : i32
    %dma_start3A_604 = arith.constant 0 : i32
    %dma_start3A_605 = tpu.memref_slice %arg4[%dma_start3A_603, %multiple_of3A_602, %dma_start3A_604] : memref<4x4096x1024xf32, #tpu.memory_space<hbm>> -> memref<1x16x1024xf32, #tpu.memory_space<hbm>>
    %dma_start3A_606 = tpu.memref_squeeze %dma_start3A_605 : memref<1x16x1024xf32, #tpu.memory_space<hbm>> -> memref<16x1024xf32, #tpu.memory_space<hbm>>
    %dma_start3A_607 = arith.constant 0 : i32
    %dma_start3A_608 = tpu.memref_slice %arg4[%dma_start3A_603, %multiple_of3A_602, %dma_start3A_607] : memref<4x4096x1024xf32, #tpu.memory_space<hbm>> -> memref<1x16x1024xf32, #tpu.memory_space<hbm>>
    %dma_start3A_609 = tpu.memref_squeeze %dma_start3A_608 : memref<1x16x1024xf32, #tpu.memory_space<hbm>> -> memref<16x1024xf32, #tpu.memory_space<hbm>>
    tpu.enqueue_dma source(%arg9 : memref<16x1024xf32, #tpu.memory_space<vmem>>) target(%dma_start3A_609 : memref<16x1024xf32, #tpu.memory_space<hbm>>) target_semaphore(%arg17 : memref<!tpu.dma_semaphore, #tpu.memory_space<semaphore_mem>>)
    %add3A_610 = arith.constant 64 : i32
    %add3A_611 = arith.addi %mul3A_2, %add3A_610 : i32
    %multiple_of3A_612 = tpu.assume_multiple %add3A_611, 16 : i32
    %dma_start3A_613 = arith.constant 0 : i32
    %dma_start3A_614 = tpu.memref_slice %arg3[%multiple_of3A_612, %dma_start3A_613] : memref<4096x1024xf32, #tpu.memory_space<hbm>> -> memref<16x1024xf32, #tpu.memory_space<hbm>>
    %dma_start3A_615 = arith.constant 0 : i32
    %dma_start3A_616 = tpu.memref_slice %arg3[%multiple_of3A_612, %dma_start3A_615] : memref<4096x1024xf32, #tpu.memory_space<hbm>> -> memref<16x1024xf32, #tpu.memory_space<hbm>>
    tpu.enqueue_dma source(%dma_start3A_616 : memref<16x1024xf32, #tpu.memory_space<hbm>>) target(%arg5 : memref<16x1024xf32, #tpu.memory_space<vmem>>) target_semaphore(%arg10 : memref<!tpu.dma_semaphore, #tpu.memory_space<semaphore_mem>>)
    %add3A_617 = arith.constant 32 : i32
    %add3A_618 = arith.addi %mul3A_2, %add3A_617 : i32
    %multiple_of3A_619 = tpu.assume_multiple %add3A_618, 16 : i32
    %dma_wait3A_620 = arith.constant 3 : i32
    %dma_wait3A_621 = arith.constant 0 : i32
    %dma_wait3A_622 = tpu.memref_slice %arg4[%dma_wait3A_620, %multiple_of3A_619, %dma_wait3A_621] : memref<4x4096x1024xf32, #tpu.memory_space<hbm>> -> memref<1x16x1024xf32, #tpu.memory_space<hbm>>
    %dma_wait3A_623 = tpu.memref_squeeze %dma_wait3A_622 : memref<1x16x1024xf32, #tpu.memory_space<hbm>> -> memref<16x1024xf32, #tpu.memory_space<hbm>>
    %dma_wait3A_624 = arith.constant 0 : i32
    %dma_wait3A_625 = tpu.memref_slice %arg4[%dma_wait3A_620, %multiple_of3A_619, %dma_wait3A_624] : memref<4x4096x1024xf32, #tpu.memory_space<hbm>> -> memref<1x16x1024xf32, #tpu.memory_space<hbm>>
    %dma_wait3A_626 = tpu.memref_squeeze %dma_wait3A_625 : memref<1x16x1024xf32, #tpu.memory_space<hbm>> -> memref<16x1024xf32, #tpu.memory_space<hbm>>
    tpu.wait_dma2 semaphore(%arg17 : memref<!tpu.dma_semaphore, #tpu.memory_space<semaphore_mem>>) src(%arg9 : memref<16x1024xf32, #tpu.memory_space<vmem>>) dst(%dma_wait3A_626 : memref<16x1024xf32, #tpu.memory_space<hbm>>)
    %add3A_627 = arith.constant 48 : i32
    %add3A_628 = arith.addi %mul3A_2, %add3A_627 : i32
    %multiple_of3A_629 = tpu.assume_multiple %add3A_628, 16 : i32
    %dma_start3A_630 = arith.constant 2 : i32
    %dma_start3A_631 = arith.constant 0 : i32
    %dma_start3A_632 = tpu.memref_slice %arg2[%dma_start3A_630, %multiple_of3A_629, %dma_start3A_631] : memref<4x4096x1024xf32, #tpu.memory_space<hbm>> -> memref<1x16x1024xf32, #tpu.memory_space<hbm>>
    %dma_start3A_633 = tpu.memref_squeeze %dma_start3A_632 : memref<1x16x1024xf32, #tpu.memory_space<hbm>> -> memref<16x1024xf32, #tpu.memory_space<hbm>>
    %dma_start3A_634 = arith.constant 0 : i32
    %dma_start3A_635 = tpu.memref_slice %arg2[%dma_start3A_630, %multiple_of3A_629, %dma_start3A_634] : memref<4x4096x1024xf32, #tpu.memory_space<hbm>> -> memref<1x16x1024xf32, #tpu.memory_space<hbm>>
    %dma_start3A_636 = tpu.memref_squeeze %dma_start3A_635 : memref<1x16x1024xf32, #tpu.memory_space<hbm>> -> memref<16x1024xf32, #tpu.memory_space<hbm>>
    tpu.enqueue_dma source(%dma_start3A_636 : memref<16x1024xf32, #tpu.memory_space<hbm>>) target(%arg9 : memref<16x1024xf32, #tpu.memory_space<vmem>>) target_semaphore(%arg14 : memref<!tpu.dma_semaphore, #tpu.memory_space<semaphore_mem>>)
    %add3A_637 = arith.constant 48 : i32
    %add3A_638 = arith.addi %mul3A_2, %add3A_637 : i32
    %multiple_of3A_639 = tpu.assume_multiple %add3A_638, 16 : i32
    %dma_wait3A_640 = arith.constant 0 : i32
    %dma_wait3A_641 = tpu.memref_slice %arg3[%multiple_of3A_639, %dma_wait3A_640] : memref<4096x1024xf32, #tpu.memory_space<hbm>> -> memref<16x1024xf32, #tpu.memory_space<hbm>>
    %dma_wait3A_642 = arith.constant 0 : i32
    %dma_wait3A_643 = tpu.memref_slice %arg3[%multiple_of3A_639, %dma_wait3A_642] : memref<4096x1024xf32, #tpu.memory_space<hbm>> -> memref<16x1024xf32, #tpu.memory_space<hbm>>
    tpu.wait_dma2 semaphore(%arg11 : memref<!tpu.dma_semaphore, #tpu.memory_space<semaphore_mem>>) src(%dma_wait3A_643 : memref<16x1024xf32, #tpu.memory_space<hbm>>) dst(%arg6 : memref<16x1024xf32, #tpu.memory_space<vmem>>)
    %add3A_644 = arith.constant 48 : i32
    %add3A_645 = arith.addi %mul3A_2, %add3A_644 : i32
    %multiple_of3A_646 = tpu.assume_multiple %add3A_645, 16 : i32
    %dma_wait3A_647 = arith.constant 0 : i32
    %dma_wait3A_648 = arith.constant 0 : i32
    %dma_wait3A_649 = tpu.memref_slice %arg2[%dma_wait3A_647, %multiple_of3A_646, %dma_wait3A_648] : memref<4x4096x1024xf32, #tpu.memory_space<hbm>> -> memref<1x16x1024xf32, #tpu.memory_space<hbm>>
    %dma_wait3A_650 = tpu.memref_squeeze %dma_wait3A_649 : memref<1x16x1024xf32, #tpu.memory_space<hbm>> -> memref<16x1024xf32, #tpu.memory_space<hbm>>
    %dma_wait3A_651 = arith.constant 0 : i32
    %dma_wait3A_652 = tpu.memref_slice %arg2[%dma_wait3A_647, %multiple_of3A_646, %dma_wait3A_651] : memref<4x4096x1024xf32, #tpu.memory_space<hbm>> -> memref<1x16x1024xf32, #tpu.memory_space<hbm>>
    %dma_wait3A_653 = tpu.memref_squeeze %dma_wait3A_652 : memref<1x16x1024xf32, #tpu.memory_space<hbm>> -> memref<16x1024xf32, #tpu.memory_space<hbm>>
    tpu.wait_dma2 semaphore(%arg12 : memref<!tpu.dma_semaphore, #tpu.memory_space<semaphore_mem>>) src(%dma_wait3A_653 : memref<16x1024xf32, #tpu.memory_space<hbm>>) dst(%arg7 : memref<16x1024xf32, #tpu.memory_space<vmem>>)
    %scan3A_654 = arith.constant 0 : i32
    %scan3A_655 = arith.constant 0 : i32
    %scan3A_656 = arith.constant 16 : i32
    %scan3A_657 = arith.addi %scan3A_655, %scan3A_656 : i32
    %scan3A_658 = arith.constant 1 : i32
    scf.for %scan3A_1583 = %scan3A_655 to %scan3A_657 step %scan3A_658  : i32 {
      %parallel_loop3A = arith.constant 0 : i32
      %parallel_loop3A_1584 = arith.constant 1024 : i32
      %parallel_loop3A_1585 = arith.constant 16 : i32
      scf.for %parallel_loop3A_1586 = %parallel_loop3A to %parallel_loop3A_1584 step %parallel_loop3A_1585  : i32 {
        %parallel_loop3A_1587 = arith.index_cast %scan3A_1583 : i32 to index
        %parallel_loop3A_1588 = arith.index_cast %parallel_loop3A_1586 : i32 to index
        %parallel_loop3A_1589 = tpu.vector_load %arg7[%parallel_loop3A_1587, %parallel_loop3A_1588] {strides = array<i32>} : memref<16x1024xf32, #tpu.memory_space<vmem>>, vector<1x16xf32>,
        %parallel_loop3A_1590 = vector.shape_cast %parallel_loop3A_1589 : vector<1x16xf32> to vector<16xf32>
        %parallel_loop3A_1591 = arith.index_cast %scan3A_1583 : i32 to index
        %parallel_loop3A_1592 = arith.index_cast %parallel_loop3A_1586 : i32 to index
        %parallel_loop3A_1593 = tpu.vector_load %arg6[%parallel_loop3A_1591, %parallel_loop3A_1592] {strides = array<i32>} : memref<16x1024xf32, #tpu.memory_space<vmem>>, vector<1x16xf32>,
        %parallel_loop3A_1594 = vector.shape_cast %parallel_loop3A_1593 : vector<1x16xf32> to vector<16xf32>
        %parallel_loop3A_1595 = arith.addf %parallel_loop3A_1590, %parallel_loop3A_1594 : vector<16xf32>
        %parallel_loop3A_1596 = arith.index_cast %scan3A_1583 : i32 to index
        %parallel_loop3A_1597 = arith.index_cast %parallel_loop3A_1586 : i32 to index
        %parallel_loop3A_1598 = tpu.vector_load %arg7[%parallel_loop3A_1596, %parallel_loop3A_1597] {strides = array<i32>} : memref<16x1024xf32, #tpu.memory_space<vmem>>, vector<1x16xf32>,
        %parallel_loop3A_1599 = vector.shape_cast %parallel_loop3A_1598 : vector<1x16xf32> to vector<16xf32>
        %parallel_loop3A_1600 = vector.shape_cast %parallel_loop3A_1595 : vector<16xf32> to vector<1x16xf32>
        tpu.vector_store %arg7[%parallel_loop3A_1596, %parallel_loop3A_1597], %parallel_loop3A_1600 {strides = array<i32>} : memref<16x1024xf32, #tpu.memory_space<vmem>>, vector<1x16xf32>,
      } {sc.loop_unroll_factor = 8 : i64, sc.parallel_access}
    }
    %scan3A_659 = arith.constant 16 : i32
    %add3A_660 = arith.constant 48 : i32
    %add3A_661 = arith.addi %mul3A_2, %add3A_660 : i32
    %multiple_of3A_662 = tpu.assume_multiple %add3A_661, 16 : i32
    %dma_start3A_663 = arith.constant 0 : i32
    %dma_start3A_664 = arith.constant 0 : i32
    %dma_start3A_665 = tpu.memref_slice %arg4[%dma_start3A_663, %multiple_of3A_662, %dma_start3A_664] : memref<4x4096x1024xf32, #tpu.memory_space<hbm>> -> memref<1x16x1024xf32, #tpu.memory_space<hbm>>
    %dma_start3A_666 = tpu.memref_squeeze %dma_start3A_665 : memref<1x16x1024xf32, #tpu.memory_space<hbm>> -> memref<16x1024xf32, #tpu.memory_space<hbm>>
    %dma_start3A_667 = arith.constant 0 : i32
    %dma_start3A_668 = tpu.memref_slice %arg4[%dma_start3A_663, %multiple_of3A_662, %dma_start3A_667] : memref<4x4096x1024xf32, #tpu.memory_space<hbm>> -> memref<1x16x1024xf32, #tpu.memory_space<hbm>>
    %dma_start3A_669 = tpu.memref_squeeze %dma_start3A_668 : memref<1x16x1024xf32, #tpu.memory_space<hbm>> -> memref<16x1024xf32, #tpu.memory_space<hbm>>
    tpu.enqueue_dma source(%arg7 : memref<16x1024xf32, #tpu.memory_space<vmem>>) target(%dma_start3A_669 : memref<16x1024xf32, #tpu.memory_space<hbm>>) target_semaphore(%arg15 : memref<!tpu.dma_semaphore, #tpu.memory_space<semaphore_mem>>)
    %add3A_670 = arith.constant 48 : i32
    %add3A_671 = arith.addi %mul3A_2, %add3A_670 : i32
    %multiple_of3A_672 = tpu.assume_multiple %add3A_671, 16 : i32
    %dma_wait3A_673 = arith.constant 0 : i32
    %dma_wait3A_674 = arith.constant 0 : i32
    %dma_wait3A_675 = tpu.memref_slice %arg4[%dma_wait3A_673, %multiple_of3A_672, %dma_wait3A_674] : memref<4x4096x1024xf32, #tpu.memory_space<hbm>> -> memref<1x16x1024xf32, #tpu.memory_space<hbm>>
    %dma_wait3A_676 = tpu.memref_squeeze %dma_wait3A_675 : memref<1x16x1024xf32, #tpu.memory_space<hbm>> -> memref<16x1024xf32, #tpu.memory_space<hbm>>
    %dma_wait3A_677 = arith.constant 0 : i32
    %dma_wait3A_678 = tpu.memref_slice %arg4[%dma_wait3A_673, %multiple_of3A_672, %dma_wait3A_677] : memref<4x4096x1024xf32, #tpu.memory_space<hbm>> -> memref<1x16x1024xf32, #tpu.memory_space<hbm>>
    %dma_wait3A_679 = tpu.memref_squeeze %dma_wait3A_678 : memref<1x16x1024xf32, #tpu.memory_space<hbm>> -> memref<16x1024xf32, #tpu.memory_space<hbm>>
    tpu.wait_dma2 semaphore(%arg15 : memref<!tpu.dma_semaphore, #tpu.memory_space<semaphore_mem>>) src(%arg7 : memref<16x1024xf32, #tpu.memory_space<vmem>>) dst(%dma_wait3A_679 : memref<16x1024xf32, #tpu.memory_space<hbm>>)
    %add3A_680 = arith.constant 48 : i32
    %add3A_681 = arith.addi %mul3A_2, %add3A_680 : i32
    %multiple_of3A_682 = tpu.assume_multiple %add3A_681, 16 : i32
    %dma_start3A_683 = arith.constant 3 : i32
    %dma_start3A_684 = arith.constant 0 : i32
    %dma_start3A_685 = tpu.memref_slice %arg2[%dma_start3A_683, %multiple_of3A_682, %dma_start3A_684] : memref<4x4096x1024xf32, #tpu.memory_space<hbm>> -> memref<1x16x1024xf32, #tpu.memory_space<hbm>>
    %dma_start3A_686 = tpu.memref_squeeze %dma_start3A_685 : memref<1x16x1024xf32, #tpu.memory_space<hbm>> -> memref<16x1024xf32, #tpu.memory_space<hbm>>
    %dma_start3A_687 = arith.constant 0 : i32
    %dma_start3A_688 = tpu.memref_slice %arg2[%dma_start3A_683, %multiple_of3A_682, %dma_start3A_687] : memref<4x4096x1024xf32, #tpu.memory_space<hbm>> -> memref<1x16x1024xf32, #tpu.memory_space<hbm>>
    %dma_start3A_689 = tpu.memref_squeeze %dma_start3A_688 : memref<1x16x1024xf32, #tpu.memory_space<hbm>> -> memref<16x1024xf32, #tpu.memory_space<hbm>>
    tpu.enqueue_dma source(%dma_start3A_689 : memref<16x1024xf32, #tpu.memory_space<hbm>>) target(%arg7 : memref<16x1024xf32, #tpu.memory_space<vmem>>) target_semaphore(%arg12 : memref<!tpu.dma_semaphore, #tpu.memory_space<semaphore_mem>>)
    %add3A_690 = arith.constant 48 : i32
    %add3A_691 = arith.addi %mul3A_2, %add3A_690 : i32
    %multiple_of3A_692 = tpu.assume_multiple %add3A_691, 16 : i32
    %dma_wait3A_693 = arith.constant 1 : i32
    %dma_wait3A_694 = arith.constant 0 : i32
    %dma_wait3A_695 = tpu.memref_slice %arg2[%dma_wait3A_693, %multiple_of3A_692, %dma_wait3A_694] : memref<4x4096x1024xf32, #tpu.memory_space<hbm>> -> memref<1x16x1024xf32, #tpu.memory_space<hbm>>
    %dma_wait3A_696 = tpu.memref_squeeze %dma_wait3A_695 : memref<1x16x1024xf32, #tpu.memory_space<hbm>> -> memref<16x1024xf32, #tpu.memory_space<hbm>>
    %dma_wait3A_697 = arith.constant 0 : i32
    %dma_wait3A_698 = tpu.memref_slice %arg2[%dma_wait3A_693, %multiple_of3A_692, %dma_wait3A_697] : memref<4x4096x1024xf32, #tpu.memory_space<hbm>> -> memref<1x16x1024xf32, #tpu.memory_space<hbm>>
    %dma_wait3A_699 = tpu.memref_squeeze %dma_wait3A_698 : memref<1x16x1024xf32, #tpu.memory_space<hbm>> -> memref<16x1024xf32, #tpu.memory_space<hbm>>
    tpu.wait_dma2 semaphore(%arg13 : memref<!tpu.dma_semaphore, #tpu.memory_space<semaphore_mem>>) src(%dma_wait3A_699 : memref<16x1024xf32, #tpu.memory_space<hbm>>) dst(%arg8 : memref<16x1024xf32, #tpu.memory_space<vmem>>)
    %scan3A_700 = arith.constant 0 : i32
    %scan3A_701 = arith.constant 0 : i32
    %scan3A_702 = arith.constant 16 : i32
    %scan3A_703 = arith.addi %scan3A_701, %scan3A_702 : i32
    %scan3A_704 = arith.constant 1 : i32
    scf.for %scan3A_1583 = %scan3A_701 to %scan3A_703 step %scan3A_704  : i32 {
      %parallel_loop3A = arith.constant 0 : i32
      %parallel_loop3A_1584 = arith.constant 1024 : i32
      %parallel_loop3A_1585 = arith.constant 16 : i32
      scf.for %parallel_loop3A_1586 = %parallel_loop3A to %parallel_loop3A_1584 step %parallel_loop3A_1585  : i32 {
        %parallel_loop3A_1587 = arith.index_cast %scan3A_1583 : i32 to index
        %parallel_loop3A_1588 = arith.index_cast %parallel_loop3A_1586 : i32 to index
        %parallel_loop3A_1589 = tpu.vector_load %arg8[%parallel_loop3A_1587, %parallel_loop3A_1588] {strides = array<i32>} : memref<16x1024xf32, #tpu.memory_space<vmem>>, vector<1x16xf32>,
        %parallel_loop3A_1590 = vector.shape_cast %parallel_loop3A_1589 : vector<1x16xf32> to vector<16xf32>
        %parallel_loop3A_1591 = arith.index_cast %scan3A_1583 : i32 to index
        %parallel_loop3A_1592 = arith.index_cast %parallel_loop3A_1586 : i32 to index
        %parallel_loop3A_1593 = tpu.vector_load %arg6[%parallel_loop3A_1591, %parallel_loop3A_1592] {strides = array<i32>} : memref<16x1024xf32, #tpu.memory_space<vmem>>, vector<1x16xf32>,
        %parallel_loop3A_1594 = vector.shape_cast %parallel_loop3A_1593 : vector<1x16xf32> to vector<16xf32>
        %parallel_loop3A_1595 = arith.addf %parallel_loop3A_1590, %parallel_loop3A_1594 : vector<16xf32>
        %parallel_loop3A_1596 = arith.index_cast %scan3A_1583 : i32 to index
        %parallel_loop3A_1597 = arith.index_cast %parallel_loop3A_1586 : i32 to index
        %parallel_loop3A_1598 = tpu.vector_load %arg8[%parallel_loop3A_1596, %parallel_loop3A_1597] {strides = array<i32>} : memref<16x1024xf32, #tpu.memory_space<vmem>>, vector<1x16xf32>,
        %parallel_loop3A_1599 = vector.shape_cast %parallel_loop3A_1598 : vector<1x16xf32> to vector<16xf32>
        %parallel_loop3A_1600 = vector.shape_cast %parallel_loop3A_1595 : vector<16xf32> to vector<1x16xf32>
        tpu.vector_store %arg8[%parallel_loop3A_1596, %parallel_loop3A_1597], %parallel_loop3A_1600 {strides = array<i32>} : memref<16x1024xf32, #tpu.memory_space<vmem>>, vector<1x16xf32>,
      } {sc.loop_unroll_factor = 8 : i64, sc.parallel_access}
    }
    %scan3A_705 = arith.constant 16 : i32
    %add3A_706 = arith.constant 48 : i32
    %add3A_707 = arith.addi %mul3A_2, %add3A_706 : i32
    %multiple_of3A_708 = tpu.assume_multiple %add3A_707, 16 : i32
    %dma_start3A_709 = arith.constant 1 : i32
    %dma_start3A_710 = arith.constant 0 : i32
    %dma_start3A_711 = tpu.memref_slice %arg4[%dma_start3A_709, %multiple_of3A_708, %dma_start3A_710] : memref<4x4096x1024xf32, #tpu.memory_space<hbm>> -> memref<1x16x1024xf32, #tpu.memory_space<hbm>>
    %dma_start3A_712 = tpu.memref_squeeze %dma_start3A_711 : memref<1x16x1024xf32, #tpu.memory_space<hbm>> -> memref<16x1024xf32, #tpu.memory_space<hbm>>
    %dma_start3A_713 = arith.constant 0 : i32
    %dma_start3A_714 = tpu.memref_slice %arg4[%dma_start3A_709, %multiple_of3A_708, %dma_start3A_713] : memref<4x4096x1024xf32, #tpu.memory_space<hbm>> -> memref<1x16x1024xf32, #tpu.memory_space<hbm>>
    %dma_start3A_715 = tpu.memref_squeeze %dma_start3A_714 : memref<1x16x1024xf32, #tpu.memory_space<hbm>> -> memref<16x1024xf32, #tpu.memory_space<hbm>>
    tpu.enqueue_dma source(%arg8 : memref<16x1024xf32, #tpu.memory_space<vmem>>) target(%dma_start3A_715 : memref<16x1024xf32, #tpu.memory_space<hbm>>) target_semaphore(%arg16 : memref<!tpu.dma_semaphore, #tpu.memory_space<semaphore_mem>>)
    %add3A_716 = arith.constant 48 : i32
    %add3A_717 = arith.addi %mul3A_2, %add3A_716 : i32
    %multiple_of3A_718 = tpu.assume_multiple %add3A_717, 16 : i32
    %dma_wait3A_719 = arith.constant 1 : i32
    %dma_wait3A_720 = arith.constant 0 : i32
    %dma_wait3A_721 = tpu.memref_slice %arg4[%dma_wait3A_719, %multiple_of3A_718, %dma_wait3A_720] : memref<4x4096x1024xf32, #tpu.memory_space<hbm>> -> memref<1x16x1024xf32, #tpu.memory_space<hbm>>
    %dma_wait3A_722 = tpu.memref_squeeze %dma_wait3A_721 : memref<1x16x1024xf32, #tpu.memory_space<hbm>> -> memref<16x1024xf32, #tpu.memory_space<hbm>>
    %dma_wait3A_723 = arith.constant 0 : i32
    %dma_wait3A_724 = tpu.memref_slice %arg4[%dma_wait3A_719, %multiple_of3A_718, %dma_wait3A_723] : memref<4x4096x1024xf32, #tpu.memory_space<hbm>> -> memref<1x16x1024xf32, #tpu.memory_space<hbm>>
    %dma_wait3A_725 = tpu.memref_squeeze %dma_wait3A_724 : memref<1x16x1024xf32, #tpu.memory_space<hbm>> -> memref<16x1024xf32, #tpu.memory_space<hbm>>
    tpu.wait_dma2 semaphore(%arg16 : memref<!tpu.dma_semaphore, #tpu.memory_space<semaphore_mem>>) src(%arg8 : memref<16x1024xf32, #tpu.memory_space<vmem>>) dst(%dma_wait3A_725 : memref<16x1024xf32, #tpu.memory_space<hbm>>)
    %add3A_726 = arith.constant 64 : i32
    %add3A_727 = arith.addi %mul3A_2, %add3A_726 : i32
    %multiple_of3A_728 = tpu.assume_multiple %add3A_727, 16 : i32
    %dma_start3A_729 = arith.constant 0 : i32
    %dma_start3A_730 = arith.constant 0 : i32
    %dma_start3A_731 = tpu.memref_slice %arg2[%dma_start3A_729, %multiple_of3A_728, %dma_start3A_730] : memref<4x4096x1024xf32, #tpu.memory_space<hbm>> -> memref<1x16x1024xf32, #tpu.memory_space<hbm>>
    %dma_start3A_732 = tpu.memref_squeeze %dma_start3A_731 : memref<1x16x1024xf32, #tpu.memory_space<hbm>> -> memref<16x1024xf32, #tpu.memory_space<hbm>>
    %dma_start3A_733 = arith.constant 0 : i32
    %dma_start3A_734 = tpu.memref_slice %arg2[%dma_start3A_729, %multiple_of3A_728, %dma_start3A_733] : memref<4x4096x1024xf32, #tpu.memory_space<hbm>> -> memref<1x16x1024xf32, #tpu.memory_space<hbm>>
    %dma_start3A_735 = tpu.memref_squeeze %dma_start3A_734 : memref<1x16x1024xf32, #tpu.memory_space<hbm>> -> memref<16x1024xf32, #tpu.memory_space<hbm>>
    tpu.enqueue_dma source(%dma_start3A_735 : memref<16x1024xf32, #tpu.memory_space<hbm>>) target(%arg8 : memref<16x1024xf32, #tpu.memory_space<vmem>>) target_semaphore(%arg13 : memref<!tpu.dma_semaphore, #tpu.memory_space<semaphore_mem>>)
    %add3A_736 = arith.constant 48 : i32
    %add3A_737 = arith.addi %mul3A_2, %add3A_736 : i32
    %multiple_of3A_738 = tpu.assume_multiple %add3A_737, 16 : i32
    %dma_wait3A_739 = arith.constant 2 : i32
    %dma_wait3A_740 = arith.constant 0 : i32
    %dma_wait3A_741 = tpu.memref_slice %arg2[%dma_wait3A_739, %multiple_of3A_738, %dma_wait3A_740] : memref<4x4096x1024xf32, #tpu.memory_space<hbm>> -> memref<1x16x1024xf32, #tpu.memory_space<hbm>>
    %dma_wait3A_742 = tpu.memref_squeeze %dma_wait3A_741 : memref<1x16x1024xf32, #tpu.memory_space<hbm>> -> memref<16x1024xf32, #tpu.memory_space<hbm>>
    %dma_wait3A_743 = arith.constant 0 : i32
    %dma_wait3A_744 = tpu.memref_slice %arg2[%dma_wait3A_739, %multiple_of3A_738, %dma_wait3A_743] : memref<4x4096x1024xf32, #tpu.memory_space<hbm>> -> memref<1x16x1024xf32, #tpu.memory_space<hbm>>
    %dma_wait3A_745 = tpu.memref_squeeze %dma_wait3A_744 : memref<1x16x1024xf32, #tpu.memory_space<hbm>> -> memref<16x1024xf32, #tpu.memory_space<hbm>>
    tpu.wait_dma2 semaphore(%arg14 : memref<!tpu.dma_semaphore, #tpu.memory_space<semaphore_mem>>) src(%dma_wait3A_745 : memref<16x1024xf32, #tpu.memory_space<hbm>>) dst(%arg9 : memref<16x1024xf32, #tpu.memory_space<vmem>>)
    %scan3A_746 = arith.constant 0 : i32
    %scan3A_747 = arith.constant 0 : i32
    %scan3A_748 = arith.constant 16 : i32
    %scan3A_749 = arith.addi %scan3A_747, %scan3A_748 : i32
    %scan3A_750 = arith.constant 1 : i32
    scf.for %scan3A_1583 = %scan3A_747 to %scan3A_749 step %scan3A_750  : i32 {
      %parallel_loop3A = arith.constant 0 : i32
      %parallel_loop3A_1584 = arith.constant 1024 : i32
      %parallel_loop3A_1585 = arith.constant 16 : i32
      scf.for %parallel_loop3A_1586 = %parallel_loop3A to %parallel_loop3A_1584 step %parallel_loop3A_1585  : i32 {
        %parallel_loop3A_1587 = arith.index_cast %scan3A_1583 : i32 to index
        %parallel_loop3A_1588 = arith.index_cast %parallel_loop3A_1586 : i32 to index
        %parallel_loop3A_1589 = tpu.vector_load %arg9[%parallel_loop3A_1587, %parallel_loop3A_1588] {strides = array<i32>} : memref<16x1024xf32, #tpu.memory_space<vmem>>, vector<1x16xf32>,
        %parallel_loop3A_1590 = vector.shape_cast %parallel_loop3A_1589 : vector<1x16xf32> to vector<16xf32>
        %parallel_loop3A_1591 = arith.index_cast %scan3A_1583 : i32 to index
        %parallel_loop3A_1592 = arith.index_cast %parallel_loop3A_1586 : i32 to index
        %parallel_loop3A_1593 = tpu.vector_load %arg6[%parallel_loop3A_1591, %parallel_loop3A_1592] {strides = array<i32>} : memref<16x1024xf32, #tpu.memory_space<vmem>>, vector<1x16xf32>,
        %parallel_loop3A_1594 = vector.shape_cast %parallel_loop3A_1593 : vector<1x16xf32> to vector<16xf32>
        %parallel_loop3A_1595 = arith.addf %parallel_loop3A_1590, %parallel_loop3A_1594 : vector<16xf32>
        %parallel_loop3A_1596 = arith.index_cast %scan3A_1583 : i32 to index
        %parallel_loop3A_1597 = arith.index_cast %parallel_loop3A_1586 : i32 to index
        %parallel_loop3A_1598 = tpu.vector_load %arg9[%parallel_loop3A_1596, %parallel_loop3A_1597] {strides = array<i32>} : memref<16x1024xf32, #tpu.memory_space<vmem>>, vector<1x16xf32>,
        %parallel_loop3A_1599 = vector.shape_cast %parallel_loop3A_1598 : vector<1x16xf32> to vector<16xf32>
        %parallel_loop3A_1600 = vector.shape_cast %parallel_loop3A_1595 : vector<16xf32> to vector<1x16xf32>
        tpu.vector_store %arg9[%parallel_loop3A_1596, %parallel_loop3A_1597], %parallel_loop3A_1600 {strides = array<i32>} : memref<16x1024xf32, #tpu.memory_space<vmem>>, vector<1x16xf32>,
      } {sc.loop_unroll_factor = 8 : i64, sc.parallel_access}
    }
    %scan3A_751 = arith.constant 16 : i32
    %add3A_752 = arith.constant 48 : i32
    %add3A_753 = arith.addi %mul3A_2, %add3A_752 : i32
    %multiple_of3A_754 = tpu.assume_multiple %add3A_753, 16 : i32
    %dma_start3A_755 = arith.constant 2 : i32
    %dma_start3A_756 = arith.constant 0 : i32
    %dma_start3A_757 = tpu.memref_slice %arg4[%dma_start3A_755, %multiple_of3A_754, %dma_start3A_756] : memref<4x4096x1024xf32, #tpu.memory_space<hbm>> -> memref<1x16x1024xf32, #tpu.memory_space<hbm>>
    %dma_start3A_758 = tpu.memref_squeeze %dma_start3A_757 : memref<1x16x1024xf32, #tpu.memory_space<hbm>> -> memref<16x1024xf32, #tpu.memory_space<hbm>>
    %dma_start3A_759 = arith.constant 0 : i32
    %dma_start3A_760 = tpu.memref_slice %arg4[%dma_start3A_755, %multiple_of3A_754, %dma_start3A_759] : memref<4x4096x1024xf32, #tpu.memory_space<hbm>> -> memref<1x16x1024xf32, #tpu.memory_space<hbm>>
    %dma_start3A_761 = tpu.memref_squeeze %dma_start3A_760 : memref<1x16x1024xf32, #tpu.memory_space<hbm>> -> memref<16x1024xf32, #tpu.memory_space<hbm>>
    tpu.enqueue_dma source(%arg9 : memref<16x1024xf32, #tpu.memory_space<vmem>>) target(%dma_start3A_761 : memref<16x1024xf32, #tpu.memory_space<hbm>>) target_semaphore(%arg17 : memref<!tpu.dma_semaphore, #tpu.memory_space<semaphore_mem>>)
    %add3A_762 = arith.constant 48 : i32
    %add3A_763 = arith.addi %mul3A_2, %add3A_762 : i32
    %multiple_of3A_764 = tpu.assume_multiple %add3A_763, 16 : i32
    %dma_wait3A_765 = arith.constant 2 : i32
    %dma_wait3A_766 = arith.constant 0 : i32
    %dma_wait3A_767 = tpu.memref_slice %arg4[%dma_wait3A_765, %multiple_of3A_764, %dma_wait3A_766] : memref<4x4096x1024xf32, #tpu.memory_space<hbm>> -> memref<1x16x1024xf32, #tpu.memory_space<hbm>>
    %dma_wait3A_768 = tpu.memref_squeeze %dma_wait3A_767 : memref<1x16x1024xf32, #tpu.memory_space<hbm>> -> memref<16x1024xf32, #tpu.memory_space<hbm>>
    %dma_wait3A_769 = arith.constant 0 : i32
    %dma_wait3A_770 = tpu.memref_slice %arg4[%dma_wait3A_765, %multiple_of3A_764, %dma_wait3A_769] : memref<4x4096x1024xf32, #tpu.memory_space<hbm>> -> memref<1x16x1024xf32, #tpu.memory_space<hbm>>
    %dma_wait3A_771 = tpu.memref_squeeze %dma_wait3A_770 : memref<1x16x1024xf32, #tpu.memory_space<hbm>> -> memref<16x1024xf32, #tpu.memory_space<hbm>>
    tpu.wait_dma2 semaphore(%arg17 : memref<!tpu.dma_semaphore, #tpu.memory_space<semaphore_mem>>) src(%arg9 : memref<16x1024xf32, #tpu.memory_space<vmem>>) dst(%dma_wait3A_771 : memref<16x1024xf32, #tpu.memory_space<hbm>>)
    %add3A_772 = arith.constant 64 : i32
    %add3A_773 = arith.addi %mul3A_2, %add3A_772 : i32
    %multiple_of3A_774 = tpu.assume_multiple %add3A_773, 16 : i32
    %dma_start3A_775 = arith.constant 1 : i32
    %dma_start3A_776 = arith.constant 0 : i32
    %dma_start3A_777 = tpu.memref_slice %arg2[%dma_start3A_775, %multiple_of3A_774, %dma_start3A_776] : memref<4x4096x1024xf32, #tpu.memory_space<hbm>> -> memref<1x16x1024xf32, #tpu.memory_space<hbm>>
    %dma_start3A_778 = tpu.memref_squeeze %dma_start3A_777 : memref<1x16x1024xf32, #tpu.memory_space<hbm>> -> memref<16x1024xf32, #tpu.memory_space<hbm>>
    %dma_start3A_779 = arith.constant 0 : i32
    %dma_start3A_780 = tpu.memref_slice %arg2[%dma_start3A_775, %multiple_of3A_774, %dma_start3A_779] : memref<4x4096x1024xf32, #tpu.memory_space<hbm>> -> memref<1x16x1024xf32, #tpu.memory_space<hbm>>
    %dma_start3A_781 = tpu.memref_squeeze %dma_start3A_780 : memref<1x16x1024xf32, #tpu.memory_space<hbm>> -> memref<16x1024xf32, #tpu.memory_space<hbm>>
    tpu.enqueue_dma source(%dma_start3A_781 : memref<16x1024xf32, #tpu.memory_space<hbm>>) target(%arg9 : memref<16x1024xf32, #tpu.memory_space<vmem>>) target_semaphore(%arg14 : memref<!tpu.dma_semaphore, #tpu.memory_space<semaphore_mem>>)
    %add3A_782 = arith.constant 48 : i32
    %add3A_783 = arith.addi %mul3A_2, %add3A_782 : i32
    %multiple_of3A_784 = tpu.assume_multiple %add3A_783, 16 : i32
    %dma_wait3A_785 = arith.constant 3 : i32
    %dma_wait3A_786 = arith.constant 0 : i32
    %dma_wait3A_787 = tpu.memref_slice %arg2[%dma_wait3A_785, %multiple_of3A_784, %dma_wait3A_786] : memref<4x4096x1024xf32, #tpu.memory_space<hbm>> -> memref<1x16x1024xf32, #tpu.memory_space<hbm>>
    %dma_wait3A_788 = tpu.memref_squeeze %dma_wait3A_787 : memref<1x16x1024xf32, #tpu.memory_space<hbm>> -> memref<16x1024xf32, #tpu.memory_space<hbm>>
    %dma_wait3A_789 = arith.constant 0 : i32
    %dma_wait3A_790 = tpu.memref_slice %arg2[%dma_wait3A_785, %multiple_of3A_784, %dma_wait3A_789] : memref<4x4096x1024xf32, #tpu.memory_space<hbm>> -> memref<1x16x1024xf32, #tpu.memory_space<hbm>>
    %dma_wait3A_791 = tpu.memref_squeeze %dma_wait3A_790 : memref<1x16x1024xf32, #tpu.memory_space<hbm>> -> memref<16x1024xf32, #tpu.memory_space<hbm>>
    tpu.wait_dma2 semaphore(%arg12 : memref<!tpu.dma_semaphore, #tpu.memory_space<semaphore_mem>>) src(%dma_wait3A_791 : memref<16x1024xf32, #tpu.memory_space<hbm>>) dst(%arg7 : memref<16x1024xf32, #tpu.memory_space<vmem>>)
    %scan3A_792 = arith.constant 0 : i32
    %scan3A_793 = arith.constant 0 : i32
    %scan3A_794 = arith.constant 16 : i32
    %scan3A_795 = arith.addi %scan3A_793, %scan3A_794 : i32
    %scan3A_796 = arith.constant 1 : i32
    scf.for %scan3A_1583 = %scan3A_793 to %scan3A_795 step %scan3A_796  : i32 {
      %parallel_loop3A = arith.constant 0 : i32
      %parallel_loop3A_1584 = arith.constant 1024 : i32
      %parallel_loop3A_1585 = arith.constant 16 : i32
      scf.for %parallel_loop3A_1586 = %parallel_loop3A to %parallel_loop3A_1584 step %parallel_loop3A_1585  : i32 {
        %parallel_loop3A_1587 = arith.index_cast %scan3A_1583 : i32 to index
        %parallel_loop3A_1588 = arith.index_cast %parallel_loop3A_1586 : i32 to index
        %parallel_loop3A_1589 = tpu.vector_load %arg7[%parallel_loop3A_1587, %parallel_loop3A_1588] {strides = array<i32>} : memref<16x1024xf32, #tpu.memory_space<vmem>>, vector<1x16xf32>,
        %parallel_loop3A_1590 = vector.shape_cast %parallel_loop3A_1589 : vector<1x16xf32> to vector<16xf32>
        %parallel_loop3A_1591 = arith.index_cast %scan3A_1583 : i32 to index
        %parallel_loop3A_1592 = arith.index_cast %parallel_loop3A_1586 : i32 to index
        %parallel_loop3A_1593 = tpu.vector_load %arg6[%parallel_loop3A_1591, %parallel_loop3A_1592] {strides = array<i32>} : memref<16x1024xf32, #tpu.memory_space<vmem>>, vector<1x16xf32>,
        %parallel_loop3A_1594 = vector.shape_cast %parallel_loop3A_1593 : vector<1x16xf32> to vector<16xf32>
        %parallel_loop3A_1595 = arith.addf %parallel_loop3A_1590, %parallel_loop3A_1594 : vector<16xf32>
        %parallel_loop3A_1596 = arith.index_cast %scan3A_1583 : i32 to index
        %parallel_loop3A_1597 = arith.index_cast %parallel_loop3A_1586 : i32 to index
        %parallel_loop3A_1598 = tpu.vector_load %arg7[%parallel_loop3A_1596, %parallel_loop3A_1597] {strides = array<i32>} : memref<16x1024xf32, #tpu.memory_space<vmem>>, vector<1x16xf32>,
        %parallel_loop3A_1599 = vector.shape_cast %parallel_loop3A_1598 : vector<1x16xf32> to vector<16xf32>
        %parallel_loop3A_1600 = vector.shape_cast %parallel_loop3A_1595 : vector<16xf32> to vector<1x16xf32>
        tpu.vector_store %arg7[%parallel_loop3A_1596, %parallel_loop3A_1597], %parallel_loop3A_1600 {strides = array<i32>} : memref<16x1024xf32, #tpu.memory_space<vmem>>, vector<1x16xf32>,
      } {sc.loop_unroll_factor = 8 : i64, sc.parallel_access}
    }
    %scan3A_797 = arith.constant 16 : i32
    %add3A_798 = arith.constant 48 : i32
    %add3A_799 = arith.addi %mul3A_2, %add3A_798 : i32
    %multiple_of3A_800 = tpu.assume_multiple %add3A_799, 16 : i32
    %dma_start3A_801 = arith.constant 3 : i32
    %dma_start3A_802 = arith.constant 0 : i32
    %dma_start3A_803 = tpu.memref_slice %arg4[%dma_start3A_801, %multiple_of3A_800, %dma_start3A_802] : memref<4x4096x1024xf32, #tpu.memory_space<hbm>> -> memref<1x16x1024xf32, #tpu.memory_space<hbm>>
    %dma_start3A_804 = tpu.memref_squeeze %dma_start3A_803 : memref<1x16x1024xf32, #tpu.memory_space<hbm>> -> memref<16x1024xf32, #tpu.memory_space<hbm>>
    %dma_start3A_805 = arith.constant 0 : i32
    %dma_start3A_806 = tpu.memref_slice %arg4[%dma_start3A_801, %multiple_of3A_800, %dma_start3A_805] : memref<4x4096x1024xf32, #tpu.memory_space<hbm>> -> memref<1x16x1024xf32, #tpu.memory_space<hbm>>
    %dma_start3A_807 = tpu.memref_squeeze %dma_start3A_806 : memref<1x16x1024xf32, #tpu.memory_space<hbm>> -> memref<16x1024xf32, #tpu.memory_space<hbm>>
    tpu.enqueue_dma source(%arg7 : memref<16x1024xf32, #tpu.memory_space<vmem>>) target(%dma_start3A_807 : memref<16x1024xf32, #tpu.memory_space<hbm>>) target_semaphore(%arg15 : memref<!tpu.dma_semaphore, #tpu.memory_space<semaphore_mem>>)
    %add3A_808 = arith.constant 80 : i32
    %add3A_809 = arith.addi %mul3A_2, %add3A_808 : i32
    %multiple_of3A_810 = tpu.assume_multiple %add3A_809, 16 : i32
    %dma_start3A_811 = arith.constant 0 : i32
    %dma_start3A_812 = tpu.memref_slice %arg3[%multiple_of3A_810, %dma_start3A_811] : memref<4096x1024xf32, #tpu.memory_space<hbm>> -> memref<16x1024xf32, #tpu.memory_space<hbm>>
    %dma_start3A_813 = arith.constant 0 : i32
    %dma_start3A_814 = tpu.memref_slice %arg3[%multiple_of3A_810, %dma_start3A_813] : memref<4096x1024xf32, #tpu.memory_space<hbm>> -> memref<16x1024xf32, #tpu.memory_space<hbm>>
    tpu.enqueue_dma source(%dma_start3A_814 : memref<16x1024xf32, #tpu.memory_space<hbm>>) target(%arg6 : memref<16x1024xf32, #tpu.memory_space<vmem>>) target_semaphore(%arg11 : memref<!tpu.dma_semaphore, #tpu.memory_space<semaphore_mem>>)
    %add3A_815 = arith.constant 48 : i32
    %add3A_816 = arith.addi %mul3A_2, %add3A_815 : i32
    %multiple_of3A_817 = tpu.assume_multiple %add3A_816, 16 : i32
    %dma_wait3A_818 = arith.constant 3 : i32
    %dma_wait3A_819 = arith.constant 0 : i32
    %dma_wait3A_820 = tpu.memref_slice %arg4[%dma_wait3A_818, %multiple_of3A_817, %dma_wait3A_819] : memref<4x4096x1024xf32, #tpu.memory_space<hbm>> -> memref<1x16x1024xf32, #tpu.memory_space<hbm>>
    %dma_wait3A_821 = tpu.memref_squeeze %dma_wait3A_820 : memref<1x16x1024xf32, #tpu.memory_space<hbm>> -> memref<16x1024xf32, #tpu.memory_space<hbm>>
    %dma_wait3A_822 = arith.constant 0 : i32
    %dma_wait3A_823 = tpu.memref_slice %arg4[%dma_wait3A_818, %multiple_of3A_817, %dma_wait3A_822] : memref<4x4096x1024xf32, #tpu.memory_space<hbm>> -> memref<1x16x1024xf32, #tpu.memory_space<hbm>>
    %dma_wait3A_824 = tpu.memref_squeeze %dma_wait3A_823 : memref<1x16x1024xf32, #tpu.memory_space<hbm>> -> memref<16x1024xf32, #tpu.memory_space<hbm>>
    tpu.wait_dma2 semaphore(%arg15 : memref<!tpu.dma_semaphore, #tpu.memory_space<semaphore_mem>>) src(%arg7 : memref<16x1024xf32, #tpu.memory_space<vmem>>) dst(%dma_wait3A_824 : memref<16x1024xf32, #tpu.memory_space<hbm>>)
    %add3A_825 = arith.constant 64 : i32
    %add3A_826 = arith.addi %mul3A_2, %add3A_825 : i32
    %multiple_of3A_827 = tpu.assume_multiple %add3A_826, 16 : i32
    %dma_start3A_828 = arith.constant 2 : i32
    %dma_start3A_829 = arith.constant 0 : i32
    %dma_start3A_830 = tpu.memref_slice %arg2[%dma_start3A_828, %multiple_of3A_827, %dma_start3A_829] : memref<4x4096x1024xf32, #tpu.memory_space<hbm>> -> memref<1x16x1024xf32, #tpu.memory_space<hbm>>
    %dma_start3A_831 = tpu.memref_squeeze %dma_start3A_830 : memref<1x16x1024xf32, #tpu.memory_space<hbm>> -> memref<16x1024xf32, #tpu.memory_space<hbm>>
    %dma_start3A_832 = arith.constant 0 : i32
    %dma_start3A_833 = tpu.memref_slice %arg2[%dma_start3A_828, %multiple_of3A_827, %dma_start3A_832] : memref<4x4096x1024xf32, #tpu.memory_space<hbm>> -> memref<1x16x1024xf32, #tpu.memory_space<hbm>>
    %dma_start3A_834 = tpu.memref_squeeze %dma_start3A_833 : memref<1x16x1024xf32, #tpu.memory_space<hbm>> -> memref<16x1024xf32, #tpu.memory_space<hbm>>
    tpu.enqueue_dma source(%dma_start3A_834 : memref<16x1024xf32, #tpu.memory_space<hbm>>) target(%arg7 : memref<16x1024xf32, #tpu.memory_space<vmem>>) target_semaphore(%arg12 : memref<!tpu.dma_semaphore, #tpu.memory_space<semaphore_mem>>)
    %add3A_835 = arith.constant 64 : i32
    %add3A_836 = arith.addi %mul3A_2, %add3A_835 : i32
    %multiple_of3A_837 = tpu.assume_multiple %add3A_836, 16 : i32
    %dma_wait3A_838 = arith.constant 0 : i32
    %dma_wait3A_839 = tpu.memref_slice %arg3[%multiple_of3A_837, %dma_wait3A_838] : memref<4096x1024xf32, #tpu.memory_space<hbm>> -> memref<16x1024xf32, #tpu.memory_space<hbm>>
    %dma_wait3A_840 = arith.constant 0 : i32
    %dma_wait3A_841 = tpu.memref_slice %arg3[%multiple_of3A_837, %dma_wait3A_840] : memref<4096x1024xf32, #tpu.memory_space<hbm>> -> memref<16x1024xf32, #tpu.memory_space<hbm>>
    tpu.wait_dma2 semaphore(%arg10 : memref<!tpu.dma_semaphore, #tpu.memory_space<semaphore_mem>>) src(%dma_wait3A_841 : memref<16x1024xf32, #tpu.memory_space<hbm>>) dst(%arg5 : memref<16x1024xf32, #tpu.memory_space<vmem>>)
    %add3A_842 = arith.constant 64 : i32
    %add3A_843 = arith.addi %mul3A_2, %add3A_842 : i32
    %multiple_of3A_844 = tpu.assume_multiple %add3A_843, 16 : i32
    %dma_wait3A_845 = arith.constant 0 : i32
    %dma_wait3A_846 = arith.constant 0 : i32
    %dma_wait3A_847 = tpu.memref_slice %arg2[%dma_wait3A_845, %multiple_of3A_844, %dma_wait3A_846] : memref<4x4096x1024xf32, #tpu.memory_space<hbm>> -> memref<1x16x1024xf32, #tpu.memory_space<hbm>>
    %dma_wait3A_848 = tpu.memref_squeeze %dma_wait3A_847 : memref<1x16x1024xf32, #tpu.memory_space<hbm>> -> memref<16x1024xf32, #tpu.memory_space<hbm>>
    %dma_wait3A_849 = arith.constant 0 : i32
    %dma_wait3A_850 = tpu.memref_slice %arg2[%dma_wait3A_845, %multiple_of3A_844, %dma_wait3A_849] : memref<4x4096x1024xf32, #tpu.memory_space<hbm>> -> memref<1x16x1024xf32, #tpu.memory_space<hbm>>
    %dma_wait3A_851 = tpu.memref_squeeze %dma_wait3A_850 : memref<1x16x1024xf32, #tpu.memory_space<hbm>> -> memref<16x1024xf32, #tpu.memory_space<hbm>>
    tpu.wait_dma2 semaphore(%arg13 : memref<!tpu.dma_semaphore, #tpu.memory_space<semaphore_mem>>) src(%dma_wait3A_851 : memref<16x1024xf32, #tpu.memory_space<hbm>>) dst(%arg8 : memref<16x1024xf32, #tpu.memory_space<vmem>>)
    %scan3A_852 = arith.constant 0 : i32
    %scan3A_853 = arith.constant 0 : i32
    %scan3A_854 = arith.constant 16 : i32
    %scan3A_855 = arith.addi %scan3A_853, %scan3A_854 : i32
    %scan3A_856 = arith.constant 1 : i32
    scf.for %scan3A_1583 = %scan3A_853 to %scan3A_855 step %scan3A_856  : i32 {
      %parallel_loop3A = arith.constant 0 : i32
      %parallel_loop3A_1584 = arith.constant 1024 : i32
      %parallel_loop3A_1585 = arith.constant 16 : i32
      scf.for %parallel_loop3A_1586 = %parallel_loop3A to %parallel_loop3A_1584 step %parallel_loop3A_1585  : i32 {
        %parallel_loop3A_1587 = arith.index_cast %scan3A_1583 : i32 to index
        %parallel_loop3A_1588 = arith.index_cast %parallel_loop3A_1586 : i32 to index
        %parallel_loop3A_1589 = tpu.vector_load %arg8[%parallel_loop3A_1587, %parallel_loop3A_1588] {strides = array<i32>} : memref<16x1024xf32, #tpu.memory_space<vmem>>, vector<1x16xf32>,
        %parallel_loop3A_1590 = vector.shape_cast %parallel_loop3A_1589 : vector<1x16xf32> to vector<16xf32>
        %parallel_loop3A_1591 = arith.index_cast %scan3A_1583 : i32 to index
        %parallel_loop3A_1592 = arith.index_cast %parallel_loop3A_1586 : i32 to index
        %parallel_loop3A_1593 = tpu.vector_load %arg5[%parallel_loop3A_1591, %parallel_loop3A_1592] {strides = array<i32>} : memref<16x1024xf32, #tpu.memory_space<vmem>>, vector<1x16xf32>,
        %parallel_loop3A_1594 = vector.shape_cast %parallel_loop3A_1593 : vector<1x16xf32> to vector<16xf32>
        %parallel_loop3A_1595 = arith.addf %parallel_loop3A_1590, %parallel_loop3A_1594 : vector<16xf32>
        %parallel_loop3A_1596 = arith.index_cast %scan3A_1583 : i32 to index
        %parallel_loop3A_1597 = arith.index_cast %parallel_loop3A_1586 : i32 to index
        %parallel_loop3A_1598 = tpu.vector_load %arg8[%parallel_loop3A_1596, %parallel_loop3A_1597] {strides = array<i32>} : memref<16x1024xf32, #tpu.memory_space<vmem>>, vector<1x16xf32>,
        %parallel_loop3A_1599 = vector.shape_cast %parallel_loop3A_1598 : vector<1x16xf32> to vector<16xf32>
        %parallel_loop3A_1600 = vector.shape_cast %parallel_loop3A_1595 : vector<16xf32> to vector<1x16xf32>
        tpu.vector_store %arg8[%parallel_loop3A_1596, %parallel_loop3A_1597], %parallel_loop3A_1600 {strides = array<i32>} : memref<16x1024xf32, #tpu.memory_space<vmem>>, vector<1x16xf32>,
      } {sc.loop_unroll_factor = 8 : i64, sc.parallel_access}
    }
    %scan3A_857 = arith.constant 16 : i32
    %add3A_858 = arith.constant 64 : i32
    %add3A_859 = arith.addi %mul3A_2, %add3A_858 : i32
    %multiple_of3A_860 = tpu.assume_multiple %add3A_859, 16 : i32
    %dma_start3A_861 = arith.constant 0 : i32
    %dma_start3A_862 = arith.constant 0 : i32
    %dma_start3A_863 = tpu.memref_slice %arg4[%dma_start3A_861, %multiple_of3A_860, %dma_start3A_862] : memref<4x4096x1024xf32, #tpu.memory_space<hbm>> -> memref<1x16x1024xf32, #tpu.memory_space<hbm>>
    %dma_start3A_864 = tpu.memref_squeeze %dma_start3A_863 : memref<1x16x1024xf32, #tpu.memory_space<hbm>> -> memref<16x1024xf32, #tpu.memory_space<hbm>>
    %dma_start3A_865 = arith.constant 0 : i32
    %dma_start3A_866 = tpu.memref_slice %arg4[%dma_start3A_861, %multiple_of3A_860, %dma_start3A_865] : memref<4x4096x1024xf32, #tpu.memory_space<hbm>> -> memref<1x16x1024xf32, #tpu.memory_space<hbm>>
    %dma_start3A_867 = tpu.memref_squeeze %dma_start3A_866 : memref<1x16x1024xf32, #tpu.memory_space<hbm>> -> memref<16x1024xf32, #tpu.memory_space<hbm>>
    tpu.enqueue_dma source(%arg8 : memref<16x1024xf32, #tpu.memory_space<vmem>>) target(%dma_start3A_867 : memref<16x1024xf32, #tpu.memory_space<hbm>>) target_semaphore(%arg16 : memref<!tpu.dma_semaphore, #tpu.memory_space<semaphore_mem>>)
    %add3A_868 = arith.constant 64 : i32
    %add3A_869 = arith.addi %mul3A_2, %add3A_868 : i32
    %multiple_of3A_870 = tpu.assume_multiple %add3A_869, 16 : i32
    %dma_wait3A_871 = arith.constant 0 : i32
    %dma_wait3A_872 = arith.constant 0 : i32
    %dma_wait3A_873 = tpu.memref_slice %arg4[%dma_wait3A_871, %multiple_of3A_870, %dma_wait3A_872] : memref<4x4096x1024xf32, #tpu.memory_space<hbm>> -> memref<1x16x1024xf32, #tpu.memory_space<hbm>>
    %dma_wait3A_874 = tpu.memref_squeeze %dma_wait3A_873 : memref<1x16x1024xf32, #tpu.memory_space<hbm>> -> memref<16x1024xf32, #tpu.memory_space<hbm>>
    %dma_wait3A_875 = arith.constant 0 : i32
    %dma_wait3A_876 = tpu.memref_slice %arg4[%dma_wait3A_871, %multiple_of3A_870, %dma_wait3A_875] : memref<4x4096x1024xf32, #tpu.memory_space<hbm>> -> memref<1x16x1024xf32, #tpu.memory_space<hbm>>
    %dma_wait3A_877 = tpu.memref_squeeze %dma_wait3A_876 : memref<1x16x1024xf32, #tpu.memory_space<hbm>> -> memref<16x1024xf32, #tpu.memory_space<hbm>>
    tpu.wait_dma2 semaphore(%arg16 : memref<!tpu.dma_semaphore, #tpu.memory_space<semaphore_mem>>) src(%arg8 : memref<16x1024xf32, #tpu.memory_space<vmem>>) dst(%dma_wait3A_877 : memref<16x1024xf32, #tpu.memory_space<hbm>>)
    %add3A_878 = arith.constant 64 : i32
    %add3A_879 = arith.addi %mul3A_2, %add3A_878 : i32
    %multiple_of3A_880 = tpu.assume_multiple %add3A_879, 16 : i32
    %dma_start3A_881 = arith.constant 3 : i32
    %dma_start3A_882 = arith.constant 0 : i32
    %dma_start3A_883 = tpu.memref_slice %arg2[%dma_start3A_881, %multiple_of3A_880, %dma_start3A_882] : memref<4x4096x1024xf32, #tpu.memory_space<hbm>> -> memref<1x16x1024xf32, #tpu.memory_space<hbm>>
    %dma_start3A_884 = tpu.memref_squeeze %dma_start3A_883 : memref<1x16x1024xf32, #tpu.memory_space<hbm>> -> memref<16x1024xf32, #tpu.memory_space<hbm>>
    %dma_start3A_885 = arith.constant 0 : i32
    %dma_start3A_886 = tpu.memref_slice %arg2[%dma_start3A_881, %multiple_of3A_880, %dma_start3A_885] : memref<4x4096x1024xf32, #tpu.memory_space<hbm>> -> memref<1x16x1024xf32, #tpu.memory_space<hbm>>
    %dma_start3A_887 = tpu.memref_squeeze %dma_start3A_886 : memref<1x16x1024xf32, #tpu.memory_space<hbm>> -> memref<16x1024xf32, #tpu.memory_space<hbm>>
    tpu.enqueue_dma source(%dma_start3A_887 : memref<16x1024xf32, #tpu.memory_space<hbm>>) target(%arg8 : memref<16x1024xf32, #tpu.memory_space<vmem>>) target_semaphore(%arg13 : memref<!tpu.dma_semaphore, #tpu.memory_space<semaphore_mem>>)
    %add3A_888 = arith.constant 64 : i32
    %add3A_889 = arith.addi %mul3A_2, %add3A_888 : i32
    %multiple_of3A_890 = tpu.assume_multiple %add3A_889, 16 : i32
    %dma_wait3A_891 = arith.constant 1 : i32
    %dma_wait3A_892 = arith.constant 0 : i32
    %dma_wait3A_893 = tpu.memref_slice %arg2[%dma_wait3A_891, %multiple_of3A_890, %dma_wait3A_892] : memref<4x4096x1024xf32, #tpu.memory_space<hbm>> -> memref<1x16x1024xf32, #tpu.memory_space<hbm>>
    %dma_wait3A_894 = tpu.memref_squeeze %dma_wait3A_893 : memref<1x16x1024xf32, #tpu.memory_space<hbm>> -> memref<16x1024xf32, #tpu.memory_space<hbm>>
    %dma_wait3A_895 = arith.constant 0 : i32
    %dma_wait3A_896 = tpu.memref_slice %arg2[%dma_wait3A_891, %multiple_of3A_890, %dma_wait3A_895] : memref<4x4096x1024xf32, #tpu.memory_space<hbm>> -> memref<1x16x1024xf32, #tpu.memory_space<hbm>>
    %dma_wait3A_897 = tpu.memref_squeeze %dma_wait3A_896 : memref<1x16x1024xf32, #tpu.memory_space<hbm>> -> memref<16x1024xf32, #tpu.memory_space<hbm>>
    tpu.wait_dma2 semaphore(%arg14 : memref<!tpu.dma_semaphore, #tpu.memory_space<semaphore_mem>>) src(%dma_wait3A_897 : memref<16x1024xf32, #tpu.memory_space<hbm>>) dst(%arg9 : memref<16x1024xf32, #tpu.memory_space<vmem>>)
    %scan3A_898 = arith.constant 0 : i32
    %scan3A_899 = arith.constant 0 : i32
    %scan3A_900 = arith.constant 16 : i32
    %scan3A_901 = arith.addi %scan3A_899, %scan3A_900 : i32
    %scan3A_902 = arith.constant 1 : i32
    scf.for %scan3A_1583 = %scan3A_899 to %scan3A_901 step %scan3A_902  : i32 {
      %parallel_loop3A = arith.constant 0 : i32
      %parallel_loop3A_1584 = arith.constant 1024 : i32
      %parallel_loop3A_1585 = arith.constant 16 : i32
      scf.for %parallel_loop3A_1586 = %parallel_loop3A to %parallel_loop3A_1584 step %parallel_loop3A_1585  : i32 {
        %parallel_loop3A_1587 = arith.index_cast %scan3A_1583 : i32 to index
        %parallel_loop3A_1588 = arith.index_cast %parallel_loop3A_1586 : i32 to index
        %parallel_loop3A_1589 = tpu.vector_load %arg9[%parallel_loop3A_1587, %parallel_loop3A_1588] {strides = array<i32>} : memref<16x1024xf32, #tpu.memory_space<vmem>>, vector<1x16xf32>,
        %parallel_loop3A_1590 = vector.shape_cast %parallel_loop3A_1589 : vector<1x16xf32> to vector<16xf32>
        %parallel_loop3A_1591 = arith.index_cast %scan3A_1583 : i32 to index
        %parallel_loop3A_1592 = arith.index_cast %parallel_loop3A_1586 : i32 to index
        %parallel_loop3A_1593 = tpu.vector_load %arg5[%parallel_loop3A_1591, %parallel_loop3A_1592] {strides = array<i32>} : memref<16x1024xf32, #tpu.memory_space<vmem>>, vector<1x16xf32>,
        %parallel_loop3A_1594 = vector.shape_cast %parallel_loop3A_1593 : vector<1x16xf32> to vector<16xf32>
        %parallel_loop3A_1595 = arith.addf %parallel_loop3A_1590, %parallel_loop3A_1594 : vector<16xf32>
        %parallel_loop3A_1596 = arith.index_cast %scan3A_1583 : i32 to index
        %parallel_loop3A_1597 = arith.index_cast %parallel_loop3A_1586 : i32 to index
        %parallel_loop3A_1598 = tpu.vector_load %arg9[%parallel_loop3A_1596, %parallel_loop3A_1597] {strides = array<i32>} : memref<16x1024xf32, #tpu.memory_space<vmem>>, vector<1x16xf32>,
        %parallel_loop3A_1599 = vector.shape_cast %parallel_loop3A_1598 : vector<1x16xf32> to vector<16xf32>
        %parallel_loop3A_1600 = vector.shape_cast %parallel_loop3A_1595 : vector<16xf32> to vector<1x16xf32>
        tpu.vector_store %arg9[%parallel_loop3A_1596, %parallel_loop3A_1597], %parallel_loop3A_1600 {strides = array<i32>} : memref<16x1024xf32, #tpu.memory_space<vmem>>, vector<1x16xf32>,
      } {sc.loop_unroll_factor = 8 : i64, sc.parallel_access}
    }
    %scan3A_903 = arith.constant 16 : i32
    %add3A_904 = arith.constant 64 : i32
    %add3A_905 = arith.addi %mul3A_2, %add3A_904 : i32
    %multiple_of3A_906 = tpu.assume_multiple %add3A_905, 16 : i32
    %dma_start3A_907 = arith.constant 1 : i32
    %dma_start3A_908 = arith.constant 0 : i32
    %dma_start3A_909 = tpu.memref_slice %arg4[%dma_start3A_907, %multiple_of3A_906, %dma_start3A_908] : memref<4x4096x1024xf32, #tpu.memory_space<hbm>> -> memref<1x16x1024xf32, #tpu.memory_space<hbm>>
    %dma_start3A_910 = tpu.memref_squeeze %dma_start3A_909 : memref<1x16x1024xf32, #tpu.memory_space<hbm>> -> memref<16x1024xf32, #tpu.memory_space<hbm>>
    %dma_start3A_911 = arith.constant 0 : i32
    %dma_start3A_912 = tpu.memref_slice %arg4[%dma_start3A_907, %multiple_of3A_906, %dma_start3A_911] : memref<4x4096x1024xf32, #tpu.memory_space<hbm>> -> memref<1x16x1024xf32, #tpu.memory_space<hbm>>
    %dma_start3A_913 = tpu.memref_squeeze %dma_start3A_912 : memref<1x16x1024xf32, #tpu.memory_space<hbm>> -> memref<16x1024xf32, #tpu.memory_space<hbm>>
    tpu.enqueue_dma source(%arg9 : memref<16x1024xf32, #tpu.memory_space<vmem>>) target(%dma_start3A_913 : memref<16x1024xf32, #tpu.memory_space<hbm>>) target_semaphore(%arg17 : memref<!tpu.dma_semaphore, #tpu.memory_space<semaphore_mem>>)
    %add3A_914 = arith.constant 64 : i32
    %add3A_915 = arith.addi %mul3A_2, %add3A_914 : i32
    %multiple_of3A_916 = tpu.assume_multiple %add3A_915, 16 : i32
    %dma_wait3A_917 = arith.constant 1 : i32
    %dma_wait3A_918 = arith.constant 0 : i32
    %dma_wait3A_919 = tpu.memref_slice %arg4[%dma_wait3A_917, %multiple_of3A_916, %dma_wait3A_918] : memref<4x4096x1024xf32, #tpu.memory_space<hbm>> -> memref<1x16x1024xf32, #tpu.memory_space<hbm>>
    %dma_wait3A_920 = tpu.memref_squeeze %dma_wait3A_919 : memref<1x16x1024xf32, #tpu.memory_space<hbm>> -> memref<16x1024xf32, #tpu.memory_space<hbm>>
    %dma_wait3A_921 = arith.constant 0 : i32
    %dma_wait3A_922 = tpu.memref_slice %arg4[%dma_wait3A_917, %multiple_of3A_916, %dma_wait3A_921] : memref<4x4096x1024xf32, #tpu.memory_space<hbm>> -> memref<1x16x1024xf32, #tpu.memory_space<hbm>>
    %dma_wait3A_923 = tpu.memref_squeeze %dma_wait3A_922 : memref<1x16x1024xf32, #tpu.memory_space<hbm>> -> memref<16x1024xf32, #tpu.memory_space<hbm>>
    tpu.wait_dma2 semaphore(%arg17 : memref<!tpu.dma_semaphore, #tpu.memory_space<semaphore_mem>>) src(%arg9 : memref<16x1024xf32, #tpu.memory_space<vmem>>) dst(%dma_wait3A_923 : memref<16x1024xf32, #tpu.memory_space<hbm>>)
    %add3A_924 = arith.constant 80 : i32
    %add3A_925 = arith.addi %mul3A_2, %add3A_924 : i32
    %multiple_of3A_926 = tpu.assume_multiple %add3A_925, 16 : i32
    %dma_start3A_927 = arith.constant 0 : i32
    %dma_start3A_928 = arith.constant 0 : i32
    %dma_start3A_929 = tpu.memref_slice %arg2[%dma_start3A_927, %multiple_of3A_926, %dma_start3A_928] : memref<4x4096x1024xf32, #tpu.memory_space<hbm>> -> memref<1x16x1024xf32, #tpu.memory_space<hbm>>
    %dma_start3A_930 = tpu.memref_squeeze %dma_start3A_929 : memref<1x16x1024xf32, #tpu.memory_space<hbm>> -> memref<16x1024xf32, #tpu.memory_space<hbm>>
    %dma_start3A_931 = arith.constant 0 : i32
    %dma_start3A_932 = tpu.memref_slice %arg2[%dma_start3A_927, %multiple_of3A_926, %dma_start3A_931] : memref<4x4096x1024xf32, #tpu.memory_space<hbm>> -> memref<1x16x1024xf32, #tpu.memory_space<hbm>>
    %dma_start3A_933 = tpu.memref_squeeze %dma_start3A_932 : memref<1x16x1024xf32, #tpu.memory_space<hbm>> -> memref<16x1024xf32, #tpu.memory_space<hbm>>
    tpu.enqueue_dma source(%dma_start3A_933 : memref<16x1024xf32, #tpu.memory_space<hbm>>) target(%arg9 : memref<16x1024xf32, #tpu.memory_space<vmem>>) target_semaphore(%arg14 : memref<!tpu.dma_semaphore, #tpu.memory_space<semaphore_mem>>)
    %add3A_934 = arith.constant 64 : i32
    %add3A_935 = arith.addi %mul3A_2, %add3A_934 : i32
    %multiple_of3A_936 = tpu.assume_multiple %add3A_935, 16 : i32
    %dma_wait3A_937 = arith.constant 2 : i32
    %dma_wait3A_938 = arith.constant 0 : i32
    %dma_wait3A_939 = tpu.memref_slice %arg2[%dma_wait3A_937, %multiple_of3A_936, %dma_wait3A_938] : memref<4x4096x1024xf32, #tpu.memory_space<hbm>> -> memref<1x16x1024xf32, #tpu.memory_space<hbm>>
    %dma_wait3A_940 = tpu.memref_squeeze %dma_wait3A_939 : memref<1x16x1024xf32, #tpu.memory_space<hbm>> -> memref<16x1024xf32, #tpu.memory_space<hbm>>
    %dma_wait3A_941 = arith.constant 0 : i32
    %dma_wait3A_942 = tpu.memref_slice %arg2[%dma_wait3A_937, %multiple_of3A_936, %dma_wait3A_941] : memref<4x4096x1024xf32, #tpu.memory_space<hbm>> -> memref<1x16x1024xf32, #tpu.memory_space<hbm>>
    %dma_wait3A_943 = tpu.memref_squeeze %dma_wait3A_942 : memref<1x16x1024xf32, #tpu.memory_space<hbm>> -> memref<16x1024xf32, #tpu.memory_space<hbm>>
    tpu.wait_dma2 semaphore(%arg12 : memref<!tpu.dma_semaphore, #tpu.memory_space<semaphore_mem>>) src(%dma_wait3A_943 : memref<16x1024xf32, #tpu.memory_space<hbm>>) dst(%arg7 : memref<16x1024xf32, #tpu.memory_space<vmem>>)
    %scan3A_944 = arith.constant 0 : i32
    %scan3A_945 = arith.constant 0 : i32
    %scan3A_946 = arith.constant 16 : i32
    %scan3A_947 = arith.addi %scan3A_945, %scan3A_946 : i32
    %scan3A_948 = arith.constant 1 : i32
    scf.for %scan3A_1583 = %scan3A_945 to %scan3A_947 step %scan3A_948  : i32 {
      %parallel_loop3A = arith.constant 0 : i32
      %parallel_loop3A_1584 = arith.constant 1024 : i32
      %parallel_loop3A_1585 = arith.constant 16 : i32
      scf.for %parallel_loop3A_1586 = %parallel_loop3A to %parallel_loop3A_1584 step %parallel_loop3A_1585  : i32 {
        %parallel_loop3A_1587 = arith.index_cast %scan3A_1583 : i32 to index
        %parallel_loop3A_1588 = arith.index_cast %parallel_loop3A_1586 : i32 to index
        %parallel_loop3A_1589 = tpu.vector_load %arg7[%parallel_loop3A_1587, %parallel_loop3A_1588] {strides = array<i32>} : memref<16x1024xf32, #tpu.memory_space<vmem>>, vector<1x16xf32>,
        %parallel_loop3A_1590 = vector.shape_cast %parallel_loop3A_1589 : vector<1x16xf32> to vector<16xf32>
        %parallel_loop3A_1591 = arith.index_cast %scan3A_1583 : i32 to index
        %parallel_loop3A_1592 = arith.index_cast %parallel_loop3A_1586 : i32 to index
        %parallel_loop3A_1593 = tpu.vector_load %arg5[%parallel_loop3A_1591, %parallel_loop3A_1592] {strides = array<i32>} : memref<16x1024xf32, #tpu.memory_space<vmem>>, vector<1x16xf32>,
        %parallel_loop3A_1594 = vector.shape_cast %parallel_loop3A_1593 : vector<1x16xf32> to vector<16xf32>
        %parallel_loop3A_1595 = arith.addf %parallel_loop3A_1590, %parallel_loop3A_1594 : vector<16xf32>
        %parallel_loop3A_1596 = arith.index_cast %scan3A_1583 : i32 to index
        %parallel_loop3A_1597 = arith.index_cast %parallel_loop3A_1586 : i32 to index
        %parallel_loop3A_1598 = tpu.vector_load %arg7[%parallel_loop3A_1596, %parallel_loop3A_1597] {strides = array<i32>} : memref<16x1024xf32, #tpu.memory_space<vmem>>, vector<1x16xf32>,
        %parallel_loop3A_1599 = vector.shape_cast %parallel_loop3A_1598 : vector<1x16xf32> to vector<16xf32>
        %parallel_loop3A_1600 = vector.shape_cast %parallel_loop3A_1595 : vector<16xf32> to vector<1x16xf32>
        tpu.vector_store %arg7[%parallel_loop3A_1596, %parallel_loop3A_1597], %parallel_loop3A_1600 {strides = array<i32>} : memref<16x1024xf32, #tpu.memory_space<vmem>>, vector<1x16xf32>,
      } {sc.loop_unroll_factor = 8 : i64, sc.parallel_access}
    }
    %scan3A_949 = arith.constant 16 : i32
    %add3A_950 = arith.constant 64 : i32
    %add3A_951 = arith.addi %mul3A_2, %add3A_950 : i32
    %multiple_of3A_952 = tpu.assume_multiple %add3A_951, 16 : i32
    %dma_start3A_953 = arith.constant 2 : i32
    %dma_start3A_954 = arith.constant 0 : i32
    %dma_start3A_955 = tpu.memref_slice %arg4[%dma_start3A_953, %multiple_of3A_952, %dma_start3A_954] : memref<4x4096x1024xf32, #tpu.memory_space<hbm>> -> memref<1x16x1024xf32, #tpu.memory_space<hbm>>
    %dma_start3A_956 = tpu.memref_squeeze %dma_start3A_955 : memref<1x16x1024xf32, #tpu.memory_space<hbm>> -> memref<16x1024xf32, #tpu.memory_space<hbm>>
    %dma_start3A_957 = arith.constant 0 : i32
    %dma_start3A_958 = tpu.memref_slice %arg4[%dma_start3A_953, %multiple_of3A_952, %dma_start3A_957] : memref<4x4096x1024xf32, #tpu.memory_space<hbm>> -> memref<1x16x1024xf32, #tpu.memory_space<hbm>>
    %dma_start3A_959 = tpu.memref_squeeze %dma_start3A_958 : memref<1x16x1024xf32, #tpu.memory_space<hbm>> -> memref<16x1024xf32, #tpu.memory_space<hbm>>
    tpu.enqueue_dma source(%arg7 : memref<16x1024xf32, #tpu.memory_space<vmem>>) target(%dma_start3A_959 : memref<16x1024xf32, #tpu.memory_space<hbm>>) target_semaphore(%arg15 : memref<!tpu.dma_semaphore, #tpu.memory_space<semaphore_mem>>)
    %add3A_960 = arith.constant 64 : i32
    %add3A_961 = arith.addi %mul3A_2, %add3A_960 : i32
    %multiple_of3A_962 = tpu.assume_multiple %add3A_961, 16 : i32
    %dma_wait3A_963 = arith.constant 2 : i32
    %dma_wait3A_964 = arith.constant 0 : i32
    %dma_wait3A_965 = tpu.memref_slice %arg4[%dma_wait3A_963, %multiple_of3A_962, %dma_wait3A_964] : memref<4x4096x1024xf32, #tpu.memory_space<hbm>> -> memref<1x16x1024xf32, #tpu.memory_space<hbm>>
    %dma_wait3A_966 = tpu.memref_squeeze %dma_wait3A_965 : memref<1x16x1024xf32, #tpu.memory_space<hbm>> -> memref<16x1024xf32, #tpu.memory_space<hbm>>
    %dma_wait3A_967 = arith.constant 0 : i32
    %dma_wait3A_968 = tpu.memref_slice %arg4[%dma_wait3A_963, %multiple_of3A_962, %dma_wait3A_967] : memref<4x4096x1024xf32, #tpu.memory_space<hbm>> -> memref<1x16x1024xf32, #tpu.memory_space<hbm>>
    %dma_wait3A_969 = tpu.memref_squeeze %dma_wait3A_968 : memref<1x16x1024xf32, #tpu.memory_space<hbm>> -> memref<16x1024xf32, #tpu.memory_space<hbm>>
    tpu.wait_dma2 semaphore(%arg15 : memref<!tpu.dma_semaphore, #tpu.memory_space<semaphore_mem>>) src(%arg7 : memref<16x1024xf32, #tpu.memory_space<vmem>>) dst(%dma_wait3A_969 : memref<16x1024xf32, #tpu.memory_space<hbm>>)
    %add3A_970 = arith.constant 80 : i32
    %add3A_971 = arith.addi %mul3A_2, %add3A_970 : i32
    %multiple_of3A_972 = tpu.assume_multiple %add3A_971, 16 : i32
    %dma_start3A_973 = arith.constant 1 : i32
    %dma_start3A_974 = arith.constant 0 : i32
    %dma_start3A_975 = tpu.memref_slice %arg2[%dma_start3A_973, %multiple_of3A_972, %dma_start3A_974] : memref<4x4096x1024xf32, #tpu.memory_space<hbm>> -> memref<1x16x1024xf32, #tpu.memory_space<hbm>>
    %dma_start3A_976 = tpu.memref_squeeze %dma_start3A_975 : memref<1x16x1024xf32, #tpu.memory_space<hbm>> -> memref<16x1024xf32, #tpu.memory_space<hbm>>
    %dma_start3A_977 = arith.constant 0 : i32
    %dma_start3A_978 = tpu.memref_slice %arg2[%dma_start3A_973, %multiple_of3A_972, %dma_start3A_977] : memref<4x4096x1024xf32, #tpu.memory_space<hbm>> -> memref<1x16x1024xf32, #tpu.memory_space<hbm>>
    %dma_start3A_979 = tpu.memref_squeeze %dma_start3A_978 : memref<1x16x1024xf32, #tpu.memory_space<hbm>> -> memref<16x1024xf32, #tpu.memory_space<hbm>>
    tpu.enqueue_dma source(%dma_start3A_979 : memref<16x1024xf32, #tpu.memory_space<hbm>>) target(%arg7 : memref<16x1024xf32, #tpu.memory_space<vmem>>) target_semaphore(%arg12 : memref<!tpu.dma_semaphore, #tpu.memory_space<semaphore_mem>>)
    %add3A_980 = arith.constant 64 : i32
    %add3A_981 = arith.addi %mul3A_2, %add3A_980 : i32
    %multiple_of3A_982 = tpu.assume_multiple %add3A_981, 16 : i32
    %dma_wait3A_983 = arith.constant 3 : i32
    %dma_wait3A_984 = arith.constant 0 : i32
    %dma_wait3A_985 = tpu.memref_slice %arg2[%dma_wait3A_983, %multiple_of3A_982, %dma_wait3A_984] : memref<4x4096x1024xf32, #tpu.memory_space<hbm>> -> memref<1x16x1024xf32, #tpu.memory_space<hbm>>
    %dma_wait3A_986 = tpu.memref_squeeze %dma_wait3A_985 : memref<1x16x1024xf32, #tpu.memory_space<hbm>> -> memref<16x1024xf32, #tpu.memory_space<hbm>>
    %dma_wait3A_987 = arith.constant 0 : i32
    %dma_wait3A_988 = tpu.memref_slice %arg2[%dma_wait3A_983, %multiple_of3A_982, %dma_wait3A_987] : memref<4x4096x1024xf32, #tpu.memory_space<hbm>> -> memref<1x16x1024xf32, #tpu.memory_space<hbm>>
    %dma_wait3A_989 = tpu.memref_squeeze %dma_wait3A_988 : memref<1x16x1024xf32, #tpu.memory_space<hbm>> -> memref<16x1024xf32, #tpu.memory_space<hbm>>
    tpu.wait_dma2 semaphore(%arg13 : memref<!tpu.dma_semaphore, #tpu.memory_space<semaphore_mem>>) src(%dma_wait3A_989 : memref<16x1024xf32, #tpu.memory_space<hbm>>) dst(%arg8 : memref<16x1024xf32, #tpu.memory_space<vmem>>)
    %scan3A_990 = arith.constant 0 : i32
    %scan3A_991 = arith.constant 0 : i32
    %scan3A_992 = arith.constant 16 : i32
    %scan3A_993 = arith.addi %scan3A_991, %scan3A_992 : i32
    %scan3A_994 = arith.constant 1 : i32
    scf.for %scan3A_1583 = %scan3A_991 to %scan3A_993 step %scan3A_994  : i32 {
      %parallel_loop3A = arith.constant 0 : i32
      %parallel_loop3A_1584 = arith.constant 1024 : i32
      %parallel_loop3A_1585 = arith.constant 16 : i32
      scf.for %parallel_loop3A_1586 = %parallel_loop3A to %parallel_loop3A_1584 step %parallel_loop3A_1585  : i32 {
        %parallel_loop3A_1587 = arith.index_cast %scan3A_1583 : i32 to index
        %parallel_loop3A_1588 = arith.index_cast %parallel_loop3A_1586 : i32 to index
        %parallel_loop3A_1589 = tpu.vector_load %arg8[%parallel_loop3A_1587, %parallel_loop3A_1588] {strides = array<i32>} : memref<16x1024xf32, #tpu.memory_space<vmem>>, vector<1x16xf32>,
        %parallel_loop3A_1590 = vector.shape_cast %parallel_loop3A_1589 : vector<1x16xf32> to vector<16xf32>
        %parallel_loop3A_1591 = arith.index_cast %scan3A_1583 : i32 to index
        %parallel_loop3A_1592 = arith.index_cast %parallel_loop3A_1586 : i32 to index
        %parallel_loop3A_1593 = tpu.vector_load %arg5[%parallel_loop3A_1591, %parallel_loop3A_1592] {strides = array<i32>} : memref<16x1024xf32, #tpu.memory_space<vmem>>, vector<1x16xf32>,
        %parallel_loop3A_1594 = vector.shape_cast %parallel_loop3A_1593 : vector<1x16xf32> to vector<16xf32>
        %parallel_loop3A_1595 = arith.addf %parallel_loop3A_1590, %parallel_loop3A_1594 : vector<16xf32>
        %parallel_loop3A_1596 = arith.index_cast %scan3A_1583 : i32 to index
        %parallel_loop3A_1597 = arith.index_cast %parallel_loop3A_1586 : i32 to index
        %parallel_loop3A_1598 = tpu.vector_load %arg8[%parallel_loop3A_1596, %parallel_loop3A_1597] {strides = array<i32>} : memref<16x1024xf32, #tpu.memory_space<vmem>>, vector<1x16xf32>,
        %parallel_loop3A_1599 = vector.shape_cast %parallel_loop3A_1598 : vector<1x16xf32> to vector<16xf32>
        %parallel_loop3A_1600 = vector.shape_cast %parallel_loop3A_1595 : vector<16xf32> to vector<1x16xf32>
        tpu.vector_store %arg8[%parallel_loop3A_1596, %parallel_loop3A_1597], %parallel_loop3A_1600 {strides = array<i32>} : memref<16x1024xf32, #tpu.memory_space<vmem>>, vector<1x16xf32>,
      } {sc.loop_unroll_factor = 8 : i64, sc.parallel_access}
    }
    %scan3A_995 = arith.constant 16 : i32
    %add3A_996 = arith.constant 64 : i32
    %add3A_997 = arith.addi %mul3A_2, %add3A_996 : i32
    %multiple_of3A_998 = tpu.assume_multiple %add3A_997, 16 : i32
    %dma_start3A_999 = arith.constant 3 : i32
    %dma_start3A_1000 = arith.constant 0 : i32
    %dma_start3A_1001 = tpu.memref_slice %arg4[%dma_start3A_999, %multiple_of3A_998, %dma_start3A_1000] : memref<4x4096x1024xf32, #tpu.memory_space<hbm>> -> memref<1x16x1024xf32, #tpu.memory_space<hbm>>
    %dma_start3A_1002 = tpu.memref_squeeze %dma_start3A_1001 : memref<1x16x1024xf32, #tpu.memory_space<hbm>> -> memref<16x1024xf32, #tpu.memory_space<hbm>>
    %dma_start3A_1003 = arith.constant 0 : i32
    %dma_start3A_1004 = tpu.memref_slice %arg4[%dma_start3A_999, %multiple_of3A_998, %dma_start3A_1003] : memref<4x4096x1024xf32, #tpu.memory_space<hbm>> -> memref<1x16x1024xf32, #tpu.memory_space<hbm>>
    %dma_start3A_1005 = tpu.memref_squeeze %dma_start3A_1004 : memref<1x16x1024xf32, #tpu.memory_space<hbm>> -> memref<16x1024xf32, #tpu.memory_space<hbm>>
    tpu.enqueue_dma source(%arg8 : memref<16x1024xf32, #tpu.memory_space<vmem>>) target(%dma_start3A_1005 : memref<16x1024xf32, #tpu.memory_space<hbm>>) target_semaphore(%arg16 : memref<!tpu.dma_semaphore, #tpu.memory_space<semaphore_mem>>)
    %add3A_1006 = arith.constant 96 : i32
    %add3A_1007 = arith.addi %mul3A_2, %add3A_1006 : i32
    %multiple_of3A_1008 = tpu.assume_multiple %add3A_1007, 16 : i32
    %dma_start3A_1009 = arith.constant 0 : i32
    %dma_start3A_1010 = tpu.memref_slice %arg3[%multiple_of3A_1008, %dma_start3A_1009] : memref<4096x1024xf32, #tpu.memory_space<hbm>> -> memref<16x1024xf32, #tpu.memory_space<hbm>>
    %dma_start3A_1011 = arith.constant 0 : i32
    %dma_start3A_1012 = tpu.memref_slice %arg3[%multiple_of3A_1008, %dma_start3A_1011] : memref<4096x1024xf32, #tpu.memory_space<hbm>> -> memref<16x1024xf32, #tpu.memory_space<hbm>>
    tpu.enqueue_dma source(%dma_start3A_1012 : memref<16x1024xf32, #tpu.memory_space<hbm>>) target(%arg5 : memref<16x1024xf32, #tpu.memory_space<vmem>>) target_semaphore(%arg10 : memref<!tpu.dma_semaphore, #tpu.memory_space<semaphore_mem>>)
    %add3A_1013 = arith.constant 64 : i32
    %add3A_1014 = arith.addi %mul3A_2, %add3A_1013 : i32
    %multiple_of3A_1015 = tpu.assume_multiple %add3A_1014, 16 : i32
    %dma_wait3A_1016 = arith.constant 3 : i32
    %dma_wait3A_1017 = arith.constant 0 : i32
    %dma_wait3A_1018 = tpu.memref_slice %arg4[%dma_wait3A_1016, %multiple_of3A_1015, %dma_wait3A_1017] : memref<4x4096x1024xf32, #tpu.memory_space<hbm>> -> memref<1x16x1024xf32, #tpu.memory_space<hbm>>
    %dma_wait3A_1019 = tpu.memref_squeeze %dma_wait3A_1018 : memref<1x16x1024xf32, #tpu.memory_space<hbm>> -> memref<16x1024xf32, #tpu.memory_space<hbm>>
    %dma_wait3A_1020 = arith.constant 0 : i32
    %dma_wait3A_1021 = tpu.memref_slice %arg4[%dma_wait3A_1016, %multiple_of3A_1015, %dma_wait3A_1020] : memref<4x4096x1024xf32, #tpu.memory_space<hbm>> -> memref<1x16x1024xf32, #tpu.memory_space<hbm>>
    %dma_wait3A_1022 = tpu.memref_squeeze %dma_wait3A_1021 : memref<1x16x1024xf32, #tpu.memory_space<hbm>> -> memref<16x1024xf32, #tpu.memory_space<hbm>>
    tpu.wait_dma2 semaphore(%arg16 : memref<!tpu.dma_semaphore, #tpu.memory_space<semaphore_mem>>) src(%arg8 : memref<16x1024xf32, #tpu.memory_space<vmem>>) dst(%dma_wait3A_1022 : memref<16x1024xf32, #tpu.memory_space<hbm>>)
    %add3A_1023 = arith.constant 80 : i32
    %add3A_1024 = arith.addi %mul3A_2, %add3A_1023 : i32
    %multiple_of3A_1025 = tpu.assume_multiple %add3A_1024, 16 : i32
    %dma_start3A_1026 = arith.constant 2 : i32
    %dma_start3A_1027 = arith.constant 0 : i32
    %dma_start3A_1028 = tpu.memref_slice %arg2[%dma_start3A_1026, %multiple_of3A_1025, %dma_start3A_1027] : memref<4x4096x1024xf32, #tpu.memory_space<hbm>> -> memref<1x16x1024xf32, #tpu.memory_space<hbm>>
    %dma_start3A_1029 = tpu.memref_squeeze %dma_start3A_1028 : memref<1x16x1024xf32, #tpu.memory_space<hbm>> -> memref<16x1024xf32, #tpu.memory_space<hbm>>
    %dma_start3A_1030 = arith.constant 0 : i32
    %dma_start3A_1031 = tpu.memref_slice %arg2[%dma_start3A_1026, %multiple_of3A_1025, %dma_start3A_1030] : memref<4x4096x1024xf32, #tpu.memory_space<hbm>> -> memref<1x16x1024xf32, #tpu.memory_space<hbm>>
    %dma_start3A_1032 = tpu.memref_squeeze %dma_start3A_1031 : memref<1x16x1024xf32, #tpu.memory_space<hbm>> -> memref<16x1024xf32, #tpu.memory_space<hbm>>
    tpu.enqueue_dma source(%dma_start3A_1032 : memref<16x1024xf32, #tpu.memory_space<hbm>>) target(%arg8 : memref<16x1024xf32, #tpu.memory_space<vmem>>) target_semaphore(%arg13 : memref<!tpu.dma_semaphore, #tpu.memory_space<semaphore_mem>>)
    %add3A_1033 = arith.constant 80 : i32
    %add3A_1034 = arith.addi %mul3A_2, %add3A_1033 : i32
    %multiple_of3A_1035 = tpu.assume_multiple %add3A_1034, 16 : i32
    %dma_wait3A_1036 = arith.constant 0 : i32
    %dma_wait3A_1037 = tpu.memref_slice %arg3[%multiple_of3A_1035, %dma_wait3A_1036] : memref<4096x1024xf32, #tpu.memory_space<hbm>> -> memref<16x1024xf32, #tpu.memory_space<hbm>>
    %dma_wait3A_1038 = arith.constant 0 : i32
    %dma_wait3A_1039 = tpu.memref_slice %arg3[%multiple_of3A_1035, %dma_wait3A_1038] : memref<4096x1024xf32, #tpu.memory_space<hbm>> -> memref<16x1024xf32, #tpu.memory_space<hbm>>
    tpu.wait_dma2 semaphore(%arg11 : memref<!tpu.dma_semaphore, #tpu.memory_space<semaphore_mem>>) src(%dma_wait3A_1039 : memref<16x1024xf32, #tpu.memory_space<hbm>>) dst(%arg6 : memref<16x1024xf32, #tpu.memory_space<vmem>>)
    %add3A_1040 = arith.constant 80 : i32
    %add3A_1041 = arith.addi %mul3A_2, %add3A_1040 : i32
    %multiple_of3A_1042 = tpu.assume_multiple %add3A_1041, 16 : i32
    %dma_wait3A_1043 = arith.constant 0 : i32
    %dma_wait3A_1044 = arith.constant 0 : i32
    %dma_wait3A_1045 = tpu.memref_slice %arg2[%dma_wait3A_1043, %multiple_of3A_1042, %dma_wait3A_1044] : memref<4x4096x1024xf32, #tpu.memory_space<hbm>> -> memref<1x16x1024xf32, #tpu.memory_space<hbm>>
    %dma_wait3A_1046 = tpu.memref_squeeze %dma_wait3A_1045 : memref<1x16x1024xf32, #tpu.memory_space<hbm>> -> memref<16x1024xf32, #tpu.memory_space<hbm>>
    %dma_wait3A_1047 = arith.constant 0 : i32
    %dma_wait3A_1048 = tpu.memref_slice %arg2[%dma_wait3A_1043, %multiple_of3A_1042, %dma_wait3A_1047] : memref<4x4096x1024xf32, #tpu.memory_space<hbm>> -> memref<1x16x1024xf32, #tpu.memory_space<hbm>>
    %dma_wait3A_1049 = tpu.memref_squeeze %dma_wait3A_1048 : memref<1x16x1024xf32, #tpu.memory_space<hbm>> -> memref<16x1024xf32, #tpu.memory_space<hbm>>
    tpu.wait_dma2 semaphore(%arg14 : memref<!tpu.dma_semaphore, #tpu.memory_space<semaphore_mem>>) src(%dma_wait3A_1049 : memref<16x1024xf32, #tpu.memory_space<hbm>>) dst(%arg9 : memref<16x1024xf32, #tpu.memory_space<vmem>>)
    %scan3A_1050 = arith.constant 0 : i32
    %scan3A_1051 = arith.constant 0 : i32
    %scan3A_1052 = arith.constant 16 : i32
    %scan3A_1053 = arith.addi %scan3A_1051, %scan3A_1052 : i32
    %scan3A_1054 = arith.constant 1 : i32
    scf.for %scan3A_1583 = %scan3A_1051 to %scan3A_1053 step %scan3A_1054  : i32 {
      %parallel_loop3A = arith.constant 0 : i32
      %parallel_loop3A_1584 = arith.constant 1024 : i32
      %parallel_loop3A_1585 = arith.constant 16 : i32
      scf.for %parallel_loop3A_1586 = %parallel_loop3A to %parallel_loop3A_1584 step %parallel_loop3A_1585  : i32 {
        %parallel_loop3A_1587 = arith.index_cast %scan3A_1583 : i32 to index
        %parallel_loop3A_1588 = arith.index_cast %parallel_loop3A_1586 : i32 to index
        %parallel_loop3A_1589 = tpu.vector_load %arg9[%parallel_loop3A_1587, %parallel_loop3A_1588] {strides = array<i32>} : memref<16x1024xf32, #tpu.memory_space<vmem>>, vector<1x16xf32>,
        %parallel_loop3A_1590 = vector.shape_cast %parallel_loop3A_1589 : vector<1x16xf32> to vector<16xf32>
        %parallel_loop3A_1591 = arith.index_cast %scan3A_1583 : i32 to index
        %parallel_loop3A_1592 = arith.index_cast %parallel_loop3A_1586 : i32 to index
        %parallel_loop3A_1593 = tpu.vector_load %arg6[%parallel_loop3A_1591, %parallel_loop3A_1592] {strides = array<i32>} : memref<16x1024xf32, #tpu.memory_space<vmem>>, vector<1x16xf32>,
        %parallel_loop3A_1594 = vector.shape_cast %parallel_loop3A_1593 : vector<1x16xf32> to vector<16xf32>
        %parallel_loop3A_1595 = arith.addf %parallel_loop3A_1590, %parallel_loop3A_1594 : vector<16xf32>
        %parallel_loop3A_1596 = arith.index_cast %scan3A_1583 : i32 to index
        %parallel_loop3A_1597 = arith.index_cast %parallel_loop3A_1586 : i32 to index
        %parallel_loop3A_1598 = tpu.vector_load %arg9[%parallel_loop3A_1596, %parallel_loop3A_1597] {strides = array<i32>} : memref<16x1024xf32, #tpu.memory_space<vmem>>, vector<1x16xf32>,
        %parallel_loop3A_1599 = vector.shape_cast %parallel_loop3A_1598 : vector<1x16xf32> to vector<16xf32>
        %parallel_loop3A_1600 = vector.shape_cast %parallel_loop3A_1595 : vector<16xf32> to vector<1x16xf32>
        tpu.vector_store %arg9[%parallel_loop3A_1596, %parallel_loop3A_1597], %parallel_loop3A_1600 {strides = array<i32>} : memref<16x1024xf32, #tpu.memory_space<vmem>>, vector<1x16xf32>,
      } {sc.loop_unroll_factor = 8 : i64, sc.parallel_access}
    }
    %scan3A_1055 = arith.constant 16 : i32
    %add3A_1056 = arith.constant 80 : i32
    %add3A_1057 = arith.addi %mul3A_2, %add3A_1056 : i32
    %multiple_of3A_1058 = tpu.assume_multiple %add3A_1057, 16 : i32
    %dma_start3A_1059 = arith.constant 0 : i32
    %dma_start3A_1060 = arith.constant 0 : i32
    %dma_start3A_1061 = tpu.memref_slice %arg4[%dma_start3A_1059, %multiple_of3A_1058, %dma_start3A_1060] : memref<4x4096x1024xf32, #tpu.memory_space<hbm>> -> memref<1x16x1024xf32, #tpu.memory_space<hbm>>
    %dma_start3A_1062 = tpu.memref_squeeze %dma_start3A_1061 : memref<1x16x1024xf32, #tpu.memory_space<hbm>> -> memref<16x1024xf32, #tpu.memory_space<hbm>>
    %dma_start3A_1063 = arith.constant 0 : i32
    %dma_start3A_1064 = tpu.memref_slice %arg4[%dma_start3A_1059, %multiple_of3A_1058, %dma_start3A_1063] : memref<4x4096x1024xf32, #tpu.memory_space<hbm>> -> memref<1x16x1024xf32, #tpu.memory_space<hbm>>
    %dma_start3A_1065 = tpu.memref_squeeze %dma_start3A_1064 : memref<1x16x1024xf32, #tpu.memory_space<hbm>> -> memref<16x1024xf32, #tpu.memory_space<hbm>>
    tpu.enqueue_dma source(%arg9 : memref<16x1024xf32, #tpu.memory_space<vmem>>) target(%dma_start3A_1065 : memref<16x1024xf32, #tpu.memory_space<hbm>>) target_semaphore(%arg17 : memref<!tpu.dma_semaphore, #tpu.memory_space<semaphore_mem>>)
    %add3A_1066 = arith.constant 80 : i32
    %add3A_1067 = arith.addi %mul3A_2, %add3A_1066 : i32
    %multiple_of3A_1068 = tpu.assume_multiple %add3A_1067, 16 : i32
    %dma_wait3A_1069 = arith.constant 0 : i32
    %dma_wait3A_1070 = arith.constant 0 : i32
    %dma_wait3A_1071 = tpu.memref_slice %arg4[%dma_wait3A_1069, %multiple_of3A_1068, %dma_wait3A_1070] : memref<4x4096x1024xf32, #tpu.memory_space<hbm>> -> memref<1x16x1024xf32, #tpu.memory_space<hbm>>
    %dma_wait3A_1072 = tpu.memref_squeeze %dma_wait3A_1071 : memref<1x16x1024xf32, #tpu.memory_space<hbm>> -> memref<16x1024xf32, #tpu.memory_space<hbm>>
    %dma_wait3A_1073 = arith.constant 0 : i32
    %dma_wait3A_1074 = tpu.memref_slice %arg4[%dma_wait3A_1069, %multiple_of3A_1068, %dma_wait3A_1073] : memref<4x4096x1024xf32, #tpu.memory_space<hbm>> -> memref<1x16x1024xf32, #tpu.memory_space<hbm>>
    %dma_wait3A_1075 = tpu.memref_squeeze %dma_wait3A_1074 : memref<1x16x1024xf32, #tpu.memory_space<hbm>> -> memref<16x1024xf32, #tpu.memory_space<hbm>>
    tpu.wait_dma2 semaphore(%arg17 : memref<!tpu.dma_semaphore, #tpu.memory_space<semaphore_mem>>) src(%arg9 : memref<16x1024xf32, #tpu.memory_space<vmem>>) dst(%dma_wait3A_1075 : memref<16x1024xf32, #tpu.memory_space<hbm>>)
    %add3A_1076 = arith.constant 80 : i32
    %add3A_1077 = arith.addi %mul3A_2, %add3A_1076 : i32
    %multiple_of3A_1078 = tpu.assume_multiple %add3A_1077, 16 : i32
    %dma_start3A_1079 = arith.constant 3 : i32
    %dma_start3A_1080 = arith.constant 0 : i32
    %dma_start3A_1081 = tpu.memref_slice %arg2[%dma_start3A_1079, %multiple_of3A_1078, %dma_start3A_1080] : memref<4x4096x1024xf32, #tpu.memory_space<hbm>> -> memref<1x16x1024xf32, #tpu.memory_space<hbm>>
    %dma_start3A_1082 = tpu.memref_squeeze %dma_start3A_1081 : memref<1x16x1024xf32, #tpu.memory_space<hbm>> -> memref<16x1024xf32, #tpu.memory_space<hbm>>
    %dma_start3A_1083 = arith.constant 0 : i32
    %dma_start3A_1084 = tpu.memref_slice %arg2[%dma_start3A_1079, %multiple_of3A_1078, %dma_start3A_1083] : memref<4x4096x1024xf32, #tpu.memory_space<hbm>> -> memref<1x16x1024xf32, #tpu.memory_space<hbm>>
    %dma_start3A_1085 = tpu.memref_squeeze %dma_start3A_1084 : memref<1x16x1024xf32, #tpu.memory_space<hbm>> -> memref<16x1024xf32, #tpu.memory_space<hbm>>
    tpu.enqueue_dma source(%dma_start3A_1085 : memref<16x1024xf32, #tpu.memory_space<hbm>>) target(%arg9 : memref<16x1024xf32, #tpu.memory_space<vmem>>) target_semaphore(%arg14 : memref<!tpu.dma_semaphore, #tpu.memory_space<semaphore_mem>>)
    %add3A_1086 = arith.constant 80 : i32
    %add3A_1087 = arith.addi %mul3A_2, %add3A_1086 : i32
    %multiple_of3A_1088 = tpu.assume_multiple %add3A_1087, 16 : i32
    %dma_wait3A_1089 = arith.constant 1 : i32
    %dma_wait3A_1090 = arith.constant 0 : i32
    %dma_wait3A_1091 = tpu.memref_slice %arg2[%dma_wait3A_1089, %multiple_of3A_1088, %dma_wait3A_1090] : memref<4x4096x1024xf32, #tpu.memory_space<hbm>> -> memref<1x16x1024xf32, #tpu.memory_space<hbm>>
    %dma_wait3A_1092 = tpu.memref_squeeze %dma_wait3A_1091 : memref<1x16x1024xf32, #tpu.memory_space<hbm>> -> memref<16x1024xf32, #tpu.memory_space<hbm>>
    %dma_wait3A_1093 = arith.constant 0 : i32
    %dma_wait3A_1094 = tpu.memref_slice %arg2[%dma_wait3A_1089, %multiple_of3A_1088, %dma_wait3A_1093] : memref<4x4096x1024xf32, #tpu.memory_space<hbm>> -> memref<1x16x1024xf32, #tpu.memory_space<hbm>>
    %dma_wait3A_1095 = tpu.memref_squeeze %dma_wait3A_1094 : memref<1x16x1024xf32, #tpu.memory_space<hbm>> -> memref<16x1024xf32, #tpu.memory_space<hbm>>
    tpu.wait_dma2 semaphore(%arg12 : memref<!tpu.dma_semaphore, #tpu.memory_space<semaphore_mem>>) src(%dma_wait3A_1095 : memref<16x1024xf32, #tpu.memory_space<hbm>>) dst(%arg7 : memref<16x1024xf32, #tpu.memory_space<vmem>>)
    %scan3A_1096 = arith.constant 0 : i32
    %scan3A_1097 = arith.constant 0 : i32
    %scan3A_1098 = arith.constant 16 : i32
    %scan3A_1099 = arith.addi %scan3A_1097, %scan3A_1098 : i32
    %scan3A_1100 = arith.constant 1 : i32
    scf.for %scan3A_1583 = %scan3A_1097 to %scan3A_1099 step %scan3A_1100  : i32 {
      %parallel_loop3A = arith.constant 0 : i32
      %parallel_loop3A_1584 = arith.constant 1024 : i32
      %parallel_loop3A_1585 = arith.constant 16 : i32
      scf.for %parallel_loop3A_1586 = %parallel_loop3A to %parallel_loop3A_1584 step %parallel_loop3A_1585  : i32 {
        %parallel_loop3A_1587 = arith.index_cast %scan3A_1583 : i32 to index
        %parallel_loop3A_1588 = arith.index_cast %parallel_loop3A_1586 : i32 to index
        %parallel_loop3A_1589 = tpu.vector_load %arg7[%parallel_loop3A_1587, %parallel_loop3A_1588] {strides = array<i32>} : memref<16x1024xf32, #tpu.memory_space<vmem>>, vector<1x16xf32>,
        %parallel_loop3A_1590 = vector.shape_cast %parallel_loop3A_1589 : vector<1x16xf32> to vector<16xf32>
        %parallel_loop3A_1591 = arith.index_cast %scan3A_1583 : i32 to index
        %parallel_loop3A_1592 = arith.index_cast %parallel_loop3A_1586 : i32 to index
        %parallel_loop3A_1593 = tpu.vector_load %arg6[%parallel_loop3A_1591, %parallel_loop3A_1592] {strides = array<i32>} : memref<16x1024xf32, #tpu.memory_space<vmem>>, vector<1x16xf32>,
        %parallel_loop3A_1594 = vector.shape_cast %parallel_loop3A_1593 : vector<1x16xf32> to vector<16xf32>
        %parallel_loop3A_1595 = arith.addf %parallel_loop3A_1590, %parallel_loop3A_1594 : vector<16xf32>
        %parallel_loop3A_1596 = arith.index_cast %scan3A_1583 : i32 to index
        %parallel_loop3A_1597 = arith.index_cast %parallel_loop3A_1586 : i32 to index
        %parallel_loop3A_1598 = tpu.vector_load %arg7[%parallel_loop3A_1596, %parallel_loop3A_1597] {strides = array<i32>} : memref<16x1024xf32, #tpu.memory_space<vmem>>, vector<1x16xf32>,
        %parallel_loop3A_1599 = vector.shape_cast %parallel_loop3A_1598 : vector<1x16xf32> to vector<16xf32>
        %parallel_loop3A_1600 = vector.shape_cast %parallel_loop3A_1595 : vector<16xf32> to vector<1x16xf32>
        tpu.vector_store %arg7[%parallel_loop3A_1596, %parallel_loop3A_1597], %parallel_loop3A_1600 {strides = array<i32>} : memref<16x1024xf32, #tpu.memory_space<vmem>>, vector<1x16xf32>,
      } {sc.loop_unroll_factor = 8 : i64, sc.parallel_access}
    }
    %scan3A_1101 = arith.constant 16 : i32
    %add3A_1102 = arith.constant 80 : i32
    %add3A_1103 = arith.addi %mul3A_2, %add3A_1102 : i32
    %multiple_of3A_1104 = tpu.assume_multiple %add3A_1103, 16 : i32
    %dma_start3A_1105 = arith.constant 1 : i32
    %dma_start3A_1106 = arith.constant 0 : i32
    %dma_start3A_1107 = tpu.memref_slice %arg4[%dma_start3A_1105, %multiple_of3A_1104, %dma_start3A_1106] : memref<4x4096x1024xf32, #tpu.memory_space<hbm>> -> memref<1x16x1024xf32, #tpu.memory_space<hbm>>
    %dma_start3A_1108 = tpu.memref_squeeze %dma_start3A_1107 : memref<1x16x1024xf32, #tpu.memory_space<hbm>> -> memref<16x1024xf32, #tpu.memory_space<hbm>>
    %dma_start3A_1109 = arith.constant 0 : i32
    %dma_start3A_1110 = tpu.memref_slice %arg4[%dma_start3A_1105, %multiple_of3A_1104, %dma_start3A_1109] : memref<4x4096x1024xf32, #tpu.memory_space<hbm>> -> memref<1x16x1024xf32, #tpu.memory_space<hbm>>
    %dma_start3A_1111 = tpu.memref_squeeze %dma_start3A_1110 : memref<1x16x1024xf32, #tpu.memory_space<hbm>> -> memref<16x1024xf32, #tpu.memory_space<hbm>>
    tpu.enqueue_dma source(%arg7 : memref<16x1024xf32, #tpu.memory_space<vmem>>) target(%dma_start3A_1111 : memref<16x1024xf32, #tpu.memory_space<hbm>>) target_semaphore(%arg15 : memref<!tpu.dma_semaphore, #tpu.memory_space<semaphore_mem>>)
    %add3A_1112 = arith.constant 80 : i32
    %add3A_1113 = arith.addi %mul3A_2, %add3A_1112 : i32
    %multiple_of3A_1114 = tpu.assume_multiple %add3A_1113, 16 : i32
    %dma_wait3A_1115 = arith.constant 1 : i32
    %dma_wait3A_1116 = arith.constant 0 : i32
    %dma_wait3A_1117 = tpu.memref_slice %arg4[%dma_wait3A_1115, %multiple_of3A_1114, %dma_wait3A_1116] : memref<4x4096x1024xf32, #tpu.memory_space<hbm>> -> memref<1x16x1024xf32, #tpu.memory_space<hbm>>
    %dma_wait3A_1118 = tpu.memref_squeeze %dma_wait3A_1117 : memref<1x16x1024xf32, #tpu.memory_space<hbm>> -> memref<16x1024xf32, #tpu.memory_space<hbm>>
    %dma_wait3A_1119 = arith.constant 0 : i32
    %dma_wait3A_1120 = tpu.memref_slice %arg4[%dma_wait3A_1115, %multiple_of3A_1114, %dma_wait3A_1119] : memref<4x4096x1024xf32, #tpu.memory_space<hbm>> -> memref<1x16x1024xf32, #tpu.memory_space<hbm>>
    %dma_wait3A_1121 = tpu.memref_squeeze %dma_wait3A_1120 : memref<1x16x1024xf32, #tpu.memory_space<hbm>> -> memref<16x1024xf32, #tpu.memory_space<hbm>>
    tpu.wait_dma2 semaphore(%arg15 : memref<!tpu.dma_semaphore, #tpu.memory_space<semaphore_mem>>) src(%arg7 : memref<16x1024xf32, #tpu.memory_space<vmem>>) dst(%dma_wait3A_1121 : memref<16x1024xf32, #tpu.memory_space<hbm>>)
    %add3A_1122 = arith.constant 96 : i32
    %add3A_1123 = arith.addi %mul3A_2, %add3A_1122 : i32
    %multiple_of3A_1124 = tpu.assume_multiple %add3A_1123, 16 : i32
    %dma_start3A_1125 = arith.constant 0 : i32
    %dma_start3A_1126 = arith.constant 0 : i32
    %dma_start3A_1127 = tpu.memref_slice %arg2[%dma_start3A_1125, %multiple_of3A_1124, %dma_start3A_1126] : memref<4x4096x1024xf32, #tpu.memory_space<hbm>> -> memref<1x16x1024xf32, #tpu.memory_space<hbm>>
    %dma_start3A_1128 = tpu.memref_squeeze %dma_start3A_1127 : memref<1x16x1024xf32, #tpu.memory_space<hbm>> -> memref<16x1024xf32, #tpu.memory_space<hbm>>
    %dma_start3A_1129 = arith.constant 0 : i32
    %dma_start3A_1130 = tpu.memref_slice %arg2[%dma_start3A_1125, %multiple_of3A_1124, %dma_start3A_1129] : memref<4x4096x1024xf32, #tpu.memory_space<hbm>> -> memref<1x16x1024xf32, #tpu.memory_space<hbm>>
    %dma_start3A_1131 = tpu.memref_squeeze %dma_start3A_1130 : memref<1x16x1024xf32, #tpu.memory_space<hbm>> -> memref<16x1024xf32, #tpu.memory_space<hbm>>
    tpu.enqueue_dma source(%dma_start3A_1131 : memref<16x1024xf32, #tpu.memory_space<hbm>>) target(%arg7 : memref<16x1024xf32, #tpu.memory_space<vmem>>) target_semaphore(%arg12 : memref<!tpu.dma_semaphore, #tpu.memory_space<semaphore_mem>>)
    %add3A_1132 = arith.constant 80 : i32
    %add3A_1133 = arith.addi %mul3A_2, %add3A_1132 : i32
    %multiple_of3A_1134 = tpu.assume_multiple %add3A_1133, 16 : i32
    %dma_wait3A_1135 = arith.constant 2 : i32
    %dma_wait3A_1136 = arith.constant 0 : i32
    %dma_wait3A_1137 = tpu.memref_slice %arg2[%dma_wait3A_1135, %multiple_of3A_1134, %dma_wait3A_1136] : memref<4x4096x1024xf32, #tpu.memory_space<hbm>> -> memref<1x16x1024xf32, #tpu.memory_space<hbm>>
    %dma_wait3A_1138 = tpu.memref_squeeze %dma_wait3A_1137 : memref<1x16x1024xf32, #tpu.memory_space<hbm>> -> memref<16x1024xf32, #tpu.memory_space<hbm>>
    %dma_wait3A_1139 = arith.constant 0 : i32
    %dma_wait3A_1140 = tpu.memref_slice %arg2[%dma_wait3A_1135, %multiple_of3A_1134, %dma_wait3A_1139] : memref<4x4096x1024xf32, #tpu.memory_space<hbm>> -> memref<1x16x1024xf32, #tpu.memory_space<hbm>>
    %dma_wait3A_1141 = tpu.memref_squeeze %dma_wait3A_1140 : memref<1x16x1024xf32, #tpu.memory_space<hbm>> -> memref<16x1024xf32, #tpu.memory_space<hbm>>
    tpu.wait_dma2 semaphore(%arg13 : memref<!tpu.dma_semaphore, #tpu.memory_space<semaphore_mem>>) src(%dma_wait3A_1141 : memref<16x1024xf32, #tpu.memory_space<hbm>>) dst(%arg8 : memref<16x1024xf32, #tpu.memory_space<vmem>>)
    %scan3A_1142 = arith.constant 0 : i32
    %scan3A_1143 = arith.constant 0 : i32
    %scan3A_1144 = arith.constant 16 : i32
    %scan3A_1145 = arith.addi %scan3A_1143, %scan3A_1144 : i32
    %scan3A_1146 = arith.constant 1 : i32
    scf.for %scan3A_1583 = %scan3A_1143 to %scan3A_1145 step %scan3A_1146  : i32 {
      %parallel_loop3A = arith.constant 0 : i32
      %parallel_loop3A_1584 = arith.constant 1024 : i32
      %parallel_loop3A_1585 = arith.constant 16 : i32
      scf.for %parallel_loop3A_1586 = %parallel_loop3A to %parallel_loop3A_1584 step %parallel_loop3A_1585  : i32 {
        %parallel_loop3A_1587 = arith.index_cast %scan3A_1583 : i32 to index
        %parallel_loop3A_1588 = arith.index_cast %parallel_loop3A_1586 : i32 to index
        %parallel_loop3A_1589 = tpu.vector_load %arg8[%parallel_loop3A_1587, %parallel_loop3A_1588] {strides = array<i32>} : memref<16x1024xf32, #tpu.memory_space<vmem>>, vector<1x16xf32>,
        %parallel_loop3A_1590 = vector.shape_cast %parallel_loop3A_1589 : vector<1x16xf32> to vector<16xf32>
        %parallel_loop3A_1591 = arith.index_cast %scan3A_1583 : i32 to index
        %parallel_loop3A_1592 = arith.index_cast %parallel_loop3A_1586 : i32 to index
        %parallel_loop3A_1593 = tpu.vector_load %arg6[%parallel_loop3A_1591, %parallel_loop3A_1592] {strides = array<i32>} : memref<16x1024xf32, #tpu.memory_space<vmem>>, vector<1x16xf32>,
        %parallel_loop3A_1594 = vector.shape_cast %parallel_loop3A_1593 : vector<1x16xf32> to vector<16xf32>
        %parallel_loop3A_1595 = arith.addf %parallel_loop3A_1590, %parallel_loop3A_1594 : vector<16xf32>
        %parallel_loop3A_1596 = arith.index_cast %scan3A_1583 : i32 to index
        %parallel_loop3A_1597 = arith.index_cast %parallel_loop3A_1586 : i32 to index
        %parallel_loop3A_1598 = tpu.vector_load %arg8[%parallel_loop3A_1596, %parallel_loop3A_1597] {strides = array<i32>} : memref<16x1024xf32, #tpu.memory_space<vmem>>, vector<1x16xf32>,
        %parallel_loop3A_1599 = vector.shape_cast %parallel_loop3A_1598 : vector<1x16xf32> to vector<16xf32>
        %parallel_loop3A_1600 = vector.shape_cast %parallel_loop3A_1595 : vector<16xf32> to vector<1x16xf32>
        tpu.vector_store %arg8[%parallel_loop3A_1596, %parallel_loop3A_1597], %parallel_loop3A_1600 {strides = array<i32>} : memref<16x1024xf32, #tpu.memory_space<vmem>>, vector<1x16xf32>,
      } {sc.loop_unroll_factor = 8 : i64, sc.parallel_access}
    }
    %scan3A_1147 = arith.constant 16 : i32
    %add3A_1148 = arith.constant 80 : i32
    %add3A_1149 = arith.addi %mul3A_2, %add3A_1148 : i32
    %multiple_of3A_1150 = tpu.assume_multiple %add3A_1149, 16 : i32
    %dma_start3A_1151 = arith.constant 2 : i32
    %dma_start3A_1152 = arith.constant 0 : i32
    %dma_start3A_1153 = tpu.memref_slice %arg4[%dma_start3A_1151, %multiple_of3A_1150, %dma_start3A_1152] : memref<4x4096x1024xf32, #tpu.memory_space<hbm>> -> memref<1x16x1024xf32, #tpu.memory_space<hbm>>
    %dma_start3A_1154 = tpu.memref_squeeze %dma_start3A_1153 : memref<1x16x1024xf32, #tpu.memory_space<hbm>> -> memref<16x1024xf32, #tpu.memory_space<hbm>>
    %dma_start3A_1155 = arith.constant 0 : i32
    %dma_start3A_1156 = tpu.memref_slice %arg4[%dma_start3A_1151, %multiple_of3A_1150, %dma_start3A_1155] : memref<4x4096x1024xf32, #tpu.memory_space<hbm>> -> memref<1x16x1024xf32, #tpu.memory_space<hbm>>
    %dma_start3A_1157 = tpu.memref_squeeze %dma_start3A_1156 : memref<1x16x1024xf32, #tpu.memory_space<hbm>> -> memref<16x1024xf32, #tpu.memory_space<hbm>>
    tpu.enqueue_dma source(%arg8 : memref<16x1024xf32, #tpu.memory_space<vmem>>) target(%dma_start3A_1157 : memref<16x1024xf32, #tpu.memory_space<hbm>>) target_semaphore(%arg16 : memref<!tpu.dma_semaphore, #tpu.memory_space<semaphore_mem>>)
    %add3A_1158 = arith.constant 80 : i32
    %add3A_1159 = arith.addi %mul3A_2, %add3A_1158 : i32
    %multiple_of3A_1160 = tpu.assume_multiple %add3A_1159, 16 : i32
    %dma_wait3A_1161 = arith.constant 2 : i32
    %dma_wait3A_1162 = arith.constant 0 : i32
    %dma_wait3A_1163 = tpu.memref_slice %arg4[%dma_wait3A_1161, %multiple_of3A_1160, %dma_wait3A_1162] : memref<4x4096x1024xf32, #tpu.memory_space<hbm>> -> memref<1x16x1024xf32, #tpu.memory_space<hbm>>
    %dma_wait3A_1164 = tpu.memref_squeeze %dma_wait3A_1163 : memref<1x16x1024xf32, #tpu.memory_space<hbm>> -> memref<16x1024xf32, #tpu.memory_space<hbm>>
    %dma_wait3A_1165 = arith.constant 0 : i32
    %dma_wait3A_1166 = tpu.memref_slice %arg4[%dma_wait3A_1161, %multiple_of3A_1160, %dma_wait3A_1165] : memref<4x4096x1024xf32, #tpu.memory_space<hbm>> -> memref<1x16x1024xf32, #tpu.memory_space<hbm>>
    %dma_wait3A_1167 = tpu.memref_squeeze %dma_wait3A_1166 : memref<1x16x1024xf32, #tpu.memory_space<hbm>> -> memref<16x1024xf32, #tpu.memory_space<hbm>>
    tpu.wait_dma2 semaphore(%arg16 : memref<!tpu.dma_semaphore, #tpu.memory_space<semaphore_mem>>) src(%arg8 : memref<16x1024xf32, #tpu.memory_space<vmem>>) dst(%dma_wait3A_1167 : memref<16x1024xf32, #tpu.memory_space<hbm>>)
    %add3A_1168 = arith.constant 96 : i32
    %add3A_1169 = arith.addi %mul3A_2, %add3A_1168 : i32
    %multiple_of3A_1170 = tpu.assume_multiple %add3A_1169, 16 : i32
    %dma_start3A_1171 = arith.constant 1 : i32
    %dma_start3A_1172 = arith.constant 0 : i32
    %dma_start3A_1173 = tpu.memref_slice %arg2[%dma_start3A_1171, %multiple_of3A_1170, %dma_start3A_1172] : memref<4x4096x1024xf32, #tpu.memory_space<hbm>> -> memref<1x16x1024xf32, #tpu.memory_space<hbm>>
    %dma_start3A_1174 = tpu.memref_squeeze %dma_start3A_1173 : memref<1x16x1024xf32, #tpu.memory_space<hbm>> -> memref<16x1024xf32, #tpu.memory_space<hbm>>
    %dma_start3A_1175 = arith.constant 0 : i32
    %dma_start3A_1176 = tpu.memref_slice %arg2[%dma_start3A_1171, %multiple_of3A_1170, %dma_start3A_1175] : memref<4x4096x1024xf32, #tpu.memory_space<hbm>> -> memref<1x16x1024xf32, #tpu.memory_space<hbm>>
    %dma_start3A_1177 = tpu.memref_squeeze %dma_start3A_1176 : memref<1x16x1024xf32, #tpu.memory_space<hbm>> -> memref<16x1024xf32, #tpu.memory_space<hbm>>
    tpu.enqueue_dma source(%dma_start3A_1177 : memref<16x1024xf32, #tpu.memory_space<hbm>>) target(%arg8 : memref<16x1024xf32, #tpu.memory_space<vmem>>) target_semaphore(%arg13 : memref<!tpu.dma_semaphore, #tpu.memory_space<semaphore_mem>>)
    %add3A_1178 = arith.constant 80 : i32
    %add3A_1179 = arith.addi %mul3A_2, %add3A_1178 : i32
    %multiple_of3A_1180 = tpu.assume_multiple %add3A_1179, 16 : i32
    %dma_wait3A_1181 = arith.constant 3 : i32
    %dma_wait3A_1182 = arith.constant 0 : i32
    %dma_wait3A_1183 = tpu.memref_slice %arg2[%dma_wait3A_1181, %multiple_of3A_1180, %dma_wait3A_1182] : memref<4x4096x1024xf32, #tpu.memory_space<hbm>> -> memref<1x16x1024xf32, #tpu.memory_space<hbm>>
    %dma_wait3A_1184 = tpu.memref_squeeze %dma_wait3A_1183 : memref<1x16x1024xf32, #tpu.memory_space<hbm>> -> memref<16x1024xf32, #tpu.memory_space<hbm>>
    %dma_wait3A_1185 = arith.constant 0 : i32
    %dma_wait3A_1186 = tpu.memref_slice %arg2[%dma_wait3A_1181, %multiple_of3A_1180, %dma_wait3A_1185] : memref<4x4096x1024xf32, #tpu.memory_space<hbm>> -> memref<1x16x1024xf32, #tpu.memory_space<hbm>>
    %dma_wait3A_1187 = tpu.memref_squeeze %dma_wait3A_1186 : memref<1x16x1024xf32, #tpu.memory_space<hbm>> -> memref<16x1024xf32, #tpu.memory_space<hbm>>
    tpu.wait_dma2 semaphore(%arg14 : memref<!tpu.dma_semaphore, #tpu.memory_space<semaphore_mem>>) src(%dma_wait3A_1187 : memref<16x1024xf32, #tpu.memory_space<hbm>>) dst(%arg9 : memref<16x1024xf32, #tpu.memory_space<vmem>>)
    %scan3A_1188 = arith.constant 0 : i32
    %scan3A_1189 = arith.constant 0 : i32
    %scan3A_1190 = arith.constant 16 : i32
    %scan3A_1191 = arith.addi %scan3A_1189, %scan3A_1190 : i32
    %scan3A_1192 = arith.constant 1 : i32
    scf.for %scan3A_1583 = %scan3A_1189 to %scan3A_1191 step %scan3A_1192  : i32 {
      %parallel_loop3A = arith.constant 0 : i32
      %parallel_loop3A_1584 = arith.constant 1024 : i32
      %parallel_loop3A_1585 = arith.constant 16 : i32
      scf.for %parallel_loop3A_1586 = %parallel_loop3A to %parallel_loop3A_1584 step %parallel_loop3A_1585  : i32 {
        %parallel_loop3A_1587 = arith.index_cast %scan3A_1583 : i32 to index
        %parallel_loop3A_1588 = arith.index_cast %parallel_loop3A_1586 : i32 to index
        %parallel_loop3A_1589 = tpu.vector_load %arg9[%parallel_loop3A_1587, %parallel_loop3A_1588] {strides = array<i32>} : memref<16x1024xf32, #tpu.memory_space<vmem>>, vector<1x16xf32>,
        %parallel_loop3A_1590 = vector.shape_cast %parallel_loop3A_1589 : vector<1x16xf32> to vector<16xf32>
        %parallel_loop3A_1591 = arith.index_cast %scan3A_1583 : i32 to index
        %parallel_loop3A_1592 = arith.index_cast %parallel_loop3A_1586 : i32 to index
        %parallel_loop3A_1593 = tpu.vector_load %arg6[%parallel_loop3A_1591, %parallel_loop3A_1592] {strides = array<i32>} : memref<16x1024xf32, #tpu.memory_space<vmem>>, vector<1x16xf32>,
        %parallel_loop3A_1594 = vector.shape_cast %parallel_loop3A_1593 : vector<1x16xf32> to vector<16xf32>
        %parallel_loop3A_1595 = arith.addf %parallel_loop3A_1590, %parallel_loop3A_1594 : vector<16xf32>
        %parallel_loop3A_1596 = arith.index_cast %scan3A_1583 : i32 to index
        %parallel_loop3A_1597 = arith.index_cast %parallel_loop3A_1586 : i32 to index
        %parallel_loop3A_1598 = tpu.vector_load %arg9[%parallel_loop3A_1596, %parallel_loop3A_1597] {strides = array<i32>} : memref<16x1024xf32, #tpu.memory_space<vmem>>, vector<1x16xf32>,
        %parallel_loop3A_1599 = vector.shape_cast %parallel_loop3A_1598 : vector<1x16xf32> to vector<16xf32>
        %parallel_loop3A_1600 = vector.shape_cast %parallel_loop3A_1595 : vector<16xf32> to vector<1x16xf32>
        tpu.vector_store %arg9[%parallel_loop3A_1596, %parallel_loop3A_1597], %parallel_loop3A_1600 {strides = array<i32>} : memref<16x1024xf32, #tpu.memory_space<vmem>>, vector<1x16xf32>,
      } {sc.loop_unroll_factor = 8 : i64, sc.parallel_access}
    }
    %scan3A_1193 = arith.constant 16 : i32
    %add3A_1194 = arith.constant 80 : i32
    %add3A_1195 = arith.addi %mul3A_2, %add3A_1194 : i32
    %multiple_of3A_1196 = tpu.assume_multiple %add3A_1195, 16 : i32
    %dma_start3A_1197 = arith.constant 3 : i32
    %dma_start3A_1198 = arith.constant 0 : i32
    %dma_start3A_1199 = tpu.memref_slice %arg4[%dma_start3A_1197, %multiple_of3A_1196, %dma_start3A_1198] : memref<4x4096x1024xf32, #tpu.memory_space<hbm>> -> memref<1x16x1024xf32, #tpu.memory_space<hbm>>
    %dma_start3A_1200 = tpu.memref_squeeze %dma_start3A_1199 : memref<1x16x1024xf32, #tpu.memory_space<hbm>> -> memref<16x1024xf32, #tpu.memory_space<hbm>>
    %dma_start3A_1201 = arith.constant 0 : i32
    %dma_start3A_1202 = tpu.memref_slice %arg4[%dma_start3A_1197, %multiple_of3A_1196, %dma_start3A_1201] : memref<4x4096x1024xf32, #tpu.memory_space<hbm>> -> memref<1x16x1024xf32, #tpu.memory_space<hbm>>
    %dma_start3A_1203 = tpu.memref_squeeze %dma_start3A_1202 : memref<1x16x1024xf32, #tpu.memory_space<hbm>> -> memref<16x1024xf32, #tpu.memory_space<hbm>>
    tpu.enqueue_dma source(%arg9 : memref<16x1024xf32, #tpu.memory_space<vmem>>) target(%dma_start3A_1203 : memref<16x1024xf32, #tpu.memory_space<hbm>>) target_semaphore(%arg17 : memref<!tpu.dma_semaphore, #tpu.memory_space<semaphore_mem>>)
    %add3A_1204 = arith.constant 112 : i32
    %add3A_1205 = arith.addi %mul3A_2, %add3A_1204 : i32
    %multiple_of3A_1206 = tpu.assume_multiple %add3A_1205, 16 : i32
    %dma_start3A_1207 = arith.constant 0 : i32
    %dma_start3A_1208 = tpu.memref_slice %arg3[%multiple_of3A_1206, %dma_start3A_1207] : memref<4096x1024xf32, #tpu.memory_space<hbm>> -> memref<16x1024xf32, #tpu.memory_space<hbm>>
    %dma_start3A_1209 = arith.constant 0 : i32
    %dma_start3A_1210 = tpu.memref_slice %arg3[%multiple_of3A_1206, %dma_start3A_1209] : memref<4096x1024xf32, #tpu.memory_space<hbm>> -> memref<16x1024xf32, #tpu.memory_space<hbm>>
    tpu.enqueue_dma source(%dma_start3A_1210 : memref<16x1024xf32, #tpu.memory_space<hbm>>) target(%arg6 : memref<16x1024xf32, #tpu.memory_space<vmem>>) target_semaphore(%arg11 : memref<!tpu.dma_semaphore, #tpu.memory_space<semaphore_mem>>)
    %add3A_1211 = arith.constant 80 : i32
    %add3A_1212 = arith.addi %mul3A_2, %add3A_1211 : i32
    %multiple_of3A_1213 = tpu.assume_multiple %add3A_1212, 16 : i32
    %dma_wait3A_1214 = arith.constant 3 : i32
    %dma_wait3A_1215 = arith.constant 0 : i32
    %dma_wait3A_1216 = tpu.memref_slice %arg4[%dma_wait3A_1214, %multiple_of3A_1213, %dma_wait3A_1215] : memref<4x4096x1024xf32, #tpu.memory_space<hbm>> -> memref<1x16x1024xf32, #tpu.memory_space<hbm>>
    %dma_wait3A_1217 = tpu.memref_squeeze %dma_wait3A_1216 : memref<1x16x1024xf32, #tpu.memory_space<hbm>> -> memref<16x1024xf32, #tpu.memory_space<hbm>>
    %dma_wait3A_1218 = arith.constant 0 : i32
    %dma_wait3A_1219 = tpu.memref_slice %arg4[%dma_wait3A_1214, %multiple_of3A_1213, %dma_wait3A_1218] : memref<4x4096x1024xf32, #tpu.memory_space<hbm>> -> memref<1x16x1024xf32, #tpu.memory_space<hbm>>
    %dma_wait3A_1220 = tpu.memref_squeeze %dma_wait3A_1219 : memref<1x16x1024xf32, #tpu.memory_space<hbm>> -> memref<16x1024xf32, #tpu.memory_space<hbm>>
    tpu.wait_dma2 semaphore(%arg17 : memref<!tpu.dma_semaphore, #tpu.memory_space<semaphore_mem>>) src(%arg9 : memref<16x1024xf32, #tpu.memory_space<vmem>>) dst(%dma_wait3A_1220 : memref<16x1024xf32, #tpu.memory_space<hbm>>)
    %add3A_1221 = arith.constant 96 : i32
    %add3A_1222 = arith.addi %mul3A_2, %add3A_1221 : i32
    %multiple_of3A_1223 = tpu.assume_multiple %add3A_1222, 16 : i32
    %dma_start3A_1224 = arith.constant 2 : i32
    %dma_start3A_1225 = arith.constant 0 : i32
    %dma_start3A_1226 = tpu.memref_slice %arg2[%dma_start3A_1224, %multiple_of3A_1223, %dma_start3A_1225] : memref<4x4096x1024xf32, #tpu.memory_space<hbm>> -> memref<1x16x1024xf32, #tpu.memory_space<hbm>>
    %dma_start3A_1227 = tpu.memref_squeeze %dma_start3A_1226 : memref<1x16x1024xf32, #tpu.memory_space<hbm>> -> memref<16x1024xf32, #tpu.memory_space<hbm>>
    %dma_start3A_1228 = arith.constant 0 : i32
    %dma_start3A_1229 = tpu.memref_slice %arg2[%dma_start3A_1224, %multiple_of3A_1223, %dma_start3A_1228] : memref<4x4096x1024xf32, #tpu.memory_space<hbm>> -> memref<1x16x1024xf32, #tpu.memory_space<hbm>>
    %dma_start3A_1230 = tpu.memref_squeeze %dma_start3A_1229 : memref<1x16x1024xf32, #tpu.memory_space<hbm>> -> memref<16x1024xf32, #tpu.memory_space<hbm>>
    tpu.enqueue_dma source(%dma_start3A_1230 : memref<16x1024xf32, #tpu.memory_space<hbm>>) target(%arg9 : memref<16x1024xf32, #tpu.memory_space<vmem>>) target_semaphore(%arg14 : memref<!tpu.dma_semaphore, #tpu.memory_space<semaphore_mem>>)
    %add3A_1231 = arith.constant 96 : i32
    %add3A_1232 = arith.addi %mul3A_2, %add3A_1231 : i32
    %multiple_of3A_1233 = tpu.assume_multiple %add3A_1232, 16 : i32
    %dma_wait3A_1234 = arith.constant 0 : i32
    %dma_wait3A_1235 = tpu.memref_slice %arg3[%multiple_of3A_1233, %dma_wait3A_1234] : memref<4096x1024xf32, #tpu.memory_space<hbm>> -> memref<16x1024xf32, #tpu.memory_space<hbm>>
    %dma_wait3A_1236 = arith.constant 0 : i32
    %dma_wait3A_1237 = tpu.memref_slice %arg3[%multiple_of3A_1233, %dma_wait3A_1236] : memref<4096x1024xf32, #tpu.memory_space<hbm>> -> memref<16x1024xf32, #tpu.memory_space<hbm>>
    tpu.wait_dma2 semaphore(%arg10 : memref<!tpu.dma_semaphore, #tpu.memory_space<semaphore_mem>>) src(%dma_wait3A_1237 : memref<16x1024xf32, #tpu.memory_space<hbm>>) dst(%arg5 : memref<16x1024xf32, #tpu.memory_space<vmem>>)
    %add3A_1238 = arith.constant 96 : i32
    %add3A_1239 = arith.addi %mul3A_2, %add3A_1238 : i32
    %multiple_of3A_1240 = tpu.assume_multiple %add3A_1239, 16 : i32
    %dma_wait3A_1241 = arith.constant 0 : i32
    %dma_wait3A_1242 = arith.constant 0 : i32
    %dma_wait3A_1243 = tpu.memref_slice %arg2[%dma_wait3A_1241, %multiple_of3A_1240, %dma_wait3A_1242] : memref<4x4096x1024xf32, #tpu.memory_space<hbm>> -> memref<1x16x1024xf32, #tpu.memory_space<hbm>>
    %dma_wait3A_1244 = tpu.memref_squeeze %dma_wait3A_1243 : memref<1x16x1024xf32, #tpu.memory_space<hbm>> -> memref<16x1024xf32, #tpu.memory_space<hbm>>
    %dma_wait3A_1245 = arith.constant 0 : i32
    %dma_wait3A_1246 = tpu.memref_slice %arg2[%dma_wait3A_1241, %multiple_of3A_1240, %dma_wait3A_1245] : memref<4x4096x1024xf32, #tpu.memory_space<hbm>> -> memref<1x16x1024xf32, #tpu.memory_space<hbm>>
    %dma_wait3A_1247 = tpu.memref_squeeze %dma_wait3A_1246 : memref<1x16x1024xf32, #tpu.memory_space<hbm>> -> memref<16x1024xf32, #tpu.memory_space<hbm>>
    tpu.wait_dma2 semaphore(%arg12 : memref<!tpu.dma_semaphore, #tpu.memory_space<semaphore_mem>>) src(%dma_wait3A_1247 : memref<16x1024xf32, #tpu.memory_space<hbm>>) dst(%arg7 : memref<16x1024xf32, #tpu.memory_space<vmem>>)
    %scan3A_1248 = arith.constant 0 : i32
    %scan3A_1249 = arith.constant 0 : i32
    %scan3A_1250 = arith.constant 16 : i32
    %scan3A_1251 = arith.addi %scan3A_1249, %scan3A_1250 : i32
    %scan3A_1252 = arith.constant 1 : i32
    scf.for %scan3A_1583 = %scan3A_1249 to %scan3A_1251 step %scan3A_1252  : i32 {
      %parallel_loop3A = arith.constant 0 : i32
      %parallel_loop3A_1584 = arith.constant 1024 : i32
      %parallel_loop3A_1585 = arith.constant 16 : i32
      scf.for %parallel_loop3A_1586 = %parallel_loop3A to %parallel_loop3A_1584 step %parallel_loop3A_1585  : i32 {
        %parallel_loop3A_1587 = arith.index_cast %scan3A_1583 : i32 to index
        %parallel_loop3A_1588 = arith.index_cast %parallel_loop3A_1586 : i32 to index
        %parallel_loop3A_1589 = tpu.vector_load %arg7[%parallel_loop3A_1587, %parallel_loop3A_1588] {strides = array<i32>} : memref<16x1024xf32, #tpu.memory_space<vmem>>, vector<1x16xf32>,
        %parallel_loop3A_1590 = vector.shape_cast %parallel_loop3A_1589 : vector<1x16xf32> to vector<16xf32>
        %parallel_loop3A_1591 = arith.index_cast %scan3A_1583 : i32 to index
        %parallel_loop3A_1592 = arith.index_cast %parallel_loop3A_1586 : i32 to index
        %parallel_loop3A_1593 = tpu.vector_load %arg5[%parallel_loop3A_1591, %parallel_loop3A_1592] {strides = array<i32>} : memref<16x1024xf32, #tpu.memory_space<vmem>>, vector<1x16xf32>,
        %parallel_loop3A_1594 = vector.shape_cast %parallel_loop3A_1593 : vector<1x16xf32> to vector<16xf32>
        %parallel_loop3A_1595 = arith.addf %parallel_loop3A_1590, %parallel_loop3A_1594 : vector<16xf32>
        %parallel_loop3A_1596 = arith.index_cast %scan3A_1583 : i32 to index
        %parallel_loop3A_1597 = arith.index_cast %parallel_loop3A_1586 : i32 to index
        %parallel_loop3A_1598 = tpu.vector_load %arg7[%parallel_loop3A_1596, %parallel_loop3A_1597] {strides = array<i32>} : memref<16x1024xf32, #tpu.memory_space<vmem>>, vector<1x16xf32>,
        %parallel_loop3A_1599 = vector.shape_cast %parallel_loop3A_1598 : vector<1x16xf32> to vector<16xf32>
        %parallel_loop3A_1600 = vector.shape_cast %parallel_loop3A_1595 : vector<16xf32> to vector<1x16xf32>
        tpu.vector_store %arg7[%parallel_loop3A_1596, %parallel_loop3A_1597], %parallel_loop3A_1600 {strides = array<i32>} : memref<16x1024xf32, #tpu.memory_space<vmem>>, vector<1x16xf32>,
      } {sc.loop_unroll_factor = 8 : i64, sc.parallel_access}
    }
    %scan3A_1253 = arith.constant 16 : i32
    %add3A_1254 = arith.constant 96 : i32
    %add3A_1255 = arith.addi %mul3A_2, %add3A_1254 : i32
    %multiple_of3A_1256 = tpu.assume_multiple %add3A_1255, 16 : i32
    %dma_start3A_1257 = arith.constant 0 : i32
    %dma_start3A_1258 = arith.constant 0 : i32
    %dma_start3A_1259 = tpu.memref_slice %arg4[%dma_start3A_1257, %multiple_of3A_1256, %dma_start3A_1258] : memref<4x4096x1024xf32, #tpu.memory_space<hbm>> -> memref<1x16x1024xf32, #tpu.memory_space<hbm>>
    %dma_start3A_1260 = tpu.memref_squeeze %dma_start3A_1259 : memref<1x16x1024xf32, #tpu.memory_space<hbm>> -> memref<16x1024xf32, #tpu.memory_space<hbm>>
    %dma_start3A_1261 = arith.constant 0 : i32
    %dma_start3A_1262 = tpu.memref_slice %arg4[%dma_start3A_1257, %multiple_of3A_1256, %dma_start3A_1261] : memref<4x4096x1024xf32, #tpu.memory_space<hbm>> -> memref<1x16x1024xf32, #tpu.memory_space<hbm>>
    %dma_start3A_1263 = tpu.memref_squeeze %dma_start3A_1262 : memref<1x16x1024xf32, #tpu.memory_space<hbm>> -> memref<16x1024xf32, #tpu.memory_space<hbm>>
    tpu.enqueue_dma source(%arg7 : memref<16x1024xf32, #tpu.memory_space<vmem>>) target(%dma_start3A_1263 : memref<16x1024xf32, #tpu.memory_space<hbm>>) target_semaphore(%arg15 : memref<!tpu.dma_semaphore, #tpu.memory_space<semaphore_mem>>)
    %add3A_1264 = arith.constant 96 : i32
    %add3A_1265 = arith.addi %mul3A_2, %add3A_1264 : i32
    %multiple_of3A_1266 = tpu.assume_multiple %add3A_1265, 16 : i32
    %dma_wait3A_1267 = arith.constant 0 : i32
    %dma_wait3A_1268 = arith.constant 0 : i32
    %dma_wait3A_1269 = tpu.memref_slice %arg4[%dma_wait3A_1267, %multiple_of3A_1266, %dma_wait3A_1268] : memref<4x4096x1024xf32, #tpu.memory_space<hbm>> -> memref<1x16x1024xf32, #tpu.memory_space<hbm>>
    %dma_wait3A_1270 = tpu.memref_squeeze %dma_wait3A_1269 : memref<1x16x1024xf32, #tpu.memory_space<hbm>> -> memref<16x1024xf32, #tpu.memory_space<hbm>>
    %dma_wait3A_1271 = arith.constant 0 : i32
    %dma_wait3A_1272 = tpu.memref_slice %arg4[%dma_wait3A_1267, %multiple_of3A_1266, %dma_wait3A_1271] : memref<4x4096x1024xf32, #tpu.memory_space<hbm>> -> memref<1x16x1024xf32, #tpu.memory_space<hbm>>
    %dma_wait3A_1273 = tpu.memref_squeeze %dma_wait3A_1272 : memref<1x16x1024xf32, #tpu.memory_space<hbm>> -> memref<16x1024xf32, #tpu.memory_space<hbm>>
    tpu.wait_dma2 semaphore(%arg15 : memref<!tpu.dma_semaphore, #tpu.memory_space<semaphore_mem>>) src(%arg7 : memref<16x1024xf32, #tpu.memory_space<vmem>>) dst(%dma_wait3A_1273 : memref<16x1024xf32, #tpu.memory_space<hbm>>)
    %add3A_1274 = arith.constant 96 : i32
    %add3A_1275 = arith.addi %mul3A_2, %add3A_1274 : i32
    %multiple_of3A_1276 = tpu.assume_multiple %add3A_1275, 16 : i32
    %dma_start3A_1277 = arith.constant 3 : i32
    %dma_start3A_1278 = arith.constant 0 : i32
    %dma_start3A_1279 = tpu.memref_slice %arg2[%dma_start3A_1277, %multiple_of3A_1276, %dma_start3A_1278] : memref<4x4096x1024xf32, #tpu.memory_space<hbm>> -> memref<1x16x1024xf32, #tpu.memory_space<hbm>>
    %dma_start3A_1280 = tpu.memref_squeeze %dma_start3A_1279 : memref<1x16x1024xf32, #tpu.memory_space<hbm>> -> memref<16x1024xf32, #tpu.memory_space<hbm>>
    %dma_start3A_1281 = arith.constant 0 : i32
    %dma_start3A_1282 = tpu.memref_slice %arg2[%dma_start3A_1277, %multiple_of3A_1276, %dma_start3A_1281] : memref<4x4096x1024xf32, #tpu.memory_space<hbm>> -> memref<1x16x1024xf32, #tpu.memory_space<hbm>>
    %dma_start3A_1283 = tpu.memref_squeeze %dma_start3A_1282 : memref<1x16x1024xf32, #tpu.memory_space<hbm>> -> memref<16x1024xf32, #tpu.memory_space<hbm>>
    tpu.enqueue_dma source(%dma_start3A_1283 : memref<16x1024xf32, #tpu.memory_space<hbm>>) target(%arg7 : memref<16x1024xf32, #tpu.memory_space<vmem>>) target_semaphore(%arg12 : memref<!tpu.dma_semaphore, #tpu.memory_space<semaphore_mem>>)
    %add3A_1284 = arith.constant 96 : i32
    %add3A_1285 = arith.addi %mul3A_2, %add3A_1284 : i32
    %multiple_of3A_1286 = tpu.assume_multiple %add3A_1285, 16 : i32
    %dma_wait3A_1287 = arith.constant 1 : i32
    %dma_wait3A_1288 = arith.constant 0 : i32
    %dma_wait3A_1289 = tpu.memref_slice %arg2[%dma_wait3A_1287, %multiple_of3A_1286, %dma_wait3A_1288] : memref<4x4096x1024xf32, #tpu.memory_space<hbm>> -> memref<1x16x1024xf32, #tpu.memory_space<hbm>>
    %dma_wait3A_1290 = tpu.memref_squeeze %dma_wait3A_1289 : memref<1x16x1024xf32, #tpu.memory_space<hbm>> -> memref<16x1024xf32, #tpu.memory_space<hbm>>
    %dma_wait3A_1291 = arith.constant 0 : i32
    %dma_wait3A_1292 = tpu.memref_slice %arg2[%dma_wait3A_1287, %multiple_of3A_1286, %dma_wait3A_1291] : memref<4x4096x1024xf32, #tpu.memory_space<hbm>> -> memref<1x16x1024xf32, #tpu.memory_space<hbm>>
    %dma_wait3A_1293 = tpu.memref_squeeze %dma_wait3A_1292 : memref<1x16x1024xf32, #tpu.memory_space<hbm>> -> memref<16x1024xf32, #tpu.memory_space<hbm>>
    tpu.wait_dma2 semaphore(%arg13 : memref<!tpu.dma_semaphore, #tpu.memory_space<semaphore_mem>>) src(%dma_wait3A_1293 : memref<16x1024xf32, #tpu.memory_space<hbm>>) dst(%arg8 : memref<16x1024xf32, #tpu.memory_space<vmem>>)
    %scan3A_1294 = arith.constant 0 : i32
    %scan3A_1295 = arith.constant 0 : i32
    %scan3A_1296 = arith.constant 16 : i32
    %scan3A_1297 = arith.addi %scan3A_1295, %scan3A_1296 : i32
    %scan3A_1298 = arith.constant 1 : i32
    scf.for %scan3A_1583 = %scan3A_1295 to %scan3A_1297 step %scan3A_1298  : i32 {
      %parallel_loop3A = arith.constant 0 : i32
      %parallel_loop3A_1584 = arith.constant 1024 : i32
      %parallel_loop3A_1585 = arith.constant 16 : i32
      scf.for %parallel_loop3A_1586 = %parallel_loop3A to %parallel_loop3A_1584 step %parallel_loop3A_1585  : i32 {
        %parallel_loop3A_1587 = arith.index_cast %scan3A_1583 : i32 to index
        %parallel_loop3A_1588 = arith.index_cast %parallel_loop3A_1586 : i32 to index
        %parallel_loop3A_1589 = tpu.vector_load %arg8[%parallel_loop3A_1587, %parallel_loop3A_1588] {strides = array<i32>} : memref<16x1024xf32, #tpu.memory_space<vmem>>, vector<1x16xf32>,
        %parallel_loop3A_1590 = vector.shape_cast %parallel_loop3A_1589 : vector<1x16xf32> to vector<16xf32>
        %parallel_loop3A_1591 = arith.index_cast %scan3A_1583 : i32 to index
        %parallel_loop3A_1592 = arith.index_cast %parallel_loop3A_1586 : i32 to index
        %parallel_loop3A_1593 = tpu.vector_load %arg5[%parallel_loop3A_1591, %parallel_loop3A_1592] {strides = array<i32>} : memref<16x1024xf32, #tpu.memory_space<vmem>>, vector<1x16xf32>,
        %parallel_loop3A_1594 = vector.shape_cast %parallel_loop3A_1593 : vector<1x16xf32> to vector<16xf32>
        %parallel_loop3A_1595 = arith.addf %parallel_loop3A_1590, %parallel_loop3A_1594 : vector<16xf32>
        %parallel_loop3A_1596 = arith.index_cast %scan3A_1583 : i32 to index
        %parallel_loop3A_1597 = arith.index_cast %parallel_loop3A_1586 : i32 to index
        %parallel_loop3A_1598 = tpu.vector_load %arg8[%parallel_loop3A_1596, %parallel_loop3A_1597] {strides = array<i32>} : memref<16x1024xf32, #tpu.memory_space<vmem>>, vector<1x16xf32>,
        %parallel_loop3A_1599 = vector.shape_cast %parallel_loop3A_1598 : vector<1x16xf32> to vector<16xf32>
        %parallel_loop3A_1600 = vector.shape_cast %parallel_loop3A_1595 : vector<16xf32> to vector<1x16xf32>
        tpu.vector_store %arg8[%parallel_loop3A_1596, %parallel_loop3A_1597], %parallel_loop3A_1600 {strides = array<i32>} : memref<16x1024xf32, #tpu.memory_space<vmem>>, vector<1x16xf32>,
      } {sc.loop_unroll_factor = 8 : i64, sc.parallel_access}
    }
    %scan3A_1299 = arith.constant 16 : i32
    %add3A_1300 = arith.constant 96 : i32
    %add3A_1301 = arith.addi %mul3A_2, %add3A_1300 : i32
    %multiple_of3A_1302 = tpu.assume_multiple %add3A_1301, 16 : i32
    %dma_start3A_1303 = arith.constant 1 : i32
    %dma_start3A_1304 = arith.constant 0 : i32
    %dma_start3A_1305 = tpu.memref_slice %arg4[%dma_start3A_1303, %multiple_of3A_1302, %dma_start3A_1304] : memref<4x4096x1024xf32, #tpu.memory_space<hbm>> -> memref<1x16x1024xf32, #tpu.memory_space<hbm>>
    %dma_start3A_1306 = tpu.memref_squeeze %dma_start3A_1305 : memref<1x16x1024xf32, #tpu.memory_space<hbm>> -> memref<16x1024xf32, #tpu.memory_space<hbm>>
    %dma_start3A_1307 = arith.constant 0 : i32
    %dma_start3A_1308 = tpu.memref_slice %arg4[%dma_start3A_1303, %multiple_of3A_1302, %dma_start3A_1307] : memref<4x4096x1024xf32, #tpu.memory_space<hbm>> -> memref<1x16x1024xf32, #tpu.memory_space<hbm>>
    %dma_start3A_1309 = tpu.memref_squeeze %dma_start3A_1308 : memref<1x16x1024xf32, #tpu.memory_space<hbm>> -> memref<16x1024xf32, #tpu.memory_space<hbm>>
    tpu.enqueue_dma source(%arg8 : memref<16x1024xf32, #tpu.memory_space<vmem>>) target(%dma_start3A_1309 : memref<16x1024xf32, #tpu.memory_space<hbm>>) target_semaphore(%arg16 : memref<!tpu.dma_semaphore, #tpu.memory_space<semaphore_mem>>)
    %add3A_1310 = arith.constant 96 : i32
    %add3A_1311 = arith.addi %mul3A_2, %add3A_1310 : i32
    %multiple_of3A_1312 = tpu.assume_multiple %add3A_1311, 16 : i32
    %dma_wait3A_1313 = arith.constant 1 : i32
    %dma_wait3A_1314 = arith.constant 0 : i32
    %dma_wait3A_1315 = tpu.memref_slice %arg4[%dma_wait3A_1313, %multiple_of3A_1312, %dma_wait3A_1314] : memref<4x4096x1024xf32, #tpu.memory_space<hbm>> -> memref<1x16x1024xf32, #tpu.memory_space<hbm>>
    %dma_wait3A_1316 = tpu.memref_squeeze %dma_wait3A_1315 : memref<1x16x1024xf32, #tpu.memory_space<hbm>> -> memref<16x1024xf32, #tpu.memory_space<hbm>>
    %dma_wait3A_1317 = arith.constant 0 : i32
    %dma_wait3A_1318 = tpu.memref_slice %arg4[%dma_wait3A_1313, %multiple_of3A_1312, %dma_wait3A_1317] : memref<4x4096x1024xf32, #tpu.memory_space<hbm>> -> memref<1x16x1024xf32, #tpu.memory_space<hbm>>
    %dma_wait3A_1319 = tpu.memref_squeeze %dma_wait3A_1318 : memref<1x16x1024xf32, #tpu.memory_space<hbm>> -> memref<16x1024xf32, #tpu.memory_space<hbm>>
    tpu.wait_dma2 semaphore(%arg16 : memref<!tpu.dma_semaphore, #tpu.memory_space<semaphore_mem>>) src(%arg8 : memref<16x1024xf32, #tpu.memory_space<vmem>>) dst(%dma_wait3A_1319 : memref<16x1024xf32, #tpu.memory_space<hbm>>)
    %add3A_1320 = arith.constant 112 : i32
    %add3A_1321 = arith.addi %mul3A_2, %add3A_1320 : i32
    %multiple_of3A_1322 = tpu.assume_multiple %add3A_1321, 16 : i32
    %dma_start3A_1323 = arith.constant 0 : i32
    %dma_start3A_1324 = arith.constant 0 : i32
    %dma_start3A_1325 = tpu.memref_slice %arg2[%dma_start3A_1323, %multiple_of3A_1322, %dma_start3A_1324] : memref<4x4096x1024xf32, #tpu.memory_space<hbm>> -> memref<1x16x1024xf32, #tpu.memory_space<hbm>>
    %dma_start3A_1326 = tpu.memref_squeeze %dma_start3A_1325 : memref<1x16x1024xf32, #tpu.memory_space<hbm>> -> memref<16x1024xf32, #tpu.memory_space<hbm>>
    %dma_start3A_1327 = arith.constant 0 : i32
    %dma_start3A_1328 = tpu.memref_slice %arg2[%dma_start3A_1323, %multiple_of3A_1322, %dma_start3A_1327] : memref<4x4096x1024xf32, #tpu.memory_space<hbm>> -> memref<1x16x1024xf32, #tpu.memory_space<hbm>>
    %dma_start3A_1329 = tpu.memref_squeeze %dma_start3A_1328 : memref<1x16x1024xf32, #tpu.memory_space<hbm>> -> memref<16x1024xf32, #tpu.memory_space<hbm>>
    tpu.enqueue_dma source(%dma_start3A_1329 : memref<16x1024xf32, #tpu.memory_space<hbm>>) target(%arg8 : memref<16x1024xf32, #tpu.memory_space<vmem>>) target_semaphore(%arg13 : memref<!tpu.dma_semaphore, #tpu.memory_space<semaphore_mem>>)
    %add3A_1330 = arith.constant 96 : i32
    %add3A_1331 = arith.addi %mul3A_2, %add3A_1330 : i32
    %multiple_of3A_1332 = tpu.assume_multiple %add3A_1331, 16 : i32
    %dma_wait3A_1333 = arith.constant 2 : i32
    %dma_wait3A_1334 = arith.constant 0 : i32
    %dma_wait3A_1335 = tpu.memref_slice %arg2[%dma_wait3A_1333, %multiple_of3A_1332, %dma_wait3A_1334] : memref<4x4096x1024xf32, #tpu.memory_space<hbm>> -> memref<1x16x1024xf32, #tpu.memory_space<hbm>>
    %dma_wait3A_1336 = tpu.memref_squeeze %dma_wait3A_1335 : memref<1x16x1024xf32, #tpu.memory_space<hbm>> -> memref<16x1024xf32, #tpu.memory_space<hbm>>
    %dma_wait3A_1337 = arith.constant 0 : i32
    %dma_wait3A_1338 = tpu.memref_slice %arg2[%dma_wait3A_1333, %multiple_of3A_1332, %dma_wait3A_1337] : memref<4x4096x1024xf32, #tpu.memory_space<hbm>> -> memref<1x16x1024xf32, #tpu.memory_space<hbm>>
    %dma_wait3A_1339 = tpu.memref_squeeze %dma_wait3A_1338 : memref<1x16x1024xf32, #tpu.memory_space<hbm>> -> memref<16x1024xf32, #tpu.memory_space<hbm>>
    tpu.wait_dma2 semaphore(%arg14 : memref<!tpu.dma_semaphore, #tpu.memory_space<semaphore_mem>>) src(%dma_wait3A_1339 : memref<16x1024xf32, #tpu.memory_space<hbm>>) dst(%arg9 : memref<16x1024xf32, #tpu.memory_space<vmem>>)
    %scan3A_1340 = arith.constant 0 : i32
    %scan3A_1341 = arith.constant 0 : i32
    %scan3A_1342 = arith.constant 16 : i32
    %scan3A_1343 = arith.addi %scan3A_1341, %scan3A_1342 : i32
    %scan3A_1344 = arith.constant 1 : i32
    scf.for %scan3A_1583 = %scan3A_1341 to %scan3A_1343 step %scan3A_1344  : i32 {
      %parallel_loop3A = arith.constant 0 : i32
      %parallel_loop3A_1584 = arith.constant 1024 : i32
      %parallel_loop3A_1585 = arith.constant 16 : i32
      scf.for %parallel_loop3A_1586 = %parallel_loop3A to %parallel_loop3A_1584 step %parallel_loop3A_1585  : i32 {
        %parallel_loop3A_1587 = arith.index_cast %scan3A_1583 : i32 to index
        %parallel_loop3A_1588 = arith.index_cast %parallel_loop3A_1586 : i32 to index
        %parallel_loop3A_1589 = tpu.vector_load %arg9[%parallel_loop3A_1587, %parallel_loop3A_1588] {strides = array<i32>} : memref<16x1024xf32, #tpu.memory_space<vmem>>, vector<1x16xf32>,
        %parallel_loop3A_1590 = vector.shape_cast %parallel_loop3A_1589 : vector<1x16xf32> to vector<16xf32>
        %parallel_loop3A_1591 = arith.index_cast %scan3A_1583 : i32 to index
        %parallel_loop3A_1592 = arith.index_cast %parallel_loop3A_1586 : i32 to index
        %parallel_loop3A_1593 = tpu.vector_load %arg5[%parallel_loop3A_1591, %parallel_loop3A_1592] {strides = array<i32>} : memref<16x1024xf32, #tpu.memory_space<vmem>>, vector<1x16xf32>,
        %parallel_loop3A_1594 = vector.shape_cast %parallel_loop3A_1593 : vector<1x16xf32> to vector<16xf32>
        %parallel_loop3A_1595 = arith.addf %parallel_loop3A_1590, %parallel_loop3A_1594 : vector<16xf32>
        %parallel_loop3A_1596 = arith.index_cast %scan3A_1583 : i32 to index
        %parallel_loop3A_1597 = arith.index_cast %parallel_loop3A_1586 : i32 to index
        %parallel_loop3A_1598 = tpu.vector_load %arg9[%parallel_loop3A_1596, %parallel_loop3A_1597] {strides = array<i32>} : memref<16x1024xf32, #tpu.memory_space<vmem>>, vector<1x16xf32>,
        %parallel_loop3A_1599 = vector.shape_cast %parallel_loop3A_1598 : vector<1x16xf32> to vector<16xf32>
        %parallel_loop3A_1600 = vector.shape_cast %parallel_loop3A_1595 : vector<16xf32> to vector<1x16xf32>
        tpu.vector_store %arg9[%parallel_loop3A_1596, %parallel_loop3A_1597], %parallel_loop3A_1600 {strides = array<i32>} : memref<16x1024xf32, #tpu.memory_space<vmem>>, vector<1x16xf32>,
      } {sc.loop_unroll_factor = 8 : i64, sc.parallel_access}
    }
    %scan3A_1345 = arith.constant 16 : i32
    %add3A_1346 = arith.constant 96 : i32
    %add3A_1347 = arith.addi %mul3A_2, %add3A_1346 : i32
    %multiple_of3A_1348 = tpu.assume_multiple %add3A_1347, 16 : i32
    %dma_start3A_1349 = arith.constant 2 : i32
    %dma_start3A_1350 = arith.constant 0 : i32
    %dma_start3A_1351 = tpu.memref_slice %arg4[%dma_start3A_1349, %multiple_of3A_1348, %dma_start3A_1350] : memref<4x4096x1024xf32, #tpu.memory_space<hbm>> -> memref<1x16x1024xf32, #tpu.memory_space<hbm>>
    %dma_start3A_1352 = tpu.memref_squeeze %dma_start3A_1351 : memref<1x16x1024xf32, #tpu.memory_space<hbm>> -> memref<16x1024xf32, #tpu.memory_space<hbm>>
    %dma_start3A_1353 = arith.constant 0 : i32
    %dma_start3A_1354 = tpu.memref_slice %arg4[%dma_start3A_1349, %multiple_of3A_1348, %dma_start3A_1353] : memref<4x4096x1024xf32, #tpu.memory_space<hbm>> -> memref<1x16x1024xf32, #tpu.memory_space<hbm>>
    %dma_start3A_1355 = tpu.memref_squeeze %dma_start3A_1354 : memref<1x16x1024xf32, #tpu.memory_space<hbm>> -> memref<16x1024xf32, #tpu.memory_space<hbm>>
    tpu.enqueue_dma source(%arg9 : memref<16x1024xf32, #tpu.memory_space<vmem>>) target(%dma_start3A_1355 : memref<16x1024xf32, #tpu.memory_space<hbm>>) target_semaphore(%arg17 : memref<!tpu.dma_semaphore, #tpu.memory_space<semaphore_mem>>)
    %add3A_1356 = arith.constant 96 : i32
    %add3A_1357 = arith.addi %mul3A_2, %add3A_1356 : i32
    %multiple_of3A_1358 = tpu.assume_multiple %add3A_1357, 16 : i32
    %dma_wait3A_1359 = arith.constant 2 : i32
    %dma_wait3A_1360 = arith.constant 0 : i32
    %dma_wait3A_1361 = tpu.memref_slice %arg4[%dma_wait3A_1359, %multiple_of3A_1358, %dma_wait3A_1360] : memref<4x4096x1024xf32, #tpu.memory_space<hbm>> -> memref<1x16x1024xf32, #tpu.memory_space<hbm>>
    %dma_wait3A_1362 = tpu.memref_squeeze %dma_wait3A_1361 : memref<1x16x1024xf32, #tpu.memory_space<hbm>> -> memref<16x1024xf32, #tpu.memory_space<hbm>>
    %dma_wait3A_1363 = arith.constant 0 : i32
    %dma_wait3A_1364 = tpu.memref_slice %arg4[%dma_wait3A_1359, %multiple_of3A_1358, %dma_wait3A_1363] : memref<4x4096x1024xf32, #tpu.memory_space<hbm>> -> memref<1x16x1024xf32, #tpu.memory_space<hbm>>
    %dma_wait3A_1365 = tpu.memref_squeeze %dma_wait3A_1364 : memref<1x16x1024xf32, #tpu.memory_space<hbm>> -> memref<16x1024xf32, #tpu.memory_space<hbm>>
    tpu.wait_dma2 semaphore(%arg17 : memref<!tpu.dma_semaphore, #tpu.memory_space<semaphore_mem>>) src(%arg9 : memref<16x1024xf32, #tpu.memory_space<vmem>>) dst(%dma_wait3A_1365 : memref<16x1024xf32, #tpu.memory_space<hbm>>)
    %add3A_1366 = arith.constant 112 : i32
    %add3A_1367 = arith.addi %mul3A_2, %add3A_1366 : i32
    %multiple_of3A_1368 = tpu.assume_multiple %add3A_1367, 16 : i32
    %dma_start3A_1369 = arith.constant 1 : i32
    %dma_start3A_1370 = arith.constant 0 : i32
    %dma_start3A_1371 = tpu.memref_slice %arg2[%dma_start3A_1369, %multiple_of3A_1368, %dma_start3A_1370] : memref<4x4096x1024xf32, #tpu.memory_space<hbm>> -> memref<1x16x1024xf32, #tpu.memory_space<hbm>>
    %dma_start3A_1372 = tpu.memref_squeeze %dma_start3A_1371 : memref<1x16x1024xf32, #tpu.memory_space<hbm>> -> memref<16x1024xf32, #tpu.memory_space<hbm>>
    %dma_start3A_1373 = arith.constant 0 : i32
    %dma_start3A_1374 = tpu.memref_slice %arg2[%dma_start3A_1369, %multiple_of3A_1368, %dma_start3A_1373] : memref<4x4096x1024xf32, #tpu.memory_space<hbm>> -> memref<1x16x1024xf32, #tpu.memory_space<hbm>>
    %dma_start3A_1375 = tpu.memref_squeeze %dma_start3A_1374 : memref<1x16x1024xf32, #tpu.memory_space<hbm>> -> memref<16x1024xf32, #tpu.memory_space<hbm>>
    tpu.enqueue_dma source(%dma_start3A_1375 : memref<16x1024xf32, #tpu.memory_space<hbm>>) target(%arg9 : memref<16x1024xf32, #tpu.memory_space<vmem>>) target_semaphore(%arg14 : memref<!tpu.dma_semaphore, #tpu.memory_space<semaphore_mem>>)
    %add3A_1376 = arith.constant 96 : i32
    %add3A_1377 = arith.addi %mul3A_2, %add3A_1376 : i32
    %multiple_of3A_1378 = tpu.assume_multiple %add3A_1377, 16 : i32
    %dma_wait3A_1379 = arith.constant 3 : i32
    %dma_wait3A_1380 = arith.constant 0 : i32
    %dma_wait3A_1381 = tpu.memref_slice %arg2[%dma_wait3A_1379, %multiple_of3A_1378, %dma_wait3A_1380] : memref<4x4096x1024xf32, #tpu.memory_space<hbm>> -> memref<1x16x1024xf32, #tpu.memory_space<hbm>>
    %dma_wait3A_1382 = tpu.memref_squeeze %dma_wait3A_1381 : memref<1x16x1024xf32, #tpu.memory_space<hbm>> -> memref<16x1024xf32, #tpu.memory_space<hbm>>
    %dma_wait3A_1383 = arith.constant 0 : i32
    %dma_wait3A_1384 = tpu.memref_slice %arg2[%dma_wait3A_1379, %multiple_of3A_1378, %dma_wait3A_1383] : memref<4x4096x1024xf32, #tpu.memory_space<hbm>> -> memref<1x16x1024xf32, #tpu.memory_space<hbm>>
    %dma_wait3A_1385 = tpu.memref_squeeze %dma_wait3A_1384 : memref<1x16x1024xf32, #tpu.memory_space<hbm>> -> memref<16x1024xf32, #tpu.memory_space<hbm>>
    tpu.wait_dma2 semaphore(%arg12 : memref<!tpu.dma_semaphore, #tpu.memory_space<semaphore_mem>>) src(%dma_wait3A_1385 : memref<16x1024xf32, #tpu.memory_space<hbm>>) dst(%arg7 : memref<16x1024xf32, #tpu.memory_space<vmem>>)
    %scan3A_1386 = arith.constant 0 : i32
    %scan3A_1387 = arith.constant 0 : i32
    %scan3A_1388 = arith.constant 16 : i32
    %scan3A_1389 = arith.addi %scan3A_1387, %scan3A_1388 : i32
    %scan3A_1390 = arith.constant 1 : i32
    scf.for %scan3A_1583 = %scan3A_1387 to %scan3A_1389 step %scan3A_1390  : i32 {
      %parallel_loop3A = arith.constant 0 : i32
      %parallel_loop3A_1584 = arith.constant 1024 : i32
      %parallel_loop3A_1585 = arith.constant 16 : i32
      scf.for %parallel_loop3A_1586 = %parallel_loop3A to %parallel_loop3A_1584 step %parallel_loop3A_1585  : i32 {
        %parallel_loop3A_1587 = arith.index_cast %scan3A_1583 : i32 to index
        %parallel_loop3A_1588 = arith.index_cast %parallel_loop3A_1586 : i32 to index
        %parallel_loop3A_1589 = tpu.vector_load %arg7[%parallel_loop3A_1587, %parallel_loop3A_1588] {strides = array<i32>} : memref<16x1024xf32, #tpu.memory_space<vmem>>, vector<1x16xf32>,
        %parallel_loop3A_1590 = vector.shape_cast %parallel_loop3A_1589 : vector<1x16xf32> to vector<16xf32>
        %parallel_loop3A_1591 = arith.index_cast %scan3A_1583 : i32 to index
        %parallel_loop3A_1592 = arith.index_cast %parallel_loop3A_1586 : i32 to index
        %parallel_loop3A_1593 = tpu.vector_load %arg5[%parallel_loop3A_1591, %parallel_loop3A_1592] {strides = array<i32>} : memref<16x1024xf32, #tpu.memory_space<vmem>>, vector<1x16xf32>,
        %parallel_loop3A_1594 = vector.shape_cast %parallel_loop3A_1593 : vector<1x16xf32> to vector<16xf32>
        %parallel_loop3A_1595 = arith.addf %parallel_loop3A_1590, %parallel_loop3A_1594 : vector<16xf32>
        %parallel_loop3A_1596 = arith.index_cast %scan3A_1583 : i32 to index
        %parallel_loop3A_1597 = arith.index_cast %parallel_loop3A_1586 : i32 to index
        %parallel_loop3A_1598 = tpu.vector_load %arg7[%parallel_loop3A_1596, %parallel_loop3A_1597] {strides = array<i32>} : memref<16x1024xf32, #tpu.memory_space<vmem>>, vector<1x16xf32>,
        %parallel_loop3A_1599 = vector.shape_cast %parallel_loop3A_1598 : vector<1x16xf32> to vector<16xf32>
        %parallel_loop3A_1600 = vector.shape_cast %parallel_loop3A_1595 : vector<16xf32> to vector<1x16xf32>
        tpu.vector_store %arg7[%parallel_loop3A_1596, %parallel_loop3A_1597], %parallel_loop3A_1600 {strides = array<i32>} : memref<16x1024xf32, #tpu.memory_space<vmem>>, vector<1x16xf32>,
      } {sc.loop_unroll_factor = 8 : i64, sc.parallel_access}
    }
    %scan3A_1391 = arith.constant 16 : i32
    %add3A_1392 = arith.constant 96 : i32
    %add3A_1393 = arith.addi %mul3A_2, %add3A_1392 : i32
    %multiple_of3A_1394 = tpu.assume_multiple %add3A_1393, 16 : i32
    %dma_start3A_1395 = arith.constant 3 : i32
    %dma_start3A_1396 = arith.constant 0 : i32
    %dma_start3A_1397 = tpu.memref_slice %arg4[%dma_start3A_1395, %multiple_of3A_1394, %dma_start3A_1396] : memref<4x4096x1024xf32, #tpu.memory_space<hbm>> -> memref<1x16x1024xf32, #tpu.memory_space<hbm>>
    %dma_start3A_1398 = tpu.memref_squeeze %dma_start3A_1397 : memref<1x16x1024xf32, #tpu.memory_space<hbm>> -> memref<16x1024xf32, #tpu.memory_space<hbm>>
    %dma_start3A_1399 = arith.constant 0 : i32
    %dma_start3A_1400 = tpu.memref_slice %arg4[%dma_start3A_1395, %multiple_of3A_1394, %dma_start3A_1399] : memref<4x4096x1024xf32, #tpu.memory_space<hbm>> -> memref<1x16x1024xf32, #tpu.memory_space<hbm>>
    %dma_start3A_1401 = tpu.memref_squeeze %dma_start3A_1400 : memref<1x16x1024xf32, #tpu.memory_space<hbm>> -> memref<16x1024xf32, #tpu.memory_space<hbm>>
    tpu.enqueue_dma source(%arg7 : memref<16x1024xf32, #tpu.memory_space<vmem>>) target(%dma_start3A_1401 : memref<16x1024xf32, #tpu.memory_space<hbm>>) target_semaphore(%arg15 : memref<!tpu.dma_semaphore, #tpu.memory_space<semaphore_mem>>)
    %add3A_1402 = arith.constant 96 : i32
    %add3A_1403 = arith.addi %mul3A_2, %add3A_1402 : i32
    %multiple_of3A_1404 = tpu.assume_multiple %add3A_1403, 16 : i32
    %dma_wait3A_1405 = arith.constant 3 : i32
    %dma_wait3A_1406 = arith.constant 0 : i32
    %dma_wait3A_1407 = tpu.memref_slice %arg4[%dma_wait3A_1405, %multiple_of3A_1404, %dma_wait3A_1406] : memref<4x4096x1024xf32, #tpu.memory_space<hbm>> -> memref<1x16x1024xf32, #tpu.memory_space<hbm>>
    %dma_wait3A_1408 = tpu.memref_squeeze %dma_wait3A_1407 : memref<1x16x1024xf32, #tpu.memory_space<hbm>> -> memref<16x1024xf32, #tpu.memory_space<hbm>>
    %dma_wait3A_1409 = arith.constant 0 : i32
    %dma_wait3A_1410 = tpu.memref_slice %arg4[%dma_wait3A_1405, %multiple_of3A_1404, %dma_wait3A_1409] : memref<4x4096x1024xf32, #tpu.memory_space<hbm>> -> memref<1x16x1024xf32, #tpu.memory_space<hbm>>
    %dma_wait3A_1411 = tpu.memref_squeeze %dma_wait3A_1410 : memref<1x16x1024xf32, #tpu.memory_space<hbm>> -> memref<16x1024xf32, #tpu.memory_space<hbm>>
    tpu.wait_dma2 semaphore(%arg15 : memref<!tpu.dma_semaphore, #tpu.memory_space<semaphore_mem>>) src(%arg7 : memref<16x1024xf32, #tpu.memory_space<vmem>>) dst(%dma_wait3A_1411 : memref<16x1024xf32, #tpu.memory_space<hbm>>)
    %add3A_1412 = arith.constant 112 : i32
    %add3A_1413 = arith.addi %mul3A_2, %add3A_1412 : i32
    %multiple_of3A_1414 = tpu.assume_multiple %add3A_1413, 16 : i32
    %dma_start3A_1415 = arith.constant 2 : i32
    %dma_start3A_1416 = arith.constant 0 : i32
    %dma_start3A_1417 = tpu.memref_slice %arg2[%dma_start3A_1415, %multiple_of3A_1414, %dma_start3A_1416] : memref<4x4096x1024xf32, #tpu.memory_space<hbm>> -> memref<1x16x1024xf32, #tpu.memory_space<hbm>>
    %dma_start3A_1418 = tpu.memref_squeeze %dma_start3A_1417 : memref<1x16x1024xf32, #tpu.memory_space<hbm>> -> memref<16x1024xf32, #tpu.memory_space<hbm>>
    %dma_start3A_1419 = arith.constant 0 : i32
    %dma_start3A_1420 = tpu.memref_slice %arg2[%dma_start3A_1415, %multiple_of3A_1414, %dma_start3A_1419] : memref<4x4096x1024xf32, #tpu.memory_space<hbm>> -> memref<1x16x1024xf32, #tpu.memory_space<hbm>>
    %dma_start3A_1421 = tpu.memref_squeeze %dma_start3A_1420 : memref<1x16x1024xf32, #tpu.memory_space<hbm>> -> memref<16x1024xf32, #tpu.memory_space<hbm>>
    tpu.enqueue_dma source(%dma_start3A_1421 : memref<16x1024xf32, #tpu.memory_space<hbm>>) target(%arg7 : memref<16x1024xf32, #tpu.memory_space<vmem>>) target_semaphore(%arg12 : memref<!tpu.dma_semaphore, #tpu.memory_space<semaphore_mem>>)
    %add3A_1422 = arith.constant 112 : i32
    %add3A_1423 = arith.addi %mul3A_2, %add3A_1422 : i32
    %multiple_of3A_1424 = tpu.assume_multiple %add3A_1423, 16 : i32
    %dma_wait3A_1425 = arith.constant 0 : i32
    %dma_wait3A_1426 = tpu.memref_slice %arg3[%multiple_of3A_1424, %dma_wait3A_1425] : memref<4096x1024xf32, #tpu.memory_space<hbm>> -> memref<16x1024xf32, #tpu.memory_space<hbm>>
    %dma_wait3A_1427 = arith.constant 0 : i32
    %dma_wait3A_1428 = tpu.memref_slice %arg3[%multiple_of3A_1424, %dma_wait3A_1427] : memref<4096x1024xf32, #tpu.memory_space<hbm>> -> memref<16x1024xf32, #tpu.memory_space<hbm>>
    tpu.wait_dma2 semaphore(%arg11 : memref<!tpu.dma_semaphore, #tpu.memory_space<semaphore_mem>>) src(%dma_wait3A_1428 : memref<16x1024xf32, #tpu.memory_space<hbm>>) dst(%arg6 : memref<16x1024xf32, #tpu.memory_space<vmem>>)
    %add3A_1429 = arith.constant 112 : i32
    %add3A_1430 = arith.addi %mul3A_2, %add3A_1429 : i32
    %multiple_of3A_1431 = tpu.assume_multiple %add3A_1430, 16 : i32
    %dma_wait3A_1432 = arith.constant 0 : i32
    %dma_wait3A_1433 = arith.constant 0 : i32
    %dma_wait3A_1434 = tpu.memref_slice %arg2[%dma_wait3A_1432, %multiple_of3A_1431, %dma_wait3A_1433] : memref<4x4096x1024xf32, #tpu.memory_space<hbm>> -> memref<1x16x1024xf32, #tpu.memory_space<hbm>>
    %dma_wait3A_1435 = tpu.memref_squeeze %dma_wait3A_1434 : memref<1x16x1024xf32, #tpu.memory_space<hbm>> -> memref<16x1024xf32, #tpu.memory_space<hbm>>
    %dma_wait3A_1436 = arith.constant 0 : i32
    %dma_wait3A_1437 = tpu.memref_slice %arg2[%dma_wait3A_1432, %multiple_of3A_1431, %dma_wait3A_1436] : memref<4x4096x1024xf32, #tpu.memory_space<hbm>> -> memref<1x16x1024xf32, #tpu.memory_space<hbm>>
    %dma_wait3A_1438 = tpu.memref_squeeze %dma_wait3A_1437 : memref<1x16x1024xf32, #tpu.memory_space<hbm>> -> memref<16x1024xf32, #tpu.memory_space<hbm>>
    tpu.wait_dma2 semaphore(%arg13 : memref<!tpu.dma_semaphore, #tpu.memory_space<semaphore_mem>>) src(%dma_wait3A_1438 : memref<16x1024xf32, #tpu.memory_space<hbm>>) dst(%arg8 : memref<16x1024xf32, #tpu.memory_space<vmem>>)
    %scan3A_1439 = arith.constant 0 : i32
    %scan3A_1440 = arith.constant 0 : i32
    %scan3A_1441 = arith.constant 16 : i32
    %scan3A_1442 = arith.addi %scan3A_1440, %scan3A_1441 : i32
    %scan3A_1443 = arith.constant 1 : i32
    scf.for %scan3A_1583 = %scan3A_1440 to %scan3A_1442 step %scan3A_1443  : i32 {
      %parallel_loop3A = arith.constant 0 : i32
      %parallel_loop3A_1584 = arith.constant 1024 : i32
      %parallel_loop3A_1585 = arith.constant 16 : i32
      scf.for %parallel_loop3A_1586 = %parallel_loop3A to %parallel_loop3A_1584 step %parallel_loop3A_1585  : i32 {
        %parallel_loop3A_1587 = arith.index_cast %scan3A_1583 : i32 to index
        %parallel_loop3A_1588 = arith.index_cast %parallel_loop3A_1586 : i32 to index
        %parallel_loop3A_1589 = tpu.vector_load %arg8[%parallel_loop3A_1587, %parallel_loop3A_1588] {strides = array<i32>} : memref<16x1024xf32, #tpu.memory_space<vmem>>, vector<1x16xf32>,
        %parallel_loop3A_1590 = vector.shape_cast %parallel_loop3A_1589 : vector<1x16xf32> to vector<16xf32>
        %parallel_loop3A_1591 = arith.index_cast %scan3A_1583 : i32 to index
        %parallel_loop3A_1592 = arith.index_cast %parallel_loop3A_1586 : i32 to index
        %parallel_loop3A_1593 = tpu.vector_load %arg6[%parallel_loop3A_1591, %parallel_loop3A_1592] {strides = array<i32>} : memref<16x1024xf32, #tpu.memory_space<vmem>>, vector<1x16xf32>,
        %parallel_loop3A_1594 = vector.shape_cast %parallel_loop3A_1593 : vector<1x16xf32> to vector<16xf32>
        %parallel_loop3A_1595 = arith.addf %parallel_loop3A_1590, %parallel_loop3A_1594 : vector<16xf32>
        %parallel_loop3A_1596 = arith.index_cast %scan3A_1583 : i32 to index
        %parallel_loop3A_1597 = arith.index_cast %parallel_loop3A_1586 : i32 to index
        %parallel_loop3A_1598 = tpu.vector_load %arg8[%parallel_loop3A_1596, %parallel_loop3A_1597] {strides = array<i32>} : memref<16x1024xf32, #tpu.memory_space<vmem>>, vector<1x16xf32>,
        %parallel_loop3A_1599 = vector.shape_cast %parallel_loop3A_1598 : vector<1x16xf32> to vector<16xf32>
        %parallel_loop3A_1600 = vector.shape_cast %parallel_loop3A_1595 : vector<16xf32> to vector<1x16xf32>
        tpu.vector_store %arg8[%parallel_loop3A_1596, %parallel_loop3A_1597], %parallel_loop3A_1600 {strides = array<i32>} : memref<16x1024xf32, #tpu.memory_space<vmem>>, vector<1x16xf32>,
      } {sc.loop_unroll_factor = 8 : i64, sc.parallel_access}
    }
    %scan3A_1444 = arith.constant 16 : i32
    %add3A_1445 = arith.constant 112 : i32
    %add3A_1446 = arith.addi %mul3A_2, %add3A_1445 : i32
    %multiple_of3A_1447 = tpu.assume_multiple %add3A_1446, 16 : i32
    %dma_start3A_1448 = arith.constant 0 : i32
    %dma_start3A_1449 = arith.constant 0 : i32
    %dma_start3A_1450 = tpu.memref_slice %arg4[%dma_start3A_1448, %multiple_of3A_1447, %dma_start3A_1449] : memref<4x4096x1024xf32, #tpu.memory_space<hbm>> -> memref<1x16x1024xf32, #tpu.memory_space<hbm>>
    %dma_start3A_1451 = tpu.memref_squeeze %dma_start3A_1450 : memref<1x16x1024xf32, #tpu.memory_space<hbm>> -> memref<16x1024xf32, #tpu.memory_space<hbm>>
    %dma_start3A_1452 = arith.constant 0 : i32
    %dma_start3A_1453 = tpu.memref_slice %arg4[%dma_start3A_1448, %multiple_of3A_1447, %dma_start3A_1452] : memref<4x4096x1024xf32, #tpu.memory_space<hbm>> -> memref<1x16x1024xf32, #tpu.memory_space<hbm>>
    %dma_start3A_1454 = tpu.memref_squeeze %dma_start3A_1453 : memref<1x16x1024xf32, #tpu.memory_space<hbm>> -> memref<16x1024xf32, #tpu.memory_space<hbm>>
    tpu.enqueue_dma source(%arg8 : memref<16x1024xf32, #tpu.memory_space<vmem>>) target(%dma_start3A_1454 : memref<16x1024xf32, #tpu.memory_space<hbm>>) target_semaphore(%arg16 : memref<!tpu.dma_semaphore, #tpu.memory_space<semaphore_mem>>)
    %add3A_1455 = arith.constant 112 : i32
    %add3A_1456 = arith.addi %mul3A_2, %add3A_1455 : i32
    %multiple_of3A_1457 = tpu.assume_multiple %add3A_1456, 16 : i32
    %dma_wait3A_1458 = arith.constant 0 : i32
    %dma_wait3A_1459 = arith.constant 0 : i32
    %dma_wait3A_1460 = tpu.memref_slice %arg4[%dma_wait3A_1458, %multiple_of3A_1457, %dma_wait3A_1459] : memref<4x4096x1024xf32, #tpu.memory_space<hbm>> -> memref<1x16x1024xf32, #tpu.memory_space<hbm>>
    %dma_wait3A_1461 = tpu.memref_squeeze %dma_wait3A_1460 : memref<1x16x1024xf32, #tpu.memory_space<hbm>> -> memref<16x1024xf32, #tpu.memory_space<hbm>>
    %dma_wait3A_1462 = arith.constant 0 : i32
    %dma_wait3A_1463 = tpu.memref_slice %arg4[%dma_wait3A_1458, %multiple_of3A_1457, %dma_wait3A_1462] : memref<4x4096x1024xf32, #tpu.memory_space<hbm>> -> memref<1x16x1024xf32, #tpu.memory_space<hbm>>
    %dma_wait3A_1464 = tpu.memref_squeeze %dma_wait3A_1463 : memref<1x16x1024xf32, #tpu.memory_space<hbm>> -> memref<16x1024xf32, #tpu.memory_space<hbm>>
    tpu.wait_dma2 semaphore(%arg16 : memref<!tpu.dma_semaphore, #tpu.memory_space<semaphore_mem>>) src(%arg8 : memref<16x1024xf32, #tpu.memory_space<vmem>>) dst(%dma_wait3A_1464 : memref<16x1024xf32, #tpu.memory_space<hbm>>)
    %add3A_1465 = arith.constant 112 : i32
    %add3A_1466 = arith.addi %mul3A_2, %add3A_1465 : i32
    %multiple_of3A_1467 = tpu.assume_multiple %add3A_1466, 16 : i32
    %dma_start3A_1468 = arith.constant 3 : i32
    %dma_start3A_1469 = arith.constant 0 : i32
    %dma_start3A_1470 = tpu.memref_slice %arg2[%dma_start3A_1468, %multiple_of3A_1467, %dma_start3A_1469] : memref<4x4096x1024xf32, #tpu.memory_space<hbm>> -> memref<1x16x1024xf32, #tpu.memory_space<hbm>>
    %dma_start3A_1471 = tpu.memref_squeeze %dma_start3A_1470 : memref<1x16x1024xf32, #tpu.memory_space<hbm>> -> memref<16x1024xf32, #tpu.memory_space<hbm>>
    %dma_start3A_1472 = arith.constant 0 : i32
    %dma_start3A_1473 = tpu.memref_slice %arg2[%dma_start3A_1468, %multiple_of3A_1467, %dma_start3A_1472] : memref<4x4096x1024xf32, #tpu.memory_space<hbm>> -> memref<1x16x1024xf32, #tpu.memory_space<hbm>>
    %dma_start3A_1474 = tpu.memref_squeeze %dma_start3A_1473 : memref<1x16x1024xf32, #tpu.memory_space<hbm>> -> memref<16x1024xf32, #tpu.memory_space<hbm>>
    tpu.enqueue_dma source(%dma_start3A_1474 : memref<16x1024xf32, #tpu.memory_space<hbm>>) target(%arg8 : memref<16x1024xf32, #tpu.memory_space<vmem>>) target_semaphore(%arg13 : memref<!tpu.dma_semaphore, #tpu.memory_space<semaphore_mem>>)
    %add3A_1475 = arith.constant 112 : i32
    %add3A_1476 = arith.addi %mul3A_2, %add3A_1475 : i32
    %multiple_of3A_1477 = tpu.assume_multiple %add3A_1476, 16 : i32
    %dma_wait3A_1478 = arith.constant 1 : i32
    %dma_wait3A_1479 = arith.constant 0 : i32
    %dma_wait3A_1480 = tpu.memref_slice %arg2[%dma_wait3A_1478, %multiple_of3A_1477, %dma_wait3A_1479] : memref<4x4096x1024xf32, #tpu.memory_space<hbm>> -> memref<1x16x1024xf32, #tpu.memory_space<hbm>>
    %dma_wait3A_1481 = tpu.memref_squeeze %dma_wait3A_1480 : memref<1x16x1024xf32, #tpu.memory_space<hbm>> -> memref<16x1024xf32, #tpu.memory_space<hbm>>
    %dma_wait3A_1482 = arith.constant 0 : i32
    %dma_wait3A_1483 = tpu.memref_slice %arg2[%dma_wait3A_1478, %multiple_of3A_1477, %dma_wait3A_1482] : memref<4x4096x1024xf32, #tpu.memory_space<hbm>> -> memref<1x16x1024xf32, #tpu.memory_space<hbm>>
    %dma_wait3A_1484 = tpu.memref_squeeze %dma_wait3A_1483 : memref<1x16x1024xf32, #tpu.memory_space<hbm>> -> memref<16x1024xf32, #tpu.memory_space<hbm>>
    tpu.wait_dma2 semaphore(%arg14 : memref<!tpu.dma_semaphore, #tpu.memory_space<semaphore_mem>>) src(%dma_wait3A_1484 : memref<16x1024xf32, #tpu.memory_space<hbm>>) dst(%arg9 : memref<16x1024xf32, #tpu.memory_space<vmem>>)
    %scan3A_1485 = arith.constant 0 : i32
    %scan3A_1486 = arith.constant 0 : i32
    %scan3A_1487 = arith.constant 16 : i32
    %scan3A_1488 = arith.addi %scan3A_1486, %scan3A_1487 : i32
    %scan3A_1489 = arith.constant 1 : i32
    scf.for %scan3A_1583 = %scan3A_1486 to %scan3A_1488 step %scan3A_1489  : i32 {
      %parallel_loop3A = arith.constant 0 : i32
      %parallel_loop3A_1584 = arith.constant 1024 : i32
      %parallel_loop3A_1585 = arith.constant 16 : i32
      scf.for %parallel_loop3A_1586 = %parallel_loop3A to %parallel_loop3A_1584 step %parallel_loop3A_1585  : i32 {
        %parallel_loop3A_1587 = arith.index_cast %scan3A_1583 : i32 to index
        %parallel_loop3A_1588 = arith.index_cast %parallel_loop3A_1586 : i32 to index
        %parallel_loop3A_1589 = tpu.vector_load %arg9[%parallel_loop3A_1587, %parallel_loop3A_1588] {strides = array<i32>} : memref<16x1024xf32, #tpu.memory_space<vmem>>, vector<1x16xf32>,
        %parallel_loop3A_1590 = vector.shape_cast %parallel_loop3A_1589 : vector<1x16xf32> to vector<16xf32>
        %parallel_loop3A_1591 = arith.index_cast %scan3A_1583 : i32 to index
        %parallel_loop3A_1592 = arith.index_cast %parallel_loop3A_1586 : i32 to index
        %parallel_loop3A_1593 = tpu.vector_load %arg6[%parallel_loop3A_1591, %parallel_loop3A_1592] {strides = array<i32>} : memref<16x1024xf32, #tpu.memory_space<vmem>>, vector<1x16xf32>,
        %parallel_loop3A_1594 = vector.shape_cast %parallel_loop3A_1593 : vector<1x16xf32> to vector<16xf32>
        %parallel_loop3A_1595 = arith.addf %parallel_loop3A_1590, %parallel_loop3A_1594 : vector<16xf32>
        %parallel_loop3A_1596 = arith.index_cast %scan3A_1583 : i32 to index
        %parallel_loop3A_1597 = arith.index_cast %parallel_loop3A_1586 : i32 to index
        %parallel_loop3A_1598 = tpu.vector_load %arg9[%parallel_loop3A_1596, %parallel_loop3A_1597] {strides = array<i32>} : memref<16x1024xf32, #tpu.memory_space<vmem>>, vector<1x16xf32>,
        %parallel_loop3A_1599 = vector.shape_cast %parallel_loop3A_1598 : vector<1x16xf32> to vector<16xf32>
        %parallel_loop3A_1600 = vector.shape_cast %parallel_loop3A_1595 : vector<16xf32> to vector<1x16xf32>
        tpu.vector_store %arg9[%parallel_loop3A_1596, %parallel_loop3A_1597], %parallel_loop3A_1600 {strides = array<i32>} : memref<16x1024xf32, #tpu.memory_space<vmem>>, vector<1x16xf32>,
      } {sc.loop_unroll_factor = 8 : i64, sc.parallel_access}
    }
    %scan3A_1490 = arith.constant 16 : i32
    %add3A_1491 = arith.constant 112 : i32
    %add3A_1492 = arith.addi %mul3A_2, %add3A_1491 : i32
    %multiple_of3A_1493 = tpu.assume_multiple %add3A_1492, 16 : i32
    %dma_start3A_1494 = arith.constant 1 : i32
    %dma_start3A_1495 = arith.constant 0 : i32
    %dma_start3A_1496 = tpu.memref_slice %arg4[%dma_start3A_1494, %multiple_of3A_1493, %dma_start3A_1495] : memref<4x4096x1024xf32, #tpu.memory_space<hbm>> -> memref<1x16x1024xf32, #tpu.memory_space<hbm>>
    %dma_start3A_1497 = tpu.memref_squeeze %dma_start3A_1496 : memref<1x16x1024xf32, #tpu.memory_space<hbm>> -> memref<16x1024xf32, #tpu.memory_space<hbm>>
    %dma_start3A_1498 = arith.constant 0 : i32
    %dma_start3A_1499 = tpu.memref_slice %arg4[%dma_start3A_1494, %multiple_of3A_1493, %dma_start3A_1498] : memref<4x4096x1024xf32, #tpu.memory_space<hbm>> -> memref<1x16x1024xf32, #tpu.memory_space<hbm>>
    %dma_start3A_1500 = tpu.memref_squeeze %dma_start3A_1499 : memref<1x16x1024xf32, #tpu.memory_space<hbm>> -> memref<16x1024xf32, #tpu.memory_space<hbm>>
    tpu.enqueue_dma source(%arg9 : memref<16x1024xf32, #tpu.memory_space<vmem>>) target(%dma_start3A_1500 : memref<16x1024xf32, #tpu.memory_space<hbm>>) target_semaphore(%arg17 : memref<!tpu.dma_semaphore, #tpu.memory_space<semaphore_mem>>)
    %add3A_1501 = arith.constant 112 : i32
    %add3A_1502 = arith.addi %mul3A_2, %add3A_1501 : i32
    %multiple_of3A_1503 = tpu.assume_multiple %add3A_1502, 16 : i32
    %dma_wait3A_1504 = arith.constant 2 : i32
    %dma_wait3A_1505 = arith.constant 0 : i32
    %dma_wait3A_1506 = tpu.memref_slice %arg2[%dma_wait3A_1504, %multiple_of3A_1503, %dma_wait3A_1505] : memref<4x4096x1024xf32, #tpu.memory_space<hbm>> -> memref<1x16x1024xf32, #tpu.memory_space<hbm>>
    %dma_wait3A_1507 = tpu.memref_squeeze %dma_wait3A_1506 : memref<1x16x1024xf32, #tpu.memory_space<hbm>> -> memref<16x1024xf32, #tpu.memory_space<hbm>>
    %dma_wait3A_1508 = arith.constant 0 : i32
    %dma_wait3A_1509 = tpu.memref_slice %arg2[%dma_wait3A_1504, %multiple_of3A_1503, %dma_wait3A_1508] : memref<4x4096x1024xf32, #tpu.memory_space<hbm>> -> memref<1x16x1024xf32, #tpu.memory_space<hbm>>
    %dma_wait3A_1510 = tpu.memref_squeeze %dma_wait3A_1509 : memref<1x16x1024xf32, #tpu.memory_space<hbm>> -> memref<16x1024xf32, #tpu.memory_space<hbm>>
    tpu.wait_dma2 semaphore(%arg12 : memref<!tpu.dma_semaphore, #tpu.memory_space<semaphore_mem>>) src(%dma_wait3A_1510 : memref<16x1024xf32, #tpu.memory_space<hbm>>) dst(%arg7 : memref<16x1024xf32, #tpu.memory_space<vmem>>)
    %scan3A_1511 = arith.constant 0 : i32
    %scan3A_1512 = arith.constant 0 : i32
    %scan3A_1513 = arith.constant 16 : i32
    %scan3A_1514 = arith.addi %scan3A_1512, %scan3A_1513 : i32
    %scan3A_1515 = arith.constant 1 : i32
    scf.for %scan3A_1583 = %scan3A_1512 to %scan3A_1514 step %scan3A_1515  : i32 {
      %parallel_loop3A = arith.constant 0 : i32
      %parallel_loop3A_1584 = arith.constant 1024 : i32
      %parallel_loop3A_1585 = arith.constant 16 : i32
      scf.for %parallel_loop3A_1586 = %parallel_loop3A to %parallel_loop3A_1584 step %parallel_loop3A_1585  : i32 {
        %parallel_loop3A_1587 = arith.index_cast %scan3A_1583 : i32 to index
        %parallel_loop3A_1588 = arith.index_cast %parallel_loop3A_1586 : i32 to index
        %parallel_loop3A_1589 = tpu.vector_load %arg7[%parallel_loop3A_1587, %parallel_loop3A_1588] {strides = array<i32>} : memref<16x1024xf32, #tpu.memory_space<vmem>>, vector<1x16xf32>,
        %parallel_loop3A_1590 = vector.shape_cast %parallel_loop3A_1589 : vector<1x16xf32> to vector<16xf32>
        %parallel_loop3A_1591 = arith.index_cast %scan3A_1583 : i32 to index
        %parallel_loop3A_1592 = arith.index_cast %parallel_loop3A_1586 : i32 to index
        %parallel_loop3A_1593 = tpu.vector_load %arg6[%parallel_loop3A_1591, %parallel_loop3A_1592] {strides = array<i32>} : memref<16x1024xf32, #tpu.memory_space<vmem>>, vector<1x16xf32>,
        %parallel_loop3A_1594 = vector.shape_cast %parallel_loop3A_1593 : vector<1x16xf32> to vector<16xf32>
        %parallel_loop3A_1595 = arith.addf %parallel_loop3A_1590, %parallel_loop3A_1594 : vector<16xf32>
        %parallel_loop3A_1596 = arith.index_cast %scan3A_1583 : i32 to index
        %parallel_loop3A_1597 = arith.index_cast %parallel_loop3A_1586 : i32 to index
        %parallel_loop3A_1598 = tpu.vector_load %arg7[%parallel_loop3A_1596, %parallel_loop3A_1597] {strides = array<i32>} : memref<16x1024xf32, #tpu.memory_space<vmem>>, vector<1x16xf32>,
        %parallel_loop3A_1599 = vector.shape_cast %parallel_loop3A_1598 : vector<1x16xf32> to vector<16xf32>
        %parallel_loop3A_1600 = vector.shape_cast %parallel_loop3A_1595 : vector<16xf32> to vector<1x16xf32>
        tpu.vector_store %arg7[%parallel_loop3A_1596, %parallel_loop3A_1597], %parallel_loop3A_1600 {strides = array<i32>} : memref<16x1024xf32, #tpu.memory_space<vmem>>, vector<1x16xf32>,
      } {sc.loop_unroll_factor = 8 : i64, sc.parallel_access}
    }
    %scan3A_1516 = arith.constant 16 : i32
    %add3A_1517 = arith.constant 112 : i32
    %add3A_1518 = arith.addi %mul3A_2, %add3A_1517 : i32
    %multiple_of3A_1519 = tpu.assume_multiple %add3A_1518, 16 : i32
    %dma_start3A_1520 = arith.constant 2 : i32
    %dma_start3A_1521 = arith.constant 0 : i32
    %dma_start3A_1522 = tpu.memref_slice %arg4[%dma_start3A_1520, %multiple_of3A_1519, %dma_start3A_1521] : memref<4x4096x1024xf32, #tpu.memory_space<hbm>> -> memref<1x16x1024xf32, #tpu.memory_space<hbm>>
    %dma_start3A_1523 = tpu.memref_squeeze %dma_start3A_1522 : memref<1x16x1024xf32, #tpu.memory_space<hbm>> -> memref<16x1024xf32, #tpu.memory_space<hbm>>
    %dma_start3A_1524 = arith.constant 0 : i32
    %dma_start3A_1525 = tpu.memref_slice %arg4[%dma_start3A_1520, %multiple_of3A_1519, %dma_start3A_1524] : memref<4x4096x1024xf32, #tpu.memory_space<hbm>> -> memref<1x16x1024xf32, #tpu.memory_space<hbm>>
    %dma_start3A_1526 = tpu.memref_squeeze %dma_start3A_1525 : memref<1x16x1024xf32, #tpu.memory_space<hbm>> -> memref<16x1024xf32, #tpu.memory_space<hbm>>
    tpu.enqueue_dma source(%arg7 : memref<16x1024xf32, #tpu.memory_space<vmem>>) target(%dma_start3A_1526 : memref<16x1024xf32, #tpu.memory_space<hbm>>) target_semaphore(%arg15 : memref<!tpu.dma_semaphore, #tpu.memory_space<semaphore_mem>>)
    %add3A_1527 = arith.constant 112 : i32
    %add3A_1528 = arith.addi %mul3A_2, %add3A_1527 : i32
    %multiple_of3A_1529 = tpu.assume_multiple %add3A_1528, 16 : i32
    %dma_wait3A_1530 = arith.constant 3 : i32
    %dma_wait3A_1531 = arith.constant 0 : i32
    %dma_wait3A_1532 = tpu.memref_slice %arg2[%dma_wait3A_1530, %multiple_of3A_1529, %dma_wait3A_1531] : memref<4x4096x1024xf32, #tpu.memory_space<hbm>> -> memref<1x16x1024xf32, #tpu.memory_space<hbm>>
    %dma_wait3A_1533 = tpu.memref_squeeze %dma_wait3A_1532 : memref<1x16x1024xf32, #tpu.memory_space<hbm>> -> memref<16x1024xf32, #tpu.memory_space<hbm>>
    %dma_wait3A_1534 = arith.constant 0 : i32
    %dma_wait3A_1535 = tpu.memref_slice %arg2[%dma_wait3A_1530, %multiple_of3A_1529, %dma_wait3A_1534] : memref<4x4096x1024xf32, #tpu.memory_space<hbm>> -> memref<1x16x1024xf32, #tpu.memory_space<hbm>>
    %dma_wait3A_1536 = tpu.memref_squeeze %dma_wait3A_1535 : memref<1x16x1024xf32, #tpu.memory_space<hbm>> -> memref<16x1024xf32, #tpu.memory_space<hbm>>
    tpu.wait_dma2 semaphore(%arg13 : memref<!tpu.dma_semaphore, #tpu.memory_space<semaphore_mem>>) src(%dma_wait3A_1536 : memref<16x1024xf32, #tpu.memory_space<hbm>>) dst(%arg8 : memref<16x1024xf32, #tpu.memory_space<vmem>>)
    %scan3A_1537 = arith.constant 0 : i32
    %scan3A_1538 = arith.constant 0 : i32
    %scan3A_1539 = arith.constant 16 : i32
    %scan3A_1540 = arith.addi %scan3A_1538, %scan3A_1539 : i32
    %scan3A_1541 = arith.constant 1 : i32
    scf.for %scan3A_1583 = %scan3A_1538 to %scan3A_1540 step %scan3A_1541  : i32 {
      %parallel_loop3A = arith.constant 0 : i32
      %parallel_loop3A_1584 = arith.constant 1024 : i32
      %parallel_loop3A_1585 = arith.constant 16 : i32
      scf.for %parallel_loop3A_1586 = %parallel_loop3A to %parallel_loop3A_1584 step %parallel_loop3A_1585  : i32 {
        %parallel_loop3A_1587 = arith.index_cast %scan3A_1583 : i32 to index
        %parallel_loop3A_1588 = arith.index_cast %parallel_loop3A_1586 : i32 to index
        %parallel_loop3A_1589 = tpu.vector_load %arg8[%parallel_loop3A_1587, %parallel_loop3A_1588] {strides = array<i32>} : memref<16x1024xf32, #tpu.memory_space<vmem>>, vector<1x16xf32>,
        %parallel_loop3A_1590 = vector.shape_cast %parallel_loop3A_1589 : vector<1x16xf32> to vector<16xf32>
        %parallel_loop3A_1591 = arith.index_cast %scan3A_1583 : i32 to index
        %parallel_loop3A_1592 = arith.index_cast %parallel_loop3A_1586 : i32 to index
        %parallel_loop3A_1593 = tpu.vector_load %arg6[%parallel_loop3A_1591, %parallel_loop3A_1592] {strides = array<i32>} : memref<16x1024xf32, #tpu.memory_space<vmem>>, vector<1x16xf32>,
        %parallel_loop3A_1594 = vector.shape_cast %parallel_loop3A_1593 : vector<1x16xf32> to vector<16xf32>
        %parallel_loop3A_1595 = arith.addf %parallel_loop3A_1590, %parallel_loop3A_1594 : vector<16xf32>
        %parallel_loop3A_1596 = arith.index_cast %scan3A_1583 : i32 to index
        %parallel_loop3A_1597 = arith.index_cast %parallel_loop3A_1586 : i32 to index
        %parallel_loop3A_1598 = tpu.vector_load %arg8[%parallel_loop3A_1596, %parallel_loop3A_1597] {strides = array<i32>} : memref<16x1024xf32, #tpu.memory_space<vmem>>, vector<1x16xf32>,
        %parallel_loop3A_1599 = vector.shape_cast %parallel_loop3A_1598 : vector<1x16xf32> to vector<16xf32>
        %parallel_loop3A_1600 = vector.shape_cast %parallel_loop3A_1595 : vector<16xf32> to vector<1x16xf32>
        tpu.vector_store %arg8[%parallel_loop3A_1596, %parallel_loop3A_1597], %parallel_loop3A_1600 {strides = array<i32>} : memref<16x1024xf32, #tpu.memory_space<vmem>>, vector<1x16xf32>,
      } {sc.loop_unroll_factor = 8 : i64, sc.parallel_access}
    }
    %scan3A_1542 = arith.constant 16 : i32
    %add3A_1543 = arith.constant 112 : i32
    %add3A_1544 = arith.addi %mul3A_2, %add3A_1543 : i32
    %multiple_of3A_1545 = tpu.assume_multiple %add3A_1544, 16 : i32
    %dma_start3A_1546 = arith.constant 3 : i32
    %dma_start3A_1547 = arith.constant 0 : i32
    %dma_start3A_1548 = tpu.memref_slice %arg4[%dma_start3A_1546, %multiple_of3A_1545, %dma_start3A_1547] : memref<4x4096x1024xf32, #tpu.memory_space<hbm>> -> memref<1x16x1024xf32, #tpu.memory_space<hbm>>
    %dma_start3A_1549 = tpu.memref_squeeze %dma_start3A_1548 : memref<1x16x1024xf32, #tpu.memory_space<hbm>> -> memref<16x1024xf32, #tpu.memory_space<hbm>>
    %dma_start3A_1550 = arith.constant 0 : i32
    %dma_start3A_1551 = tpu.memref_slice %arg4[%dma_start3A_1546, %multiple_of3A_1545, %dma_start3A_1550] : memref<4x4096x1024xf32, #tpu.memory_space<hbm>> -> memref<1x16x1024xf32, #tpu.memory_space<hbm>>
    %dma_start3A_1552 = tpu.memref_squeeze %dma_start3A_1551 : memref<1x16x1024xf32, #tpu.memory_space<hbm>> -> memref<16x1024xf32, #tpu.memory_space<hbm>>
    tpu.enqueue_dma source(%arg8 : memref<16x1024xf32, #tpu.memory_space<vmem>>) target(%dma_start3A_1552 : memref<16x1024xf32, #tpu.memory_space<hbm>>) target_semaphore(%arg16 : memref<!tpu.dma_semaphore, #tpu.memory_space<semaphore_mem>>)
    %add3A_1553 = arith.constant 112 : i32
    %add3A_1554 = arith.addi %mul3A_2, %add3A_1553 : i32
    %multiple_of3A_1555 = tpu.assume_multiple %add3A_1554, 16 : i32
    %dma_wait3A_1556 = arith.constant 1 : i32
    %dma_wait3A_1557 = arith.constant 0 : i32
    %dma_wait3A_1558 = tpu.memref_slice %arg4[%dma_wait3A_1556, %multiple_of3A_1555, %dma_wait3A_1557] : memref<4x4096x1024xf32, #tpu.memory_space<hbm>> -> memref<1x16x1024xf32, #tpu.memory_space<hbm>>
    %dma_wait3A_1559 = tpu.memref_squeeze %dma_wait3A_1558 : memref<1x16x1024xf32, #tpu.memory_space<hbm>> -> memref<16x1024xf32, #tpu.memory_space<hbm>>
    %dma_wait3A_1560 = arith.constant 0 : i32
    %dma_wait3A_1561 = tpu.memref_slice %arg4[%dma_wait3A_1556, %multiple_of3A_1555, %dma_wait3A_1560] : memref<4x4096x1024xf32, #tpu.memory_space<hbm>> -> memref<1x16x1024xf32, #tpu.memory_space<hbm>>
    %dma_wait3A_1562 = tpu.memref_squeeze %dma_wait3A_1561 : memref<1x16x1024xf32, #tpu.memory_space<hbm>> -> memref<16x1024xf32, #tpu.memory_space<hbm>>
    tpu.wait_dma2 semaphore(%arg17 : memref<!tpu.dma_semaphore, #tpu.memory_space<semaphore_mem>>) src(%arg9 : memref<16x1024xf32, #tpu.memory_space<vmem>>) dst(%dma_wait3A_1562 : memref<16x1024xf32, #tpu.memory_space<hbm>>)
    %add3A_1563 = arith.constant 112 : i32
    %add3A_1564 = arith.addi %mul3A_2, %add3A_1563 : i32
    %multiple_of3A_1565 = tpu.assume_multiple %add3A_1564, 16 : i32
    %dma_wait3A_1566 = arith.constant 2 : i32
    %dma_wait3A_1567 = arith.constant 0 : i32
    %dma_wait3A_1568 = tpu.memref_slice %arg4[%dma_wait3A_1566, %multiple_of3A_1565, %dma_wait3A_1567] : memref<4x4096x1024xf32, #tpu.memory_space<hbm>> -> memref<1x16x1024xf32, #tpu.memory_space<hbm>>
    %dma_wait3A_1569 = tpu.memref_squeeze %dma_wait3A_1568 : memref<1x16x1024xf32, #tpu.memory_space<hbm>> -> memref<16x1024xf32, #tpu.memory_space<hbm>>
    %dma_wait3A_1570 = arith.constant 0 : i32
    %dma_wait3A_1571 = tpu.memref_slice %arg4[%dma_wait3A_1566, %multiple_of3A_1565, %dma_wait3A_1570] : memref<4x4096x1024xf32, #tpu.memory_space<hbm>> -> memref<1x16x1024xf32, #tpu.memory_space<hbm>>
    %dma_wait3A_1572 = tpu.memref_squeeze %dma_wait3A_1571 : memref<1x16x1024xf32, #tpu.memory_space<hbm>> -> memref<16x1024xf32, #tpu.memory_space<hbm>>
    tpu.wait_dma2 semaphore(%arg15 : memref<!tpu.dma_semaphore, #tpu.memory_space<semaphore_mem>>) src(%arg7 : memref<16x1024xf32, #tpu.memory_space<vmem>>) dst(%dma_wait3A_1572 : memref<16x1024xf32, #tpu.memory_space<hbm>>)
    %add3A_1573 = arith.constant 112 : i32
    %add3A_1574 = arith.addi %mul3A_2, %add3A_1573 : i32
    %multiple_of3A_1575 = tpu.assume_multiple %add3A_1574, 16 : i32
    %dma_wait3A_1576 = arith.constant 3 : i32
    %dma_wait3A_1577 = arith.constant 0 : i32
    %dma_wait3A_1578 = tpu.memref_slice %arg4[%dma_wait3A_1576, %multiple_of3A_1575, %dma_wait3A_1577] : memref<4x4096x1024xf32, #tpu.memory_space<hbm>> -> memref<1x16x1024xf32, #tpu.memory_space<hbm>>
    %dma_wait3A_1579 = tpu.memref_squeeze %dma_wait3A_1578 : memref<1x16x1024xf32, #tpu.memory_space<hbm>> -> memref<16x1024xf32, #tpu.memory_space<hbm>>
    %dma_wait3A_1580 = arith.constant 0 : i32
    %dma_wait3A_1581 = tpu.memref_slice %arg4[%dma_wait3A_1576, %multiple_of3A_1575, %dma_wait3A_1580] : memref<4x4096x1024xf32, #tpu.memory_space<hbm>> -> memref<1x16x1024xf32, #tpu.memory_space<hbm>>
    %dma_wait3A_1582 = tpu.memref_squeeze %dma_wait3A_1581 : memref<1x16x1024xf32, #tpu.memory_space<hbm>> -> memref<16x1024xf32, #tpu.memory_space<hbm>>
    tpu.wait_dma2 semaphore(%arg16 : memref<!tpu.dma_semaphore, #tpu.memory_space<semaphore_mem>>) src(%arg8 : memref<16x1024xf32, #tpu.memory_space<vmem>>) dst(%dma_wait3A_1582 : memref<16x1024xf32, #tpu.memory_space<hbm>>)
    return
  }
}

</mosaic_0001>

<sc_bundles>
// kernel: kernel.3.cloned.1.call-start
scs
__scs_entry_jumppad:
0x0: {  	(pc) =	sbr.rel $0x88, $3  }
0x1: {  	(tag) =	ssettag $0x0;
	lr =	simm.s32 $0x1  }
0x2: {  	[smem:$0x3F9F] =	sst lr;
	_ =	strace $0xD0000000  }
0x3: {  	_ = 	snop  }
0x4: {  	_ = 	snop  }
0x5: {  	_ = 	snop  }
0x6: {  	_ = 	snop  }
0x7: {  	_ = 	snop  }
__scs_overlays_trampoline_lowered:
0x8: {  	[smem:$0x3FAE] =	sst s0  }
0x9: {  	[smem:$0x3FAF] =	sst s1  }
0xa: {  	[smem:$0x3FB0] =	sst s2  }
0xb: {  	[smem:$0x3FB1] =	sst s3  }
0xc: {  	[smem:$0x3FB2] =	sst s4  }
0xd: {  	[smem:$0x3FB3] =	sst s5  }
0xe: {  	[smem:$0x3FB4] =	sst s6  }
0xf: {  	[smem:$0x3FB5] =	sst s7  }
0x10: {  	[smem:$0x3FB6] =	sst s8  }
0x11: {  	[smem:$0x3FB7] =	sst s9;
	s0 =	simm.s32 @!p0 $0x0  }
0x12: {  	s1 =	sld [smem:$0x3F9D];
	s0 =	simm.s32 @p0 $0x1  }
0x13: {  	[smem:$0x3FB8] =	sst s0;
	s0 =	simm.s32 @!p1 $0x0  }
0x14: {  	s2 =	sld [smem:$0x3F9C];
	s0 =	simm.s32 @p1 $0x1  }
0x15: {  	[smem:$0x3FB9] =	sst s0;
	s0 =	simm.s32 @!p2 $0x0  }
0x16: {  	s3 =	sld [smem:$0x3FDB];
	s0 =	simm.s32 @p2 $0x1  }
0x17: {  	s4 =	simm.s32 $0x1BF5;
	[smem:$0x3FBB] =	sst s0  }
0x18: {  	s0 =	sld [smem:$0x3F9E];
	_ =	swait.ge [sflag:s4], $0x0  }
0x19: {  	s7 =	sld [smem:$0x3F9F]  }
0x1a: {  	s8 =	sadd.s32 $0xFFFFE003, lr  }
0x1b: {  	s9 =	sadd.s32 $0xFFFFFEF7, lr;
	s5 =	simm.s32 $0xFFFFFFFF;
	p2 =	slt.u32 s8, $0xFFFFF086  }
0x1c: {  	p1 =	slt.u32 s9, $0xF7A;
	s5 =	simm.s32 @!p2 $0x0  }
0x1d: {  	s5 =	simm.s32 @p1 $0x1;
	p0 =	seq.s32 s7, s2  }
0x1e: {  	s7 =	smul.u32 @!p0 $0xF7A, s2;
	p2 =	seq.s32 @!p0 s5, $0x0  }
0x1f: {  	s9 =	smul.u32 $0xF7A, s1;
	s8 =	simm.s32 @!p0 $0x1BF5;
	p2 =	por !p2, p0  }
0x20: {  	[sflag:s8] =	ssyncset.s32 @!p0 $0xFFFFF086;
	s6 =	sadd.s32 @!p0 s3, s7;
	s7 =	simm.s32 @!p0 $0x108  }
0x21: {  	s3 =	sadd.s32 s3, s9;
	s6 =	sadd.s32 @!p0 $0x88, s6;
	s7 =	simm.s32 @p2 $0x1082  }
0x22: {  	[simem:s7], [sflag:s8] =	dma.local @!p0 [hbm:s6], $0xF7A  }
0x23: {  	s9 =	sor.u32 $0xD0000000, s2;
	s6 =	simm.s32 $0x108;
	_ =	swait.ge @!p0 [sflag:s8], $0x0  }
0x24: {  	s3 =	sadd.s32 $0x88, s3;
	s6 =	simm.s32 @!p1 $0x1082;
	[sflag:s4] =	ssyncset.s32 $0xFFFFF086  }
0x25: {  	[simem:s6], [sflag:s4] =	dma.local [hbm:s3], $0xF7A  }
0x26: {  	[smem:$0x3F9F] =	sst s1;
	(tag) =	ssettag s2;
	_ =	strace s9  }
0x27: {  	s1 =	sld [smem:$0x3FAF]  }
0x28: {  	s2 =	sld [smem:$0x3FB0]  }
0x29: {  	s4 =	sld [smem:$0x3FB2]  }
0x2a: {  	p0 =	seq.s32 s5, $0x0;
	s5 =	sld [smem:$0x3FB3]  }
0x2b: {  	s6 =	sld [smem:$0x3FB4]  }
0x2c: {  	s7 =	sld [smem:$0x3FB5]  }
0x2d: {  	s3 =	simm.s32 $0x108;
	s8 =	sld [smem:$0x3FB6]  }
0x2e: {  	s3 =	simm.s32 @!p0 $0x1082;
	s9 =	sld [smem:$0x3FB7]  }
0x2f: {  	lr =	sadd.s32 s0, s3;
	s0 =	sld [smem:$0x3FAE]  }
0x30: {  	s3 =	sld [smem:$0x3FB1]  }
0x31: {  	[smem:$0x3FBA] =	sst s10  }
0x32: {  	s10 =	sld [smem:$0x3FB8];
	_ =	sdelay $0x3  }
0x33: {  	p0 =	seq.s32 s10, $0x1;
	s10 =	sld [smem:$0x3FBA];
	_ =	sdelay $0x3  }
0x34: {  	[smem:$0x3FBA] =	sst s10  }
0x35: {  	s10 =	sld [smem:$0x3FB9];
	_ =	sdelay $0x3  }
0x36: {  	p1 =	seq.s32 s10, $0x1;
	s10 =	sld [smem:$0x3FBA];
	_ =	sdelay $0x3  }
0x37: {  	[smem:$0x3FBA] =	sst s10  }
0x38: {  	s10 =	sld [smem:$0x3FBB]  }
0x39: {  	_ = 	snop;
	(pc) =	sbr.ind lr, $3  }
0x3a: {  	_ = 	snop  }
0x3b: {  	_ = 	snop  }
0x3c: {  	p2 =	seq.s32 s10, $0x1;
	s10 =	sld [smem:$0x3FBA]  }
0x3d: {  	_ =	shalt  }
0x3e: {  	_ =	shalt  }
0x3f: {  	_ =	shalt  }
0x40: {  	_ =	shalt  }
0x41: {  	_ =	shalt  }
0x42: {  	_ =	shalt  }
0x43: {  	_ =	shalt  }
0x44: {  	_ =	shalt  }
0x45: {  	_ =	shalt  }
0x46: {  	_ =	shalt  }
0x47: {  	_ =	shalt  }
0x48: {  	_ =	shalt  }
0x49: {  	_ =	shalt  }
0x4a: {  	_ =	shalt  }
0x4b: {  	_ =	shalt  }
0x4c: {  	_ =	shalt  }
0x4d: {  	_ =	shalt  }
0x4e: {  	_ =	shalt  }
0x4f: {  	_ =	shalt  }
0x50: {  	_ =	shalt  }
0x51: {  	_ =	shalt  }
0x52: {  	_ =	shalt  }
0x53: {  	_ =	shalt  }
0x54: {  	_ =	shalt  }
0x55: {  	_ =	shalt  }
0x56: {  	_ =	shalt  }
0x57: {  	_ =	shalt  }
0x58: {  	_ =	shalt  }
0x59: {  	_ =	shalt  }
0x5a: {  	_ =	shalt  }
0x5b: {  	_ =	shalt  }
0x5c: {  	_ =	shalt  }
0x5d: {  	_ =	shalt  }
0x5e: {  	_ =	shalt  }
0x5f: {  	_ =	shalt  }
0x60: {  	_ =	shalt  }
0x61: {  	_ =	shalt  }
0x62: {  	_ =	shalt  }
0x63: {  	_ =	shalt  }
0x64: {  	_ =	shalt  }
0x65: {  	_ =	shalt  }
0x66: {  	_ =	shalt  }
0x67: {  	_ =	shalt  }
0x68: {  	_ =	shalt  }
0x69: {  	_ =	shalt  }
0x6a: {  	_ =	shalt  }
0x6b: {  	_ =	shalt  }
0x6c: {  	_ =	shalt  }
0x6d: {  	_ =	shalt  }
0x6e: {  	_ =	shalt  }
0x6f: {  	_ =	shalt  }
0x70: {  	_ =	shalt  }
0x71: {  	_ =	shalt  }
0x72: {  	_ =	shalt  }
0x73: {  	_ =	shalt  }
0x74: {  	_ =	shalt  }
0x75: {  	_ =	shalt  }
0x76: {  	_ =	shalt  }
0x77: {  	_ =	shalt  }
0x78: {  	_ =	shalt  }
0x79: {  	_ =	shalt  }
0x7a: {  	_ =	shalt  }
0x7b: {  	_ =	shalt  }
0x7c: {  	_ =	shalt  }
0x7d: {  	_ =	shalt  }
0x7e: {  	_ =	shalt  }
0x7f: {  	_ =	shalt  }
0x80: {  	_ =	shalt  }
0x81: {  	_ =	shalt  }
0x82: {  	_ =	shalt  }
0x83: {  	_ =	shalt  }
0x84: {  	_ =	shalt  }
0x85: {  	_ =	shalt  }
0x86: {  	_ =	shalt  }
0x87: {  	_ =	shalt  }
.Lfunc_end0:
.L_simem_size_0:
called_computation_lowered:
.L_overlay_start_0:
0x88: {  	s2 =	sld [smem:$0x3FD9]  }
0x89: {  	s3 =	sld [smem:$0x3FFE];
	_ =	sdelay $0x1  }
0x8a: {  	s1 =	srdreg.scid  }
0x8b: {  	s0 =	sand.u32 $0x1, s1  }
0x8c: {  	s18 =	sshll.u32 s0, $0xA;
	s2 =	sadd.s32 s3, s2  }
0x8d: {  	s2 =	sadd.s32 s2, s18  }
0x8e: {  	[smem:$0x3FC6] =	sst s2  }
0x8f: {  	_ = 	snop  }
0x90: {  	s2 =	sld [smem:$0x3FC9]  }
0x91: {  	s19 =	sld [smem:$0x3FC8]  }
0x92: {  	s4 =	sld [smem:$0x3FD0];
	(tm) =	ssettm $0x1  }
0x93: {  	s5 =	sld [smem:$0x3FFB];
	_ =	sdelay $0x3  }
0x94: {  	_ =	strace s5  }
0x95: {  	s5 =	sld [smem:$0x3FFC];
	_ =	sdelay $0x3  }
0x96: {  	_ =	strace s5  }
0x97: {  	s5 =	sld [smem:$0x3FFD];
	_ =	sdelay $0x3  }
0x98: {  	_ =	strace s5  }
0x99: {  	_ =	strace $0x8FFFFFFF  }
0x9a: {  	s20 =	sld [smem:$0x3FDB];
	_ =	sdelay $0x1  }
0x9b: {  	s6 =	simm.s32 $_scs_section_size  }
0x9c: {  	s7 =	simm.s32 $_size__tile_overlayer_lowered;
	s8 =	simm.s32 $_tile_overlayer_lowered  }
0x9d: {  	s23 =	simm.s32 $0x1BFF;
	s22 =	sshll.u32 s8, $0x1;
	s5 =	sadd.s32 s6, s20  }
0x9e: {  	s9 =	simm.s32 $0x0;
	s21 =	sshll.u32 s7, $0x1;
	s7 =	sadd.s32 s22, s5  }
0x9f: {  	[timem:s9], [sflag:s23] =	dma.local [hbm:s7], s21  }
0xa0: {  	_ =	swait.ge [sflag:s23], s21  }
0xa1: {  	s6 =	ssub.s32 $0x0, s21;
	[sflag:s23] =	ssyncset.done $0x0  }
0xa2: {  	[sflag:s23] =	ssyncadd.s32 s6;
	_ =	sdelay $0x1  }
0xa3: {  	s24 =	simm.s32 $0x1B8B  }
0xa4: {  	_ =	swait.ge [sflag:s24], $0x1  }
0xa5: {  	[sflag:s24] =	ssyncset.done $0x0  }
0xa6: {  	s25 =	simm.s32 $0x1B8E;
	[sflag:s24] =	ssyncadd.s32 $0xFFFFFFFF  }
0xa7: {  	s26 =	simm.s32 $execute0_lowered;
	[smem:$0x3FD2] =	sst s25  }
0xa8: {  	s6 =	sshll.u32 s26, $0x1;
	_ =	strace $0x80000046;
	[dreg:$0x1] =	wrdreg $0xFFFFFFFF  }
0xa9: {  	s28 =	simm.s32 $_size_execute0_lowered;
	s5 =	sadd.s32 s5, s6;
	[dreg:$0x0] =	wrdreg $0x0  }
0xaa: {  	s6 =	sshll.u32 s28, $0x1;
	[dreg:$0x2] =	wrdreg s5  }
0xab: {  	[dreg:$0x3] =	wrdreg s6  }
0xac: {  	[dreg:$0x4] =	wrdreg $0xC0  }
0xad: {  	_ =	task [dreg:s9], $0x5FFFF  }
0xae: {  	[dreg:$0x1] =	wrdreg $0xFFFFFFFF  }
0xaf: {  	[dreg:$0x0] =	wrdreg $0x60  }
0xb0: {  	[dreg:$0x2] =	wrdreg s2  }
0xb1: {  	[dreg:$0x3] =	wrdreg s19  }
0xb2: {  	[dreg:$0x4] =	wrdreg s4  }
0xb3: {  	[dreg:$0x5] =	wrdreg $0x9  }
0xb4: {  	_ =	task.clear_ibuf [dreg:s9], $0x6FFFF;
	_ =	strace $0x90000046  }
0xb5: {  	s29 =	simm.s32 $0x9;
	_ =	strace $0x80000048  }
0xb6: {  	_ =	swait.ge [sflag:s29], $0x1  }
0xb7: {  	[sflag:s29] =	ssyncadd.s32 $0xFFFFFFFF  }
0xb8: {  	_ =	strace $0x90000048  }
0xb9: {  	_ =	sfence  }
0xba: {  	s30 =	sld [smem:$0x0];
	_ =	sdelay $0x2  }
0xbb: {  	s31 =	sshll.u32 s1, $0xD;
	s1 =	sshrl.u32 s1, $0x2  }
0xbc: {  	s3 =	sand.u32 $0x4000, s31;
	s1 =	sadd.s32 s1, s30  }
0xbd: {  	s0 =	sor.u32 s3, s0;
	s1 =	sshll.u32 s1, $0x11  }
0xbe: {  	s0 =	sor.u32 s1, s0  }
0xbf: {  	s0 =	sadd.s32 $0x8F2B, s0  }
0xc0: {  	[sflag:s0] =	ssyncadd.remote.s32 $0x1  }
0xc1: {  	_ =	sfence.sel $0xFFFF  }
0xc2: {  	[dreg:$0x0] =	wrdreg $0xFFFFFFFF;
	(pc) =	sbr.abs _section_cstart, $3  }
0xc3: {  	[dreg:$0x1] =	wrdreg $0xFFFFFFFF  }
0xc4: {  	_ =	task.clear_ibuf [dreg:s9], $0x2FFFF;
	_ =	strace $0x9FFFFFFF  }
0xc5: {  	(tm) =	ssettm $0x7FFFFFFF  }
tec
execute0_lowered:
.L_overlay_start_1:
0x0: {  	(tag) =	ssettag $0x1  }
0x1: {  	s0 =	srdreg.scid  }
0x2: {  	s10 =	rddreg [dreg:$0x0];
	s2 =	stileid.u32;
	s1 =	sand.u32 $0x1, s0  }
0x3: {  	s13 =	rddreg [dreg:$0x2];
	s2 =	sshll.u32 s2, $0xF;
	s3 =	sshll.u32 s1, $0xE  }
0x4: {  	s0 =	rddreg [dreg:$0x1];
	s8 =	sor.u32 s3, s2  }
0x5: {  	s4 =	ssub.s32 $0x2, s1;
	s1 =	simm.s32 $0x0;
	s3 =	sor.u32 $0x80000, s8  }
0x6: {  	[smem:$0x7FF] =	sst s1;
	s26 =	sor.u32 $0x800, s8;
	s25 =	sadd.s32 s10, s3  }
0x7: {  	s29 =	sor.u32 $0x100000, s8;
	s6 =	sadd.s32 s0, s26;
	[dreg:$0x4] =	wrdreg s25  }
0x8: {  	s5 =	sor.u32 $0x180000, s8;
	s30 =	sadd.s32 s10, s29;
	[dreg:$0x5] =	wrdreg s6  }
0x9: {  	s31 =	sadd.s32 s10, s5;
	[dreg:$0x6] =	wrdreg s30  }
0xa: {  	s24 =	sshrl.u32 s4, $0x1;
	s3 =	sadd.s32 s13, s3;
	[dreg:$0x7] =	wrdreg s31  }
0xb: {  	s14 =	ssub.s32 s4, s24;
	s7 =	sadd.s32 s10, s26;
	[dreg:$0x8] =	wrdreg s3  }
0xc: {  	s9 =	sor.u32 $0x80800, s8;
	s4 =	sadd.s32 s13, s29;
	[dreg:$0x9] =	wrdreg s7  }
0xd: {  	s11 =	sadd.s32 s10, s9;
	[dreg:$0xa] =	wrdreg s4  }
0xe: {  	s12 =	sor.u32 $0x1000, s8;
	s5 =	sadd.s32 s13, s5;
	[dreg:$0xb] =	wrdreg s11  }
0xf: {  	s16 =	sor.u32 $0x100800, s8;
	s15 =	sadd.s32 s0, s12;
	[dreg:$0xc] =	wrdreg s5  }
0x10: {  	s17 =	sadd.s32 s10, s16;
	[dreg:$0xd] =	wrdreg s15  }
0x11: {  	s18 =	sor.u32 $0x180800, s8;
	s2 =	sadd.s32 s13, s26;
	[dreg:$0xe] =	wrdreg s17  }
0x12: {  	s19 =	sadd.s32 s10, s18;
	[dreg:$0xf] =	wrdreg s2  }
0x13: {  	s20 =	sadd.s32 s10, s12;
	[dreg:$0x10] =	wrdreg s19  }
0x14: {  	s21 =	sadd.s32 s13, s16;
	[dreg:$0x12] =	wrdreg s20  }
0x15: {  	s22 =	sor.u32 $0x81000, s8;
	s23 =	sadd.s32 s13, s12;
	[dreg:$0x13] =	wrdreg s21  }
0x16: {  	s24 =	sadd.s32 s10, s22;
	[dreg:$0x15] =	wrdreg s23  }
0x17: {  	s3 =	sadd.s32 s13, s9;
	[dreg:$0x16] =	wrdreg s24  }
0x18: {  	s29 =	sor.u32 $0x181000, s8;
	s2 =	sadd.s32 s13, s18;
	[dreg:$0x11] =	wrdreg s3  }
0x19: {  	s16 =	sor.u32 $0x181800, s8;
	s31 =	sadd.s32 s10, s29;
	[dreg:$0x14] =	wrdreg s2  }
0x1a: {  	s17 =	sadd.s32 s10, s16;
	[dreg:$0x1a] =	wrdreg s31  }
0x1b: {  	s25 =	sor.u32 $0x101000, s8;
	s3 =	sadd.s32 s13, s22;
	[smem:$0x7DE] =	sst s17  }
0x1c: {  	s26 =	sadd.s32 s10, s25;
	[dreg:$0x17] =	wrdreg s3  }
0x1d: {  	s30 =	sor.u32 $0x1800, s8;
	s2 =	sadd.s32 s13, s25;
	[dreg:$0x18] =	wrdreg s26  }
0x1e: {  	s4 =	sadd.s32 s0, s30;
	[dreg:$0x19] =	wrdreg s2  }
0x1f: {  	s6 =	sor.u32 $0x81800, s8;
	s5 =	sadd.s32 s10, s30;
	[dreg:$0x1c] =	wrdreg s4  }
0x20: {  	s7 =	sor.u32 $0x101800, s8;
	s9 =	sadd.s32 s10, s6;
	[dreg:$0x1d] =	wrdreg s5  }
0x21: {  	s11 =	sadd.s32 s10, s7;
	[dreg:$0x1f] =	wrdreg s9  }
0x22: {  	s15 =	sor.u32 $0x2000, s8;
	s12 =	sadd.s32 s13, s7;
	[smem:$0x7DC] =	sst s11  }
0x23: {  	s18 =	sadd.s32 s0, s15;
	[smem:$0x7DD] =	sst s12  }
0x24: {  	s20 =	sor.u32 $0x82000, s8;
	s19 =	sadd.s32 s10, s15;
	[smem:$0x7E0] =	sst s18  }
0x25: {  	s24 =	sor.u32 $0x182000, s8;
	s21 =	sadd.s32 s10, s20;
	[smem:$0x7E1] =	sst s19  }
0x26: {  	s25 =	sadd.s32 s10, s24;
	[smem:$0x7E3] =	sst s21  }
0x27: {  	s3 =	sadd.s32 s13, s29;
	[smem:$0x7E7] =	sst s25  }
0x28: {  	s22 =	sor.u32 $0x102000, s8;
	s2 =	sadd.s32 s13, s30;
	[dreg:$0x1b] =	wrdreg s3  }
0x29: {  	s31 =	sor.u32 $0x82800, s8;
	s23 =	sadd.s32 s10, s22;
	[dreg:$0x1e] =	wrdreg s2  }
0x2a: {  	s7 =	sor.u32 $0x182800, s8;
	s4 =	sadd.s32 s10, s31;
	[smem:$0x7E5] =	sst s23  }
0x2b: {  	s28 =	simm.s32 $0x0;
	s9 =	sadd.s32 s10, s7;
	[smem:$0x7EC] =	sst s4  }
0x2c: {  	s14 =	smax.u32 s14, $0x1;
	s11 =	sadd.s32 s13, s7;
	[smem:$0x7F0] =	sst s9  }
0x2d: {  	s26 =	sor.u32 $0x2800, s8;
	s12 =	sadd.s32 s0, s8;
	[smem:$0x7F1] =	sst s11  }
0x2e: {  	s5 =	sor.u32 $0x102800, s8;
	s2 =	sadd.s32 s13, s6;
	[smem:$0x7F2] =	sst s12  }
0x2f: {  	s18 =	sor.u32 $0x83000, s8;
	s3 =	sadd.s32 s13, s16;
	[smem:$0x7DB] =	sst s2  }
0x30: {  	s21 =	sor.u32 $0x103000, s8;
	s29 =	sadd.s32 s0, s26;
	[smem:$0x7DF] =	sst s3  }
0x31: {  	s7 =	sadd.s32 s13, s8;
	s30 =	sadd.s32 s10, s26;
	[smem:$0x7E9] =	sst s29  }
0x32: {  	s6 =	sadd.s32 s10, s5;
	s16 =	sor.u32 $0x3800, s8;
	[smem:$0x7EA] =	sst s30  }
0x33: {  	s23 =	sadd.s32 s10, s21;
	s2 =	sadd.s32 s13, s15;
	[smem:$0x7EE] =	sst s6  }
0x34: {  	s3 =	sadd.s32 s13, s31;
	s15 =	sor.u32 $0x3000, s8;
	[smem:$0x7F9] =	sst s23  }
0x35: {  	s6 =	sadd.s32 s10, s8;
	s29 =	sor.u32 $0x83800, s8;
	[smem:$0x7E2] =	sst s2  }
0x36: {  	s30 =	sor.u32 $0x103800, s8;
	s2 =	sadd.s32 s13, s20;
	[smem:$0x7ED] =	sst s3  }
0x37: {  	s31 =	sor.u32 $0x183800, s8;
	s17 =	sadd.s32 s0, s15;
	[smem:$0x7E4] =	sst s2  }
0x38: {  	s23 =	simm.s32 $0x7;
	s0 =	sadd.s32 s0, s16;
	[smem:$0x7F3] =	sst s17  }
0x39: {  	s19 =	sadd.s32 s10, s15;
	s20 =	sadd.s32 s10, s18;
	[smem:$0x7F4] =	sst s0  }
0x3a: {  	s9 =	sadd.s32 s10, s30;
	s11 =	sadd.s32 s13, s29;
	[smem:$0x7F5] =	sst s19  }
0x3b: {  	s12 =	sadd.s32 s13, s30;
	s2 =	sadd.s32 s13, s22;
	[smem:$0x7F7] =	sst s20  }
0x3c: {  	s0 =	sadd.s32 s13, s18;
	s22 =	sor.u32 $0x183000, s8;
	s8 =	sadd.s32 s10, s29  }
0x3d: {  	s17 =	simm.s32 $0x4000;
	s18 =	simm.s32 $0x10000;
	[smem:$0x7E6] =	sst s2  }
0x3e: {  	s19 =	simm.s32 $0x1;
	s2 =	sadd.s32 s13, s24;
	[smem:$0x7F8] =	sst s0  }
0x3f: {  	s20 =	simm.s32 $0x3;
	s0 =	sadd.s32 s13, s21;
	[smem:$0x7E8] =	sst s2  }
0x40: {  	s24 =	sadd.s32 s10, s22;
	s25 =	sadd.s32 s13, s22;
	[smem:$0x7FA] =	sst s0  }
0x41: {  	s21 =	simm.s32 $0x6;
	s22 =	simm.s32 $0x4;
	[smem:$0x7FB] =	sst s24  }
0x42: {  	s2 =	sadd.s32 s13, s26;
	[smem:$0x7FC] =	sst s25;
	s26 =	sadd.s32 s10, s16  }
0x43: {  	s10 =	sadd.s32 s10, s31;
	s24 =	simm.s32 $0x5;
	[smem:$0x7EB] =	sst s2  }
0x44: {  	s25 =	simm.s32 $0x8;
	s2 =	sadd.s32 s13, s5;
	[smem:$0x7FD] =	sst s26  }
0x45: {  	s5 =	sadd.s32 s13, s16;
	[smem:$0x7EF] =	sst s2;
	s2 =	sadd.s32 s13, s15  }
0x46: {  	s16 =	simm.s32 $0xC000;
	s26 =	simm.s32 $0x2;
	[smem:$0x7F6] =	sst s2  }
0x47: {  	s13 =	sadd.s32 s13, s31;
	s15 =	simm.s32 $0x8000;
	_ =	strace $0x80000047  }
.LBB2_1:
0x48: {  	s0 =	sld [smem:$0x7F2];
	_ =	sdelay $0x2  }
0x49: {  	[tilespmem:s1], [sflag:$0x1] =	stream.linear.gather [hbm4b:s0+s1], $0x4000, $0x38;
	[tilespmem:$0x14000] =	vst v63  }
0x4a: {  	_ = 	snop  }
0x4b: {  	[tilespmem:s15], [sflag:$0x3] =	stream.linear.gather [hbm4b:s6+s1], $0x4000, $0x38;
	[tilespmem:$0x14000] =	vst v63  }
0x4c: {  	s2 =	rddreg [dreg:$0x4]  }
0x4d: {  	[tilespmem:s16], [sflag:$0x4] =	stream.linear.gather [hbm4b:s2+s1], $0x4000, $0x38;
	[tilespmem:$0x14000] =	vst v63  }
0x4e: {  	s3 =	rddreg [dreg:$0x5]  }
0x4f: {  	[tilespmem:s17], [sflag:$0x2] =	stream.linear.gather [hbm4b:s3+s1], $0x4000, $0x38;
	[tilespmem:$0x14000] =	vst v63  }
0x50: {  	s4 =	rddreg [dreg:$0x6]  }
0x51: {  	[tilespmem:s18], [sflag:$0x5] =	stream.linear.gather [hbm4b:s4+s1], $0x4000, $0x38;
	[tilespmem:$0x14000] =	vst v63  }
0x52: {  	_ =	swait.ge [sflag:s19], $0x4000  }
0x53: {  	[sflag:s19] =	ssyncset.done $0x0  }
0x54: {  	[sflag:s19] =	ssyncadd.s32 $0xFFFFC000  }
0x55: {  	_ =	swait.ge [sflag:s20], $0x4000  }
0x56: {  	s29 =	simm.s32 $0x0;
	[sflag:s20] =	ssyncset.done $0x0  }
0x57: {  	s30 =	simm.s32 $0x0;
	s31 =	simm.s32 $0x0;
	[sflag:s20] =	ssyncadd.s32 $0xFFFFC000  }
.LBB2_2:
0x58: {  	s0 =	sshll.u32 s30, $0x2;
	s2 =	sand.u32 $0x7, s29  }
0x59: {  	s0 =	sand.u32 $0xFFFF8000, s0;
	s2 =	sshll.u32 s2, $0x9  }
0x5a: {  	s0 =	sor.u32 s2, s0  }
0x5b: {  	s2 =	sshrl.u32 s0, $0x2  }
0x5c: {  	s0 =	sadd.s32 $0x8040, s2  }
0x5d: {  	s2 =	sor.u32 $0x40, s2;
	v1 =	vld [tilespmem:s0+$0x30]  }
0x5e: {  	v2 =	vld [tilespmem:s2+$0x30]  }
0x5f: {  	v0 =	vld [tilespmem:s2+$0xFFFFFFC0]  }
0x60: {  	v3 =	vld [tilespmem:s0+$0xFFFFFFD0]  }
0x61: {  	v4 =	vld [tilespmem:s2+$0xFFFFFFD0]  }
0x62: {  	v5 =	vld [tilespmem:s0+$0xFFFFFFE0]  }
0x63: {  	v6 =	vld [tilespmem:s2+$0xFFFFFFE0]  }
0x64: {  	v7 =	vld [tilespmem:s0+$0xFFFFFFF0]  }
0x65: {  	v8 =	vld [tilespmem:s2+$0xFFFFFFF0]  }
0x66: {  	v9 =	vld [tilespmem:s0+$0x0]  }
0x67: {  	v10 =	vld [tilespmem:s2+$0x0];
	v2 =	vadd.f32 v2, v1  }
0x68: {  	v4 =	vadd.f32 v4, v3;
	v1 =	vld [tilespmem:s0+$0x10]  }
0x69: {  	v5 =	vadd.f32 v6, v5;
	v3 =	vld [tilespmem:s2+$0x10];
	[tilespmem:s0+$0x30] =	vst v2  }
0x6a: {  	v6 =	vadd.f32 v8, v7;
	[tilespmem:s0+$0xFFFFFFD0] =	vst v4;
	v2 =	vld [tilespmem:s0+$0x20]  }
0x6b: {  	[tilespmem:s0+$0xFFFFFFE0] =	vst v5;
	v5 =	vld [tilespmem:s2+$0x20]  }
0x6c: {  	s3 =	simm.s32 $0x0;
	s4 =	sadd.s32 $0x400, s0;
	v4 =	vld [tilespmem:s0+$0xFFFFFFC0];
	[tilespmem:s0+$0xFFFFFFF0] =	vst v6;
	v6 =	vadd.f32 v10, v9  }
.LBB2_3:
0x6d: {  	v7 =	vld [tilespmem:s4+$0x30];
	s2 =	sadd.s32 $0x400, s2  }
0x6e: {  	s3 =	sadd.s32 $0x80, s3;
	v8 =	vld [tilespmem:s2+$0x30];
	[tilespmem:s0+$0x0] =	vst v6;
	v1 =	vadd.f32 v3, v1  }
0x6f: {  	p0 =	slt.u32 s3, $0x380;
	v3 =	vld [tilespmem:s2+$0xFFFFFFC0]  }
0x70: {  	v6 =	vld [tilespmem:s4+$0xFFFFFFD0];
	[tilespmem:s0+$0x10] =	vst v1;
	v1 =	vadd.f32 v5, v2  }
0x71: {  	v2 =	vld [tilespmem:s2+$0xFFFFFFD0];
	v9 =	vadd.f32 v0, v4  }
0x72: {  	v4 =	vld [tilespmem:s4+$0xFFFFFFE0];
	[tilespmem:s0+$0x20] =	vst v1  }
0x73: {  	v1 =	vld [tilespmem:s2+$0xFFFFFFE0];
	v5 =	vadd.f32 v8, v7;
	[tilespmem:s0+$0xFFFFFFC0] =	vst v9;
	s0 =	smov.u32 s4  }
0x74: {  	v7 =	vld [tilespmem:s4+$0xFFFFFFF0];
	v0 =	vmov v3  }
0x75: {  	v8 =	vld [tilespmem:s2+$0xFFFFFFF0];
	[tilespmem:s4+$0x30] =	vst v5  }
0x76: {  	v2 =	vadd.f32 v2, v6;
	v6 =	vld [tilespmem:s4+$0x0]  }
0x77: {  	v9 =	vld [tilespmem:s2+$0x0]  }
.Ltmp0:
0x78: {  	[tilespmem:s4+$0xFFFFFFD0] =	vst v2;
	v2 =	vadd.f32 v1, v4;
	v1 =	vld [tilespmem:s4+$0x10];
	(pc) =	sbr.rel @p0 .LBB2_3-.Ltmp0, $4  }
0x79: {  	v3 =	vld [tilespmem:s2+$0x10]  }
0x7a: {  	[tilespmem:s4+$0xFFFFFFE0] =	vst v2;
	v7 =	vadd.f32 v8, v7;
	v2 =	vld [tilespmem:s4+$0x20]  }
0x7b: {  	v5 =	vld [tilespmem:s2+$0x20]  }
0x7c: {  	s4 =	sadd.s32 $0x400, s4;
	v4 =	vld [tilespmem:s0+$0xFFFFFFC0];
	[tilespmem:s0+$0xFFFFFFF0] =	vst v7;
	v6 =	vadd.f32 v9, v6  }
0x7d: {  	s31 =	sadd.s32 $0x1, s31  }
0x7e: {  	p0 =	sne.s32 s31, $0x10  }
.Ltmp1:
0x7f: {  	v1 =	vadd.f32 v3, v1;
	(pc) =	sbr.rel @p0 .LBB2_2-.Ltmp1, $4  }
0x80: {  	[tilespmem:s0+$0x0] =	vst v6;
	v2 =	vadd.f32 v5, v2  }
0x81: {  	[tilespmem:s0+$0x10] =	vst v1;
	v0 =	vadd.f32 v0, v4  }
0x82: {  	[tilespmem:s0+$0x20] =	vst v2  }
0x83: {  	s30 =	sadd.s32 $0x400, s30;
	s29 =	sadd.s32 $0x1, s29;
	[tilespmem:s0+$0xFFFFFFC0] =	vst v0  }
0x84: {  	s29 =	simm.s32 $0x0  }
0x85: {  	[hbm4b:s7+s29] =	stream.linear.scatter [tilespmem:s15], [sflag:$0x6], $0x4000, $0x38;
	[tilespmem:$0x14000] =	vst v63  }
0x86: {  	_ =	swait.ge [sflag:s21], $0x4000  }
0x87: {  	[sflag:s21] =	ssyncset.done $0x0  }
0x88: {  	s0 =	rddreg [dreg:$0x7];
	[sflag:s21] =	ssyncadd.s32 $0xFFFFC000  }
0x89: {  	[tilespmem:s15], [sflag:$0x3] =	stream.linear.gather [hbm4b:s0+s29], $0x4000, $0x38;
	[tilespmem:$0x14000] =	vst v63  }
0x8a: {  	_ =	swait.ge [sflag:s22], $0x4000  }
0x8b: {  	[sflag:s22] =	ssyncset.done $0x0  }
0x8c: {  	s30 =	simm.s32 $0x0;
	s31 =	simm.s32 $0x0;
	[sflag:s22] =	ssyncadd.s32 $0xFFFFC000  }
.LBB2_6:
0x8d: {  	s0 =	sshll.u32 s30, $0x2;
	s2 =	sand.u32 $0x7, s29  }
0x8e: {  	s0 =	sand.u32 $0xFFFF8000, s0;
	s2 =	sshll.u32 s2, $0x9  }
0x8f: {  	s0 =	sor.u32 s2, s0  }
0x90: {  	s2 =	sshrl.u32 s0, $0x2  }
0x91: {  	s0 =	sadd.s32 $0xC040, s2  }
0x92: {  	s2 =	sor.u32 $0x40, s2;
	v1 =	vld [tilespmem:s0+$0x30]  }
0x93: {  	v2 =	vld [tilespmem:s2+$0x30]  }
0x94: {  	v0 =	vld [tilespmem:s2+$0xFFFFFFC0]  }
0x95: {  	v3 =	vld [tilespmem:s0+$0xFFFFFFD0]  }
0x96: {  	v4 =	vld [tilespmem:s2+$0xFFFFFFD0]  }
0x97: {  	v5 =	vld [tilespmem:s0+$0xFFFFFFE0]  }
0x98: {  	v6 =	vld [tilespmem:s2+$0xFFFFFFE0]  }
0x99: {  	v7 =	vld [tilespmem:s0+$0xFFFFFFF0]  }
0x9a: {  	v8 =	vld [tilespmem:s2+$0xFFFFFFF0]  }
0x9b: {  	v9 =	vld [tilespmem:s0+$0x0]  }
0x9c: {  	v10 =	vld [tilespmem:s2+$0x0];
	v2 =	vadd.f32 v2, v1  }
0x9d: {  	v4 =	vadd.f32 v4, v3;
	v1 =	vld [tilespmem:s0+$0x10]  }
0x9e: {  	v5 =	vadd.f32 v6, v5;
	v3 =	vld [tilespmem:s2+$0x10];
	[tilespmem:s0+$0x30] =	vst v2  }
0x9f: {  	v6 =	vadd.f32 v8, v7;
	[tilespmem:s0+$0xFFFFFFD0] =	vst v4;
	v2 =	vld [tilespmem:s0+$0x20]  }
0xa0: {  	[tilespmem:s0+$0xFFFFFFE0] =	vst v5;
	v5 =	vld [tilespmem:s2+$0x20]  }
0xa1: {  	s3 =	simm.s32 $0x0;
	s4 =	sadd.s32 $0x400, s0;
	v4 =	vld [tilespmem:s0+$0xFFFFFFC0];
	[tilespmem:s0+$0xFFFFFFF0] =	vst v6;
	v6 =	vadd.f32 v10, v9  }
.LBB2_7:
0xa2: {  	v7 =	vld [tilespmem:s4+$0x30];
	s2 =	sadd.s32 $0x400, s2  }
0xa3: {  	s3 =	sadd.s32 $0x80, s3;
	v8 =	vld [tilespmem:s2+$0x30];
	[tilespmem:s0+$0x0] =	vst v6;
	v1 =	vadd.f32 v3, v1  }
0xa4: {  	p0 =	slt.u32 s3, $0x380;
	v3 =	vld [tilespmem:s2+$0xFFFFFFC0]  }
0xa5: {  	v6 =	vld [tilespmem:s4+$0xFFFFFFD0];
	[tilespmem:s0+$0x10] =	vst v1;
	v1 =	vadd.f32 v5, v2  }
0xa6: {  	v2 =	vld [tilespmem:s2+$0xFFFFFFD0];
	v9 =	vadd.f32 v0, v4  }
0xa7: {  	v4 =	vld [tilespmem:s4+$0xFFFFFFE0];
	[tilespmem:s0+$0x20] =	vst v1  }
0xa8: {  	v1 =	vld [tilespmem:s2+$0xFFFFFFE0];
	v5 =	vadd.f32 v8, v7;
	[tilespmem:s0+$0xFFFFFFC0] =	vst v9;
	s0 =	smov.u32 s4  }
0xa9: {  	v7 =	vld [tilespmem:s4+$0xFFFFFFF0];
	v0 =	vmov v3  }
0xaa: {  	v8 =	vld [tilespmem:s2+$0xFFFFFFF0];
	[tilespmem:s4+$0x30] =	vst v5  }
0xab: {  	v2 =	vadd.f32 v2, v6;
	v6 =	vld [tilespmem:s4+$0x0]  }
0xac: {  	v9 =	vld [tilespmem:s2+$0x0]  }
.Ltmp2:
0xad: {  	[tilespmem:s4+$0xFFFFFFD0] =	vst v2;
	v2 =	vadd.f32 v1, v4;
	v1 =	vld [tilespmem:s4+$0x10];
	(pc) =	sbr.rel @p0 .LBB2_7-.Ltmp2, $4  }
0xae: {  	v3 =	vld [tilespmem:s2+$0x10]  }
0xaf: {  	[tilespmem:s4+$0xFFFFFFE0] =	vst v2;
	v7 =	vadd.f32 v8, v7;
	v2 =	vld [tilespmem:s4+$0x20]  }
0xb0: {  	v5 =	vld [tilespmem:s2+$0x20]  }
0xb1: {  	s4 =	sadd.s32 $0x400, s4;
	v4 =	vld [tilespmem:s0+$0xFFFFFFC0];
	[tilespmem:s0+$0xFFFFFFF0] =	vst v7;
	v6 =	vadd.f32 v9, v6  }
0xb2: {  	s31 =	sadd.s32 $0x1, s31  }
0xb3: {  	p0 =	sne.s32 s31, $0x10  }
.Ltmp3:
0xb4: {  	v1 =	vadd.f32 v3, v1;
	(pc) =	sbr.rel @p0 .LBB2_6-.Ltmp3, $4  }
0xb5: {  	[tilespmem:s0+$0x0] =	vst v6;
	v2 =	vadd.f32 v5, v2  }
0xb6: {  	[tilespmem:s0+$0x10] =	vst v1;
	v0 =	vadd.f32 v0, v4  }
0xb7: {  	[tilespmem:s0+$0x20] =	vst v2  }
0xb8: {  	s30 =	sadd.s32 $0x400, s30;
	s29 =	sadd.s32 $0x1, s29;
	[tilespmem:s0+$0xFFFFFFC0] =	vst v0  }
0xb9: {  	s29 =	simm.s32 $0x0;
	s0 =	rddreg [dreg:$0x8]  }
0xba: {  	[hbm4b:s0+s29] =	stream.linear.scatter [tilespmem:s16], [sflag:$0x7], $0x4000, $0x38;
	[tilespmem:$0x14000] =	vst v63  }
0xbb: {  	_ =	swait.ge [sflag:s23], $0x4000  }
0xbc: {  	[sflag:s23] =	ssyncset.done $0x0  }
0xbd: {  	s4 =	rddreg [dreg:$0x9];
	[sflag:s23] =	ssyncadd.s32 $0xFFFFC000  }
0xbe: {  	[tilespmem:s16], [sflag:$0x4] =	stream.linear.gather [hbm4b:s4+s29], $0x4000, $0x38;
	[tilespmem:$0x14000] =	vst v63  }
0xbf: {  	_ =	swait.ge [sflag:s24], $0x4000  }
0xc0: {  	[sflag:s24] =	ssyncset.done $0x0  }
0xc1: {  	s30 =	simm.s32 $0x0;
	s31 =	simm.s32 $0x0;
	[sflag:s24] =	ssyncadd.s32 $0xFFFFC000  }
.LBB2_10:
0xc2: {  	s0 =	sshll.u32 s30, $0x2;
	s2 =	sand.u32 $0x7, s29  }
0xc3: {  	s0 =	sand.u32 $0xFFFF8000, s0;
	s2 =	sshll.u32 s2, $0x9  }
0xc4: {  	s0 =	sor.u32 s2, s0  }
0xc5: {  	s2 =	sshrl.u32 s0, $0x2  }
0xc6: {  	s0 =	sadd.s32 $0x10040, s2  }
0xc7: {  	s2 =	sor.u32 $0x40, s2;
	v1 =	vld [tilespmem:s0+$0x30]  }
0xc8: {  	v2 =	vld [tilespmem:s2+$0x30]  }
0xc9: {  	v0 =	vld [tilespmem:s2+$0xFFFFFFC0]  }
0xca: {  	v3 =	vld [tilespmem:s0+$0xFFFFFFD0]  }
0xcb: {  	v4 =	vld [tilespmem:s2+$0xFFFFFFD0]  }
0xcc: {  	v5 =	vld [tilespmem:s0+$0xFFFFFFE0]  }
0xcd: {  	v6 =	vld [tilespmem:s2+$0xFFFFFFE0]  }
0xce: {  	v7 =	vld [tilespmem:s0+$0xFFFFFFF0]  }
0xcf: {  	v8 =	vld [tilespmem:s2+$0xFFFFFFF0]  }
0xd0: {  	v9 =	vld [tilespmem:s0+$0x0]  }
0xd1: {  	v10 =	vld [tilespmem:s2+$0x0];
	v2 =	vadd.f32 v2, v1  }
0xd2: {  	v4 =	vadd.f32 v4, v3;
	v1 =	vld [tilespmem:s0+$0x10]  }
0xd3: {  	v5 =	vadd.f32 v6, v5;
	v3 =	vld [tilespmem:s2+$0x10];
	[tilespmem:s0+$0x30] =	vst v2  }
0xd4: {  	v6 =	vadd.f32 v8, v7;
	[tilespmem:s0+$0xFFFFFFD0] =	vst v4;
	v2 =	vld [tilespmem:s0+$0x20]  }
0xd5: {  	[tilespmem:s0+$0xFFFFFFE0] =	vst v5;
	v5 =	vld [tilespmem:s2+$0x20]  }
0xd6: {  	s3 =	simm.s32 $0x0;
	s4 =	sadd.s32 $0x400, s0;
	v4 =	vld [tilespmem:s0+$0xFFFFFFC0];
	[tilespmem:s0+$0xFFFFFFF0] =	vst v6;
	v6 =	vadd.f32 v10, v9  }
.LBB2_11:
0xd7: {  	v7 =	vld [tilespmem:s4+$0x30];
	s2 =	sadd.s32 $0x400, s2  }
0xd8: {  	s3 =	sadd.s32 $0x80, s3;
	v8 =	vld [tilespmem:s2+$0x30];
	[tilespmem:s0+$0x0] =	vst v6;
	v1 =	vadd.f32 v3, v1  }
0xd9: {  	p0 =	slt.u32 s3, $0x380;
	v3 =	vld [tilespmem:s2+$0xFFFFFFC0]  }
0xda: {  	v6 =	vld [tilespmem:s4+$0xFFFFFFD0];
	[tilespmem:s0+$0x10] =	vst v1;
	v1 =	vadd.f32 v5, v2  }
0xdb: {  	v2 =	vld [tilespmem:s2+$0xFFFFFFD0];
	v9 =	vadd.f32 v0, v4  }
0xdc: {  	v4 =	vld [tilespmem:s4+$0xFFFFFFE0];
	[tilespmem:s0+$0x20] =	vst v1  }
0xdd: {  	v1 =	vld [tilespmem:s2+$0xFFFFFFE0];
	v5 =	vadd.f32 v8, v7;
	[tilespmem:s0+$0xFFFFFFC0] =	vst v9;
	s0 =	smov.u32 s4  }
0xde: {  	v7 =	vld [tilespmem:s4+$0xFFFFFFF0];
	v0 =	vmov v3  }
0xdf: {  	v8 =	vld [tilespmem:s2+$0xFFFFFFF0];
	[tilespmem:s4+$0x30] =	vst v5  }
0xe0: {  	v2 =	vadd.f32 v2, v6;
	v6 =	vld [tilespmem:s4+$0x0]  }
0xe1: {  	v9 =	vld [tilespmem:s2+$0x0]  }
.Ltmp4:
0xe2: {  	[tilespmem:s4+$0xFFFFFFD0] =	vst v2;
	v2 =	vadd.f32 v1, v4;
	v1 =	vld [tilespmem:s4+$0x10];
	(pc) =	sbr.rel @p0 .LBB2_11-.Ltmp4, $4  }
0xe3: {  	v3 =	vld [tilespmem:s2+$0x10]  }
0xe4: {  	[tilespmem:s4+$0xFFFFFFE0] =	vst v2;
	v7 =	vadd.f32 v8, v7;
	v2 =	vld [tilespmem:s4+$0x20]  }
0xe5: {  	v5 =	vld [tilespmem:s2+$0x20]  }
0xe6: {  	s4 =	sadd.s32 $0x400, s4;
	v4 =	vld [tilespmem:s0+$0xFFFFFFC0];
	[tilespmem:s0+$0xFFFFFFF0] =	vst v7;
	v6 =	vadd.f32 v9, v6  }
0xe7: {  	s31 =	sadd.s32 $0x1, s31  }
0xe8: {  	p0 =	sne.s32 s31, $0x10  }
.Ltmp5:
0xe9: {  	v1 =	vadd.f32 v3, v1;
	(pc) =	sbr.rel @p0 .LBB2_10-.Ltmp5, $4  }
0xea: {  	[tilespmem:s0+$0x0] =	vst v6;
	v2 =	vadd.f32 v5, v2  }
0xeb: {  	[tilespmem:s0+$0x10] =	vst v1;
	v0 =	vadd.f32 v0, v4  }
0xec: {  	[tilespmem:s0+$0x20] =	vst v2  }
0xed: {  	s30 =	sadd.s32 $0x400, s30;
	s29 =	sadd.s32 $0x1, s29;
	[tilespmem:s0+$0xFFFFFFC0] =	vst v0  }
0xee: {  	s29 =	simm.s32 $0x0;
	s0 =	rddreg [dreg:$0xa]  }
0xef: {  	[hbm4b:s0+s29] =	stream.linear.scatter [tilespmem:s18], [sflag:$0x8], $0x4000, $0x38;
	[tilespmem:$0x14000] =	vst v63  }
0xf0: {  	_ =	swait.ge [sflag:s25], $0x4000  }
0xf1: {  	[sflag:s25] =	ssyncset.done $0x0  }
0xf2: {  	s4 =	rddreg [dreg:$0xb];
	[sflag:s25] =	ssyncadd.s32 $0xFFFFC000  }
0xf3: {  	[tilespmem:s18], [sflag:$0x5] =	stream.linear.gather [hbm4b:s4+s29], $0x4000, $0x38;
	[tilespmem:$0x14000] =	vst v63  }
0xf4: {  	_ =	swait.ge [sflag:s20], $0x4000  }
0xf5: {  	[sflag:s20] =	ssyncset.done $0x0  }
0xf6: {  	s30 =	simm.s32 $0x0;
	s31 =	simm.s32 $0x0;
	[sflag:s20] =	ssyncadd.s32 $0xFFFFC000  }
.LBB2_14:
0xf7: {  	s0 =	sshll.u32 s30, $0x2;
	s2 =	sand.u32 $0x7, s29  }
0xf8: {  	s0 =	sand.u32 $0xFFFF8000, s0;
	s2 =	sshll.u32 s2, $0x9  }
0xf9: {  	s0 =	sor.u32 s2, s0  }
0xfa: {  	s2 =	sshrl.u32 s0, $0x2  }
0xfb: {  	s0 =	sadd.s32 $0x8040, s2  }
0xfc: {  	s2 =	sor.u32 $0x40, s2;
	v1 =	vld [tilespmem:s0+$0x30]  }
0xfd: {  	v2 =	vld [tilespmem:s2+$0x30]  }
0xfe: {  	v0 =	vld [tilespmem:s2+$0xFFFFFFC0]  }
0xff: {  	v3 =	vld [tilespmem:s0+$0xFFFFFFD0]  }
0x100: {  	v4 =	vld [tilespmem:s2+$0xFFFFFFD0]  }
0x101: {  	v5 =	vld [tilespmem:s0+$0xFFFFFFE0]  }
0x102: {  	v6 =	vld [tilespmem:s2+$0xFFFFFFE0]  }
0x103: {  	v7 =	vld [tilespmem:s0+$0xFFFFFFF0]  }
0x104: {  	v8 =	vld [tilespmem:s2+$0xFFFFFFF0]  }
0x105: {  	v9 =	vld [tilespmem:s0+$0x0]  }
0x106: {  	v10 =	vld [tilespmem:s2+$0x0];
	v2 =	vadd.f32 v2, v1  }
0x107: {  	v4 =	vadd.f32 v4, v3;
	v1 =	vld [tilespmem:s0+$0x10]  }
0x108: {  	v5 =	vadd.f32 v6, v5;
	v3 =	vld [tilespmem:s2+$0x10];
	[tilespmem:s0+$0x30] =	vst v2  }
0x109: {  	v6 =	vadd.f32 v8, v7;
	[tilespmem:s0+$0xFFFFFFD0] =	vst v4;
	v2 =	vld [tilespmem:s0+$0x20]  }
0x10a: {  	[tilespmem:s0+$0xFFFFFFE0] =	vst v5;
	v5 =	vld [tilespmem:s2+$0x20]  }
0x10b: {  	s3 =	simm.s32 $0x0;
	s4 =	sadd.s32 $0x400, s0;
	v4 =	vld [tilespmem:s0+$0xFFFFFFC0];
	[tilespmem:s0+$0xFFFFFFF0] =	vst v6;
	v6 =	vadd.f32 v10, v9  }
.LBB2_15:
0x10c: {  	v7 =	vld [tilespmem:s4+$0x30];
	s2 =	sadd.s32 $0x400, s2  }
0x10d: {  	s3 =	sadd.s32 $0x80, s3;
	v8 =	vld [tilespmem:s2+$0x30];
	[tilespmem:s0+$0x0] =	vst v6;
	v1 =	vadd.f32 v3, v1  }
0x10e: {  	p0 =	slt.u32 s3, $0x380;
	v3 =	vld [tilespmem:s2+$0xFFFFFFC0]  }
0x10f: {  	v6 =	vld [tilespmem:s4+$0xFFFFFFD0];
	[tilespmem:s0+$0x10] =	vst v1;
	v1 =	vadd.f32 v5, v2  }
0x110: {  	v2 =	vld [tilespmem:s2+$0xFFFFFFD0];
	v9 =	vadd.f32 v0, v4  }
0x111: {  	v4 =	vld [tilespmem:s4+$0xFFFFFFE0];
	[tilespmem:s0+$0x20] =	vst v1  }
0x112: {  	v1 =	vld [tilespmem:s2+$0xFFFFFFE0];
	v5 =	vadd.f32 v8, v7;
	[tilespmem:s0+$0xFFFFFFC0] =	vst v9;
	s0 =	smov.u32 s4  }
0x113: {  	v7 =	vld [tilespmem:s4+$0xFFFFFFF0];
	v0 =	vmov v3  }
0x114: {  	v8 =	vld [tilespmem:s2+$0xFFFFFFF0];
	[tilespmem:s4+$0x30] =	vst v5  }
0x115: {  	v2 =	vadd.f32 v2, v6;
	v6 =	vld [tilespmem:s4+$0x0]  }
0x116: {  	v9 =	vld [tilespmem:s2+$0x0]  }
.Ltmp6:
0x117: {  	[tilespmem:s4+$0xFFFFFFD0] =	vst v2;
	v2 =	vadd.f32 v1, v4;
	v1 =	vld [tilespmem:s4+$0x10];
	(pc) =	sbr.rel @p0 .LBB2_15-.Ltmp6, $4  }
0x118: {  	v3 =	vld [tilespmem:s2+$0x10]  }
0x119: {  	[tilespmem:s4+$0xFFFFFFE0] =	vst v2;
	v7 =	vadd.f32 v8, v7;
	v2 =	vld [tilespmem:s4+$0x20]  }
0x11a: {  	v5 =	vld [tilespmem:s2+$0x20]  }
0x11b: {  	s4 =	sadd.s32 $0x400, s4;
	v4 =	vld [tilespmem:s0+$0xFFFFFFC0];
	[tilespmem:s0+$0xFFFFFFF0] =	vst v7;
	v6 =	vadd.f32 v9, v6  }
0x11c: {  	s31 =	sadd.s32 $0x1, s31  }
0x11d: {  	p0 =	sne.s32 s31, $0x10  }
.Ltmp7:
0x11e: {  	v1 =	vadd.f32 v3, v1;
	(pc) =	sbr.rel @p0 .LBB2_14-.Ltmp7, $4  }
0x11f: {  	[tilespmem:s0+$0x0] =	vst v6;
	v2 =	vadd.f32 v5, v2  }
0x120: {  	[tilespmem:s0+$0x10] =	vst v1;
	v0 =	vadd.f32 v0, v4  }
0x121: {  	[tilespmem:s0+$0x20] =	vst v2  }
0x122: {  	s30 =	sadd.s32 $0x400, s30;
	s29 =	sadd.s32 $0x1, s29;
	[tilespmem:s0+$0xFFFFFFC0] =	vst v0  }
0x123: {  	s29 =	simm.s32 $0x0;
	s0 =	rddreg [dreg:$0xc]  }
0x124: {  	[hbm4b:s0+s29] =	stream.linear.scatter [tilespmem:s15], [sflag:$0x6], $0x4000, $0x38;
	[tilespmem:$0x14000] =	vst v63  }
0x125: {  	s3 =	rddreg [dreg:$0xd]  }
0x126: {  	[tilespmem:s29], [sflag:$0x1] =	stream.linear.gather [hbm4b:s3+s29], $0x4000, $0x38;
	[tilespmem:$0x14000] =	vst v63  }
0x127: {  	_ =	swait.ge [sflag:s21], $0x4000  }
0x128: {  	[sflag:s21] =	ssyncset.done $0x0  }
0x129: {  	s4 =	rddreg [dreg:$0xe];
	[sflag:s21] =	ssyncadd.s32 $0xFFFFC000  }
0x12a: {  	[tilespmem:s15], [sflag:$0x3] =	stream.linear.gather [hbm4b:s4+s29], $0x4000, $0x38;
	[tilespmem:$0x14000] =	vst v63  }
0x12b: {  	_ =	swait.ge [sflag:s26], $0x4000  }
0x12c: {  	[sflag:s26] =	ssyncset.done $0x0  }
0x12d: {  	[sflag:s26] =	ssyncadd.s32 $0xFFFFC000  }
0x12e: {  	_ =	swait.ge [sflag:s22], $0x4000  }
0x12f: {  	[sflag:s22] =	ssyncset.done $0x0  }
0x130: {  	s30 =	simm.s32 $0x0;
	s31 =	simm.s32 $0x0;
	[sflag:s22] =	ssyncadd.s32 $0xFFFFC000  }
.LBB2_18:
0x131: {  	s0 =	sshll.u32 s30, $0x2;
	s2 =	sand.u32 $0x7, s29  }
0x132: {  	s0 =	sand.u32 $0xFFFF8000, s0;
	s2 =	sshll.u32 s2, $0x9  }
0x133: {  	s0 =	sor.u32 s2, s0  }
0x134: {  	s2 =	sshrl.u32 s0, $0x2  }
0x135: {  	s0 =	sadd.s32 $0xC040, s2  }
0x136: {  	s2 =	sadd.s32 $0x4040, s2;
	v1 =	vld [tilespmem:s0+$0x30]  }
0x137: {  	v2 =	vld [tilespmem:s2+$0x30]  }
0x138: {  	v0 =	vld [tilespmem:s2+$0xFFFFFFC0]  }
0x139: {  	v3 =	vld [tilespmem:s0+$0xFFFFFFD0]  }
0x13a: {  	v4 =	vld [tilespmem:s2+$0xFFFFFFD0]  }
0x13b: {  	v5 =	vld [tilespmem:s0+$0xFFFFFFE0]  }
0x13c: {  	v6 =	vld [tilespmem:s2+$0xFFFFFFE0]  }
0x13d: {  	v7 =	vld [tilespmem:s0+$0xFFFFFFF0]  }
0x13e: {  	v8 =	vld [tilespmem:s2+$0xFFFFFFF0]  }
0x13f: {  	v9 =	vld [tilespmem:s0+$0x0]  }
0x140: {  	v10 =	vld [tilespmem:s2+$0x0];
	v2 =	vadd.f32 v2, v1  }
0x141: {  	v4 =	vadd.f32 v4, v3;
	v1 =	vld [tilespmem:s0+$0x10]  }
0x142: {  	v5 =	vadd.f32 v6, v5;
	v3 =	vld [tilespmem:s2+$0x10];
	[tilespmem:s0+$0x30] =	vst v2  }
0x143: {  	v6 =	vadd.f32 v8, v7;
	[tilespmem:s0+$0xFFFFFFD0] =	vst v4;
	v2 =	vld [tilespmem:s0+$0x20]  }
0x144: {  	[tilespmem:s0+$0xFFFFFFE0] =	vst v5;
	v5 =	vld [tilespmem:s2+$0x20]  }
0x145: {  	s3 =	simm.s32 $0x0;
	s4 =	sadd.s32 $0x400, s0;
	v4 =	vld [tilespmem:s0+$0xFFFFFFC0];
	[tilespmem:s0+$0xFFFFFFF0] =	vst v6;
	v6 =	vadd.f32 v10, v9  }
.LBB2_19:
0x146: {  	v7 =	vld [tilespmem:s4+$0x30];
	s2 =	sadd.s32 $0x400, s2  }
0x147: {  	s3 =	sadd.s32 $0x80, s3;
	v8 =	vld [tilespmem:s2+$0x30];
	[tilespmem:s0+$0x0] =	vst v6;
	v1 =	vadd.f32 v3, v1  }
0x148: {  	p0 =	slt.u32 s3, $0x380;
	v3 =	vld [tilespmem:s2+$0xFFFFFFC0]  }
0x149: {  	v6 =	vld [tilespmem:s4+$0xFFFFFFD0];
	[tilespmem:s0+$0x10] =	vst v1;
	v1 =	vadd.f32 v5, v2  }
0x14a: {  	v2 =	vld [tilespmem:s2+$0xFFFFFFD0];
	v9 =	vadd.f32 v0, v4  }
0x14b: {  	v4 =	vld [tilespmem:s4+$0xFFFFFFE0];
	[tilespmem:s0+$0x20] =	vst v1  }
0x14c: {  	v1 =	vld [tilespmem:s2+$0xFFFFFFE0];
	v5 =	vadd.f32 v8, v7;
	[tilespmem:s0+$0xFFFFFFC0] =	vst v9;
	s0 =	smov.u32 s4  }
0x14d: {  	v7 =	vld [tilespmem:s4+$0xFFFFFFF0];
	v0 =	vmov v3  }
0x14e: {  	v8 =	vld [tilespmem:s2+$0xFFFFFFF0];
	[tilespmem:s4+$0x30] =	vst v5  }
0x14f: {  	v2 =	vadd.f32 v2, v6;
	v6 =	vld [tilespmem:s4+$0x0]  }
0x150: {  	v9 =	vld [tilespmem:s2+$0x0]  }
.Ltmp8:
0x151: {  	[tilespmem:s4+$0xFFFFFFD0] =	vst v2;
	v2 =	vadd.f32 v1, v4;
	v1 =	vld [tilespmem:s4+$0x10];
	(pc) =	sbr.rel @p0 .LBB2_19-.Ltmp8, $4  }
0x152: {  	v3 =	vld [tilespmem:s2+$0x10]  }
0x153: {  	[tilespmem:s4+$0xFFFFFFE0] =	vst v2;
	v7 =	vadd.f32 v8, v7;
	v2 =	vld [tilespmem:s4+$0x20]  }
0x154: {  	v5 =	vld [tilespmem:s2+$0x20]  }
0x155: {  	s4 =	sadd.s32 $0x400, s4;
	v4 =	vld [tilespmem:s0+$0xFFFFFFC0];
	[tilespmem:s0+$0xFFFFFFF0] =	vst v7;
	v6 =	vadd.f32 v9, v6  }
0x156: {  	s31 =	sadd.s32 $0x1, s31  }
0x157: {  	p0 =	sne.s32 s31, $0x10  }
.Ltmp9:
0x158: {  	v1 =	vadd.f32 v3, v1;
	(pc) =	sbr.rel @p0 .LBB2_18-.Ltmp9, $4  }
0x159: {  	[tilespmem:s0+$0x0] =	vst v6;
	v2 =	vadd.f32 v5, v2  }
0x15a: {  	[tilespmem:s0+$0x10] =	vst v1;
	v0 =	vadd.f32 v0, v4  }
0x15b: {  	[tilespmem:s0+$0x20] =	vst v2  }
0x15c: {  	s30 =	sadd.s32 $0x400, s30;
	s29 =	sadd.s32 $0x1, s29;
	[tilespmem:s0+$0xFFFFFFC0] =	vst v0  }
0x15d: {  	s29 =	simm.s32 $0x0;
	s0 =	rddreg [dreg:$0xf]  }
0x15e: {  	[hbm4b:s0+s29] =	stream.linear.scatter [tilespmem:s16], [sflag:$0x7], $0x4000, $0x38;
	[tilespmem:$0x14000] =	vst v63  }
0x15f: {  	_ =	swait.ge [sflag:s23], $0x4000  }
0x160: {  	[sflag:s23] =	ssyncset.done $0x0  }
0x161: {  	s4 =	rddreg [dreg:$0x10];
	[sflag:s23] =	ssyncadd.s32 $0xFFFFC000  }
0x162: {  	[tilespmem:s16], [sflag:$0x4] =	stream.linear.gather [hbm4b:s4+s29], $0x4000, $0x38;
	[tilespmem:$0x14000] =	vst v63  }
0x163: {  	_ =	swait.ge [sflag:s24], $0x4000  }
0x164: {  	[sflag:s24] =	ssyncset.done $0x0  }
0x165: {  	s30 =	simm.s32 $0x0;
	s31 =	simm.s32 $0x0;
	[sflag:s24] =	ssyncadd.s32 $0xFFFFC000  }
.LBB2_22:
0x166: {  	s0 =	sshll.u32 s30, $0x2;
	s2 =	sand.u32 $0x7, s29  }
0x167: {  	s0 =	sand.u32 $0xFFFF8000, s0;
	s2 =	sshll.u32 s2, $0x9  }
0x168: {  	s0 =	sor.u32 s2, s0  }
0x169: {  	s2 =	sshrl.u32 s0, $0x2  }
0x16a: {  	s0 =	sadd.s32 $0x10040, s2  }
0x16b: {  	s2 =	sadd.s32 $0x4040, s2;
	v1 =	vld [tilespmem:s0+$0x30]  }
0x16c: {  	v2 =	vld [tilespmem:s2+$0x30]  }
0x16d: {  	v0 =	vld [tilespmem:s2+$0xFFFFFFC0]  }
0x16e: {  	v3 =	vld [tilespmem:s0+$0xFFFFFFD0]  }
0x16f: {  	v4 =	vld [tilespmem:s2+$0xFFFFFFD0]  }
0x170: {  	v5 =	vld [tilespmem:s0+$0xFFFFFFE0]  }
0x171: {  	v6 =	vld [tilespmem:s2+$0xFFFFFFE0]  }
0x172: {  	v7 =	vld [tilespmem:s0+$0xFFFFFFF0]  }
0x173: {  	v8 =	vld [tilespmem:s2+$0xFFFFFFF0]  }
0x174: {  	v9 =	vld [tilespmem:s0+$0x0]  }
0x175: {  	v10 =	vld [tilespmem:s2+$0x0];
	v2 =	vadd.f32 v2, v1  }
0x176: {  	v4 =	vadd.f32 v4, v3;
	v1 =	vld [tilespmem:s0+$0x10]  }
0x177: {  	v5 =	vadd.f32 v6, v5;
	v3 =	vld [tilespmem:s2+$0x10];
	[tilespmem:s0+$0x30] =	vst v2  }
0x178: {  	v6 =	vadd.f32 v8, v7;
	[tilespmem:s0+$0xFFFFFFD0] =	vst v4;
	v2 =	vld [tilespmem:s0+$0x20]  }
0x179: {  	[tilespmem:s0+$0xFFFFFFE0] =	vst v5;
	v5 =	vld [tilespmem:s2+$0x20]  }
0x17a: {  	s3 =	simm.s32 $0x0;
	s4 =	sadd.s32 $0x400, s0;
	v4 =	vld [tilespmem:s0+$0xFFFFFFC0];
	[tilespmem:s0+$0xFFFFFFF0] =	vst v6;
	v6 =	vadd.f32 v10, v9  }
.LBB2_23:
0x17b: {  	v7 =	vld [tilespmem:s4+$0x30];
	s2 =	sadd.s32 $0x400, s2  }
0x17c: {  	s3 =	sadd.s32 $0x80, s3;
	v8 =	vld [tilespmem:s2+$0x30];
	[tilespmem:s0+$0x0] =	vst v6;
	v1 =	vadd.f32 v3, v1  }
0x17d: {  	p0 =	slt.u32 s3, $0x380;
	v3 =	vld [tilespmem:s2+$0xFFFFFFC0]  }
0x17e: {  	v6 =	vld [tilespmem:s4+$0xFFFFFFD0];
	[tilespmem:s0+$0x10] =	vst v1;
	v1 =	vadd.f32 v5, v2  }
0x17f: {  	v2 =	vld [tilespmem:s2+$0xFFFFFFD0];
	v9 =	vadd.f32 v0, v4  }
0x180: {  	v4 =	vld [tilespmem:s4+$0xFFFFFFE0];
	[tilespmem:s0+$0x20] =	vst v1  }
0x181: {  	v1 =	vld [tilespmem:s2+$0xFFFFFFE0];
	v5 =	vadd.f32 v8, v7;
	[tilespmem:s0+$0xFFFFFFC0] =	vst v9;
	s0 =	smov.u32 s4  }
0x182: {  	v7 =	vld [tilespmem:s4+$0xFFFFFFF0];
	v0 =	vmov v3  }
0x183: {  	v8 =	vld [tilespmem:s2+$0xFFFFFFF0];
	[tilespmem:s4+$0x30] =	vst v5  }
0x184: {  	v2 =	vadd.f32 v2, v6;
	v6 =	vld [tilespmem:s4+$0x0]  }
0x185: {  	v9 =	vld [tilespmem:s2+$0x0]  }
.Ltmp10:
0x186: {  	[tilespmem:s4+$0xFFFFFFD0] =	vst v2;
	v2 =	vadd.f32 v1, v4;
	v1 =	vld [tilespmem:s4+$0x10];
	(pc) =	sbr.rel @p0 .LBB2_23-.Ltmp10, $4  }
0x187: {  	v3 =	vld [tilespmem:s2+$0x10]  }
0x188: {  	[tilespmem:s4+$0xFFFFFFE0] =	vst v2;
	v7 =	vadd.f32 v8, v7;
	v2 =	vld [tilespmem:s4+$0x20]  }
0x189: {  	v5 =	vld [tilespmem:s2+$0x20]  }
0x18a: {  	s4 =	sadd.s32 $0x400, s4;
	v4 =	vld [tilespmem:s0+$0xFFFFFFC0];
	[tilespmem:s0+$0xFFFFFFF0] =	vst v7;
	v6 =	vadd.f32 v9, v6  }
0x18b: {  	s31 =	sadd.s32 $0x1, s31  }
0x18c: {  	p0 =	sne.s32 s31, $0x10  }
.Ltmp11:
0x18d: {  	v1 =	vadd.f32 v3, v1;
	(pc) =	sbr.rel @p0 .LBB2_22-.Ltmp11, $4  }
0x18e: {  	[tilespmem:s0+$0x0] =	vst v6;
	v2 =	vadd.f32 v5, v2  }
0x18f: {  	[tilespmem:s0+$0x10] =	vst v1;
	v0 =	vadd.f32 v0, v4  }
0x190: {  	[tilespmem:s0+$0x20] =	vst v2  }
0x191: {  	s30 =	sadd.s32 $0x400, s30;
	s29 =	sadd.s32 $0x1, s29;
	[tilespmem:s0+$0xFFFFFFC0] =	vst v0  }
0x192: {  	s29 =	simm.s32 $0x0;
	s0 =	rddreg [dreg:$0x11]  }
0x193: {  	[hbm4b:s0+s29] =	stream.linear.scatter [tilespmem:s18], [sflag:$0x8], $0x4000, $0x38;
	[tilespmem:$0x14000] =	vst v63  }
0x194: {  	_ =	swait.ge [sflag:s25], $0x4000  }
0x195: {  	[sflag:s25] =	ssyncset.done $0x0  }
0x196: {  	s4 =	rddreg [dreg:$0x12];
	[sflag:s25] =	ssyncadd.s32 $0xFFFFC000  }
0x197: {  	[tilespmem:s18], [sflag:$0x5] =	stream.linear.gather [hbm4b:s4+s29], $0x4000, $0x38;
	[tilespmem:$0x14000] =	vst v63  }
0x198: {  	_ =	swait.ge [sflag:s20], $0x4000  }
0x199: {  	[sflag:s20] =	ssyncset.done $0x0  }
0x19a: {  	s30 =	simm.s32 $0x0;
	s31 =	simm.s32 $0x0;
	[sflag:s20] =	ssyncadd.s32 $0xFFFFC000  }
.LBB2_26:
0x19b: {  	s0 =	sshll.u32 s30, $0x2;
	s2 =	sand.u32 $0x7, s29  }
0x19c: {  	s0 =	sand.u32 $0xFFFF8000, s0;
	s2 =	sshll.u32 s2, $0x9  }
0x19d: {  	s0 =	sor.u32 s2, s0  }
0x19e: {  	s2 =	sshrl.u32 s0, $0x2  }
0x19f: {  	s0 =	sadd.s32 $0x8040, s2  }
0x1a0: {  	s2 =	sadd.s32 $0x4040, s2;
	v1 =	vld [tilespmem:s0+$0x30]  }
0x1a1: {  	v2 =	vld [tilespmem:s2+$0x30]  }
0x1a2: {  	v0 =	vld [tilespmem:s2+$0xFFFFFFC0]  }
0x1a3: {  	v3 =	vld [tilespmem:s0+$0xFFFFFFD0]  }
0x1a4: {  	v4 =	vld [tilespmem:s2+$0xFFFFFFD0]  }
0x1a5: {  	v5 =	vld [tilespmem:s0+$0xFFFFFFE0]  }
0x1a6: {  	v6 =	vld [tilespmem:s2+$0xFFFFFFE0]  }
0x1a7: {  	v7 =	vld [tilespmem:s0+$0xFFFFFFF0]  }
0x1a8: {  	v8 =	vld [tilespmem:s2+$0xFFFFFFF0]  }
0x1a9: {  	v9 =	vld [tilespmem:s0+$0x0]  }
0x1aa: {  	v10 =	vld [tilespmem:s2+$0x0];
	v2 =	vadd.f32 v2, v1  }
0x1ab: {  	v4 =	vadd.f32 v4, v3;
	v1 =	vld [tilespmem:s0+$0x10]  }
0x1ac: {  	v5 =	vadd.f32 v6, v5;
	v3 =	vld [tilespmem:s2+$0x10];
	[tilespmem:s0+$0x30] =	vst v2  }
0x1ad: {  	v6 =	vadd.f32 v8, v7;
	[tilespmem:s0+$0xFFFFFFD0] =	vst v4;
	v2 =	vld [tilespmem:s0+$0x20]  }
0x1ae: {  	[tilespmem:s0+$0xFFFFFFE0] =	vst v5;
	v5 =	vld [tilespmem:s2+$0x20]  }
0x1af: {  	s3 =	simm.s32 $0x0;
	s4 =	sadd.s32 $0x400, s0;
	v4 =	vld [tilespmem:s0+$0xFFFFFFC0];
	[tilespmem:s0+$0xFFFFFFF0] =	vst v6;
	v6 =	vadd.f32 v10, v9  }
.LBB2_27:
0x1b0: {  	v7 =	vld [tilespmem:s4+$0x30];
	s2 =	sadd.s32 $0x400, s2  }
0x1b1: {  	s3 =	sadd.s32 $0x80, s3;
	v8 =	vld [tilespmem:s2+$0x30];
	[tilespmem:s0+$0x0] =	vst v6;
	v1 =	vadd.f32 v3, v1  }
0x1b2: {  	p0 =	slt.u32 s3, $0x380;
	v3 =	vld [tilespmem:s2+$0xFFFFFFC0]  }
0x1b3: {  	v6 =	vld [tilespmem:s4+$0xFFFFFFD0];
	[tilespmem:s0+$0x10] =	vst v1;
	v1 =	vadd.f32 v5, v2  }
0x1b4: {  	v2 =	vld [tilespmem:s2+$0xFFFFFFD0];
	v9 =	vadd.f32 v0, v4  }
0x1b5: {  	v4 =	vld [tilespmem:s4+$0xFFFFFFE0];
	[tilespmem:s0+$0x20] =	vst v1  }
0x1b6: {  	v1 =	vld [tilespmem:s2+$0xFFFFFFE0];
	v5 =	vadd.f32 v8, v7;
	[tilespmem:s0+$0xFFFFFFC0] =	vst v9;
	s0 =	smov.u32 s4  }
0x1b7: {  	v7 =	vld [tilespmem:s4+$0xFFFFFFF0];
	v0 =	vmov v3  }
0x1b8: {  	v8 =	vld [tilespmem:s2+$0xFFFFFFF0];
	[tilespmem:s4+$0x30] =	vst v5  }
0x1b9: {  	v2 =	vadd.f32 v2, v6;
	v6 =	vld [tilespmem:s4+$0x0]  }
0x1ba: {  	v9 =	vld [tilespmem:s2+$0x0]  }
.Ltmp12:
0x1bb: {  	[tilespmem:s4+$0xFFFFFFD0] =	vst v2;
	v2 =	vadd.f32 v1, v4;
	v1 =	vld [tilespmem:s4+$0x10];
	(pc) =	sbr.rel @p0 .LBB2_27-.Ltmp12, $4  }
0x1bc: {  	v3 =	vld [tilespmem:s2+$0x10]  }
0x1bd: {  	[tilespmem:s4+$0xFFFFFFE0] =	vst v2;
	v7 =	vadd.f32 v8, v7;
	v2 =	vld [tilespmem:s4+$0x20]  }
0x1be: {  	v5 =	vld [tilespmem:s2+$0x20]  }
0x1bf: {  	s4 =	sadd.s32 $0x400, s4;
	v4 =	vld [tilespmem:s0+$0xFFFFFFC0];
	[tilespmem:s0+$0xFFFFFFF0] =	vst v7;
	v6 =	vadd.f32 v9, v6  }
0x1c0: {  	s31 =	sadd.s32 $0x1, s31  }
0x1c1: {  	p0 =	sne.s32 s31, $0x10  }
.Ltmp13:
0x1c2: {  	v1 =	vadd.f32 v3, v1;
	(pc) =	sbr.rel @p0 .LBB2_26-.Ltmp13, $4  }
0x1c3: {  	[tilespmem:s0+$0x0] =	vst v6;
	v2 =	vadd.f32 v5, v2  }
0x1c4: {  	[tilespmem:s0+$0x10] =	vst v1;
	v0 =	vadd.f32 v0, v4  }
0x1c5: {  	[tilespmem:s0+$0x20] =	vst v2  }
0x1c6: {  	s30 =	sadd.s32 $0x400, s30;
	s29 =	sadd.s32 $0x1, s29;
	[tilespmem:s0+$0xFFFFFFC0] =	vst v0  }
0x1c7: {  	s29 =	simm.s32 $0x0;
	s0 =	rddreg [dreg:$0x13]  }
0x1c8: {  	[hbm4b:s0+s29] =	stream.linear.scatter [tilespmem:s15], [sflag:$0x6], $0x4000, $0x38;
	[tilespmem:$0x14000] =	vst v63  }
0x1c9: {  	_ =	swait.ge [sflag:s21], $0x4000  }
0x1ca: {  	[sflag:s21] =	ssyncset.done $0x0  }
0x1cb: {  	s4 =	rddreg [dreg:$0x16];
	[sflag:s21] =	ssyncadd.s32 $0xFFFFC000  }
0x1cc: {  	[tilespmem:s15], [sflag:$0x3] =	stream.linear.gather [hbm4b:s4+s29], $0x4000, $0x38;
	[tilespmem:$0x14000] =	vst v63  }
0x1cd: {  	_ =	swait.ge [sflag:s22], $0x4000  }
0x1ce: {  	[sflag:s22] =	ssyncset.done $0x0  }
0x1cf: {  	s30 =	simm.s32 $0x0;
	s31 =	simm.s32 $0x0;
	[sflag:s22] =	ssyncadd.s32 $0xFFFFC000  }
.LBB2_30:
0x1d0: {  	s0 =	sshll.u32 s30, $0x2;
	s2 =	sand.u32 $0x7, s29  }
0x1d1: {  	s0 =	sand.u32 $0xFFFF8000, s0;
	s2 =	sshll.u32 s2, $0x9  }
0x1d2: {  	s0 =	sor.u32 s2, s0  }
0x1d3: {  	s2 =	sshrl.u32 s0, $0x2  }
0x1d4: {  	s0 =	sadd.s32 $0xC040, s2  }
0x1d5: {  	s2 =	sadd.s32 $0x4040, s2;
	v1 =	vld [tilespmem:s0+$0x30]  }
0x1d6: {  	v2 =	vld [tilespmem:s2+$0x30]  }
0x1d7: {  	v0 =	vld [tilespmem:s2+$0xFFFFFFC0]  }
0x1d8: {  	v3 =	vld [tilespmem:s0+$0xFFFFFFD0]  }
0x1d9: {  	v4 =	vld [tilespmem:s2+$0xFFFFFFD0]  }
0x1da: {  	v5 =	vld [tilespmem:s0+$0xFFFFFFE0]  }
0x1db: {  	v6 =	vld [tilespmem:s2+$0xFFFFFFE0]  }
0x1dc: {  	v7 =	vld [tilespmem:s0+$0xFFFFFFF0]  }
0x1dd: {  	v8 =	vld [tilespmem:s2+$0xFFFFFFF0]  }
0x1de: {  	v9 =	vld [tilespmem:s0+$0x0]  }
0x1df: {  	v10 =	vld [tilespmem:s2+$0x0];
	v2 =	vadd.f32 v2, v1  }
0x1e0: {  	v4 =	vadd.f32 v4, v3;
	v1 =	vld [tilespmem:s0+$0x10]  }
0x1e1: {  	v5 =	vadd.f32 v6, v5;
	v3 =	vld [tilespmem:s2+$0x10];
	[tilespmem:s0+$0x30] =	vst v2  }
0x1e2: {  	v6 =	vadd.f32 v8, v7;
	[tilespmem:s0+$0xFFFFFFD0] =	vst v4;
	v2 =	vld [tilespmem:s0+$0x20]  }
0x1e3: {  	[tilespmem:s0+$0xFFFFFFE0] =	vst v5;
	v5 =	vld [tilespmem:s2+$0x20]  }
0x1e4: {  	s3 =	simm.s32 $0x0;
	s4 =	sadd.s32 $0x400, s0;
	v4 =	vld [tilespmem:s0+$0xFFFFFFC0];
	[tilespmem:s0+$0xFFFFFFF0] =	vst v6;
	v6 =	vadd.f32 v10, v9  }
.LBB2_31:
0x1e5: {  	v7 =	vld [tilespmem:s4+$0x30];
	s2 =	sadd.s32 $0x400, s2  }
0x1e6: {  	s3 =	sadd.s32 $0x80, s3;
	v8 =	vld [tilespmem:s2+$0x30];
	[tilespmem:s0+$0x0] =	vst v6;
	v1 =	vadd.f32 v3, v1  }
0x1e7: {  	p0 =	slt.u32 s3, $0x380;
	v3 =	vld [tilespmem:s2+$0xFFFFFFC0]  }
0x1e8: {  	v6 =	vld [tilespmem:s4+$0xFFFFFFD0];
	[tilespmem:s0+$0x10] =	vst v1;
	v1 =	vadd.f32 v5, v2  }
0x1e9: {  	v2 =	vld [tilespmem:s2+$0xFFFFFFD0];
	v9 =	vadd.f32 v0, v4  }
0x1ea: {  	v4 =	vld [tilespmem:s4+$0xFFFFFFE0];
	[tilespmem:s0+$0x20] =	vst v1  }
0x1eb: {  	v1 =	vld [tilespmem:s2+$0xFFFFFFE0];
	v5 =	vadd.f32 v8, v7;
	[tilespmem:s0+$0xFFFFFFC0] =	vst v9;
	s0 =	smov.u32 s4  }
0x1ec: {  	v7 =	vld [tilespmem:s4+$0xFFFFFFF0];
	v0 =	vmov v3  }
0x1ed: {  	v8 =	vld [tilespmem:s2+$0xFFFFFFF0];
	[tilespmem:s4+$0x30] =	vst v5  }
0x1ee: {  	v2 =	vadd.f32 v2, v6;
	v6 =	vld [tilespmem:s4+$0x0]  }
0x1ef: {  	v9 =	vld [tilespmem:s2+$0x0]  }
.Ltmp14:
0x1f0: {  	[tilespmem:s4+$0xFFFFFFD0] =	vst v2;
	v2 =	vadd.f32 v1, v4;
	v1 =	vld [tilespmem:s4+$0x10];
	(pc) =	sbr.rel @p0 .LBB2_31-.Ltmp14, $4  }
0x1f1: {  	v3 =	vld [tilespmem:s2+$0x10]  }
0x1f2: {  	[tilespmem:s4+$0xFFFFFFE0] =	vst v2;
	v7 =	vadd.f32 v8, v7;
	v2 =	vld [tilespmem:s4+$0x20]  }
0x1f3: {  	v5 =	vld [tilespmem:s2+$0x20]  }
0x1f4: {  	s4 =	sadd.s32 $0x400, s4;
	v4 =	vld [tilespmem:s0+$0xFFFFFFC0];
	[tilespmem:s0+$0xFFFFFFF0] =	vst v7;
	v6 =	vadd.f32 v9, v6  }
0x1f5: {  	s31 =	sadd.s32 $0x1, s31  }
0x1f6: {  	p0 =	sne.s32 s31, $0x10  }
.Ltmp15:
0x1f7: {  	v1 =	vadd.f32 v3, v1;
	(pc) =	sbr.rel @p0 .LBB2_30-.Ltmp15, $4  }
0x1f8: {  	[tilespmem:s0+$0x0] =	vst v6;
	v2 =	vadd.f32 v5, v2  }
0x1f9: {  	[tilespmem:s0+$0x10] =	vst v1;
	v0 =	vadd.f32 v0, v4  }
0x1fa: {  	[tilespmem:s0+$0x20] =	vst v2  }
0x1fb: {  	s30 =	sadd.s32 $0x400, s30;
	s29 =	sadd.s32 $0x1, s29;
	[tilespmem:s0+$0xFFFFFFC0] =	vst v0  }
0x1fc: {  	s29 =	simm.s32 $0x0;
	s0 =	rddreg [dreg:$0x14]  }
0x1fd: {  	[hbm4b:s0+s29] =	stream.linear.scatter [tilespmem:s16], [sflag:$0x7], $0x4000, $0x38;
	[tilespmem:$0x14000] =	vst v63  }
0x1fe: {  	s3 =	rddreg [dreg:$0x1c]  }
0x1ff: {  	[tilespmem:s17], [sflag:$0x2] =	stream.linear.gather [hbm4b:s3+s29], $0x4000, $0x38;
	[tilespmem:$0x14000] =	vst v63  }
0x200: {  	_ =	swait.ge [sflag:s23], $0x4000  }
0x201: {  	[sflag:s23] =	ssyncset.done $0x0  }
0x202: {  	s4 =	rddreg [dreg:$0x18];
	[sflag:s23] =	ssyncadd.s32 $0xFFFFC000  }
0x203: {  	[tilespmem:s16], [sflag:$0x4] =	stream.linear.gather [hbm4b:s4+s29], $0x4000, $0x38;
	[tilespmem:$0x14000] =	vst v63  }
0x204: {  	_ =	swait.ge [sflag:s19], $0x4000  }
0x205: {  	[sflag:s19] =	ssyncset.done $0x0  }
0x206: {  	[sflag:s19] =	ssyncadd.s32 $0xFFFFC000  }
0x207: {  	_ =	swait.ge [sflag:s24], $0x4000  }
0x208: {  	[sflag:s24] =	ssyncset.done $0x0  }
0x209: {  	s30 =	simm.s32 $0x0;
	s31 =	simm.s32 $0x0;
	[sflag:s24] =	ssyncadd.s32 $0xFFFFC000  }
.LBB2_34:
0x20a: {  	s0 =	sshll.u32 s30, $0x2;
	s2 =	sand.u32 $0x7, s29  }
0x20b: {  	s0 =	sand.u32 $0xFFFF8000, s0;
	s2 =	sshll.u32 s2, $0x9  }
0x20c: {  	s0 =	sor.u32 s2, s0  }
0x20d: {  	s2 =	sshrl.u32 s0, $0x2  }
0x20e: {  	s0 =	sadd.s32 $0x10040, s2  }
0x20f: {  	s2 =	sor.u32 $0x40, s2;
	v1 =	vld [tilespmem:s0+$0x30]  }
0x210: {  	v2 =	vld [tilespmem:s2+$0x30]  }
0x211: {  	v0 =	vld [tilespmem:s2+$0xFFFFFFC0]  }
0x212: {  	v3 =	vld [tilespmem:s0+$0xFFFFFFD0]  }
0x213: {  	v4 =	vld [tilespmem:s2+$0xFFFFFFD0]  }
0x214: {  	v5 =	vld [tilespmem:s0+$0xFFFFFFE0]  }
0x215: {  	v6 =	vld [tilespmem:s2+$0xFFFFFFE0]  }
0x216: {  	v7 =	vld [tilespmem:s0+$0xFFFFFFF0]  }
0x217: {  	v8 =	vld [tilespmem:s2+$0xFFFFFFF0]  }
0x218: {  	v9 =	vld [tilespmem:s0+$0x0]  }
0x219: {  	v10 =	vld [tilespmem:s2+$0x0];
	v2 =	vadd.f32 v2, v1  }
0x21a: {  	v4 =	vadd.f32 v4, v3;
	v1 =	vld [tilespmem:s0+$0x10]  }
0x21b: {  	v5 =	vadd.f32 v6, v5;
	v3 =	vld [tilespmem:s2+$0x10];
	[tilespmem:s0+$0x30] =	vst v2  }
0x21c: {  	v6 =	vadd.f32 v8, v7;
	[tilespmem:s0+$0xFFFFFFD0] =	vst v4;
	v2 =	vld [tilespmem:s0+$0x20]  }
0x21d: {  	[tilespmem:s0+$0xFFFFFFE0] =	vst v5;
	v5 =	vld [tilespmem:s2+$0x20]  }
0x21e: {  	s3 =	simm.s32 $0x0;
	s4 =	sadd.s32 $0x400, s0;
	v4 =	vld [tilespmem:s0+$0xFFFFFFC0];
	[tilespmem:s0+$0xFFFFFFF0] =	vst v6;
	v6 =	vadd.f32 v10, v9  }
.LBB2_35:
0x21f: {  	v7 =	vld [tilespmem:s4+$0x30];
	s2 =	sadd.s32 $0x400, s2  }
0x220: {  	s3 =	sadd.s32 $0x80, s3;
	v8 =	vld [tilespmem:s2+$0x30];
	[tilespmem:s0+$0x0] =	vst v6;
	v1 =	vadd.f32 v3, v1  }
0x221: {  	p0 =	slt.u32 s3, $0x380;
	v3 =	vld [tilespmem:s2+$0xFFFFFFC0]  }
0x222: {  	v6 =	vld [tilespmem:s4+$0xFFFFFFD0];
	[tilespmem:s0+$0x10] =	vst v1;
	v1 =	vadd.f32 v5, v2  }
0x223: {  	v2 =	vld [tilespmem:s2+$0xFFFFFFD0];
	v9 =	vadd.f32 v0, v4  }
0x224: {  	v4 =	vld [tilespmem:s4+$0xFFFFFFE0];
	[tilespmem:s0+$0x20] =	vst v1  }
0x225: {  	v1 =	vld [tilespmem:s2+$0xFFFFFFE0];
	v5 =	vadd.f32 v8, v7;
	[tilespmem:s0+$0xFFFFFFC0] =	vst v9;
	s0 =	smov.u32 s4  }
0x226: {  	v7 =	vld [tilespmem:s4+$0xFFFFFFF0];
	v0 =	vmov v3  }
0x227: {  	v8 =	vld [tilespmem:s2+$0xFFFFFFF0];
	[tilespmem:s4+$0x30] =	vst v5  }
0x228: {  	v2 =	vadd.f32 v2, v6;
	v6 =	vld [tilespmem:s4+$0x0]  }
0x229: {  	v9 =	vld [tilespmem:s2+$0x0]  }
.Ltmp16:
0x22a: {  	[tilespmem:s4+$0xFFFFFFD0] =	vst v2;
	v2 =	vadd.f32 v1, v4;
	v1 =	vld [tilespmem:s4+$0x10];
	(pc) =	sbr.rel @p0 .LBB2_35-.Ltmp16, $4  }
0x22b: {  	v3 =	vld [tilespmem:s2+$0x10]  }
0x22c: {  	[tilespmem:s4+$0xFFFFFFE0] =	vst v2;
	v7 =	vadd.f32 v8, v7;
	v2 =	vld [tilespmem:s4+$0x20]  }
0x22d: {  	v5 =	vld [tilespmem:s2+$0x20]  }
0x22e: {  	s4 =	sadd.s32 $0x400, s4;
	v4 =	vld [tilespmem:s0+$0xFFFFFFC0];
	[tilespmem:s0+$0xFFFFFFF0] =	vst v7;
	v6 =	vadd.f32 v9, v6  }
0x22f: {  	s31 =	sadd.s32 $0x1, s31  }
0x230: {  	p0 =	sne.s32 s31, $0x10  }
.Ltmp17:
0x231: {  	v1 =	vadd.f32 v3, v1;
	(pc) =	sbr.rel @p0 .LBB2_34-.Ltmp17, $4  }
0x232: {  	[tilespmem:s0+$0x0] =	vst v6;
	v2 =	vadd.f32 v5, v2  }
0x233: {  	[tilespmem:s0+$0x10] =	vst v1;
	v0 =	vadd.f32 v0, v4  }
0x234: {  	[tilespmem:s0+$0x20] =	vst v2  }
0x235: {  	s30 =	sadd.s32 $0x400, s30;
	s29 =	sadd.s32 $0x1, s29;
	[tilespmem:s0+$0xFFFFFFC0] =	vst v0  }
0x236: {  	s29 =	simm.s32 $0x0;
	s0 =	rddreg [dreg:$0x15]  }
0x237: {  	[hbm4b:s0+s29] =	stream.linear.scatter [tilespmem:s18], [sflag:$0x8], $0x4000, $0x38;
	[tilespmem:$0x14000] =	vst v63  }
0x238: {  	_ =	swait.ge [sflag:s25], $0x4000  }
0x239: {  	[sflag:s25] =	ssyncset.done $0x0  }
0x23a: {  	s4 =	rddreg [dreg:$0x1a];
	[sflag:s25] =	ssyncadd.s32 $0xFFFFC000  }
0x23b: {  	[tilespmem:s18], [sflag:$0x5] =	stream.linear.gather [hbm4b:s4+s29], $0x4000, $0x38;
	[tilespmem:$0x14000] =	vst v63  }
0x23c: {  	_ =	swait.ge [sflag:s20], $0x4000  }
0x23d: {  	[sflag:s20] =	ssyncset.done $0x0  }
0x23e: {  	s30 =	simm.s32 $0x0;
	s31 =	simm.s32 $0x0;
	[sflag:s20] =	ssyncadd.s32 $0xFFFFC000  }
.LBB2_38:
0x23f: {  	s0 =	sshll.u32 s30, $0x2;
	s2 =	sand.u32 $0x7, s29  }
0x240: {  	s0 =	sand.u32 $0xFFFF8000, s0;
	s2 =	sshll.u32 s2, $0x9  }
0x241: {  	s0 =	sor.u32 s2, s0  }
0x242: {  	s2 =	sshrl.u32 s0, $0x2  }
0x243: {  	s0 =	sadd.s32 $0x8040, s2  }
0x244: {  	s2 =	sor.u32 $0x40, s2;
	v1 =	vld [tilespmem:s0+$0x30]  }
0x245: {  	v2 =	vld [tilespmem:s2+$0x30]  }
0x246: {  	v0 =	vld [tilespmem:s2+$0xFFFFFFC0]  }
0x247: {  	v3 =	vld [tilespmem:s0+$0xFFFFFFD0]  }
0x248: {  	v4 =	vld [tilespmem:s2+$0xFFFFFFD0]  }
0x249: {  	v5 =	vld [tilespmem:s0+$0xFFFFFFE0]  }
0x24a: {  	v6 =	vld [tilespmem:s2+$0xFFFFFFE0]  }
0x24b: {  	v7 =	vld [tilespmem:s0+$0xFFFFFFF0]  }
0x24c: {  	v8 =	vld [tilespmem:s2+$0xFFFFFFF0]  }
0x24d: {  	v9 =	vld [tilespmem:s0+$0x0]  }
0x24e: {  	v10 =	vld [tilespmem:s2+$0x0];
	v2 =	vadd.f32 v2, v1  }
0x24f: {  	v4 =	vadd.f32 v4, v3;
	v1 =	vld [tilespmem:s0+$0x10]  }
0x250: {  	v5 =	vadd.f32 v6, v5;
	v3 =	vld [tilespmem:s2+$0x10];
	[tilespmem:s0+$0x30] =	vst v2  }
0x251: {  	v6 =	vadd.f32 v8, v7;
	[tilespmem:s0+$0xFFFFFFD0] =	vst v4;
	v2 =	vld [tilespmem:s0+$0x20]  }
0x252: {  	[tilespmem:s0+$0xFFFFFFE0] =	vst v5;
	v5 =	vld [tilespmem:s2+$0x20]  }
0x253: {  	s3 =	simm.s32 $0x0;
	s4 =	sadd.s32 $0x400, s0;
	v4 =	vld [tilespmem:s0+$0xFFFFFFC0];
	[tilespmem:s0+$0xFFFFFFF0] =	vst v6;
	v6 =	vadd.f32 v10, v9  }
.LBB2_39:
0x254: {  	v7 =	vld [tilespmem:s4+$0x30];
	s2 =	sadd.s32 $0x400, s2  }
0x255: {  	s3 =	sadd.s32 $0x80, s3;
	v8 =	vld [tilespmem:s2+$0x30];
	[tilespmem:s0+$0x0] =	vst v6;
	v1 =	vadd.f32 v3, v1  }
0x256: {  	p0 =	slt.u32 s3, $0x380;
	v3 =	vld [tilespmem:s2+$0xFFFFFFC0]  }
0x257: {  	v6 =	vld [tilespmem:s4+$0xFFFFFFD0];
	[tilespmem:s0+$0x10] =	vst v1;
	v1 =	vadd.f32 v5, v2  }
0x258: {  	v2 =	vld [tilespmem:s2+$0xFFFFFFD0];
	v9 =	vadd.f32 v0, v4  }
0x259: {  	v4 =	vld [tilespmem:s4+$0xFFFFFFE0];
	[tilespmem:s0+$0x20] =	vst v1  }
0x25a: {  	v1 =	vld [tilespmem:s2+$0xFFFFFFE0];
	v5 =	vadd.f32 v8, v7;
	[tilespmem:s0+$0xFFFFFFC0] =	vst v9;
	s0 =	smov.u32 s4  }
0x25b: {  	v7 =	vld [tilespmem:s4+$0xFFFFFFF0];
	v0 =	vmov v3  }
0x25c: {  	v8 =	vld [tilespmem:s2+$0xFFFFFFF0];
	[tilespmem:s4+$0x30] =	vst v5  }
0x25d: {  	v2 =	vadd.f32 v2, v6;
	v6 =	vld [tilespmem:s4+$0x0]  }
0x25e: {  	v9 =	vld [tilespmem:s2+$0x0]  }
.Ltmp18:
0x25f: {  	[tilespmem:s4+$0xFFFFFFD0] =	vst v2;
	v2 =	vadd.f32 v1, v4;
	v1 =	vld [tilespmem:s4+$0x10];
	(pc) =	sbr.rel @p0 .LBB2_39-.Ltmp18, $4  }
0x260: {  	v3 =	vld [tilespmem:s2+$0x10]  }
0x261: {  	[tilespmem:s4+$0xFFFFFFE0] =	vst v2;
	v7 =	vadd.f32 v8, v7;
	v2 =	vld [tilespmem:s4+$0x20]  }
0x262: {  	v5 =	vld [tilespmem:s2+$0x20]  }
0x263: {  	s4 =	sadd.s32 $0x400, s4;
	v4 =	vld [tilespmem:s0+$0xFFFFFFC0];
	[tilespmem:s0+$0xFFFFFFF0] =	vst v7;
	v6 =	vadd.f32 v9, v6  }
0x264: {  	s31 =	sadd.s32 $0x1, s31  }
0x265: {  	p0 =	sne.s32 s31, $0x10  }
.Ltmp19:
0x266: {  	v1 =	vadd.f32 v3, v1;
	(pc) =	sbr.rel @p0 .LBB2_38-.Ltmp19, $4  }
0x267: {  	[tilespmem:s0+$0x0] =	vst v6;
	v2 =	vadd.f32 v5, v2  }
0x268: {  	[tilespmem:s0+$0x10] =	vst v1;
	v0 =	vadd.f32 v0, v4  }
0x269: {  	[tilespmem:s0+$0x20] =	vst v2  }
0x26a: {  	s30 =	sadd.s32 $0x400, s30;
	s29 =	sadd.s32 $0x1, s29;
	[tilespmem:s0+$0xFFFFFFC0] =	vst v0  }
0x26b: {  	s29 =	simm.s32 $0x0;
	s0 =	rddreg [dreg:$0x17]  }
0x26c: {  	[hbm4b:s0+s29] =	stream.linear.scatter [tilespmem:s15], [sflag:$0x6], $0x4000, $0x38;
	[tilespmem:$0x14000] =	vst v63  }
0x26d: {  	_ =	swait.ge [sflag:s21], $0x4000  }
0x26e: {  	[sflag:s21] =	ssyncset.done $0x0  }
0x26f: {  	s4 =	rddreg [dreg:$0x1d];
	[sflag:s21] =	ssyncadd.s32 $0xFFFFC000  }
0x270: {  	[tilespmem:s15], [sflag:$0x3] =	stream.linear.gather [hbm4b:s4+s29], $0x4000, $0x38;
	[tilespmem:$0x14000] =	vst v63  }
0x271: {  	_ =	swait.ge [sflag:s22], $0x4000  }
0x272: {  	[sflag:s22] =	ssyncset.done $0x0  }
0x273: {  	s30 =	simm.s32 $0x0;
	s31 =	simm.s32 $0x0;
	[sflag:s22] =	ssyncadd.s32 $0xFFFFC000  }
.LBB2_42:
0x274: {  	s0 =	sshll.u32 s30, $0x2;
	s2 =	sand.u32 $0x7, s29  }
0x275: {  	s0 =	sand.u32 $0xFFFF8000, s0;
	s2 =	sshll.u32 s2, $0x9  }
0x276: {  	s0 =	sor.u32 s2, s0  }
0x277: {  	s2 =	sshrl.u32 s0, $0x2  }
0x278: {  	s0 =	sadd.s32 $0xC040, s2  }
0x279: {  	s2 =	sor.u32 $0x40, s2;
	v1 =	vld [tilespmem:s0+$0x30]  }
0x27a: {  	v2 =	vld [tilespmem:s2+$0x30]  }
0x27b: {  	v0 =	vld [tilespmem:s2+$0xFFFFFFC0]  }
0x27c: {  	v3 =	vld [tilespmem:s0+$0xFFFFFFD0]  }
0x27d: {  	v4 =	vld [tilespmem:s2+$0xFFFFFFD0]  }
0x27e: {  	v5 =	vld [tilespmem:s0+$0xFFFFFFE0]  }
0x27f: {  	v6 =	vld [tilespmem:s2+$0xFFFFFFE0]  }
0x280: {  	v7 =	vld [tilespmem:s0+$0xFFFFFFF0]  }
0x281: {  	v8 =	vld [tilespmem:s2+$0xFFFFFFF0]  }
0x282: {  	v9 =	vld [tilespmem:s0+$0x0]  }
0x283: {  	v10 =	vld [tilespmem:s2+$0x0];
	v2 =	vadd.f32 v2, v1  }
0x284: {  	v4 =	vadd.f32 v4, v3;
	v1 =	vld [tilespmem:s0+$0x10]  }
0x285: {  	v5 =	vadd.f32 v6, v5;
	v3 =	vld [tilespmem:s2+$0x10];
	[tilespmem:s0+$0x30] =	vst v2  }
0x286: {  	v6 =	vadd.f32 v8, v7;
	[tilespmem:s0+$0xFFFFFFD0] =	vst v4;
	v2 =	vld [tilespmem:s0+$0x20]  }
0x287: {  	[tilespmem:s0+$0xFFFFFFE0] =	vst v5;
	v5 =	vld [tilespmem:s2+$0x20]  }
0x288: {  	s3 =	simm.s32 $0x0;
	s4 =	sadd.s32 $0x400, s0;
	v4 =	vld [tilespmem:s0+$0xFFFFFFC0];
	[tilespmem:s0+$0xFFFFFFF0] =	vst v6;
	v6 =	vadd.f32 v10, v9  }
.LBB2_43:
0x289: {  	v7 =	vld [tilespmem:s4+$0x30];
	s2 =	sadd.s32 $0x400, s2  }
0x28a: {  	s3 =	sadd.s32 $0x80, s3;
	v8 =	vld [tilespmem:s2+$0x30];
	[tilespmem:s0+$0x0] =	vst v6;
	v1 =	vadd.f32 v3, v1  }
0x28b: {  	p0 =	slt.u32 s3, $0x380;
	v3 =	vld [tilespmem:s2+$0xFFFFFFC0]  }
0x28c: {  	v6 =	vld [tilespmem:s4+$0xFFFFFFD0];
	[tilespmem:s0+$0x10] =	vst v1;
	v1 =	vadd.f32 v5, v2  }
0x28d: {  	v2 =	vld [tilespmem:s2+$0xFFFFFFD0];
	v9 =	vadd.f32 v0, v4  }
0x28e: {  	v4 =	vld [tilespmem:s4+$0xFFFFFFE0];
	[tilespmem:s0+$0x20] =	vst v1  }
0x28f: {  	v1 =	vld [tilespmem:s2+$0xFFFFFFE0];
	v5 =	vadd.f32 v8, v7;
	[tilespmem:s0+$0xFFFFFFC0] =	vst v9;
	s0 =	smov.u32 s4  }
0x290: {  	v7 =	vld [tilespmem:s4+$0xFFFFFFF0];
	v0 =	vmov v3  }
0x291: {  	v8 =	vld [tilespmem:s2+$0xFFFFFFF0];
	[tilespmem:s4+$0x30] =	vst v5  }
0x292: {  	v2 =	vadd.f32 v2, v6;
	v6 =	vld [tilespmem:s4+$0x0]  }
0x293: {  	v9 =	vld [tilespmem:s2+$0x0]  }
.Ltmp20:
0x294: {  	[tilespmem:s4+$0xFFFFFFD0] =	vst v2;
	v2 =	vadd.f32 v1, v4;
	v1 =	vld [tilespmem:s4+$0x10];
	(pc) =	sbr.rel @p0 .LBB2_43-.Ltmp20, $4  }
0x295: {  	v3 =	vld [tilespmem:s2+$0x10]  }
0x296: {  	[tilespmem:s4+$0xFFFFFFE0] =	vst v2;
	v7 =	vadd.f32 v8, v7;
	v2 =	vld [tilespmem:s4+$0x20]  }
0x297: {  	v5 =	vld [tilespmem:s2+$0x20]  }
0x298: {  	s4 =	sadd.s32 $0x400, s4;
	v4 =	vld [tilespmem:s0+$0xFFFFFFC0];
	[tilespmem:s0+$0xFFFFFFF0] =	vst v7;
	v6 =	vadd.f32 v9, v6  }
0x299: {  	s31 =	sadd.s32 $0x1, s31  }
0x29a: {  	p0 =	sne.s32 s31, $0x10  }
.Ltmp21:
0x29b: {  	v1 =	vadd.f32 v3, v1;
	(pc) =	sbr.rel @p0 .LBB2_42-.Ltmp21, $4  }
0x29c: {  	[tilespmem:s0+$0x0] =	vst v6;
	v2 =	vadd.f32 v5, v2  }
0x29d: {  	[tilespmem:s0+$0x10] =	vst v1;
	v0 =	vadd.f32 v0, v4  }
0x29e: {  	[tilespmem:s0+$0x20] =	vst v2  }
0x29f: {  	s30 =	sadd.s32 $0x400, s30;
	s29 =	sadd.s32 $0x1, s29;
	[tilespmem:s0+$0xFFFFFFC0] =	vst v0  }
0x2a0: {  	s29 =	simm.s32 $0x0;
	s0 =	rddreg [dreg:$0x19]  }
0x2a1: {  	[hbm4b:s0+s29] =	stream.linear.scatter [tilespmem:s16], [sflag:$0x7], $0x4000, $0x38;
	[tilespmem:$0x14000] =	vst v63  }
0x2a2: {  	_ =	swait.ge [sflag:s23], $0x4000  }
0x2a3: {  	[sflag:s23] =	ssyncset.done $0x0  }
0x2a4: {  	s4 =	rddreg [dreg:$0x1f];
	[sflag:s23] =	ssyncadd.s32 $0xFFFFC000  }
0x2a5: {  	[tilespmem:s16], [sflag:$0x4] =	stream.linear.gather [hbm4b:s4+s29], $0x4000, $0x38;
	[tilespmem:$0x14000] =	vst v63  }
0x2a6: {  	_ =	swait.ge [sflag:s24], $0x4000  }
0x2a7: {  	[sflag:s24] =	ssyncset.done $0x0  }
0x2a8: {  	s30 =	simm.s32 $0x0;
	s31 =	simm.s32 $0x0;
	[sflag:s24] =	ssyncadd.s32 $0xFFFFC000  }
.LBB2_46:
0x2a9: {  	s0 =	sshll.u32 s30, $0x2;
	s2 =	sand.u32 $0x7, s29  }
0x2aa: {  	s0 =	sand.u32 $0xFFFF8000, s0;
	s2 =	sshll.u32 s2, $0x9  }
0x2ab: {  	s0 =	sor.u32 s2, s0  }
0x2ac: {  	s2 =	sshrl.u32 s0, $0x2  }
0x2ad: {  	s0 =	sadd.s32 $0x10040, s2  }
0x2ae: {  	s2 =	sor.u32 $0x40, s2;
	v1 =	vld [tilespmem:s0+$0x30]  }
0x2af: {  	v2 =	vld [tilespmem:s2+$0x30]  }
0x2b0: {  	v0 =	vld [tilespmem:s2+$0xFFFFFFC0]  }
0x2b1: {  	v3 =	vld [tilespmem:s0+$0xFFFFFFD0]  }
0x2b2: {  	v4 =	vld [tilespmem:s2+$0xFFFFFFD0]  }
0x2b3: {  	v5 =	vld [tilespmem:s0+$0xFFFFFFE0]  }
0x2b4: {  	v6 =	vld [tilespmem:s2+$0xFFFFFFE0]  }
0x2b5: {  	v7 =	vld [tilespmem:s0+$0xFFFFFFF0]  }
0x2b6: {  	v8 =	vld [tilespmem:s2+$0xFFFFFFF0]  }
0x2b7: {  	v9 =	vld [tilespmem:s0+$0x0]  }
0x2b8: {  	v10 =	vld [tilespmem:s2+$0x0];
	v2 =	vadd.f32 v2, v1  }
0x2b9: {  	v4 =	vadd.f32 v4, v3;
	v1 =	vld [tilespmem:s0+$0x10]  }
0x2ba: {  	v5 =	vadd.f32 v6, v5;
	v3 =	vld [tilespmem:s2+$0x10];
	[tilespmem:s0+$0x30] =	vst v2  }
0x2bb: {  	v6 =	vadd.f32 v8, v7;
	[tilespmem:s0+$0xFFFFFFD0] =	vst v4;
	v2 =	vld [tilespmem:s0+$0x20]  }
0x2bc: {  	[tilespmem:s0+$0xFFFFFFE0] =	vst v5;
	v5 =	vld [tilespmem:s2+$0x20]  }
0x2bd: {  	s3 =	simm.s32 $0x0;
	s4 =	sadd.s32 $0x400, s0;
	v4 =	vld [tilespmem:s0+$0xFFFFFFC0];
	[tilespmem:s0+$0xFFFFFFF0] =	vst v6;
	v6 =	vadd.f32 v10, v9  }
.LBB2_47:
0x2be: {  	v7 =	vld [tilespmem:s4+$0x30];
	s2 =	sadd.s32 $0x400, s2  }
0x2bf: {  	s3 =	sadd.s32 $0x80, s3;
	v8 =	vld [tilespmem:s2+$0x30];
	[tilespmem:s0+$0x0] =	vst v6;
	v1 =	vadd.f32 v3, v1  }
0x2c0: {  	p0 =	slt.u32 s3, $0x380;
	v3 =	vld [tilespmem:s2+$0xFFFFFFC0]  }
0x2c1: {  	v6 =	vld [tilespmem:s4+$0xFFFFFFD0];
	[tilespmem:s0+$0x10] =	vst v1;
	v1 =	vadd.f32 v5, v2  }
0x2c2: {  	v2 =	vld [tilespmem:s2+$0xFFFFFFD0];
	v9 =	vadd.f32 v0, v4  }
0x2c3: {  	v4 =	vld [tilespmem:s4+$0xFFFFFFE0];
	[tilespmem:s0+$0x20] =	vst v1  }
0x2c4: {  	v1 =	vld [tilespmem:s2+$0xFFFFFFE0];
	v5 =	vadd.f32 v8, v7;
	[tilespmem:s0+$0xFFFFFFC0] =	vst v9;
	s0 =	smov.u32 s4  }
0x2c5: {  	v7 =	vld [tilespmem:s4+$0xFFFFFFF0];
	v0 =	vmov v3  }
0x2c6: {  	v8 =	vld [tilespmem:s2+$0xFFFFFFF0];
	[tilespmem:s4+$0x30] =	vst v5  }
0x2c7: {  	v2 =	vadd.f32 v2, v6;
	v6 =	vld [tilespmem:s4+$0x0]  }
0x2c8: {  	v9 =	vld [tilespmem:s2+$0x0]  }
.Ltmp22:
0x2c9: {  	[tilespmem:s4+$0xFFFFFFD0] =	vst v2;
	v2 =	vadd.f32 v1, v4;
	v1 =	vld [tilespmem:s4+$0x10];
	(pc) =	sbr.rel @p0 .LBB2_47-.Ltmp22, $4  }
0x2ca: {  	v3 =	vld [tilespmem:s2+$0x10]  }
0x2cb: {  	[tilespmem:s4+$0xFFFFFFE0] =	vst v2;
	v7 =	vadd.f32 v8, v7;
	v2 =	vld [tilespmem:s4+$0x20]  }
0x2cc: {  	v5 =	vld [tilespmem:s2+$0x20]  }
0x2cd: {  	s4 =	sadd.s32 $0x400, s4;
	v4 =	vld [tilespmem:s0+$0xFFFFFFC0];
	[tilespmem:s0+$0xFFFFFFF0] =	vst v7;
	v6 =	vadd.f32 v9, v6  }
0x2ce: {  	s31 =	sadd.s32 $0x1, s31  }
0x2cf: {  	p0 =	sne.s32 s31, $0x10  }
.Ltmp23:
0x2d0: {  	v1 =	vadd.f32 v3, v1;
	(pc) =	sbr.rel @p0 .LBB2_46-.Ltmp23, $4  }
0x2d1: {  	[tilespmem:s0+$0x0] =	vst v6;
	v2 =	vadd.f32 v5, v2  }
0x2d2: {  	[tilespmem:s0+$0x10] =	vst v1;
	v0 =	vadd.f32 v0, v4  }
0x2d3: {  	[tilespmem:s0+$0x20] =	vst v2  }
0x2d4: {  	s30 =	sadd.s32 $0x400, s30;
	s29 =	sadd.s32 $0x1, s29;
	[tilespmem:s0+$0xFFFFFFC0] =	vst v0  }
0x2d5: {  	s0 =	rddreg [dreg:$0x1b]  }
0x2d6: {  	s29 =	simm.s32 $0x0;
	s3 =	sld [smem:$0x7E0]  }
0x2d7: {  	[hbm4b:s0+s29] =	stream.linear.scatter [tilespmem:s18], [sflag:$0x8], $0x4000, $0x38;
	[tilespmem:$0x14000] =	vst v63  }
0x2d8: {  	_ = 	snop  }
0x2d9: {  	[tilespmem:s29], [sflag:$0x1] =	stream.linear.gather [hbm4b:s3+s29], $0x4000, $0x38;
	[tilespmem:$0x14000] =	vst v63  }
0x2da: {  	_ =	swait.ge [sflag:s25], $0x4000  }
0x2db: {  	s4 =	sld [smem:$0x7DC]  }
0x2dc: {  	[sflag:s25] =	ssyncset.done $0x0  }
0x2dd: {  	[sflag:s25] =	ssyncadd.s32 $0xFFFFC000  }
0x2de: {  	[tilespmem:s18], [sflag:$0x5] =	stream.linear.gather [hbm4b:s4+s29], $0x4000, $0x38;
	[tilespmem:$0x14000] =	vst v63  }
0x2df: {  	_ =	swait.ge [sflag:s26], $0x4000  }
0x2e0: {  	[sflag:s26] =	ssyncset.done $0x0  }
0x2e1: {  	[sflag:s26] =	ssyncadd.s32 $0xFFFFC000  }
0x2e2: {  	_ =	swait.ge [sflag:s20], $0x4000  }
0x2e3: {  	[sflag:s20] =	ssyncset.done $0x0  }
0x2e4: {  	s30 =	simm.s32 $0x0;
	s31 =	simm.s32 $0x0;
	[sflag:s20] =	ssyncadd.s32 $0xFFFFC000  }
.LBB2_50:
0x2e5: {  	s0 =	sshll.u32 s30, $0x2;
	s2 =	sand.u32 $0x7, s29  }
0x2e6: {  	s0 =	sand.u32 $0xFFFF8000, s0;
	s2 =	sshll.u32 s2, $0x9  }
0x2e7: {  	s0 =	sor.u32 s2, s0  }
0x2e8: {  	s2 =	sshrl.u32 s0, $0x2  }
0x2e9: {  	s0 =	sadd.s32 $0x8040, s2  }
0x2ea: {  	s2 =	sadd.s32 $0x4040, s2;
	v1 =	vld [tilespmem:s0+$0x30]  }
0x2eb: {  	v2 =	vld [tilespmem:s2+$0x30]  }
0x2ec: {  	v0 =	vld [tilespmem:s2+$0xFFFFFFC0]  }
0x2ed: {  	v3 =	vld [tilespmem:s0+$0xFFFFFFD0]  }
0x2ee: {  	v4 =	vld [tilespmem:s2+$0xFFFFFFD0]  }
0x2ef: {  	v5 =	vld [tilespmem:s0+$0xFFFFFFE0]  }
0x2f0: {  	v6 =	vld [tilespmem:s2+$0xFFFFFFE0]  }
0x2f1: {  	v7 =	vld [tilespmem:s0+$0xFFFFFFF0]  }
0x2f2: {  	v8 =	vld [tilespmem:s2+$0xFFFFFFF0]  }
0x2f3: {  	v9 =	vld [tilespmem:s0+$0x0]  }
0x2f4: {  	v10 =	vld [tilespmem:s2+$0x0];
	v2 =	vadd.f32 v2, v1  }
0x2f5: {  	v4 =	vadd.f32 v4, v3;
	v1 =	vld [tilespmem:s0+$0x10]  }
0x2f6: {  	v5 =	vadd.f32 v6, v5;
	v3 =	vld [tilespmem:s2+$0x10];
	[tilespmem:s0+$0x30] =	vst v2  }
0x2f7: {  	v6 =	vadd.f32 v8, v7;
	[tilespmem:s0+$0xFFFFFFD0] =	vst v4;
	v2 =	vld [tilespmem:s0+$0x20]  }
0x2f8: {  	[tilespmem:s0+$0xFFFFFFE0] =	vst v5;
	v5 =	vld [tilespmem:s2+$0x20]  }
0x2f9: {  	s3 =	simm.s32 $0x0;
	s4 =	sadd.s32 $0x400, s0;
	v4 =	vld [tilespmem:s0+$0xFFFFFFC0];
	[tilespmem:s0+$0xFFFFFFF0] =	vst v6;
	v6 =	vadd.f32 v10, v9  }
.LBB2_51:
0x2fa: {  	v7 =	vld [tilespmem:s4+$0x30];
	s2 =	sadd.s32 $0x400, s2  }
0x2fb: {  	s3 =	sadd.s32 $0x80, s3;
	v8 =	vld [tilespmem:s2+$0x30];
	[tilespmem:s0+$0x0] =	vst v6;
	v1 =	vadd.f32 v3, v1  }
0x2fc: {  	p0 =	slt.u32 s3, $0x380;
	v3 =	vld [tilespmem:s2+$0xFFFFFFC0]  }
0x2fd: {  	v6 =	vld [tilespmem:s4+$0xFFFFFFD0];
	[tilespmem:s0+$0x10] =	vst v1;
	v1 =	vadd.f32 v5, v2  }
0x2fe: {  	v2 =	vld [tilespmem:s2+$0xFFFFFFD0];
	v9 =	vadd.f32 v0, v4  }
0x2ff: {  	v4 =	vld [tilespmem:s4+$0xFFFFFFE0];
	[tilespmem:s0+$0x20] =	vst v1  }
0x300: {  	v1 =	vld [tilespmem:s2+$0xFFFFFFE0];
	v5 =	vadd.f32 v8, v7;
	[tilespmem:s0+$0xFFFFFFC0] =	vst v9;
	s0 =	smov.u32 s4  }
0x301: {  	v7 =	vld [tilespmem:s4+$0xFFFFFFF0];
	v0 =	vmov v3  }
0x302: {  	v8 =	vld [tilespmem:s2+$0xFFFFFFF0];
	[tilespmem:s4+$0x30] =	vst v5  }
0x303: {  	v2 =	vadd.f32 v2, v6;
	v6 =	vld [tilespmem:s4+$0x0]  }
0x304: {  	v9 =	vld [tilespmem:s2+$0x0]  }
.Ltmp24:
0x305: {  	[tilespmem:s4+$0xFFFFFFD0] =	vst v2;
	v2 =	vadd.f32 v1, v4;
	v1 =	vld [tilespmem:s4+$0x10];
	(pc) =	sbr.rel @p0 .LBB2_51-.Ltmp24, $4  }
0x306: {  	v3 =	vld [tilespmem:s2+$0x10]  }
0x307: {  	[tilespmem:s4+$0xFFFFFFE0] =	vst v2;
	v7 =	vadd.f32 v8, v7;
	v2 =	vld [tilespmem:s4+$0x20]  }
0x308: {  	v5 =	vld [tilespmem:s2+$0x20]  }
0x309: {  	s4 =	sadd.s32 $0x400, s4;
	v4 =	vld [tilespmem:s0+$0xFFFFFFC0];
	[tilespmem:s0+$0xFFFFFFF0] =	vst v7;
	v6 =	vadd.f32 v9, v6  }
0x30a: {  	s31 =	sadd.s32 $0x1, s31  }
0x30b: {  	p0 =	sne.s32 s31, $0x10  }
.Ltmp25:
0x30c: {  	v1 =	vadd.f32 v3, v1;
	(pc) =	sbr.rel @p0 .LBB2_50-.Ltmp25, $4  }
0x30d: {  	[tilespmem:s0+$0x0] =	vst v6;
	v2 =	vadd.f32 v5, v2  }
0x30e: {  	[tilespmem:s0+$0x10] =	vst v1;
	v0 =	vadd.f32 v0, v4  }
0x30f: {  	[tilespmem:s0+$0x20] =	vst v2  }
0x310: {  	s30 =	sadd.s32 $0x400, s30;
	s29 =	sadd.s32 $0x1, s29;
	[tilespmem:s0+$0xFFFFFFC0] =	vst v0  }
0x311: {  	s29 =	simm.s32 $0x0;
	s0 =	rddreg [dreg:$0x1e]  }
0x312: {  	[hbm4b:s0+s29] =	stream.linear.scatter [tilespmem:s15], [sflag:$0x6], $0x4000, $0x38;
	[tilespmem:$0x14000] =	vst v63  }
0x313: {  	_ =	swait.ge [sflag:s21], $0x4000  }
0x314: {  	s4 =	sld [smem:$0x7DE]  }
0x315: {  	[sflag:s21] =	ssyncset.done $0x0  }
0x316: {  	[sflag:s21] =	ssyncadd.s32 $0xFFFFC000  }
0x317: {  	[tilespmem:s15], [sflag:$0x3] =	stream.linear.gather [hbm4b:s4+s29], $0x4000, $0x38;
	[tilespmem:$0x14000] =	vst v63  }
0x318: {  	_ =	swait.ge [sflag:s22], $0x4000  }
0x319: {  	[sflag:s22] =	ssyncset.done $0x0  }
0x31a: {  	s30 =	simm.s32 $0x0;
	s31 =	simm.s32 $0x0;
	[sflag:s22] =	ssyncadd.s32 $0xFFFFC000  }
.LBB2_54:
0x31b: {  	s0 =	sshll.u32 s30, $0x2;
	s2 =	sand.u32 $0x7, s29  }
0x31c: {  	s0 =	sand.u32 $0xFFFF8000, s0;
	s2 =	sshll.u32 s2, $0x9  }
0x31d: {  	s0 =	sor.u32 s2, s0  }
0x31e: {  	s2 =	sshrl.u32 s0, $0x2  }
0x31f: {  	s0 =	sadd.s32 $0xC040, s2  }
0x320: {  	s2 =	sadd.s32 $0x4040, s2;
	v1 =	vld [tilespmem:s0+$0x30]  }
0x321: {  	v2 =	vld [tilespmem:s2+$0x30]  }
0x322: {  	v0 =	vld [tilespmem:s2+$0xFFFFFFC0]  }
0x323: {  	v3 =	vld [tilespmem:s0+$0xFFFFFFD0]  }
0x324: {  	v4 =	vld [tilespmem:s2+$0xFFFFFFD0]  }
0x325: {  	v5 =	vld [tilespmem:s0+$0xFFFFFFE0]  }
0x326: {  	v6 =	vld [tilespmem:s2+$0xFFFFFFE0]  }
0x327: {  	v7 =	vld [tilespmem:s0+$0xFFFFFFF0]  }
0x328: {  	v8 =	vld [tilespmem:s2+$0xFFFFFFF0]  }
0x329: {  	v9 =	vld [tilespmem:s0+$0x0]  }
0x32a: {  	v10 =	vld [tilespmem:s2+$0x0];
	v2 =	vadd.f32 v2, v1  }
0x32b: {  	v4 =	vadd.f32 v4, v3;
	v1 =	vld [tilespmem:s0+$0x10]  }
0x32c: {  	v5 =	vadd.f32 v6, v5;
	v3 =	vld [tilespmem:s2+$0x10];
	[tilespmem:s0+$0x30] =	vst v2  }
0x32d: {  	v6 =	vadd.f32 v8, v7;
	[tilespmem:s0+$0xFFFFFFD0] =	vst v4;
	v2 =	vld [tilespmem:s0+$0x20]  }
0x32e: {  	[tilespmem:s0+$0xFFFFFFE0] =	vst v5;
	v5 =	vld [tilespmem:s2+$0x20]  }
0x32f: {  	s3 =	simm.s32 $0x0;
	s4 =	sadd.s32 $0x400, s0;
	v4 =	vld [tilespmem:s0+$0xFFFFFFC0];
	[tilespmem:s0+$0xFFFFFFF0] =	vst v6;
	v6 =	vadd.f32 v10, v9  }
.LBB2_55:
0x330: {  	v7 =	vld [tilespmem:s4+$0x30];
	s2 =	sadd.s32 $0x400, s2  }
0x331: {  	s3 =	sadd.s32 $0x80, s3;
	v8 =	vld [tilespmem:s2+$0x30];
	[tilespmem:s0+$0x0] =	vst v6;
	v1 =	vadd.f32 v3, v1  }
0x332: {  	p0 =	slt.u32 s3, $0x380;
	v3 =	vld [tilespmem:s2+$0xFFFFFFC0]  }
0x333: {  	v6 =	vld [tilespmem:s4+$0xFFFFFFD0];
	[tilespmem:s0+$0x10] =	vst v1;
	v1 =	vadd.f32 v5, v2  }
0x334: {  	v2 =	vld [tilespmem:s2+$0xFFFFFFD0];
	v9 =	vadd.f32 v0, v4  }
0x335: {  	v4 =	vld [tilespmem:s4+$0xFFFFFFE0];
	[tilespmem:s0+$0x20] =	vst v1  }
0x336: {  	v1 =	vld [tilespmem:s2+$0xFFFFFFE0];
	v5 =	vadd.f32 v8, v7;
	[tilespmem:s0+$0xFFFFFFC0] =	vst v9;
	s0 =	smov.u32 s4  }
0x337: {  	v7 =	vld [tilespmem:s4+$0xFFFFFFF0];
	v0 =	vmov v3  }
0x338: {  	v8 =	vld [tilespmem:s2+$0xFFFFFFF0];
	[tilespmem:s4+$0x30] =	vst v5  }
0x339: {  	v2 =	vadd.f32 v2, v6;
	v6 =	vld [tilespmem:s4+$0x0]  }
0x33a: {  	v9 =	vld [tilespmem:s2+$0x0]  }
.Ltmp26:
0x33b: {  	[tilespmem:s4+$0xFFFFFFD0] =	vst v2;
	v2 =	vadd.f32 v1, v4;
	v1 =	vld [tilespmem:s4+$0x10];
	(pc) =	sbr.rel @p0 .LBB2_55-.Ltmp26, $4  }
0x33c: {  	v3 =	vld [tilespmem:s2+$0x10]  }
0x33d: {  	[tilespmem:s4+$0xFFFFFFE0] =	vst v2;
	v7 =	vadd.f32 v8, v7;
	v2 =	vld [tilespmem:s4+$0x20]  }
0x33e: {  	v5 =	vld [tilespmem:s2+$0x20]  }
0x33f: {  	s4 =	sadd.s32 $0x400, s4;
	v4 =	vld [tilespmem:s0+$0xFFFFFFC0];
	[tilespmem:s0+$0xFFFFFFF0] =	vst v7;
	v6 =	vadd.f32 v9, v6  }
0x340: {  	s31 =	sadd.s32 $0x1, s31  }
0x341: {  	p0 =	sne.s32 s31, $0x10  }
.Ltmp27:
0x342: {  	v1 =	vadd.f32 v3, v1;
	(pc) =	sbr.rel @p0 .LBB2_54-.Ltmp27, $4  }
0x343: {  	[tilespmem:s0+$0x0] =	vst v6;
	v2 =	vadd.f32 v5, v2  }
0x344: {  	[tilespmem:s0+$0x10] =	vst v1;
	v0 =	vadd.f32 v0, v4  }
0x345: {  	[tilespmem:s0+$0x20] =	vst v2  }
0x346: {  	s30 =	sadd.s32 $0x400, s30;
	s29 =	sadd.s32 $0x1, s29;
	[tilespmem:s0+$0xFFFFFFC0] =	vst v0  }
0x347: {  	s0 =	sld [smem:$0x7DB];
	_ =	sdelay $0x1  }
0x348: {  	s29 =	simm.s32 $0x0  }
0x349: {  	[hbm4b:s0+s29] =	stream.linear.scatter [tilespmem:s16], [sflag:$0x7], $0x4000, $0x38;
	[tilespmem:$0x14000] =	vst v63  }
0x34a: {  	_ =	swait.ge [sflag:s23], $0x4000  }
0x34b: {  	s4 =	sld [smem:$0x7E1]  }
0x34c: {  	[sflag:s23] =	ssyncset.done $0x0  }
0x34d: {  	[sflag:s23] =	ssyncadd.s32 $0xFFFFC000  }
0x34e: {  	[tilespmem:s16], [sflag:$0x4] =	stream.linear.gather [hbm4b:s4+s29], $0x4000, $0x38;
	[tilespmem:$0x14000] =	vst v63  }
0x34f: {  	_ =	swait.ge [sflag:s24], $0x4000  }
0x350: {  	[sflag:s24] =	ssyncset.done $0x0  }
0x351: {  	s30 =	simm.s32 $0x0;
	s31 =	simm.s32 $0x0;
	[sflag:s24] =	ssyncadd.s32 $0xFFFFC000  }
.LBB2_58:
0x352: {  	s0 =	sshll.u32 s30, $0x2;
	s2 =	sand.u32 $0x7, s29  }
0x353: {  	s0 =	sand.u32 $0xFFFF8000, s0;
	s2 =	sshll.u32 s2, $0x9  }
0x354: {  	s0 =	sor.u32 s2, s0  }
0x355: {  	s2 =	sshrl.u32 s0, $0x2  }
0x356: {  	s0 =	sadd.s32 $0x10040, s2  }
0x357: {  	s2 =	sadd.s32 $0x4040, s2;
	v1 =	vld [tilespmem:s0+$0x30]  }
0x358: {  	v2 =	vld [tilespmem:s2+$0x30]  }
0x359: {  	v0 =	vld [tilespmem:s2+$0xFFFFFFC0]  }
0x35a: {  	v3 =	vld [tilespmem:s0+$0xFFFFFFD0]  }
0x35b: {  	v4 =	vld [tilespmem:s2+$0xFFFFFFD0]  }
0x35c: {  	v5 =	vld [tilespmem:s0+$0xFFFFFFE0]  }
0x35d: {  	v6 =	vld [tilespmem:s2+$0xFFFFFFE0]  }
0x35e: {  	v7 =	vld [tilespmem:s0+$0xFFFFFFF0]  }
0x35f: {  	v8 =	vld [tilespmem:s2+$0xFFFFFFF0]  }
0x360: {  	v9 =	vld [tilespmem:s0+$0x0]  }
0x361: {  	v10 =	vld [tilespmem:s2+$0x0];
	v2 =	vadd.f32 v2, v1  }
0x362: {  	v4 =	vadd.f32 v4, v3;
	v1 =	vld [tilespmem:s0+$0x10]  }
0x363: {  	v5 =	vadd.f32 v6, v5;
	v3 =	vld [tilespmem:s2+$0x10];
	[tilespmem:s0+$0x30] =	vst v2  }
0x364: {  	v6 =	vadd.f32 v8, v7;
	[tilespmem:s0+$0xFFFFFFD0] =	vst v4;
	v2 =	vld [tilespmem:s0+$0x20]  }
0x365: {  	[tilespmem:s0+$0xFFFFFFE0] =	vst v5;
	v5 =	vld [tilespmem:s2+$0x20]  }
0x366: {  	s3 =	simm.s32 $0x0;
	s4 =	sadd.s32 $0x400, s0;
	v4 =	vld [tilespmem:s0+$0xFFFFFFC0];
	[tilespmem:s0+$0xFFFFFFF0] =	vst v6;
	v6 =	vadd.f32 v10, v9  }
.LBB2_59:
0x367: {  	v7 =	vld [tilespmem:s4+$0x30];
	s2 =	sadd.s32 $0x400, s2  }
0x368: {  	s3 =	sadd.s32 $0x80, s3;
	v8 =	vld [tilespmem:s2+$0x30];
	[tilespmem:s0+$0x0] =	vst v6;
	v1 =	vadd.f32 v3, v1  }
0x369: {  	p0 =	slt.u32 s3, $0x380;
	v3 =	vld [tilespmem:s2+$0xFFFFFFC0]  }
0x36a: {  	v6 =	vld [tilespmem:s4+$0xFFFFFFD0];
	[tilespmem:s0+$0x10] =	vst v1;
	v1 =	vadd.f32 v5, v2  }
0x36b: {  	v2 =	vld [tilespmem:s2+$0xFFFFFFD0];
	v9 =	vadd.f32 v0, v4  }
0x36c: {  	v4 =	vld [tilespmem:s4+$0xFFFFFFE0];
	[tilespmem:s0+$0x20] =	vst v1  }
0x36d: {  	v1 =	vld [tilespmem:s2+$0xFFFFFFE0];
	v5 =	vadd.f32 v8, v7;
	[tilespmem:s0+$0xFFFFFFC0] =	vst v9;
	s0 =	smov.u32 s4  }
0x36e: {  	v7 =	vld [tilespmem:s4+$0xFFFFFFF0];
	v0 =	vmov v3  }
0x36f: {  	v8 =	vld [tilespmem:s2+$0xFFFFFFF0];
	[tilespmem:s4+$0x30] =	vst v5  }
0x370: {  	v2 =	vadd.f32 v2, v6;
	v6 =	vld [tilespmem:s4+$0x0]  }
0x371: {  	v9 =	vld [tilespmem:s2+$0x0]  }
.Ltmp28:
0x372: {  	[tilespmem:s4+$0xFFFFFFD0] =	vst v2;
	v2 =	vadd.f32 v1, v4;
	v1 =	vld [tilespmem:s4+$0x10];
	(pc) =	sbr.rel @p0 .LBB2_59-.Ltmp28, $4  }
0x373: {  	v3 =	vld [tilespmem:s2+$0x10]  }
0x374: {  	[tilespmem:s4+$0xFFFFFFE0] =	vst v2;
	v7 =	vadd.f32 v8, v7;
	v2 =	vld [tilespmem:s4+$0x20]  }
0x375: {  	v5 =	vld [tilespmem:s2+$0x20]  }
0x376: {  	s4 =	sadd.s32 $0x400, s4;
	v4 =	vld [tilespmem:s0+$0xFFFFFFC0];
	[tilespmem:s0+$0xFFFFFFF0] =	vst v7;
	v6 =	vadd.f32 v9, v6  }
0x377: {  	s31 =	sadd.s32 $0x1, s31  }
0x378: {  	p0 =	sne.s32 s31, $0x10  }
.Ltmp29:
0x379: {  	v1 =	vadd.f32 v3, v1;
	(pc) =	sbr.rel @p0 .LBB2_58-.Ltmp29, $4  }
0x37a: {  	[tilespmem:s0+$0x0] =	vst v6;
	v2 =	vadd.f32 v5, v2  }
0x37b: {  	[tilespmem:s0+$0x10] =	vst v1;
	v0 =	vadd.f32 v0, v4  }
0x37c: {  	[tilespmem:s0+$0x20] =	vst v2  }
0x37d: {  	s30 =	sadd.s32 $0x400, s30;
	s29 =	sadd.s32 $0x1, s29;
	[tilespmem:s0+$0xFFFFFFC0] =	vst v0  }
0x37e: {  	s0 =	sld [smem:$0x7DD];
	_ =	sdelay $0x1  }
0x37f: {  	s29 =	simm.s32 $0x0  }
0x380: {  	[hbm4b:s0+s29] =	stream.linear.scatter [tilespmem:s18], [sflag:$0x8], $0x4000, $0x38;
	[tilespmem:$0x14000] =	vst v63  }
0x381: {  	_ =	swait.ge [sflag:s25], $0x4000  }
0x382: {  	s4 =	sld [smem:$0x7E3]  }
0x383: {  	[sflag:s25] =	ssyncset.done $0x0  }
0x384: {  	[sflag:s25] =	ssyncadd.s32 $0xFFFFC000  }
0x385: {  	[tilespmem:s18], [sflag:$0x5] =	stream.linear.gather [hbm4b:s4+s29], $0x4000, $0x38;
	[tilespmem:$0x14000] =	vst v63  }
0x386: {  	_ =	swait.ge [sflag:s20], $0x4000  }
0x387: {  	[sflag:s20] =	ssyncset.done $0x0  }
0x388: {  	s30 =	simm.s32 $0x0;
	s31 =	simm.s32 $0x0;
	[sflag:s20] =	ssyncadd.s32 $0xFFFFC000  }
.LBB2_62:
0x389: {  	s0 =	sshll.u32 s30, $0x2;
	s2 =	sand.u32 $0x7, s29  }
0x38a: {  	s0 =	sand.u32 $0xFFFF8000, s0;
	s2 =	sshll.u32 s2, $0x9  }
0x38b: {  	s0 =	sor.u32 s2, s0  }
0x38c: {  	s2 =	sshrl.u32 s0, $0x2  }
0x38d: {  	s0 =	sadd.s32 $0x8040, s2  }
0x38e: {  	s2 =	sadd.s32 $0x4040, s2;
	v1 =	vld [tilespmem:s0+$0x30]  }
0x38f: {  	v2 =	vld [tilespmem:s2+$0x30]  }
0x390: {  	v0 =	vld [tilespmem:s2+$0xFFFFFFC0]  }
0x391: {  	v3 =	vld [tilespmem:s0+$0xFFFFFFD0]  }
0x392: {  	v4 =	vld [tilespmem:s2+$0xFFFFFFD0]  }
0x393: {  	v5 =	vld [tilespmem:s0+$0xFFFFFFE0]  }
0x394: {  	v6 =	vld [tilespmem:s2+$0xFFFFFFE0]  }
0x395: {  	v7 =	vld [tilespmem:s0+$0xFFFFFFF0]  }
0x396: {  	v8 =	vld [tilespmem:s2+$0xFFFFFFF0]  }
0x397: {  	v9 =	vld [tilespmem:s0+$0x0]  }
0x398: {  	v10 =	vld [tilespmem:s2+$0x0];
	v2 =	vadd.f32 v2, v1  }
0x399: {  	v4 =	vadd.f32 v4, v3;
	v1 =	vld [tilespmem:s0+$0x10]  }
0x39a: {  	v5 =	vadd.f32 v6, v5;
	v3 =	vld [tilespmem:s2+$0x10];
	[tilespmem:s0+$0x30] =	vst v2  }
0x39b: {  	v6 =	vadd.f32 v8, v7;
	[tilespmem:s0+$0xFFFFFFD0] =	vst v4;
	v2 =	vld [tilespmem:s0+$0x20]  }
0x39c: {  	[tilespmem:s0+$0xFFFFFFE0] =	vst v5;
	v5 =	vld [tilespmem:s2+$0x20]  }
0x39d: {  	s3 =	simm.s32 $0x0;
	s4 =	sadd.s32 $0x400, s0;
	v4 =	vld [tilespmem:s0+$0xFFFFFFC0];
	[tilespmem:s0+$0xFFFFFFF0] =	vst v6;
	v6 =	vadd.f32 v10, v9  }
.LBB2_63:
0x39e: {  	v7 =	vld [tilespmem:s4+$0x30];
	s2 =	sadd.s32 $0x400, s2  }
0x39f: {  	s3 =	sadd.s32 $0x80, s3;
	v8 =	vld [tilespmem:s2+$0x30];
	[tilespmem:s0+$0x0] =	vst v6;
	v1 =	vadd.f32 v3, v1  }
0x3a0: {  	p0 =	slt.u32 s3, $0x380;
	v3 =	vld [tilespmem:s2+$0xFFFFFFC0]  }
0x3a1: {  	v6 =	vld [tilespmem:s4+$0xFFFFFFD0];
	[tilespmem:s0+$0x10] =	vst v1;
	v1 =	vadd.f32 v5, v2  }
0x3a2: {  	v2 =	vld [tilespmem:s2+$0xFFFFFFD0];
	v9 =	vadd.f32 v0, v4  }
0x3a3: {  	v4 =	vld [tilespmem:s4+$0xFFFFFFE0];
	[tilespmem:s0+$0x20] =	vst v1  }
0x3a4: {  	v1 =	vld [tilespmem:s2+$0xFFFFFFE0];
	v5 =	vadd.f32 v8, v7;
	[tilespmem:s0+$0xFFFFFFC0] =	vst v9;
	s0 =	smov.u32 s4  }
0x3a5: {  	v7 =	vld [tilespmem:s4+$0xFFFFFFF0];
	v0 =	vmov v3  }
0x3a6: {  	v8 =	vld [tilespmem:s2+$0xFFFFFFF0];
	[tilespmem:s4+$0x30] =	vst v5  }
0x3a7: {  	v2 =	vadd.f32 v2, v6;
	v6 =	vld [tilespmem:s4+$0x0]  }
0x3a8: {  	v9 =	vld [tilespmem:s2+$0x0]  }
.Ltmp30:
0x3a9: {  	[tilespmem:s4+$0xFFFFFFD0] =	vst v2;
	v2 =	vadd.f32 v1, v4;
	v1 =	vld [tilespmem:s4+$0x10];
	(pc) =	sbr.rel @p0 .LBB2_63-.Ltmp30, $4  }
0x3aa: {  	v3 =	vld [tilespmem:s2+$0x10]  }
0x3ab: {  	[tilespmem:s4+$0xFFFFFFE0] =	vst v2;
	v7 =	vadd.f32 v8, v7;
	v2 =	vld [tilespmem:s4+$0x20]  }
0x3ac: {  	v5 =	vld [tilespmem:s2+$0x20]  }
0x3ad: {  	s4 =	sadd.s32 $0x400, s4;
	v4 =	vld [tilespmem:s0+$0xFFFFFFC0];
	[tilespmem:s0+$0xFFFFFFF0] =	vst v7;
	v6 =	vadd.f32 v9, v6  }
0x3ae: {  	s31 =	sadd.s32 $0x1, s31  }
0x3af: {  	p0 =	sne.s32 s31, $0x10  }
.Ltmp31:
0x3b0: {  	v1 =	vadd.f32 v3, v1;
	(pc) =	sbr.rel @p0 .LBB2_62-.Ltmp31, $4  }
0x3b1: {  	[tilespmem:s0+$0x0] =	vst v6;
	v2 =	vadd.f32 v5, v2  }
0x3b2: {  	[tilespmem:s0+$0x10] =	vst v1;
	v0 =	vadd.f32 v0, v4  }
0x3b3: {  	[tilespmem:s0+$0x20] =	vst v2  }
0x3b4: {  	s30 =	sadd.s32 $0x400, s30;
	s29 =	sadd.s32 $0x1, s29;
	[tilespmem:s0+$0xFFFFFFC0] =	vst v0  }
0x3b5: {  	s0 =	sld [smem:$0x7DF];
	_ =	sdelay $0x1  }
0x3b6: {  	s29 =	simm.s32 $0x0;
	s3 =	sld [smem:$0x7E9]  }
0x3b7: {  	[hbm4b:s0+s29] =	stream.linear.scatter [tilespmem:s15], [sflag:$0x6], $0x4000, $0x38;
	[tilespmem:$0x14000] =	vst v63  }
0x3b8: {  	_ = 	snop  }
0x3b9: {  	[tilespmem:s17], [sflag:$0x2] =	stream.linear.gather [hbm4b:s3+s29], $0x4000, $0x38;
	[tilespmem:$0x14000] =	vst v63  }
0x3ba: {  	_ =	swait.ge [sflag:s21], $0x4000  }
0x3bb: {  	s4 =	sld [smem:$0x7E5]  }
0x3bc: {  	[sflag:s21] =	ssyncset.done $0x0  }
0x3bd: {  	[sflag:s21] =	ssyncadd.s32 $0xFFFFC000  }
0x3be: {  	[tilespmem:s15], [sflag:$0x3] =	stream.linear.gather [hbm4b:s4+s29], $0x4000, $0x38;
	[tilespmem:$0x14000] =	vst v63  }
0x3bf: {  	_ =	swait.ge [sflag:s19], $0x4000  }
0x3c0: {  	[sflag:s19] =	ssyncset.done $0x0  }
0x3c1: {  	[sflag:s19] =	ssyncadd.s32 $0xFFFFC000  }
0x3c2: {  	_ =	swait.ge [sflag:s22], $0x4000  }
0x3c3: {  	[sflag:s22] =	ssyncset.done $0x0  }
0x3c4: {  	s30 =	simm.s32 $0x0;
	s31 =	simm.s32 $0x0;
	[sflag:s22] =	ssyncadd.s32 $0xFFFFC000  }
.LBB2_66:
0x3c5: {  	s0 =	sshll.u32 s30, $0x2;
	s2 =	sand.u32 $0x7, s29  }
0x3c6: {  	s0 =	sand.u32 $0xFFFF8000, s0;
	s2 =	sshll.u32 s2, $0x9  }
0x3c7: {  	s0 =	sor.u32 s2, s0  }
0x3c8: {  	s2 =	sshrl.u32 s0, $0x2  }
0x3c9: {  	s0 =	sadd.s32 $0xC040, s2  }
0x3ca: {  	s2 =	sor.u32 $0x40, s2;
	v1 =	vld [tilespmem:s0+$0x30]  }
0x3cb: {  	v2 =	vld [tilespmem:s2+$0x30]  }
0x3cc: {  	v0 =	vld [tilespmem:s2+$0xFFFFFFC0]  }
0x3cd: {  	v3 =	vld [tilespmem:s0+$0xFFFFFFD0]  }
0x3ce: {  	v4 =	vld [tilespmem:s2+$0xFFFFFFD0]  }
0x3cf: {  	v5 =	vld [tilespmem:s0+$0xFFFFFFE0]  }
0x3d0: {  	v6 =	vld [tilespmem:s2+$0xFFFFFFE0]  }
0x3d1: {  	v7 =	vld [tilespmem:s0+$0xFFFFFFF0]  }
0x3d2: {  	v8 =	vld [tilespmem:s2+$0xFFFFFFF0]  }
0x3d3: {  	v9 =	vld [tilespmem:s0+$0x0]  }
0x3d4: {  	v10 =	vld [tilespmem:s2+$0x0];
	v2 =	vadd.f32 v2, v1  }
0x3d5: {  	v4 =	vadd.f32 v4, v3;
	v1 =	vld [tilespmem:s0+$0x10]  }
0x3d6: {  	v5 =	vadd.f32 v6, v5;
	v3 =	vld [tilespmem:s2+$0x10];
	[tilespmem:s0+$0x30] =	vst v2  }
0x3d7: {  	v6 =	vadd.f32 v8, v7;
	[tilespmem:s0+$0xFFFFFFD0] =	vst v4;
	v2 =	vld [tilespmem:s0+$0x20]  }
0x3d8: {  	[tilespmem:s0+$0xFFFFFFE0] =	vst v5;
	v5 =	vld [tilespmem:s2+$0x20]  }
0x3d9: {  	s3 =	simm.s32 $0x0;
	s4 =	sadd.s32 $0x400, s0;
	v4 =	vld [tilespmem:s0+$0xFFFFFFC0];
	[tilespmem:s0+$0xFFFFFFF0] =	vst v6;
	v6 =	vadd.f32 v10, v9  }
.LBB2_67:
0x3da: {  	v7 =	vld [tilespmem:s4+$0x30];
	s2 =	sadd.s32 $0x400, s2  }
0x3db: {  	s3 =	sadd.s32 $0x80, s3;
	v8 =	vld [tilespmem:s2+$0x30];
	[tilespmem:s0+$0x0] =	vst v6;
	v1 =	vadd.f32 v3, v1  }
0x3dc: {  	p0 =	slt.u32 s3, $0x380;
	v3 =	vld [tilespmem:s2+$0xFFFFFFC0]  }
0x3dd: {  	v6 =	vld [tilespmem:s4+$0xFFFFFFD0];
	[tilespmem:s0+$0x10] =	vst v1;
	v1 =	vadd.f32 v5, v2  }
0x3de: {  	v2 =	vld [tilespmem:s2+$0xFFFFFFD0];
	v9 =	vadd.f32 v0, v4  }
0x3df: {  	v4 =	vld [tilespmem:s4+$0xFFFFFFE0];
	[tilespmem:s0+$0x20] =	vst v1  }
0x3e0: {  	v1 =	vld [tilespmem:s2+$0xFFFFFFE0];
	v5 =	vadd.f32 v8, v7;
	[tilespmem:s0+$0xFFFFFFC0] =	vst v9;
	s0 =	smov.u32 s4  }
0x3e1: {  	v7 =	vld [tilespmem:s4+$0xFFFFFFF0];
	v0 =	vmov v3  }
0x3e2: {  	v8 =	vld [tilespmem:s2+$0xFFFFFFF0];
	[tilespmem:s4+$0x30] =	vst v5  }
0x3e3: {  	v2 =	vadd.f32 v2, v6;
	v6 =	vld [tilespmem:s4+$0x0]  }
0x3e4: {  	v9 =	vld [tilespmem:s2+$0x0]  }
.Ltmp32:
0x3e5: {  	[tilespmem:s4+$0xFFFFFFD0] =	vst v2;
	v2 =	vadd.f32 v1, v4;
	v1 =	vld [tilespmem:s4+$0x10];
	(pc) =	sbr.rel @p0 .LBB2_67-.Ltmp32, $4  }
0x3e6: {  	v3 =	vld [tilespmem:s2+$0x10]  }
0x3e7: {  	[tilespmem:s4+$0xFFFFFFE0] =	vst v2;
	v7 =	vadd.f32 v8, v7;
	v2 =	vld [tilespmem:s4+$0x20]  }
0x3e8: {  	v5 =	vld [tilespmem:s2+$0x20]  }
0x3e9: {  	s4 =	sadd.s32 $0x400, s4;
	v4 =	vld [tilespmem:s0+$0xFFFFFFC0];
	[tilespmem:s0+$0xFFFFFFF0] =	vst v7;
	v6 =	vadd.f32 v9, v6  }
0x3ea: {  	s31 =	sadd.s32 $0x1, s31  }
0x3eb: {  	p0 =	sne.s32 s31, $0x10  }
.Ltmp33:
0x3ec: {  	v1 =	vadd.f32 v3, v1;
	(pc) =	sbr.rel @p0 .LBB2_66-.Ltmp33, $4  }
0x3ed: {  	[tilespmem:s0+$0x0] =	vst v6;
	v2 =	vadd.f32 v5, v2  }
0x3ee: {  	[tilespmem:s0+$0x10] =	vst v1;
	v0 =	vadd.f32 v0, v4  }
0x3ef: {  	[tilespmem:s0+$0x20] =	vst v2  }
0x3f0: {  	s30 =	sadd.s32 $0x400, s30;
	s29 =	sadd.s32 $0x1, s29;
	[tilespmem:s0+$0xFFFFFFC0] =	vst v0  }
0x3f1: {  	s0 =	sld [smem:$0x7E2];
	_ =	sdelay $0x1  }
0x3f2: {  	s29 =	simm.s32 $0x0  }
0x3f3: {  	[hbm4b:s0+s29] =	stream.linear.scatter [tilespmem:s16], [sflag:$0x7], $0x4000, $0x38;
	[tilespmem:$0x14000] =	vst v63  }
0x3f4: {  	_ =	swait.ge [sflag:s23], $0x4000  }
0x3f5: {  	s4 =	sld [smem:$0x7E7]  }
0x3f6: {  	[sflag:s23] =	ssyncset.done $0x0  }
0x3f7: {  	[sflag:s23] =	ssyncadd.s32 $0xFFFFC000  }
0x3f8: {  	[tilespmem:s16], [sflag:$0x4] =	stream.linear.gather [hbm4b:s4+s29], $0x4000, $0x38;
	[tilespmem:$0x14000] =	vst v63  }
0x3f9: {  	_ =	swait.ge [sflag:s24], $0x4000  }
0x3fa: {  	[sflag:s24] =	ssyncset.done $0x0  }
0x3fb: {  	s30 =	simm.s32 $0x0;
	s31 =	simm.s32 $0x0;
	[sflag:s24] =	ssyncadd.s32 $0xFFFFC000  }
.LBB2_70:
0x3fc: {  	s0 =	sshll.u32 s30, $0x2;
	s2 =	sand.u32 $0x7, s29  }
0x3fd: {  	s0 =	sand.u32 $0xFFFF8000, s0;
	s2 =	sshll.u32 s2, $0x9  }
0x3fe: {  	s0 =	sor.u32 s2, s0  }
0x3ff: {  	s2 =	sshrl.u32 s0, $0x2  }
0x400: {  	s0 =	sadd.s32 $0x10040, s2  }
0x401: {  	s2 =	sor.u32 $0x40, s2;
	v1 =	vld [tilespmem:s0+$0x30]  }
0x402: {  	v2 =	vld [tilespmem:s2+$0x30]  }
0x403: {  	v0 =	vld [tilespmem:s2+$0xFFFFFFC0]  }
0x404: {  	v3 =	vld [tilespmem:s0+$0xFFFFFFD0]  }
0x405: {  	v4 =	vld [tilespmem:s2+$0xFFFFFFD0]  }
0x406: {  	v5 =	vld [tilespmem:s0+$0xFFFFFFE0]  }
0x407: {  	v6 =	vld [tilespmem:s2+$0xFFFFFFE0]  }
0x408: {  	v7 =	vld [tilespmem:s0+$0xFFFFFFF0]  }
0x409: {  	v8 =	vld [tilespmem:s2+$0xFFFFFFF0]  }
0x40a: {  	v9 =	vld [tilespmem:s0+$0x0]  }
0x40b: {  	v10 =	vld [tilespmem:s2+$0x0];
	v2 =	vadd.f32 v2, v1  }
0x40c: {  	v4 =	vadd.f32 v4, v3;
	v1 =	vld [tilespmem:s0+$0x10]  }
0x40d: {  	v5 =	vadd.f32 v6, v5;
	v3 =	vld [tilespmem:s2+$0x10];
	[tilespmem:s0+$0x30] =	vst v2  }
0x40e: {  	v6 =	vadd.f32 v8, v7;
	[tilespmem:s0+$0xFFFFFFD0] =	vst v4;
	v2 =	vld [tilespmem:s0+$0x20]  }
0x40f: {  	[tilespmem:s0+$0xFFFFFFE0] =	vst v5;
	v5 =	vld [tilespmem:s2+$0x20]  }
0x410: {  	s3 =	simm.s32 $0x0;
	s4 =	sadd.s32 $0x400, s0;
	v4 =	vld [tilespmem:s0+$0xFFFFFFC0];
	[tilespmem:s0+$0xFFFFFFF0] =	vst v6;
	v6 =	vadd.f32 v10, v9  }
.LBB2_71:
0x411: {  	v7 =	vld [tilespmem:s4+$0x30];
	s2 =	sadd.s32 $0x400, s2  }
0x412: {  	s3 =	sadd.s32 $0x80, s3;
	v8 =	vld [tilespmem:s2+$0x30];
	[tilespmem:s0+$0x0] =	vst v6;
	v1 =	vadd.f32 v3, v1  }
0x413: {  	p0 =	slt.u32 s3, $0x380;
	v3 =	vld [tilespmem:s2+$0xFFFFFFC0]  }
0x414: {  	v6 =	vld [tilespmem:s4+$0xFFFFFFD0];
	[tilespmem:s0+$0x10] =	vst v1;
	v1 =	vadd.f32 v5, v2  }
0x415: {  	v2 =	vld [tilespmem:s2+$0xFFFFFFD0];
	v9 =	vadd.f32 v0, v4  }
0x416: {  	v4 =	vld [tilespmem:s4+$0xFFFFFFE0];
	[tilespmem:s0+$0x20] =	vst v1  }
0x417: {  	v1 =	vld [tilespmem:s2+$0xFFFFFFE0];
	v5 =	vadd.f32 v8, v7;
	[tilespmem:s0+$0xFFFFFFC0] =	vst v9;
	s0 =	smov.u32 s4  }
0x418: {  	v7 =	vld [tilespmem:s4+$0xFFFFFFF0];
	v0 =	vmov v3  }
0x419: {  	v8 =	vld [tilespmem:s2+$0xFFFFFFF0];
	[tilespmem:s4+$0x30] =	vst v5  }
0x41a: {  	v2 =	vadd.f32 v2, v6;
	v6 =	vld [tilespmem:s4+$0x0]  }
0x41b: {  	v9 =	vld [tilespmem:s2+$0x0]  }
.Ltmp34:
0x41c: {  	[tilespmem:s4+$0xFFFFFFD0] =	vst v2;
	v2 =	vadd.f32 v1, v4;
	v1 =	vld [tilespmem:s4+$0x10];
	(pc) =	sbr.rel @p0 .LBB2_71-.Ltmp34, $4  }
0x41d: {  	v3 =	vld [tilespmem:s2+$0x10]  }
0x41e: {  	[tilespmem:s4+$0xFFFFFFE0] =	vst v2;
	v7 =	vadd.f32 v8, v7;
	v2 =	vld [tilespmem:s4+$0x20]  }
0x41f: {  	v5 =	vld [tilespmem:s2+$0x20]  }
0x420: {  	s4 =	sadd.s32 $0x400, s4;
	v4 =	vld [tilespmem:s0+$0xFFFFFFC0];
	[tilespmem:s0+$0xFFFFFFF0] =	vst v7;
	v6 =	vadd.f32 v9, v6  }
0x421: {  	s31 =	sadd.s32 $0x1, s31  }
0x422: {  	p0 =	sne.s32 s31, $0x10  }
.Ltmp35:
0x423: {  	v1 =	vadd.f32 v3, v1;
	(pc) =	sbr.rel @p0 .LBB2_70-.Ltmp35, $4  }
0x424: {  	[tilespmem:s0+$0x0] =	vst v6;
	v2 =	vadd.f32 v5, v2  }
0x425: {  	[tilespmem:s0+$0x10] =	vst v1;
	v0 =	vadd.f32 v0, v4  }
0x426: {  	[tilespmem:s0+$0x20] =	vst v2  }
0x427: {  	s30 =	sadd.s32 $0x400, s30;
	s29 =	sadd.s32 $0x1, s29;
	[tilespmem:s0+$0xFFFFFFC0] =	vst v0  }
0x428: {  	s0 =	sld [smem:$0x7E4];
	_ =	sdelay $0x1  }
0x429: {  	s29 =	simm.s32 $0x0  }
0x42a: {  	[hbm4b:s0+s29] =	stream.linear.scatter [tilespmem:s18], [sflag:$0x8], $0x4000, $0x38;
	[tilespmem:$0x14000] =	vst v63  }
0x42b: {  	_ =	swait.ge [sflag:s25], $0x4000  }
0x42c: {  	s4 =	sld [smem:$0x7EA]  }
0x42d: {  	[sflag:s25] =	ssyncset.done $0x0  }
0x42e: {  	[sflag:s25] =	ssyncadd.s32 $0xFFFFC000  }
0x42f: {  	[tilespmem:s18], [sflag:$0x5] =	stream.linear.gather [hbm4b:s4+s29], $0x4000, $0x38;
	[tilespmem:$0x14000] =	vst v63  }
0x430: {  	_ =	swait.ge [sflag:s20], $0x4000  }
0x431: {  	[sflag:s20] =	ssyncset.done $0x0  }
0x432: {  	s30 =	simm.s32 $0x0;
	s31 =	simm.s32 $0x0;
	[sflag:s20] =	ssyncadd.s32 $0xFFFFC000  }
.LBB2_74:
0x433: {  	s0 =	sshll.u32 s30, $0x2;
	s2 =	sand.u32 $0x7, s29  }
0x434: {  	s0 =	sand.u32 $0xFFFF8000, s0;
	s2 =	sshll.u32 s2, $0x9  }
0x435: {  	s0 =	sor.u32 s2, s0  }
0x436: {  	s2 =	sshrl.u32 s0, $0x2  }
0x437: {  	s0 =	sadd.s32 $0x8040, s2  }
0x438: {  	s2 =	sor.u32 $0x40, s2;
	v1 =	vld [tilespmem:s0+$0x30]  }
0x439: {  	v2 =	vld [tilespmem:s2+$0x30]  }
0x43a: {  	v0 =	vld [tilespmem:s2+$0xFFFFFFC0]  }
0x43b: {  	v3 =	vld [tilespmem:s0+$0xFFFFFFD0]  }
0x43c: {  	v4 =	vld [tilespmem:s2+$0xFFFFFFD0]  }
0x43d: {  	v5 =	vld [tilespmem:s0+$0xFFFFFFE0]  }
0x43e: {  	v6 =	vld [tilespmem:s2+$0xFFFFFFE0]  }
0x43f: {  	v7 =	vld [tilespmem:s0+$0xFFFFFFF0]  }
0x440: {  	v8 =	vld [tilespmem:s2+$0xFFFFFFF0]  }
0x441: {  	v9 =	vld [tilespmem:s0+$0x0]  }
0x442: {  	v10 =	vld [tilespmem:s2+$0x0];
	v2 =	vadd.f32 v2, v1  }
0x443: {  	v4 =	vadd.f32 v4, v3;
	v1 =	vld [tilespmem:s0+$0x10]  }
0x444: {  	v5 =	vadd.f32 v6, v5;
	v3 =	vld [tilespmem:s2+$0x10];
	[tilespmem:s0+$0x30] =	vst v2  }
0x445: {  	v6 =	vadd.f32 v8, v7;
	[tilespmem:s0+$0xFFFFFFD0] =	vst v4;
	v2 =	vld [tilespmem:s0+$0x20]  }
0x446: {  	[tilespmem:s0+$0xFFFFFFE0] =	vst v5;
	v5 =	vld [tilespmem:s2+$0x20]  }
0x447: {  	s3 =	simm.s32 $0x0;
	s4 =	sadd.s32 $0x400, s0;
	v4 =	vld [tilespmem:s0+$0xFFFFFFC0];
	[tilespmem:s0+$0xFFFFFFF0] =	vst v6;
	v6 =	vadd.f32 v10, v9  }
.LBB2_75:
0x448: {  	v7 =	vld [tilespmem:s4+$0x30];
	s2 =	sadd.s32 $0x400, s2  }
0x449: {  	s3 =	sadd.s32 $0x80, s3;
	v8 =	vld [tilespmem:s2+$0x30];
	[tilespmem:s0+$0x0] =	vst v6;
	v1 =	vadd.f32 v3, v1  }
0x44a: {  	p0 =	slt.u32 s3, $0x380;
	v3 =	vld [tilespmem:s2+$0xFFFFFFC0]  }
0x44b: {  	v6 =	vld [tilespmem:s4+$0xFFFFFFD0];
	[tilespmem:s0+$0x10] =	vst v1;
	v1 =	vadd.f32 v5, v2  }
0x44c: {  	v2 =	vld [tilespmem:s2+$0xFFFFFFD0];
	v9 =	vadd.f32 v0, v4  }
0x44d: {  	v4 =	vld [tilespmem:s4+$0xFFFFFFE0];
	[tilespmem:s0+$0x20] =	vst v1  }
0x44e: {  	v1 =	vld [tilespmem:s2+$0xFFFFFFE0];
	v5 =	vadd.f32 v8, v7;
	[tilespmem:s0+$0xFFFFFFC0] =	vst v9;
	s0 =	smov.u32 s4  }
0x44f: {  	v7 =	vld [tilespmem:s4+$0xFFFFFFF0];
	v0 =	vmov v3  }
0x450: {  	v8 =	vld [tilespmem:s2+$0xFFFFFFF0];
	[tilespmem:s4+$0x30] =	vst v5  }
0x451: {  	v2 =	vadd.f32 v2, v6;
	v6 =	vld [tilespmem:s4+$0x0]  }
0x452: {  	v9 =	vld [tilespmem:s2+$0x0]  }
.Ltmp36:
0x453: {  	[tilespmem:s4+$0xFFFFFFD0] =	vst v2;
	v2 =	vadd.f32 v1, v4;
	v1 =	vld [tilespmem:s4+$0x10];
	(pc) =	sbr.rel @p0 .LBB2_75-.Ltmp36, $4  }
0x454: {  	v3 =	vld [tilespmem:s2+$0x10]  }
0x455: {  	[tilespmem:s4+$0xFFFFFFE0] =	vst v2;
	v7 =	vadd.f32 v8, v7;
	v2 =	vld [tilespmem:s4+$0x20]  }
0x456: {  	v5 =	vld [tilespmem:s2+$0x20]  }
0x457: {  	s4 =	sadd.s32 $0x400, s4;
	v4 =	vld [tilespmem:s0+$0xFFFFFFC0];
	[tilespmem:s0+$0xFFFFFFF0] =	vst v7;
	v6 =	vadd.f32 v9, v6  }
0x458: {  	s31 =	sadd.s32 $0x1, s31  }
0x459: {  	p0 =	sne.s32 s31, $0x10  }
.Ltmp37:
0x45a: {  	v1 =	vadd.f32 v3, v1;
	(pc) =	sbr.rel @p0 .LBB2_74-.Ltmp37, $4  }
0x45b: {  	[tilespmem:s0+$0x0] =	vst v6;
	v2 =	vadd.f32 v5, v2  }
0x45c: {  	[tilespmem:s0+$0x10] =	vst v1;
	v0 =	vadd.f32 v0, v4  }
0x45d: {  	[tilespmem:s0+$0x20] =	vst v2  }
0x45e: {  	s30 =	sadd.s32 $0x400, s30;
	s29 =	sadd.s32 $0x1, s29;
	[tilespmem:s0+$0xFFFFFFC0] =	vst v0  }
0x45f: {  	s0 =	sld [smem:$0x7E6];
	_ =	sdelay $0x1  }
0x460: {  	s29 =	simm.s32 $0x0  }
0x461: {  	[hbm4b:s0+s29] =	stream.linear.scatter [tilespmem:s15], [sflag:$0x6], $0x4000, $0x38;
	[tilespmem:$0x14000] =	vst v63  }
0x462: {  	_ =	swait.ge [sflag:s21], $0x4000  }
0x463: {  	s4 =	sld [smem:$0x7EC]  }
0x464: {  	[sflag:s21] =	ssyncset.done $0x0  }
0x465: {  	[sflag:s21] =	ssyncadd.s32 $0xFFFFC000  }
0x466: {  	[tilespmem:s15], [sflag:$0x3] =	stream.linear.gather [hbm4b:s4+s29], $0x4000, $0x38;
	[tilespmem:$0x14000] =	vst v63  }
0x467: {  	_ =	swait.ge [sflag:s22], $0x4000  }
0x468: {  	[sflag:s22] =	ssyncset.done $0x0  }
0x469: {  	s30 =	simm.s32 $0x0;
	s31 =	simm.s32 $0x0;
	[sflag:s22] =	ssyncadd.s32 $0xFFFFC000  }
.LBB2_78:
0x46a: {  	s0 =	sshll.u32 s30, $0x2;
	s2 =	sand.u32 $0x7, s29  }
0x46b: {  	s0 =	sand.u32 $0xFFFF8000, s0;
	s2 =	sshll.u32 s2, $0x9  }
0x46c: {  	s0 =	sor.u32 s2, s0  }
0x46d: {  	s2 =	sshrl.u32 s0, $0x2  }
0x46e: {  	s0 =	sadd.s32 $0xC040, s2  }
0x46f: {  	s2 =	sor.u32 $0x40, s2;
	v1 =	vld [tilespmem:s0+$0x30]  }
0x470: {  	v2 =	vld [tilespmem:s2+$0x30]  }
0x471: {  	v0 =	vld [tilespmem:s2+$0xFFFFFFC0]  }
0x472: {  	v3 =	vld [tilespmem:s0+$0xFFFFFFD0]  }
0x473: {  	v4 =	vld [tilespmem:s2+$0xFFFFFFD0]  }
0x474: {  	v5 =	vld [tilespmem:s0+$0xFFFFFFE0]  }
0x475: {  	v6 =	vld [tilespmem:s2+$0xFFFFFFE0]  }
0x476: {  	v7 =	vld [tilespmem:s0+$0xFFFFFFF0]  }
0x477: {  	v8 =	vld [tilespmem:s2+$0xFFFFFFF0]  }
0x478: {  	v9 =	vld [tilespmem:s0+$0x0]  }
0x479: {  	v10 =	vld [tilespmem:s2+$0x0];
	v2 =	vadd.f32 v2, v1  }
0x47a: {  	v4 =	vadd.f32 v4, v3;
	v1 =	vld [tilespmem:s0+$0x10]  }
0x47b: {  	v5 =	vadd.f32 v6, v5;
	v3 =	vld [tilespmem:s2+$0x10];
	[tilespmem:s0+$0x30] =	vst v2  }
0x47c: {  	v6 =	vadd.f32 v8, v7;
	[tilespmem:s0+$0xFFFFFFD0] =	vst v4;
	v2 =	vld [tilespmem:s0+$0x20]  }
0x47d: {  	[tilespmem:s0+$0xFFFFFFE0] =	vst v5;
	v5 =	vld [tilespmem:s2+$0x20]  }
0x47e: {  	s3 =	simm.s32 $0x0;
	s4 =	sadd.s32 $0x400, s0;
	v4 =	vld [tilespmem:s0+$0xFFFFFFC0];
	[tilespmem:s0+$0xFFFFFFF0] =	vst v6;
	v6 =	vadd.f32 v10, v9  }
.LBB2_79:
0x47f: {  	v7 =	vld [tilespmem:s4+$0x30];
	s2 =	sadd.s32 $0x400, s2  }
0x480: {  	s3 =	sadd.s32 $0x80, s3;
	v8 =	vld [tilespmem:s2+$0x30];
	[tilespmem:s0+$0x0] =	vst v6;
	v1 =	vadd.f32 v3, v1  }
0x481: {  	p0 =	slt.u32 s3, $0x380;
	v3 =	vld [tilespmem:s2+$0xFFFFFFC0]  }
0x482: {  	v6 =	vld [tilespmem:s4+$0xFFFFFFD0];
	[tilespmem:s0+$0x10] =	vst v1;
	v1 =	vadd.f32 v5, v2  }
0x483: {  	v2 =	vld [tilespmem:s2+$0xFFFFFFD0];
	v9 =	vadd.f32 v0, v4  }
0x484: {  	v4 =	vld [tilespmem:s4+$0xFFFFFFE0];
	[tilespmem:s0+$0x20] =	vst v1  }
0x485: {  	v1 =	vld [tilespmem:s2+$0xFFFFFFE0];
	v5 =	vadd.f32 v8, v7;
	[tilespmem:s0+$0xFFFFFFC0] =	vst v9;
	s0 =	smov.u32 s4  }
0x486: {  	v7 =	vld [tilespmem:s4+$0xFFFFFFF0];
	v0 =	vmov v3  }
0x487: {  	v8 =	vld [tilespmem:s2+$0xFFFFFFF0];
	[tilespmem:s4+$0x30] =	vst v5  }
0x488: {  	v2 =	vadd.f32 v2, v6;
	v6 =	vld [tilespmem:s4+$0x0]  }
0x489: {  	v9 =	vld [tilespmem:s2+$0x0]  }
.Ltmp38:
0x48a: {  	[tilespmem:s4+$0xFFFFFFD0] =	vst v2;
	v2 =	vadd.f32 v1, v4;
	v1 =	vld [tilespmem:s4+$0x10];
	(pc) =	sbr.rel @p0 .LBB2_79-.Ltmp38, $4  }
0x48b: {  	v3 =	vld [tilespmem:s2+$0x10]  }
0x48c: {  	[tilespmem:s4+$0xFFFFFFE0] =	vst v2;
	v7 =	vadd.f32 v8, v7;
	v2 =	vld [tilespmem:s4+$0x20]  }
0x48d: {  	v5 =	vld [tilespmem:s2+$0x20]  }
0x48e: {  	s4 =	sadd.s32 $0x400, s4;
	v4 =	vld [tilespmem:s0+$0xFFFFFFC0];
	[tilespmem:s0+$0xFFFFFFF0] =	vst v7;
	v6 =	vadd.f32 v9, v6  }
0x48f: {  	s31 =	sadd.s32 $0x1, s31  }
0x490: {  	p0 =	sne.s32 s31, $0x10  }
.Ltmp39:
0x491: {  	v1 =	vadd.f32 v3, v1;
	(pc) =	sbr.rel @p0 .LBB2_78-.Ltmp39, $4  }
0x492: {  	[tilespmem:s0+$0x0] =	vst v6;
	v2 =	vadd.f32 v5, v2  }
0x493: {  	[tilespmem:s0+$0x10] =	vst v1;
	v0 =	vadd.f32 v0, v4  }
0x494: {  	[tilespmem:s0+$0x20] =	vst v2  }
0x495: {  	s30 =	sadd.s32 $0x400, s30;
	s29 =	sadd.s32 $0x1, s29;
	[tilespmem:s0+$0xFFFFFFC0] =	vst v0  }
0x496: {  	s0 =	sld [smem:$0x7E8];
	_ =	sdelay $0x1  }
0x497: {  	s29 =	simm.s32 $0x0;
	s3 =	sld [smem:$0x7F3]  }
0x498: {  	[hbm4b:s0+s29] =	stream.linear.scatter [tilespmem:s16], [sflag:$0x7], $0x4000, $0x38;
	[tilespmem:$0x14000] =	vst v63  }
0x499: {  	_ = 	snop  }
0x49a: {  	[tilespmem:s29], [sflag:$0x1] =	stream.linear.gather [hbm4b:s3+s29], $0x4000, $0x38;
	[tilespmem:$0x14000] =	vst v63  }
0x49b: {  	_ =	swait.ge [sflag:s23], $0x4000  }
0x49c: {  	s4 =	sld [smem:$0x7EE]  }
0x49d: {  	[sflag:s23] =	ssyncset.done $0x0  }
0x49e: {  	[sflag:s23] =	ssyncadd.s32 $0xFFFFC000  }
0x49f: {  	[tilespmem:s16], [sflag:$0x4] =	stream.linear.gather [hbm4b:s4+s29], $0x4000, $0x38;
	[tilespmem:$0x14000] =	vst v63  }
0x4a0: {  	_ =	swait.ge [sflag:s26], $0x4000  }
0x4a1: {  	[sflag:s26] =	ssyncset.done $0x0  }
0x4a2: {  	[sflag:s26] =	ssyncadd.s32 $0xFFFFC000  }
0x4a3: {  	_ =	swait.ge [sflag:s24], $0x4000  }
0x4a4: {  	[sflag:s24] =	ssyncset.done $0x0  }
0x4a5: {  	s30 =	simm.s32 $0x0;
	s31 =	simm.s32 $0x0;
	[sflag:s24] =	ssyncadd.s32 $0xFFFFC000  }
.LBB2_82:
0x4a6: {  	s0 =	sshll.u32 s30, $0x2;
	s2 =	sand.u32 $0x7, s29  }
0x4a7: {  	s0 =	sand.u32 $0xFFFF8000, s0;
	s2 =	sshll.u32 s2, $0x9  }
0x4a8: {  	s0 =	sor.u32 s2, s0  }
0x4a9: {  	s2 =	sshrl.u32 s0, $0x2  }
0x4aa: {  	s0 =	sadd.s32 $0x10040, s2  }
0x4ab: {  	s2 =	sadd.s32 $0x4040, s2;
	v1 =	vld [tilespmem:s0+$0x30]  }
0x4ac: {  	v2 =	vld [tilespmem:s2+$0x30]  }
0x4ad: {  	v0 =	vld [tilespmem:s2+$0xFFFFFFC0]  }
0x4ae: {  	v3 =	vld [tilespmem:s0+$0xFFFFFFD0]  }
0x4af: {  	v4 =	vld [tilespmem:s2+$0xFFFFFFD0]  }
0x4b0: {  	v5 =	vld [tilespmem:s0+$0xFFFFFFE0]  }
0x4b1: {  	v6 =	vld [tilespmem:s2+$0xFFFFFFE0]  }
0x4b2: {  	v7 =	vld [tilespmem:s0+$0xFFFFFFF0]  }
0x4b3: {  	v8 =	vld [tilespmem:s2+$0xFFFFFFF0]  }
0x4b4: {  	v9 =	vld [tilespmem:s0+$0x0]  }
0x4b5: {  	v10 =	vld [tilespmem:s2+$0x0];
	v2 =	vadd.f32 v2, v1  }
0x4b6: {  	v4 =	vadd.f32 v4, v3;
	v1 =	vld [tilespmem:s0+$0x10]  }
0x4b7: {  	v5 =	vadd.f32 v6, v5;
	v3 =	vld [tilespmem:s2+$0x10];
	[tilespmem:s0+$0x30] =	vst v2  }
0x4b8: {  	v6 =	vadd.f32 v8, v7;
	[tilespmem:s0+$0xFFFFFFD0] =	vst v4;
	v2 =	vld [tilespmem:s0+$0x20]  }
0x4b9: {  	[tilespmem:s0+$0xFFFFFFE0] =	vst v5;
	v5 =	vld [tilespmem:s2+$0x20]  }
0x4ba: {  	s3 =	simm.s32 $0x0;
	s4 =	sadd.s32 $0x400, s0;
	v4 =	vld [tilespmem:s0+$0xFFFFFFC0];
	[tilespmem:s0+$0xFFFFFFF0] =	vst v6;
	v6 =	vadd.f32 v10, v9  }
.LBB2_83:
0x4bb: {  	v7 =	vld [tilespmem:s4+$0x30];
	s2 =	sadd.s32 $0x400, s2  }
0x4bc: {  	s3 =	sadd.s32 $0x80, s3;
	v8 =	vld [tilespmem:s2+$0x30];
	[tilespmem:s0+$0x0] =	vst v6;
	v1 =	vadd.f32 v3, v1  }
0x4bd: {  	p0 =	slt.u32 s3, $0x380;
	v3 =	vld [tilespmem:s2+$0xFFFFFFC0]  }
0x4be: {  	v6 =	vld [tilespmem:s4+$0xFFFFFFD0];
	[tilespmem:s0+$0x10] =	vst v1;
	v1 =	vadd.f32 v5, v2  }
0x4bf: {  	v2 =	vld [tilespmem:s2+$0xFFFFFFD0];
	v9 =	vadd.f32 v0, v4  }
0x4c0: {  	v4 =	vld [tilespmem:s4+$0xFFFFFFE0];
	[tilespmem:s0+$0x20] =	vst v1  }
0x4c1: {  	v1 =	vld [tilespmem:s2+$0xFFFFFFE0];
	v5 =	vadd.f32 v8, v7;
	[tilespmem:s0+$0xFFFFFFC0] =	vst v9;
	s0 =	smov.u32 s4  }
0x4c2: {  	v7 =	vld [tilespmem:s4+$0xFFFFFFF0];
	v0 =	vmov v3  }
0x4c3: {  	v8 =	vld [tilespmem:s2+$0xFFFFFFF0];
	[tilespmem:s4+$0x30] =	vst v5  }
0x4c4: {  	v2 =	vadd.f32 v2, v6;
	v6 =	vld [tilespmem:s4+$0x0]  }
0x4c5: {  	v9 =	vld [tilespmem:s2+$0x0]  }
.Ltmp40:
0x4c6: {  	[tilespmem:s4+$0xFFFFFFD0] =	vst v2;
	v2 =	vadd.f32 v1, v4;
	v1 =	vld [tilespmem:s4+$0x10];
	(pc) =	sbr.rel @p0 .LBB2_83-.Ltmp40, $4  }
0x4c7: {  	v3 =	vld [tilespmem:s2+$0x10]  }
0x4c8: {  	[tilespmem:s4+$0xFFFFFFE0] =	vst v2;
	v7 =	vadd.f32 v8, v7;
	v2 =	vld [tilespmem:s4+$0x20]  }
0x4c9: {  	v5 =	vld [tilespmem:s2+$0x20]  }
0x4ca: {  	s4 =	sadd.s32 $0x400, s4;
	v4 =	vld [tilespmem:s0+$0xFFFFFFC0];
	[tilespmem:s0+$0xFFFFFFF0] =	vst v7;
	v6 =	vadd.f32 v9, v6  }
0x4cb: {  	s31 =	sadd.s32 $0x1, s31  }
0x4cc: {  	p0 =	sne.s32 s31, $0x10  }
.Ltmp41:
0x4cd: {  	v1 =	vadd.f32 v3, v1;
	(pc) =	sbr.rel @p0 .LBB2_82-.Ltmp41, $4  }
0x4ce: {  	[tilespmem:s0+$0x0] =	vst v6;
	v2 =	vadd.f32 v5, v2  }
0x4cf: {  	[tilespmem:s0+$0x10] =	vst v1;
	v0 =	vadd.f32 v0, v4  }
0x4d0: {  	[tilespmem:s0+$0x20] =	vst v2  }
0x4d1: {  	s30 =	sadd.s32 $0x400, s30;
	s29 =	sadd.s32 $0x1, s29;
	[tilespmem:s0+$0xFFFFFFC0] =	vst v0  }
0x4d2: {  	s0 =	sld [smem:$0x7EB];
	_ =	sdelay $0x1  }
0x4d3: {  	s29 =	simm.s32 $0x0  }
0x4d4: {  	[hbm4b:s0+s29] =	stream.linear.scatter [tilespmem:s18], [sflag:$0x8], $0x4000, $0x38;
	[tilespmem:$0x14000] =	vst v63  }
0x4d5: {  	_ =	swait.ge [sflag:s25], $0x4000  }
0x4d6: {  	s4 =	sld [smem:$0x7F0]  }
0x4d7: {  	[sflag:s25] =	ssyncset.done $0x0  }
0x4d8: {  	[sflag:s25] =	ssyncadd.s32 $0xFFFFC000  }
0x4d9: {  	[tilespmem:s18], [sflag:$0x5] =	stream.linear.gather [hbm4b:s4+s29], $0x4000, $0x38;
	[tilespmem:$0x14000] =	vst v63  }
0x4da: {  	_ =	swait.ge [sflag:s20], $0x4000  }
0x4db: {  	[sflag:s20] =	ssyncset.done $0x0  }
0x4dc: {  	s30 =	simm.s32 $0x0;
	s31 =	simm.s32 $0x0;
	[sflag:s20] =	ssyncadd.s32 $0xFFFFC000  }
.LBB2_86:
0x4dd: {  	s0 =	sshll.u32 s30, $0x2;
	s2 =	sand.u32 $0x7, s29  }
0x4de: {  	s0 =	sand.u32 $0xFFFF8000, s0;
	s2 =	sshll.u32 s2, $0x9  }
0x4df: {  	s0 =	sor.u32 s2, s0  }
0x4e0: {  	s2 =	sshrl.u32 s0, $0x2  }
0x4e1: {  	s0 =	sadd.s32 $0x8040, s2  }
0x4e2: {  	s2 =	sadd.s32 $0x4040, s2;
	v1 =	vld [tilespmem:s0+$0x30]  }
0x4e3: {  	v2 =	vld [tilespmem:s2+$0x30]  }
0x4e4: {  	v0 =	vld [tilespmem:s2+$0xFFFFFFC0]  }
0x4e5: {  	v3 =	vld [tilespmem:s0+$0xFFFFFFD0]  }
0x4e6: {  	v4 =	vld [tilespmem:s2+$0xFFFFFFD0]  }
0x4e7: {  	v5 =	vld [tilespmem:s0+$0xFFFFFFE0]  }
0x4e8: {  	v6 =	vld [tilespmem:s2+$0xFFFFFFE0]  }
0x4e9: {  	v7 =	vld [tilespmem:s0+$0xFFFFFFF0]  }
0x4ea: {  	v8 =	vld [tilespmem:s2+$0xFFFFFFF0]  }
0x4eb: {  	v9 =	vld [tilespmem:s0+$0x0]  }
0x4ec: {  	v10 =	vld [tilespmem:s2+$0x0];
	v2 =	vadd.f32 v2, v1  }
0x4ed: {  	v4 =	vadd.f32 v4, v3;
	v1 =	vld [tilespmem:s0+$0x10]  }
0x4ee: {  	v5 =	vadd.f32 v6, v5;
	v3 =	vld [tilespmem:s2+$0x10];
	[tilespmem:s0+$0x30] =	vst v2  }
0x4ef: {  	v6 =	vadd.f32 v8, v7;
	[tilespmem:s0+$0xFFFFFFD0] =	vst v4;
	v2 =	vld [tilespmem:s0+$0x20]  }
0x4f0: {  	[tilespmem:s0+$0xFFFFFFE0] =	vst v5;
	v5 =	vld [tilespmem:s2+$0x20]  }
0x4f1: {  	s3 =	simm.s32 $0x0;
	s4 =	sadd.s32 $0x400, s0;
	v4 =	vld [tilespmem:s0+$0xFFFFFFC0];
	[tilespmem:s0+$0xFFFFFFF0] =	vst v6;
	v6 =	vadd.f32 v10, v9  }
.LBB2_87:
0x4f2: {  	v7 =	vld [tilespmem:s4+$0x30];
	s2 =	sadd.s32 $0x400, s2  }
0x4f3: {  	s3 =	sadd.s32 $0x80, s3;
	v8 =	vld [tilespmem:s2+$0x30];
	[tilespmem:s0+$0x0] =	vst v6;
	v1 =	vadd.f32 v3, v1  }
0x4f4: {  	p0 =	slt.u32 s3, $0x380;
	v3 =	vld [tilespmem:s2+$0xFFFFFFC0]  }
0x4f5: {  	v6 =	vld [tilespmem:s4+$0xFFFFFFD0];
	[tilespmem:s0+$0x10] =	vst v1;
	v1 =	vadd.f32 v5, v2  }
0x4f6: {  	v2 =	vld [tilespmem:s2+$0xFFFFFFD0];
	v9 =	vadd.f32 v0, v4  }
0x4f7: {  	v4 =	vld [tilespmem:s4+$0xFFFFFFE0];
	[tilespmem:s0+$0x20] =	vst v1  }
0x4f8: {  	v1 =	vld [tilespmem:s2+$0xFFFFFFE0];
	v5 =	vadd.f32 v8, v7;
	[tilespmem:s0+$0xFFFFFFC0] =	vst v9;
	s0 =	smov.u32 s4  }
0x4f9: {  	v7 =	vld [tilespmem:s4+$0xFFFFFFF0];
	v0 =	vmov v3  }
0x4fa: {  	v8 =	vld [tilespmem:s2+$0xFFFFFFF0];
	[tilespmem:s4+$0x30] =	vst v5  }
0x4fb: {  	v2 =	vadd.f32 v2, v6;
	v6 =	vld [tilespmem:s4+$0x0]  }
0x4fc: {  	v9 =	vld [tilespmem:s2+$0x0]  }
.Ltmp42:
0x4fd: {  	[tilespmem:s4+$0xFFFFFFD0] =	vst v2;
	v2 =	vadd.f32 v1, v4;
	v1 =	vld [tilespmem:s4+$0x10];
	(pc) =	sbr.rel @p0 .LBB2_87-.Ltmp42, $4  }
0x4fe: {  	v3 =	vld [tilespmem:s2+$0x10]  }
0x4ff: {  	[tilespmem:s4+$0xFFFFFFE0] =	vst v2;
	v7 =	vadd.f32 v8, v7;
	v2 =	vld [tilespmem:s4+$0x20]  }
0x500: {  	v5 =	vld [tilespmem:s2+$0x20]  }
0x501: {  	s4 =	sadd.s32 $0x400, s4;
	v4 =	vld [tilespmem:s0+$0xFFFFFFC0];
	[tilespmem:s0+$0xFFFFFFF0] =	vst v7;
	v6 =	vadd.f32 v9, v6  }
0x502: {  	s31 =	sadd.s32 $0x1, s31  }
0x503: {  	p0 =	sne.s32 s31, $0x10  }
.Ltmp43:
0x504: {  	v1 =	vadd.f32 v3, v1;
	(pc) =	sbr.rel @p0 .LBB2_86-.Ltmp43, $4  }
0x505: {  	[tilespmem:s0+$0x0] =	vst v6;
	v2 =	vadd.f32 v5, v2  }
0x506: {  	[tilespmem:s0+$0x10] =	vst v1;
	v0 =	vadd.f32 v0, v4  }
0x507: {  	[tilespmem:s0+$0x20] =	vst v2  }
0x508: {  	s30 =	sadd.s32 $0x400, s30;
	s29 =	sadd.s32 $0x1, s29;
	[tilespmem:s0+$0xFFFFFFC0] =	vst v0  }
0x509: {  	s0 =	sld [smem:$0x7ED];
	_ =	sdelay $0x1  }
0x50a: {  	s29 =	simm.s32 $0x0  }
0x50b: {  	[hbm4b:s0+s29] =	stream.linear.scatter [tilespmem:s15], [sflag:$0x6], $0x4000, $0x38;
	[tilespmem:$0x14000] =	vst v63  }
0x50c: {  	_ =	swait.ge [sflag:s21], $0x4000  }
0x50d: {  	s4 =	sld [smem:$0x7F5]  }
0x50e: {  	[sflag:s21] =	ssyncset.done $0x0  }
0x50f: {  	[sflag:s21] =	ssyncadd.s32 $0xFFFFC000  }
0x510: {  	[tilespmem:s15], [sflag:$0x3] =	stream.linear.gather [hbm4b:s4+s29], $0x4000, $0x38;
	[tilespmem:$0x14000] =	vst v63  }
0x511: {  	_ =	swait.ge [sflag:s22], $0x4000  }
0x512: {  	[sflag:s22] =	ssyncset.done $0x0  }
0x513: {  	s30 =	simm.s32 $0x0;
	s31 =	simm.s32 $0x0;
	[sflag:s22] =	ssyncadd.s32 $0xFFFFC000  }
.LBB2_90:
0x514: {  	s0 =	sshll.u32 s30, $0x2;
	s2 =	sand.u32 $0x7, s29  }
0x515: {  	s0 =	sand.u32 $0xFFFF8000, s0;
	s2 =	sshll.u32 s2, $0x9  }
0x516: {  	s0 =	sor.u32 s2, s0  }
0x517: {  	s2 =	sshrl.u32 s0, $0x2  }
0x518: {  	s0 =	sadd.s32 $0xC040, s2  }
0x519: {  	s2 =	sadd.s32 $0x4040, s2;
	v1 =	vld [tilespmem:s0+$0x30]  }
0x51a: {  	v2 =	vld [tilespmem:s2+$0x30]  }
0x51b: {  	v0 =	vld [tilespmem:s2+$0xFFFFFFC0]  }
0x51c: {  	v3 =	vld [tilespmem:s0+$0xFFFFFFD0]  }
0x51d: {  	v4 =	vld [tilespmem:s2+$0xFFFFFFD0]  }
0x51e: {  	v5 =	vld [tilespmem:s0+$0xFFFFFFE0]  }
0x51f: {  	v6 =	vld [tilespmem:s2+$0xFFFFFFE0]  }
0x520: {  	v7 =	vld [tilespmem:s0+$0xFFFFFFF0]  }
0x521: {  	v8 =	vld [tilespmem:s2+$0xFFFFFFF0]  }
0x522: {  	v9 =	vld [tilespmem:s0+$0x0]  }
0x523: {  	v10 =	vld [tilespmem:s2+$0x0];
	v2 =	vadd.f32 v2, v1  }
0x524: {  	v4 =	vadd.f32 v4, v3;
	v1 =	vld [tilespmem:s0+$0x10]  }
0x525: {  	v5 =	vadd.f32 v6, v5;
	v3 =	vld [tilespmem:s2+$0x10];
	[tilespmem:s0+$0x30] =	vst v2  }
0x526: {  	v6 =	vadd.f32 v8, v7;
	[tilespmem:s0+$0xFFFFFFD0] =	vst v4;
	v2 =	vld [tilespmem:s0+$0x20]  }
0x527: {  	[tilespmem:s0+$0xFFFFFFE0] =	vst v5;
	v5 =	vld [tilespmem:s2+$0x20]  }
0x528: {  	s3 =	simm.s32 $0x0;
	s4 =	sadd.s32 $0x400, s0;
	v4 =	vld [tilespmem:s0+$0xFFFFFFC0];
	[tilespmem:s0+$0xFFFFFFF0] =	vst v6;
	v6 =	vadd.f32 v10, v9  }
.LBB2_91:
0x529: {  	v7 =	vld [tilespmem:s4+$0x30];
	s2 =	sadd.s32 $0x400, s2  }
0x52a: {  	s3 =	sadd.s32 $0x80, s3;
	v8 =	vld [tilespmem:s2+$0x30];
	[tilespmem:s0+$0x0] =	vst v6;
	v1 =	vadd.f32 v3, v1  }
0x52b: {  	p0 =	slt.u32 s3, $0x380;
	v3 =	vld [tilespmem:s2+$0xFFFFFFC0]  }
0x52c: {  	v6 =	vld [tilespmem:s4+$0xFFFFFFD0];
	[tilespmem:s0+$0x10] =	vst v1;
	v1 =	vadd.f32 v5, v2  }
0x52d: {  	v2 =	vld [tilespmem:s2+$0xFFFFFFD0];
	v9 =	vadd.f32 v0, v4  }
0x52e: {  	v4 =	vld [tilespmem:s4+$0xFFFFFFE0];
	[tilespmem:s0+$0x20] =	vst v1  }
0x52f: {  	v1 =	vld [tilespmem:s2+$0xFFFFFFE0];
	v5 =	vadd.f32 v8, v7;
	[tilespmem:s0+$0xFFFFFFC0] =	vst v9;
	s0 =	smov.u32 s4  }
0x530: {  	v7 =	vld [tilespmem:s4+$0xFFFFFFF0];
	v0 =	vmov v3  }
0x531: {  	v8 =	vld [tilespmem:s2+$0xFFFFFFF0];
	[tilespmem:s4+$0x30] =	vst v5  }
0x532: {  	v2 =	vadd.f32 v2, v6;
	v6 =	vld [tilespmem:s4+$0x0]  }
0x533: {  	v9 =	vld [tilespmem:s2+$0x0]  }
.Ltmp44:
0x534: {  	[tilespmem:s4+$0xFFFFFFD0] =	vst v2;
	v2 =	vadd.f32 v1, v4;
	v1 =	vld [tilespmem:s4+$0x10];
	(pc) =	sbr.rel @p0 .LBB2_91-.Ltmp44, $4  }
0x535: {  	v3 =	vld [tilespmem:s2+$0x10]  }
0x536: {  	[tilespmem:s4+$0xFFFFFFE0] =	vst v2;
	v7 =	vadd.f32 v8, v7;
	v2 =	vld [tilespmem:s4+$0x20]  }
0x537: {  	v5 =	vld [tilespmem:s2+$0x20]  }
0x538: {  	s4 =	sadd.s32 $0x400, s4;
	v4 =	vld [tilespmem:s0+$0xFFFFFFC0];
	[tilespmem:s0+$0xFFFFFFF0] =	vst v7;
	v6 =	vadd.f32 v9, v6  }
0x539: {  	s31 =	sadd.s32 $0x1, s31  }
0x53a: {  	p0 =	sne.s32 s31, $0x10  }
.Ltmp45:
0x53b: {  	v1 =	vadd.f32 v3, v1;
	(pc) =	sbr.rel @p0 .LBB2_90-.Ltmp45, $4  }
0x53c: {  	[tilespmem:s0+$0x0] =	vst v6;
	v2 =	vadd.f32 v5, v2  }
0x53d: {  	[tilespmem:s0+$0x10] =	vst v1;
	v0 =	vadd.f32 v0, v4  }
0x53e: {  	[tilespmem:s0+$0x20] =	vst v2  }
0x53f: {  	s30 =	sadd.s32 $0x400, s30;
	s29 =	sadd.s32 $0x1, s29;
	[tilespmem:s0+$0xFFFFFFC0] =	vst v0  }
0x540: {  	s0 =	sld [smem:$0x7EF];
	_ =	sdelay $0x1  }
0x541: {  	s29 =	simm.s32 $0x0  }
0x542: {  	[hbm4b:s0+s29] =	stream.linear.scatter [tilespmem:s16], [sflag:$0x7], $0x4000, $0x38;
	[tilespmem:$0x14000] =	vst v63  }
0x543: {  	_ =	swait.ge [sflag:s23], $0x4000  }
0x544: {  	s4 =	sld [smem:$0x7F7]  }
0x545: {  	[sflag:s23] =	ssyncset.done $0x0  }
0x546: {  	[sflag:s23] =	ssyncadd.s32 $0xFFFFC000  }
0x547: {  	[tilespmem:s16], [sflag:$0x4] =	stream.linear.gather [hbm4b:s4+s29], $0x4000, $0x38;
	[tilespmem:$0x14000] =	vst v63  }
0x548: {  	_ =	swait.ge [sflag:s24], $0x4000  }
0x549: {  	[sflag:s24] =	ssyncset.done $0x0  }
0x54a: {  	s30 =	simm.s32 $0x0;
	s31 =	simm.s32 $0x0;
	[sflag:s24] =	ssyncadd.s32 $0xFFFFC000  }
.LBB2_94:
0x54b: {  	s0 =	sshll.u32 s30, $0x2;
	s2 =	sand.u32 $0x7, s29  }
0x54c: {  	s0 =	sand.u32 $0xFFFF8000, s0;
	s2 =	sshll.u32 s2, $0x9  }
0x54d: {  	s0 =	sor.u32 s2, s0  }
0x54e: {  	s2 =	sshrl.u32 s0, $0x2  }
0x54f: {  	s0 =	sadd.s32 $0x10040, s2  }
0x550: {  	s2 =	sadd.s32 $0x4040, s2;
	v1 =	vld [tilespmem:s0+$0x30]  }
0x551: {  	v2 =	vld [tilespmem:s2+$0x30]  }
0x552: {  	v0 =	vld [tilespmem:s2+$0xFFFFFFC0]  }
0x553: {  	v3 =	vld [tilespmem:s0+$0xFFFFFFD0]  }
0x554: {  	v4 =	vld [tilespmem:s2+$0xFFFFFFD0]  }
0x555: {  	v5 =	vld [tilespmem:s0+$0xFFFFFFE0]  }
0x556: {  	v6 =	vld [tilespmem:s2+$0xFFFFFFE0]  }
0x557: {  	v7 =	vld [tilespmem:s0+$0xFFFFFFF0]  }
0x558: {  	v8 =	vld [tilespmem:s2+$0xFFFFFFF0]  }
0x559: {  	v9 =	vld [tilespmem:s0+$0x0]  }
0x55a: {  	v10 =	vld [tilespmem:s2+$0x0];
	v2 =	vadd.f32 v2, v1  }
0x55b: {  	v4 =	vadd.f32 v4, v3;
	v1 =	vld [tilespmem:s0+$0x10]  }
0x55c: {  	v5 =	vadd.f32 v6, v5;
	v3 =	vld [tilespmem:s2+$0x10];
	[tilespmem:s0+$0x30] =	vst v2  }
0x55d: {  	v6 =	vadd.f32 v8, v7;
	[tilespmem:s0+$0xFFFFFFD0] =	vst v4;
	v2 =	vld [tilespmem:s0+$0x20]  }
0x55e: {  	[tilespmem:s0+$0xFFFFFFE0] =	vst v5;
	v5 =	vld [tilespmem:s2+$0x20]  }
0x55f: {  	s3 =	simm.s32 $0x0;
	s4 =	sadd.s32 $0x400, s0;
	v4 =	vld [tilespmem:s0+$0xFFFFFFC0];
	[tilespmem:s0+$0xFFFFFFF0] =	vst v6;
	v6 =	vadd.f32 v10, v9  }
.LBB2_95:
0x560: {  	v7 =	vld [tilespmem:s4+$0x30];
	s2 =	sadd.s32 $0x400, s2  }
0x561: {  	s3 =	sadd.s32 $0x80, s3;
	v8 =	vld [tilespmem:s2+$0x30];
	[tilespmem:s0+$0x0] =	vst v6;
	v1 =	vadd.f32 v3, v1  }
0x562: {  	p0 =	slt.u32 s3, $0x380;
	v3 =	vld [tilespmem:s2+$0xFFFFFFC0]  }
0x563: {  	v6 =	vld [tilespmem:s4+$0xFFFFFFD0];
	[tilespmem:s0+$0x10] =	vst v1;
	v1 =	vadd.f32 v5, v2  }
0x564: {  	v2 =	vld [tilespmem:s2+$0xFFFFFFD0];
	v9 =	vadd.f32 v0, v4  }
0x565: {  	v4 =	vld [tilespmem:s4+$0xFFFFFFE0];
	[tilespmem:s0+$0x20] =	vst v1  }
0x566: {  	v1 =	vld [tilespmem:s2+$0xFFFFFFE0];
	v5 =	vadd.f32 v8, v7;
	[tilespmem:s0+$0xFFFFFFC0] =	vst v9;
	s0 =	smov.u32 s4  }
0x567: {  	v7 =	vld [tilespmem:s4+$0xFFFFFFF0];
	v0 =	vmov v3  }
0x568: {  	v8 =	vld [tilespmem:s2+$0xFFFFFFF0];
	[tilespmem:s4+$0x30] =	vst v5  }
0x569: {  	v2 =	vadd.f32 v2, v6;
	v6 =	vld [tilespmem:s4+$0x0]  }
0x56a: {  	v9 =	vld [tilespmem:s2+$0x0]  }
.Ltmp46:
0x56b: {  	[tilespmem:s4+$0xFFFFFFD0] =	vst v2;
	v2 =	vadd.f32 v1, v4;
	v1 =	vld [tilespmem:s4+$0x10];
	(pc) =	sbr.rel @p0 .LBB2_95-.Ltmp46, $4  }
0x56c: {  	v3 =	vld [tilespmem:s2+$0x10]  }
0x56d: {  	[tilespmem:s4+$0xFFFFFFE0] =	vst v2;
	v7 =	vadd.f32 v8, v7;
	v2 =	vld [tilespmem:s4+$0x20]  }
0x56e: {  	v5 =	vld [tilespmem:s2+$0x20]  }
0x56f: {  	s4 =	sadd.s32 $0x400, s4;
	v4 =	vld [tilespmem:s0+$0xFFFFFFC0];
	[tilespmem:s0+$0xFFFFFFF0] =	vst v7;
	v6 =	vadd.f32 v9, v6  }
0x570: {  	s31 =	sadd.s32 $0x1, s31  }
0x571: {  	p0 =	sne.s32 s31, $0x10  }
.Ltmp47:
0x572: {  	v1 =	vadd.f32 v3, v1;
	(pc) =	sbr.rel @p0 .LBB2_94-.Ltmp47, $4  }
0x573: {  	[tilespmem:s0+$0x0] =	vst v6;
	v2 =	vadd.f32 v5, v2  }
0x574: {  	[tilespmem:s0+$0x10] =	vst v1;
	v0 =	vadd.f32 v0, v4  }
0x575: {  	[tilespmem:s0+$0x20] =	vst v2  }
0x576: {  	s30 =	sadd.s32 $0x400, s30;
	s29 =	sadd.s32 $0x1, s29;
	[tilespmem:s0+$0xFFFFFFC0] =	vst v0  }
0x577: {  	s0 =	sld [smem:$0x7F1];
	_ =	sdelay $0x1  }
0x578: {  	s29 =	simm.s32 $0x0;
	s3 =	sld [smem:$0x7F4]  }
0x579: {  	[hbm4b:s0+s29] =	stream.linear.scatter [tilespmem:s18], [sflag:$0x8], $0x4000, $0x38;
	[tilespmem:$0x14000] =	vst v63  }
0x57a: {  	_ = 	snop  }
0x57b: {  	[tilespmem:s17], [sflag:$0x2] =	stream.linear.gather [hbm4b:s3+s29], $0x4000, $0x38;
	[tilespmem:$0x14000] =	vst v63  }
0x57c: {  	_ =	swait.ge [sflag:s25], $0x4000  }
0x57d: {  	s4 =	sld [smem:$0x7F9]  }
0x57e: {  	[sflag:s25] =	ssyncset.done $0x0  }
0x57f: {  	[sflag:s25] =	ssyncadd.s32 $0xFFFFC000  }
0x580: {  	[tilespmem:s18], [sflag:$0x5] =	stream.linear.gather [hbm4b:s4+s29], $0x4000, $0x38;
	[tilespmem:$0x14000] =	vst v63  }
0x581: {  	_ =	swait.ge [sflag:s19], $0x4000  }
0x582: {  	[sflag:s19] =	ssyncset.done $0x0  }
0x583: {  	[sflag:s19] =	ssyncadd.s32 $0xFFFFC000  }
0x584: {  	_ =	swait.ge [sflag:s20], $0x4000  }
0x585: {  	[sflag:s20] =	ssyncset.done $0x0  }
0x586: {  	s30 =	simm.s32 $0x0;
	s31 =	simm.s32 $0x0;
	[sflag:s20] =	ssyncadd.s32 $0xFFFFC000  }
.LBB2_98:
0x587: {  	s0 =	sshll.u32 s30, $0x2;
	s2 =	sand.u32 $0x7, s29  }
0x588: {  	s0 =	sand.u32 $0xFFFF8000, s0;
	s2 =	sshll.u32 s2, $0x9  }
0x589: {  	s0 =	sor.u32 s2, s0  }
0x58a: {  	s2 =	sshrl.u32 s0, $0x2  }
0x58b: {  	s0 =	sadd.s32 $0x8040, s2  }
0x58c: {  	s2 =	sor.u32 $0x40, s2;
	v1 =	vld [tilespmem:s0+$0x30]  }
0x58d: {  	v2 =	vld [tilespmem:s2+$0x30]  }
0x58e: {  	v0 =	vld [tilespmem:s2+$0xFFFFFFC0]  }
0x58f: {  	v3 =	vld [tilespmem:s0+$0xFFFFFFD0]  }
0x590: {  	v4 =	vld [tilespmem:s2+$0xFFFFFFD0]  }
0x591: {  	v5 =	vld [tilespmem:s0+$0xFFFFFFE0]  }
0x592: {  	v6 =	vld [tilespmem:s2+$0xFFFFFFE0]  }
0x593: {  	v7 =	vld [tilespmem:s0+$0xFFFFFFF0]  }
0x594: {  	v8 =	vld [tilespmem:s2+$0xFFFFFFF0]  }
0x595: {  	v9 =	vld [tilespmem:s0+$0x0]  }
0x596: {  	v10 =	vld [tilespmem:s2+$0x0];
	v2 =	vadd.f32 v2, v1  }
0x597: {  	v4 =	vadd.f32 v4, v3;
	v1 =	vld [tilespmem:s0+$0x10]  }
0x598: {  	v5 =	vadd.f32 v6, v5;
	v3 =	vld [tilespmem:s2+$0x10];
	[tilespmem:s0+$0x30] =	vst v2  }
0x599: {  	v6 =	vadd.f32 v8, v7;
	[tilespmem:s0+$0xFFFFFFD0] =	vst v4;
	v2 =	vld [tilespmem:s0+$0x20]  }
0x59a: {  	[tilespmem:s0+$0xFFFFFFE0] =	vst v5;
	v5 =	vld [tilespmem:s2+$0x20]  }
0x59b: {  	s3 =	simm.s32 $0x0;
	s4 =	sadd.s32 $0x400, s0;
	v4 =	vld [tilespmem:s0+$0xFFFFFFC0];
	[tilespmem:s0+$0xFFFFFFF0] =	vst v6;
	v6 =	vadd.f32 v10, v9  }
.LBB2_99:
0x59c: {  	v7 =	vld [tilespmem:s4+$0x30];
	s2 =	sadd.s32 $0x400, s2  }
0x59d: {  	s3 =	sadd.s32 $0x80, s3;
	v8 =	vld [tilespmem:s2+$0x30];
	[tilespmem:s0+$0x0] =	vst v6;
	v1 =	vadd.f32 v3, v1  }
0x59e: {  	p0 =	slt.u32 s3, $0x380;
	v3 =	vld [tilespmem:s2+$0xFFFFFFC0]  }
0x59f: {  	v6 =	vld [tilespmem:s4+$0xFFFFFFD0];
	[tilespmem:s0+$0x10] =	vst v1;
	v1 =	vadd.f32 v5, v2  }
0x5a0: {  	v2 =	vld [tilespmem:s2+$0xFFFFFFD0];
	v9 =	vadd.f32 v0, v4  }
0x5a1: {  	v4 =	vld [tilespmem:s4+$0xFFFFFFE0];
	[tilespmem:s0+$0x20] =	vst v1  }
0x5a2: {  	v1 =	vld [tilespmem:s2+$0xFFFFFFE0];
	v5 =	vadd.f32 v8, v7;
	[tilespmem:s0+$0xFFFFFFC0] =	vst v9;
	s0 =	smov.u32 s4  }
0x5a3: {  	v7 =	vld [tilespmem:s4+$0xFFFFFFF0];
	v0 =	vmov v3  }
0x5a4: {  	v8 =	vld [tilespmem:s2+$0xFFFFFFF0];
	[tilespmem:s4+$0x30] =	vst v5  }
0x5a5: {  	v2 =	vadd.f32 v2, v6;
	v6 =	vld [tilespmem:s4+$0x0]  }
0x5a6: {  	v9 =	vld [tilespmem:s2+$0x0]  }
.Ltmp48:
0x5a7: {  	[tilespmem:s4+$0xFFFFFFD0] =	vst v2;
	v2 =	vadd.f32 v1, v4;
	v1 =	vld [tilespmem:s4+$0x10];
	(pc) =	sbr.rel @p0 .LBB2_99-.Ltmp48, $4  }
0x5a8: {  	v3 =	vld [tilespmem:s2+$0x10]  }
0x5a9: {  	[tilespmem:s4+$0xFFFFFFE0] =	vst v2;
	v7 =	vadd.f32 v8, v7;
	v2 =	vld [tilespmem:s4+$0x20]  }
0x5aa: {  	v5 =	vld [tilespmem:s2+$0x20]  }
0x5ab: {  	s4 =	sadd.s32 $0x400, s4;
	v4 =	vld [tilespmem:s0+$0xFFFFFFC0];
	[tilespmem:s0+$0xFFFFFFF0] =	vst v7;
	v6 =	vadd.f32 v9, v6  }
0x5ac: {  	s31 =	sadd.s32 $0x1, s31  }
0x5ad: {  	p0 =	sne.s32 s31, $0x10  }
.Ltmp49:
0x5ae: {  	v1 =	vadd.f32 v3, v1;
	(pc) =	sbr.rel @p0 .LBB2_98-.Ltmp49, $4  }
0x5af: {  	[tilespmem:s0+$0x0] =	vst v6;
	v2 =	vadd.f32 v5, v2  }
0x5b0: {  	[tilespmem:s0+$0x10] =	vst v1;
	v0 =	vadd.f32 v0, v4  }
0x5b1: {  	[tilespmem:s0+$0x20] =	vst v2  }
0x5b2: {  	s30 =	sadd.s32 $0x400, s30;
	s29 =	sadd.s32 $0x1, s29;
	[tilespmem:s0+$0xFFFFFFC0] =	vst v0  }
0x5b3: {  	s0 =	sld [smem:$0x7F6];
	_ =	sdelay $0x1  }
0x5b4: {  	s29 =	simm.s32 $0x0  }
0x5b5: {  	[hbm4b:s0+s29] =	stream.linear.scatter [tilespmem:s15], [sflag:$0x6], $0x4000, $0x38;
	[tilespmem:$0x14000] =	vst v63  }
0x5b6: {  	_ =	swait.ge [sflag:s21], $0x4000  }
0x5b7: {  	s4 =	sld [smem:$0x7FB]  }
0x5b8: {  	[sflag:s21] =	ssyncset.done $0x0  }
0x5b9: {  	[sflag:s21] =	ssyncadd.s32 $0xFFFFC000  }
0x5ba: {  	[tilespmem:s15], [sflag:$0x3] =	stream.linear.gather [hbm4b:s4+s29], $0x4000, $0x38;
	[tilespmem:$0x14000] =	vst v63  }
0x5bb: {  	_ =	swait.ge [sflag:s22], $0x4000  }
0x5bc: {  	[sflag:s22] =	ssyncset.done $0x0  }
0x5bd: {  	s30 =	simm.s32 $0x0;
	s31 =	simm.s32 $0x0;
	[sflag:s22] =	ssyncadd.s32 $0xFFFFC000  }
.LBB2_102:
0x5be: {  	s0 =	sshll.u32 s30, $0x2;
	s2 =	sand.u32 $0x7, s29  }
0x5bf: {  	s0 =	sand.u32 $0xFFFF8000, s0;
	s2 =	sshll.u32 s2, $0x9  }
0x5c0: {  	s0 =	sor.u32 s2, s0  }
0x5c1: {  	s2 =	sshrl.u32 s0, $0x2  }
0x5c2: {  	s0 =	sadd.s32 $0xC040, s2  }
0x5c3: {  	s2 =	sor.u32 $0x40, s2;
	v1 =	vld [tilespmem:s0+$0x30]  }
0x5c4: {  	v2 =	vld [tilespmem:s2+$0x30]  }
0x5c5: {  	v0 =	vld [tilespmem:s2+$0xFFFFFFC0]  }
0x5c6: {  	v3 =	vld [tilespmem:s0+$0xFFFFFFD0]  }
0x5c7: {  	v4 =	vld [tilespmem:s2+$0xFFFFFFD0]  }
0x5c8: {  	v5 =	vld [tilespmem:s0+$0xFFFFFFE0]  }
0x5c9: {  	v6 =	vld [tilespmem:s2+$0xFFFFFFE0]  }
0x5ca: {  	v7 =	vld [tilespmem:s0+$0xFFFFFFF0]  }
0x5cb: {  	v8 =	vld [tilespmem:s2+$0xFFFFFFF0]  }
0x5cc: {  	v9 =	vld [tilespmem:s0+$0x0]  }
0x5cd: {  	v10 =	vld [tilespmem:s2+$0x0];
	v2 =	vadd.f32 v2, v1  }
0x5ce: {  	v4 =	vadd.f32 v4, v3;
	v1 =	vld [tilespmem:s0+$0x10]  }
0x5cf: {  	v5 =	vadd.f32 v6, v5;
	v3 =	vld [tilespmem:s2+$0x10];
	[tilespmem:s0+$0x30] =	vst v2  }
0x5d0: {  	v6 =	vadd.f32 v8, v7;
	[tilespmem:s0+$0xFFFFFFD0] =	vst v4;
	v2 =	vld [tilespmem:s0+$0x20]  }
0x5d1: {  	[tilespmem:s0+$0xFFFFFFE0] =	vst v5;
	v5 =	vld [tilespmem:s2+$0x20]  }
0x5d2: {  	s3 =	simm.s32 $0x0;
	s4 =	sadd.s32 $0x400, s0;
	v4 =	vld [tilespmem:s0+$0xFFFFFFC0];
	[tilespmem:s0+$0xFFFFFFF0] =	vst v6;
	v6 =	vadd.f32 v10, v9  }
.LBB2_103:
0x5d3: {  	v7 =	vld [tilespmem:s4+$0x30];
	s2 =	sadd.s32 $0x400, s2  }
0x5d4: {  	s3 =	sadd.s32 $0x80, s3;
	v8 =	vld [tilespmem:s2+$0x30];
	[tilespmem:s0+$0x0] =	vst v6;
	v1 =	vadd.f32 v3, v1  }
0x5d5: {  	p0 =	slt.u32 s3, $0x380;
	v3 =	vld [tilespmem:s2+$0xFFFFFFC0]  }
0x5d6: {  	v6 =	vld [tilespmem:s4+$0xFFFFFFD0];
	[tilespmem:s0+$0x10] =	vst v1;
	v1 =	vadd.f32 v5, v2  }
0x5d7: {  	v2 =	vld [tilespmem:s2+$0xFFFFFFD0];
	v9 =	vadd.f32 v0, v4  }
0x5d8: {  	v4 =	vld [tilespmem:s4+$0xFFFFFFE0];
	[tilespmem:s0+$0x20] =	vst v1  }
0x5d9: {  	v1 =	vld [tilespmem:s2+$0xFFFFFFE0];
	v5 =	vadd.f32 v8, v7;
	[tilespmem:s0+$0xFFFFFFC0] =	vst v9;
	s0 =	smov.u32 s4  }
0x5da: {  	v7 =	vld [tilespmem:s4+$0xFFFFFFF0];
	v0 =	vmov v3  }
0x5db: {  	v8 =	vld [tilespmem:s2+$0xFFFFFFF0];
	[tilespmem:s4+$0x30] =	vst v5  }
0x5dc: {  	v2 =	vadd.f32 v2, v6;
	v6 =	vld [tilespmem:s4+$0x0]  }
0x5dd: {  	v9 =	vld [tilespmem:s2+$0x0]  }
.Ltmp50:
0x5de: {  	[tilespmem:s4+$0xFFFFFFD0] =	vst v2;
	v2 =	vadd.f32 v1, v4;
	v1 =	vld [tilespmem:s4+$0x10];
	(pc) =	sbr.rel @p0 .LBB2_103-.Ltmp50, $4  }
0x5df: {  	v3 =	vld [tilespmem:s2+$0x10]  }
0x5e0: {  	[tilespmem:s4+$0xFFFFFFE0] =	vst v2;
	v7 =	vadd.f32 v8, v7;
	v2 =	vld [tilespmem:s4+$0x20]  }
0x5e1: {  	v5 =	vld [tilespmem:s2+$0x20]  }
0x5e2: {  	s4 =	sadd.s32 $0x400, s4;
	v4 =	vld [tilespmem:s0+$0xFFFFFFC0];
	[tilespmem:s0+$0xFFFFFFF0] =	vst v7;
	v6 =	vadd.f32 v9, v6  }
0x5e3: {  	s31 =	sadd.s32 $0x1, s31  }
0x5e4: {  	p0 =	sne.s32 s31, $0x10  }
.Ltmp51:
0x5e5: {  	v1 =	vadd.f32 v3, v1;
	(pc) =	sbr.rel @p0 .LBB2_102-.Ltmp51, $4  }
0x5e6: {  	[tilespmem:s0+$0x0] =	vst v6;
	v2 =	vadd.f32 v5, v2  }
0x5e7: {  	[tilespmem:s0+$0x10] =	vst v1;
	v0 =	vadd.f32 v0, v4  }
0x5e8: {  	[tilespmem:s0+$0x20] =	vst v2  }
0x5e9: {  	s30 =	sadd.s32 $0x400, s30;
	s29 =	sadd.s32 $0x1, s29;
	[tilespmem:s0+$0xFFFFFFC0] =	vst v0  }
0x5ea: {  	s0 =	sld [smem:$0x7F8];
	_ =	sdelay $0x1  }
0x5eb: {  	s29 =	simm.s32 $0x0  }
0x5ec: {  	[hbm4b:s0+s29] =	stream.linear.scatter [tilespmem:s16], [sflag:$0x7], $0x4000, $0x38;
	[tilespmem:$0x14000] =	vst v63  }
0x5ed: {  	_ =	swait.ge [sflag:s23], $0x4000  }
0x5ee: {  	s4 =	sld [smem:$0x7FD]  }
0x5ef: {  	[sflag:s23] =	ssyncset.done $0x0  }
0x5f0: {  	[sflag:s23] =	ssyncadd.s32 $0xFFFFC000  }
0x5f1: {  	[tilespmem:s16], [sflag:$0x4] =	stream.linear.gather [hbm4b:s4+s29], $0x4000, $0x38;
	[tilespmem:$0x14000] =	vst v63  }
0x5f2: {  	_ =	swait.ge [sflag:s24], $0x4000  }
0x5f3: {  	[sflag:s24] =	ssyncset.done $0x0  }
0x5f4: {  	s30 =	simm.s32 $0x0;
	s31 =	simm.s32 $0x0;
	[sflag:s24] =	ssyncadd.s32 $0xFFFFC000  }
.LBB2_106:
0x5f5: {  	s0 =	sshll.u32 s30, $0x2;
	s2 =	sand.u32 $0x7, s29  }
0x5f6: {  	s0 =	sand.u32 $0xFFFF8000, s0;
	s2 =	sshll.u32 s2, $0x9  }
0x5f7: {  	s0 =	sor.u32 s2, s0  }
0x5f8: {  	s2 =	sshrl.u32 s0, $0x2  }
0x5f9: {  	s0 =	sadd.s32 $0x10040, s2  }
0x5fa: {  	s2 =	sor.u32 $0x40, s2;
	v1 =	vld [tilespmem:s0+$0x30]  }
0x5fb: {  	v2 =	vld [tilespmem:s2+$0x30]  }
0x5fc: {  	v0 =	vld [tilespmem:s2+$0xFFFFFFC0]  }
0x5fd: {  	v3 =	vld [tilespmem:s0+$0xFFFFFFD0]  }
0x5fe: {  	v4 =	vld [tilespmem:s2+$0xFFFFFFD0]  }
0x5ff: {  	v5 =	vld [tilespmem:s0+$0xFFFFFFE0]  }
0x600: {  	v6 =	vld [tilespmem:s2+$0xFFFFFFE0]  }
0x601: {  	v7 =	vld [tilespmem:s0+$0xFFFFFFF0]  }
0x602: {  	v8 =	vld [tilespmem:s2+$0xFFFFFFF0]  }
0x603: {  	v9 =	vld [tilespmem:s0+$0x0]  }
0x604: {  	v10 =	vld [tilespmem:s2+$0x0];
	v2 =	vadd.f32 v2, v1  }
0x605: {  	v4 =	vadd.f32 v4, v3;
	v1 =	vld [tilespmem:s0+$0x10]  }
0x606: {  	v5 =	vadd.f32 v6, v5;
	v3 =	vld [tilespmem:s2+$0x10];
	[tilespmem:s0+$0x30] =	vst v2  }
0x607: {  	v6 =	vadd.f32 v8, v7;
	[tilespmem:s0+$0xFFFFFFD0] =	vst v4;
	v2 =	vld [tilespmem:s0+$0x20]  }
0x608: {  	[tilespmem:s0+$0xFFFFFFE0] =	vst v5;
	v5 =	vld [tilespmem:s2+$0x20]  }
0x609: {  	s3 =	simm.s32 $0x0;
	s4 =	sadd.s32 $0x400, s0;
	v4 =	vld [tilespmem:s0+$0xFFFFFFC0];
	[tilespmem:s0+$0xFFFFFFF0] =	vst v6;
	v6 =	vadd.f32 v10, v9  }
.LBB2_107:
0x60a: {  	v7 =	vld [tilespmem:s4+$0x30];
	s2 =	sadd.s32 $0x400, s2  }
0x60b: {  	s3 =	sadd.s32 $0x80, s3;
	v8 =	vld [tilespmem:s2+$0x30];
	[tilespmem:s0+$0x0] =	vst v6;
	v1 =	vadd.f32 v3, v1  }
0x60c: {  	p0 =	slt.u32 s3, $0x380;
	v3 =	vld [tilespmem:s2+$0xFFFFFFC0]  }
0x60d: {  	v6 =	vld [tilespmem:s4+$0xFFFFFFD0];
	[tilespmem:s0+$0x10] =	vst v1;
	v1 =	vadd.f32 v5, v2  }
0x60e: {  	v2 =	vld [tilespmem:s2+$0xFFFFFFD0];
	v9 =	vadd.f32 v0, v4  }
0x60f: {  	v4 =	vld [tilespmem:s4+$0xFFFFFFE0];
	[tilespmem:s0+$0x20] =	vst v1  }
0x610: {  	v1 =	vld [tilespmem:s2+$0xFFFFFFE0];
	v5 =	vadd.f32 v8, v7;
	[tilespmem:s0+$0xFFFFFFC0] =	vst v9;
	s0 =	smov.u32 s4  }
0x611: {  	v7 =	vld [tilespmem:s4+$0xFFFFFFF0];
	v0 =	vmov v3  }
0x612: {  	v8 =	vld [tilespmem:s2+$0xFFFFFFF0];
	[tilespmem:s4+$0x30] =	vst v5  }
0x613: {  	v2 =	vadd.f32 v2, v6;
	v6 =	vld [tilespmem:s4+$0x0]  }
0x614: {  	v9 =	vld [tilespmem:s2+$0x0]  }
.Ltmp52:
0x615: {  	[tilespmem:s4+$0xFFFFFFD0] =	vst v2;
	v2 =	vadd.f32 v1, v4;
	v1 =	vld [tilespmem:s4+$0x10];
	(pc) =	sbr.rel @p0 .LBB2_107-.Ltmp52, $4  }
0x616: {  	v3 =	vld [tilespmem:s2+$0x10]  }
0x617: {  	[tilespmem:s4+$0xFFFFFFE0] =	vst v2;
	v7 =	vadd.f32 v8, v7;
	v2 =	vld [tilespmem:s4+$0x20]  }
0x618: {  	v5 =	vld [tilespmem:s2+$0x20]  }
0x619: {  	s4 =	sadd.s32 $0x400, s4;
	v4 =	vld [tilespmem:s0+$0xFFFFFFC0];
	[tilespmem:s0+$0xFFFFFFF0] =	vst v7;
	v6 =	vadd.f32 v9, v6  }
0x61a: {  	s31 =	sadd.s32 $0x1, s31  }
0x61b: {  	p0 =	sne.s32 s31, $0x10  }
.Ltmp53:
0x61c: {  	v1 =	vadd.f32 v3, v1;
	(pc) =	sbr.rel @p0 .LBB2_106-.Ltmp53, $4  }
0x61d: {  	[tilespmem:s0+$0x0] =	vst v6;
	v2 =	vadd.f32 v5, v2  }
0x61e: {  	[tilespmem:s0+$0x10] =	vst v1;
	v0 =	vadd.f32 v0, v4  }
0x61f: {  	[tilespmem:s0+$0x20] =	vst v2  }
0x620: {  	s30 =	sadd.s32 $0x400, s30;
	s29 =	sadd.s32 $0x1, s29;
	[tilespmem:s0+$0xFFFFFFC0] =	vst v0  }
0x621: {  	s0 =	sld [smem:$0x7FA];
	_ =	sdelay $0x1  }
0x622: {  	s29 =	simm.s32 $0x0  }
0x623: {  	[hbm4b:s0+s29] =	stream.linear.scatter [tilespmem:s18], [sflag:$0x8], $0x4000, $0x38;
	[tilespmem:$0x14000] =	vst v63  }
0x624: {  	_ =	swait.ge [sflag:s25], $0x4000  }
0x625: {  	[sflag:s25] =	ssyncset.done $0x0  }
0x626: {  	[sflag:s25] =	ssyncadd.s32 $0xFFFFC000  }
0x627: {  	[tilespmem:s18], [sflag:$0x5] =	stream.linear.gather [hbm4b:s8+s29], $0x4000, $0x38;
	[tilespmem:$0x14000] =	vst v63  }
0x628: {  	_ =	swait.ge [sflag:s20], $0x4000  }
0x629: {  	[sflag:s20] =	ssyncset.done $0x0  }
0x62a: {  	s30 =	simm.s32 $0x0;
	s31 =	simm.s32 $0x0;
	[sflag:s20] =	ssyncadd.s32 $0xFFFFC000  }
.LBB2_110:
0x62b: {  	s0 =	sshll.u32 s30, $0x2;
	s2 =	sand.u32 $0x7, s29  }
0x62c: {  	s0 =	sand.u32 $0xFFFF8000, s0;
	s2 =	sshll.u32 s2, $0x9  }
0x62d: {  	s0 =	sor.u32 s2, s0  }
0x62e: {  	s2 =	sshrl.u32 s0, $0x2  }
0x62f: {  	s0 =	sadd.s32 $0x8040, s2  }
0x630: {  	s2 =	sor.u32 $0x40, s2;
	v1 =	vld [tilespmem:s0+$0x30]  }
0x631: {  	v2 =	vld [tilespmem:s2+$0x30]  }
0x632: {  	v0 =	vld [tilespmem:s2+$0xFFFFFFC0]  }
0x633: {  	v3 =	vld [tilespmem:s0+$0xFFFFFFD0]  }
0x634: {  	v4 =	vld [tilespmem:s2+$0xFFFFFFD0]  }
0x635: {  	v5 =	vld [tilespmem:s0+$0xFFFFFFE0]  }
0x636: {  	v6 =	vld [tilespmem:s2+$0xFFFFFFE0]  }
0x637: {  	v7 =	vld [tilespmem:s0+$0xFFFFFFF0]  }
0x638: {  	v8 =	vld [tilespmem:s2+$0xFFFFFFF0]  }
0x639: {  	v9 =	vld [tilespmem:s0+$0x0]  }
0x63a: {  	v10 =	vld [tilespmem:s2+$0x0];
	v2 =	vadd.f32 v2, v1  }
0x63b: {  	v4 =	vadd.f32 v4, v3;
	v1 =	vld [tilespmem:s0+$0x10]  }
0x63c: {  	v5 =	vadd.f32 v6, v5;
	v3 =	vld [tilespmem:s2+$0x10];
	[tilespmem:s0+$0x30] =	vst v2  }
0x63d: {  	v6 =	vadd.f32 v8, v7;
	[tilespmem:s0+$0xFFFFFFD0] =	vst v4;
	v2 =	vld [tilespmem:s0+$0x20]  }
0x63e: {  	[tilespmem:s0+$0xFFFFFFE0] =	vst v5;
	v5 =	vld [tilespmem:s2+$0x20]  }
0x63f: {  	s3 =	simm.s32 $0x0;
	s4 =	sadd.s32 $0x400, s0;
	v4 =	vld [tilespmem:s0+$0xFFFFFFC0];
	[tilespmem:s0+$0xFFFFFFF0] =	vst v6;
	v6 =	vadd.f32 v10, v9  }
.LBB2_111:
0x640: {  	v7 =	vld [tilespmem:s4+$0x30];
	s2 =	sadd.s32 $0x400, s2  }
0x641: {  	s3 =	sadd.s32 $0x80, s3;
	v8 =	vld [tilespmem:s2+$0x30];
	[tilespmem:s0+$0x0] =	vst v6;
	v1 =	vadd.f32 v3, v1  }
0x642: {  	p0 =	slt.u32 s3, $0x380;
	v3 =	vld [tilespmem:s2+$0xFFFFFFC0]  }
0x643: {  	v6 =	vld [tilespmem:s4+$0xFFFFFFD0];
	[tilespmem:s0+$0x10] =	vst v1;
	v1 =	vadd.f32 v5, v2  }
0x644: {  	v2 =	vld [tilespmem:s2+$0xFFFFFFD0];
	v9 =	vadd.f32 v0, v4  }
0x645: {  	v4 =	vld [tilespmem:s4+$0xFFFFFFE0];
	[tilespmem:s0+$0x20] =	vst v1  }
0x646: {  	v1 =	vld [tilespmem:s2+$0xFFFFFFE0];
	v5 =	vadd.f32 v8, v7;
	[tilespmem:s0+$0xFFFFFFC0] =	vst v9;
	s0 =	smov.u32 s4  }
0x647: {  	v7 =	vld [tilespmem:s4+$0xFFFFFFF0];
	v0 =	vmov v3  }
0x648: {  	v8 =	vld [tilespmem:s2+$0xFFFFFFF0];
	[tilespmem:s4+$0x30] =	vst v5  }
0x649: {  	v2 =	vadd.f32 v2, v6;
	v6 =	vld [tilespmem:s4+$0x0]  }
0x64a: {  	v9 =	vld [tilespmem:s2+$0x0]  }
.Ltmp54:
0x64b: {  	[tilespmem:s4+$0xFFFFFFD0] =	vst v2;
	v2 =	vadd.f32 v1, v4;
	v1 =	vld [tilespmem:s4+$0x10];
	(pc) =	sbr.rel @p0 .LBB2_111-.Ltmp54, $4  }
0x64c: {  	v3 =	vld [tilespmem:s2+$0x10]  }
0x64d: {  	[tilespmem:s4+$0xFFFFFFE0] =	vst v2;
	v7 =	vadd.f32 v8, v7;
	v2 =	vld [tilespmem:s4+$0x20]  }
0x64e: {  	v5 =	vld [tilespmem:s2+$0x20]  }
0x64f: {  	s4 =	sadd.s32 $0x400, s4;
	v4 =	vld [tilespmem:s0+$0xFFFFFFC0];
	[tilespmem:s0+$0xFFFFFFF0] =	vst v7;
	v6 =	vadd.f32 v9, v6  }
0x650: {  	s31 =	sadd.s32 $0x1, s31  }
0x651: {  	p0 =	sne.s32 s31, $0x10  }
.Ltmp55:
0x652: {  	v1 =	vadd.f32 v3, v1;
	(pc) =	sbr.rel @p0 .LBB2_110-.Ltmp55, $4  }
0x653: {  	[tilespmem:s0+$0x0] =	vst v6;
	v2 =	vadd.f32 v5, v2  }
0x654: {  	[tilespmem:s0+$0x10] =	vst v1;
	v0 =	vadd.f32 v0, v4  }
0x655: {  	[tilespmem:s0+$0x20] =	vst v2  }
0x656: {  	s30 =	sadd.s32 $0x400, s30;
	s29 =	sadd.s32 $0x1, s29;
	[tilespmem:s0+$0xFFFFFFC0] =	vst v0  }
0x657: {  	s0 =	sld [smem:$0x7FC];
	_ =	sdelay $0x1  }
0x658: {  	s29 =	simm.s32 $0x0  }
0x659: {  	[hbm4b:s0+s29] =	stream.linear.scatter [tilespmem:s15], [sflag:$0x6], $0x4000, $0x38;
	[tilespmem:$0x14000] =	vst v63  }
0x65a: {  	_ =	swait.ge [sflag:s21], $0x4000  }
0x65b: {  	[sflag:s21] =	ssyncset.done $0x0  }
0x65c: {  	[sflag:s21] =	ssyncadd.s32 $0xFFFFC000  }
0x65d: {  	[tilespmem:s15], [sflag:$0x3] =	stream.linear.gather [hbm4b:s9+s29], $0x4000, $0x38;
	[tilespmem:$0x14000] =	vst v63  }
0x65e: {  	_ =	swait.ge [sflag:s26], $0x4000  }
0x65f: {  	[sflag:s26] =	ssyncset.done $0x0  }
0x660: {  	[sflag:s26] =	ssyncadd.s32 $0xFFFFC000  }
0x661: {  	_ =	swait.ge [sflag:s22], $0x4000  }
0x662: {  	[sflag:s22] =	ssyncset.done $0x0  }
0x663: {  	s30 =	simm.s32 $0x0;
	s31 =	simm.s32 $0x0;
	[sflag:s22] =	ssyncadd.s32 $0xFFFFC000  }
.LBB2_114:
0x664: {  	s0 =	sshll.u32 s30, $0x2;
	s2 =	sand.u32 $0x7, s29  }
0x665: {  	s0 =	sand.u32 $0xFFFF8000, s0;
	s2 =	sshll.u32 s2, $0x9  }
0x666: {  	s0 =	sor.u32 s2, s0  }
0x667: {  	s2 =	sshrl.u32 s0, $0x2  }
0x668: {  	s0 =	sadd.s32 $0xC040, s2  }
0x669: {  	s2 =	sadd.s32 $0x4040, s2;
	v1 =	vld [tilespmem:s0+$0x30]  }
0x66a: {  	v2 =	vld [tilespmem:s2+$0x30]  }
0x66b: {  	v0 =	vld [tilespmem:s2+$0xFFFFFFC0]  }
0x66c: {  	v3 =	vld [tilespmem:s0+$0xFFFFFFD0]  }
0x66d: {  	v4 =	vld [tilespmem:s2+$0xFFFFFFD0]  }
0x66e: {  	v5 =	vld [tilespmem:s0+$0xFFFFFFE0]  }
0x66f: {  	v6 =	vld [tilespmem:s2+$0xFFFFFFE0]  }
0x670: {  	v7 =	vld [tilespmem:s0+$0xFFFFFFF0]  }
0x671: {  	v8 =	vld [tilespmem:s2+$0xFFFFFFF0]  }
0x672: {  	v9 =	vld [tilespmem:s0+$0x0]  }
0x673: {  	v10 =	vld [tilespmem:s2+$0x0];
	v2 =	vadd.f32 v2, v1  }
0x674: {  	v4 =	vadd.f32 v4, v3;
	v1 =	vld [tilespmem:s0+$0x10]  }
0x675: {  	v5 =	vadd.f32 v6, v5;
	v3 =	vld [tilespmem:s2+$0x10];
	[tilespmem:s0+$0x30] =	vst v2  }
0x676: {  	v6 =	vadd.f32 v8, v7;
	[tilespmem:s0+$0xFFFFFFD0] =	vst v4;
	v2 =	vld [tilespmem:s0+$0x20]  }
0x677: {  	[tilespmem:s0+$0xFFFFFFE0] =	vst v5;
	v5 =	vld [tilespmem:s2+$0x20]  }
0x678: {  	s3 =	simm.s32 $0x0;
	s4 =	sadd.s32 $0x400, s0;
	v4 =	vld [tilespmem:s0+$0xFFFFFFC0];
	[tilespmem:s0+$0xFFFFFFF0] =	vst v6;
	v6 =	vadd.f32 v10, v9  }
.LBB2_115:
0x679: {  	v7 =	vld [tilespmem:s4+$0x30];
	s2 =	sadd.s32 $0x400, s2  }
0x67a: {  	s3 =	sadd.s32 $0x80, s3;
	v8 =	vld [tilespmem:s2+$0x30];
	[tilespmem:s0+$0x0] =	vst v6;
	v1 =	vadd.f32 v3, v1  }
0x67b: {  	p0 =	slt.u32 s3, $0x380;
	v3 =	vld [tilespmem:s2+$0xFFFFFFC0]  }
0x67c: {  	v6 =	vld [tilespmem:s4+$0xFFFFFFD0];
	[tilespmem:s0+$0x10] =	vst v1;
	v1 =	vadd.f32 v5, v2  }
0x67d: {  	v2 =	vld [tilespmem:s2+$0xFFFFFFD0];
	v9 =	vadd.f32 v0, v4  }
0x67e: {  	v4 =	vld [tilespmem:s4+$0xFFFFFFE0];
	[tilespmem:s0+$0x20] =	vst v1  }
0x67f: {  	v1 =	vld [tilespmem:s2+$0xFFFFFFE0];
	v5 =	vadd.f32 v8, v7;
	[tilespmem:s0+$0xFFFFFFC0] =	vst v9;
	s0 =	smov.u32 s4  }
0x680: {  	v7 =	vld [tilespmem:s4+$0xFFFFFFF0];
	v0 =	vmov v3  }
0x681: {  	v8 =	vld [tilespmem:s2+$0xFFFFFFF0];
	[tilespmem:s4+$0x30] =	vst v5  }
0x682: {  	v2 =	vadd.f32 v2, v6;
	v6 =	vld [tilespmem:s4+$0x0]  }
0x683: {  	v9 =	vld [tilespmem:s2+$0x0]  }
.Ltmp56:
0x684: {  	[tilespmem:s4+$0xFFFFFFD0] =	vst v2;
	v2 =	vadd.f32 v1, v4;
	v1 =	vld [tilespmem:s4+$0x10];
	(pc) =	sbr.rel @p0 .LBB2_115-.Ltmp56, $4  }
0x685: {  	v3 =	vld [tilespmem:s2+$0x10]  }
0x686: {  	[tilespmem:s4+$0xFFFFFFE0] =	vst v2;
	v7 =	vadd.f32 v8, v7;
	v2 =	vld [tilespmem:s4+$0x20]  }
0x687: {  	v5 =	vld [tilespmem:s2+$0x20]  }
0x688: {  	s4 =	sadd.s32 $0x400, s4;
	v4 =	vld [tilespmem:s0+$0xFFFFFFC0];
	[tilespmem:s0+$0xFFFFFFF0] =	vst v7;
	v6 =	vadd.f32 v9, v6  }
0x689: {  	s31 =	sadd.s32 $0x1, s31  }
0x68a: {  	p0 =	sne.s32 s31, $0x10  }
.Ltmp57:
0x68b: {  	v1 =	vadd.f32 v3, v1;
	(pc) =	sbr.rel @p0 .LBB2_114-.Ltmp57, $4  }
0x68c: {  	[tilespmem:s0+$0x0] =	vst v6;
	v2 =	vadd.f32 v5, v2  }
0x68d: {  	[tilespmem:s0+$0x10] =	vst v1;
	v0 =	vadd.f32 v0, v4  }
0x68e: {  	[tilespmem:s0+$0x20] =	vst v2  }
0x68f: {  	s30 =	sadd.s32 $0x400, s30;
	s29 =	sadd.s32 $0x1, s29;
	[tilespmem:s0+$0xFFFFFFC0] =	vst v0  }
0x690: {  	s29 =	simm.s32 $0x0  }
0x691: {  	[hbm4b:s5+s29] =	stream.linear.scatter [tilespmem:s16], [sflag:$0x7], $0x4000, $0x38;
	[tilespmem:$0x14000] =	vst v63  }
0x692: {  	_ =	swait.ge [sflag:s23], $0x4000  }
0x693: {  	[sflag:s23] =	ssyncset.done $0x0  }
0x694: {  	[sflag:s23] =	ssyncadd.s32 $0xFFFFC000  }
0x695: {  	[tilespmem:s16], [sflag:$0x4] =	stream.linear.gather [hbm4b:s10+s29], $0x4000, $0x38;
	[tilespmem:$0x14000] =	vst v63  }
0x696: {  	_ =	swait.ge [sflag:s24], $0x4000  }
0x697: {  	[sflag:s24] =	ssyncset.done $0x0  }
0x698: {  	s30 =	simm.s32 $0x0;
	s31 =	simm.s32 $0x0;
	[sflag:s24] =	ssyncadd.s32 $0xFFFFC000  }
.LBB2_118:
0x699: {  	s0 =	sshll.u32 s30, $0x2;
	s2 =	sand.u32 $0x7, s29  }
0x69a: {  	s0 =	sand.u32 $0xFFFF8000, s0;
	s2 =	sshll.u32 s2, $0x9  }
0x69b: {  	s0 =	sor.u32 s2, s0  }
0x69c: {  	s2 =	sshrl.u32 s0, $0x2  }
0x69d: {  	s0 =	sadd.s32 $0x10040, s2  }
0x69e: {  	s2 =	sadd.s32 $0x4040, s2;
	v1 =	vld [tilespmem:s0+$0x30]  }
0x69f: {  	v2 =	vld [tilespmem:s2+$0x30]  }
0x6a0: {  	v0 =	vld [tilespmem:s2+$0xFFFFFFC0]  }
0x6a1: {  	v3 =	vld [tilespmem:s0+$0xFFFFFFD0]  }
0x6a2: {  	v4 =	vld [tilespmem:s2+$0xFFFFFFD0]  }
0x6a3: {  	v5 =	vld [tilespmem:s0+$0xFFFFFFE0]  }
0x6a4: {  	v6 =	vld [tilespmem:s2+$0xFFFFFFE0]  }
0x6a5: {  	v7 =	vld [tilespmem:s0+$0xFFFFFFF0]  }
0x6a6: {  	v8 =	vld [tilespmem:s2+$0xFFFFFFF0]  }
0x6a7: {  	v9 =	vld [tilespmem:s0+$0x0]  }
0x6a8: {  	v10 =	vld [tilespmem:s2+$0x0];
	v2 =	vadd.f32 v2, v1  }
0x6a9: {  	v4 =	vadd.f32 v4, v3;
	v1 =	vld [tilespmem:s0+$0x10]  }
0x6aa: {  	v5 =	vadd.f32 v6, v5;
	v3 =	vld [tilespmem:s2+$0x10];
	[tilespmem:s0+$0x30] =	vst v2  }
0x6ab: {  	v6 =	vadd.f32 v8, v7;
	[tilespmem:s0+$0xFFFFFFD0] =	vst v4;
	v2 =	vld [tilespmem:s0+$0x20]  }
0x6ac: {  	[tilespmem:s0+$0xFFFFFFE0] =	vst v5;
	v5 =	vld [tilespmem:s2+$0x20]  }
0x6ad: {  	s3 =	simm.s32 $0x0;
	s4 =	sadd.s32 $0x400, s0;
	v4 =	vld [tilespmem:s0+$0xFFFFFFC0];
	[tilespmem:s0+$0xFFFFFFF0] =	vst v6;
	v6 =	vadd.f32 v10, v9  }
.LBB2_119:
0x6ae: {  	v7 =	vld [tilespmem:s4+$0x30];
	s2 =	sadd.s32 $0x400, s2  }
0x6af: {  	s3 =	sadd.s32 $0x80, s3;
	v8 =	vld [tilespmem:s2+$0x30];
	[tilespmem:s0+$0x0] =	vst v6;
	v1 =	vadd.f32 v3, v1  }
0x6b0: {  	p0 =	slt.u32 s3, $0x380;
	v3 =	vld [tilespmem:s2+$0xFFFFFFC0]  }
0x6b1: {  	v6 =	vld [tilespmem:s4+$0xFFFFFFD0];
	[tilespmem:s0+$0x10] =	vst v1;
	v1 =	vadd.f32 v5, v2  }
0x6b2: {  	v2 =	vld [tilespmem:s2+$0xFFFFFFD0];
	v9 =	vadd.f32 v0, v4  }
0x6b3: {  	v4 =	vld [tilespmem:s4+$0xFFFFFFE0];
	[tilespmem:s0+$0x20] =	vst v1  }
0x6b4: {  	v1 =	vld [tilespmem:s2+$0xFFFFFFE0];
	v5 =	vadd.f32 v8, v7;
	[tilespmem:s0+$0xFFFFFFC0] =	vst v9;
	s0 =	smov.u32 s4  }
0x6b5: {  	v7 =	vld [tilespmem:s4+$0xFFFFFFF0];
	v0 =	vmov v3  }
0x6b6: {  	v8 =	vld [tilespmem:s2+$0xFFFFFFF0];
	[tilespmem:s4+$0x30] =	vst v5  }
0x6b7: {  	v2 =	vadd.f32 v2, v6;
	v6 =	vld [tilespmem:s4+$0x0]  }
0x6b8: {  	v9 =	vld [tilespmem:s2+$0x0]  }
.Ltmp58:
0x6b9: {  	[tilespmem:s4+$0xFFFFFFD0] =	vst v2;
	v2 =	vadd.f32 v1, v4;
	v1 =	vld [tilespmem:s4+$0x10];
	(pc) =	sbr.rel @p0 .LBB2_119-.Ltmp58, $4  }
0x6ba: {  	v3 =	vld [tilespmem:s2+$0x10]  }
0x6bb: {  	[tilespmem:s4+$0xFFFFFFE0] =	vst v2;
	v7 =	vadd.f32 v8, v7;
	v2 =	vld [tilespmem:s4+$0x20]  }
0x6bc: {  	v5 =	vld [tilespmem:s2+$0x20]  }
0x6bd: {  	s4 =	sadd.s32 $0x400, s4;
	v4 =	vld [tilespmem:s0+$0xFFFFFFC0];
	[tilespmem:s0+$0xFFFFFFF0] =	vst v7;
	v6 =	vadd.f32 v9, v6  }
0x6be: {  	s31 =	sadd.s32 $0x1, s31  }
0x6bf: {  	p0 =	sne.s32 s31, $0x10  }
.Ltmp59:
0x6c0: {  	v1 =	vadd.f32 v3, v1;
	(pc) =	sbr.rel @p0 .LBB2_118-.Ltmp59, $4  }
0x6c1: {  	[tilespmem:s0+$0x0] =	vst v6;
	v2 =	vadd.f32 v5, v2  }
0x6c2: {  	[tilespmem:s0+$0x10] =	vst v1;
	v0 =	vadd.f32 v0, v4  }
0x6c3: {  	[tilespmem:s0+$0x20] =	vst v2  }
0x6c4: {  	s30 =	sadd.s32 $0x400, s30;
	s29 =	sadd.s32 $0x1, s29;
	[tilespmem:s0+$0xFFFFFFC0] =	vst v0  }
0x6c5: {  	s29 =	simm.s32 $0x0  }
0x6c6: {  	[hbm4b:s11+s29] =	stream.linear.scatter [tilespmem:s18], [sflag:$0x8], $0x4000, $0x38;
	[tilespmem:$0x14000] =	vst v63  }
0x6c7: {  	_ =	swait.ge [sflag:s20], $0x4000  }
0x6c8: {  	[sflag:s20] =	ssyncset.done $0x0  }
0x6c9: {  	s30 =	simm.s32 $0x0;
	s31 =	simm.s32 $0x0;
	[sflag:s20] =	ssyncadd.s32 $0xFFFFC000  }
.LBB2_122:
0x6ca: {  	s0 =	sshll.u32 s30, $0x2;
	s2 =	sand.u32 $0x7, s29  }
0x6cb: {  	s0 =	sand.u32 $0xFFFF8000, s0;
	s2 =	sshll.u32 s2, $0x9  }
0x6cc: {  	s0 =	sor.u32 s2, s0  }
0x6cd: {  	s2 =	sshrl.u32 s0, $0x2  }
0x6ce: {  	s0 =	sadd.s32 $0x8040, s2  }
0x6cf: {  	s2 =	sadd.s32 $0x4040, s2;
	v1 =	vld [tilespmem:s0+$0x30]  }
0x6d0: {  	v2 =	vld [tilespmem:s2+$0x30]  }
0x6d1: {  	v0 =	vld [tilespmem:s2+$0xFFFFFFC0]  }
0x6d2: {  	v3 =	vld [tilespmem:s0+$0xFFFFFFD0]  }
0x6d3: {  	v4 =	vld [tilespmem:s2+$0xFFFFFFD0]  }
0x6d4: {  	v5 =	vld [tilespmem:s0+$0xFFFFFFE0]  }
0x6d5: {  	v6 =	vld [tilespmem:s2+$0xFFFFFFE0]  }
0x6d6: {  	v7 =	vld [tilespmem:s0+$0xFFFFFFF0]  }
0x6d7: {  	v8 =	vld [tilespmem:s2+$0xFFFFFFF0]  }
0x6d8: {  	v9 =	vld [tilespmem:s0+$0x0]  }
0x6d9: {  	v10 =	vld [tilespmem:s2+$0x0];
	v2 =	vadd.f32 v2, v1  }
0x6da: {  	v4 =	vadd.f32 v4, v3;
	v1 =	vld [tilespmem:s0+$0x10]  }
0x6db: {  	v5 =	vadd.f32 v6, v5;
	v3 =	vld [tilespmem:s2+$0x10];
	[tilespmem:s0+$0x30] =	vst v2  }
0x6dc: {  	v6 =	vadd.f32 v8, v7;
	[tilespmem:s0+$0xFFFFFFD0] =	vst v4;
	v2 =	vld [tilespmem:s0+$0x20]  }
0x6dd: {  	[tilespmem:s0+$0xFFFFFFE0] =	vst v5;
	v5 =	vld [tilespmem:s2+$0x20]  }
0x6de: {  	s3 =	simm.s32 $0x0;
	s4 =	sadd.s32 $0x400, s0;
	v4 =	vld [tilespmem:s0+$0xFFFFFFC0];
	[tilespmem:s0+$0xFFFFFFF0] =	vst v6;
	v6 =	vadd.f32 v10, v9  }
.LBB2_123:
0x6df: {  	v7 =	vld [tilespmem:s4+$0x30];
	s2 =	sadd.s32 $0x400, s2  }
0x6e0: {  	s3 =	sadd.s32 $0x80, s3;
	v8 =	vld [tilespmem:s2+$0x30];
	[tilespmem:s0+$0x0] =	vst v6;
	v1 =	vadd.f32 v3, v1  }
0x6e1: {  	p0 =	slt.u32 s3, $0x380;
	v3 =	vld [tilespmem:s2+$0xFFFFFFC0]  }
0x6e2: {  	v6 =	vld [tilespmem:s4+$0xFFFFFFD0];
	[tilespmem:s0+$0x10] =	vst v1;
	v1 =	vadd.f32 v5, v2  }
0x6e3: {  	v2 =	vld [tilespmem:s2+$0xFFFFFFD0];
	v9 =	vadd.f32 v0, v4  }
0x6e4: {  	v4 =	vld [tilespmem:s4+$0xFFFFFFE0];
	[tilespmem:s0+$0x20] =	vst v1  }
0x6e5: {  	v1 =	vld [tilespmem:s2+$0xFFFFFFE0];
	v5 =	vadd.f32 v8, v7;
	[tilespmem:s0+$0xFFFFFFC0] =	vst v9;
	s0 =	smov.u32 s4  }
0x6e6: {  	v7 =	vld [tilespmem:s4+$0xFFFFFFF0];
	v0 =	vmov v3  }
0x6e7: {  	v8 =	vld [tilespmem:s2+$0xFFFFFFF0];
	[tilespmem:s4+$0x30] =	vst v5  }
0x6e8: {  	v2 =	vadd.f32 v2, v6;
	v6 =	vld [tilespmem:s4+$0x0]  }
0x6e9: {  	v9 =	vld [tilespmem:s2+$0x0]  }
.Ltmp60:
0x6ea: {  	[tilespmem:s4+$0xFFFFFFD0] =	vst v2;
	v2 =	vadd.f32 v1, v4;
	v1 =	vld [tilespmem:s4+$0x10];
	(pc) =	sbr.rel @p0 .LBB2_123-.Ltmp60, $4  }
0x6eb: {  	v3 =	vld [tilespmem:s2+$0x10]  }
0x6ec: {  	[tilespmem:s4+$0xFFFFFFE0] =	vst v2;
	v7 =	vadd.f32 v8, v7;
	v2 =	vld [tilespmem:s4+$0x20]  }
0x6ed: {  	v5 =	vld [tilespmem:s2+$0x20]  }
0x6ee: {  	s4 =	sadd.s32 $0x400, s4;
	v4 =	vld [tilespmem:s0+$0xFFFFFFC0];
	[tilespmem:s0+$0xFFFFFFF0] =	vst v7;
	v6 =	vadd.f32 v9, v6  }
0x6ef: {  	s31 =	sadd.s32 $0x1, s31  }
0x6f0: {  	p0 =	sne.s32 s31, $0x10  }
.Ltmp61:
0x6f1: {  	v1 =	vadd.f32 v3, v1;
	(pc) =	sbr.rel @p0 .LBB2_122-.Ltmp61, $4  }
0x6f2: {  	[tilespmem:s0+$0x0] =	vst v6;
	v2 =	vadd.f32 v5, v2  }
0x6f3: {  	[tilespmem:s0+$0x10] =	vst v1;
	v0 =	vadd.f32 v0, v4  }
0x6f4: {  	[tilespmem:s0+$0x20] =	vst v2  }
0x6f5: {  	s30 =	sadd.s32 $0x400, s30;
	s29 =	sadd.s32 $0x1, s29;
	[tilespmem:s0+$0xFFFFFFC0] =	vst v0  }
0x6f6: {  	s29 =	simm.s32 $0x0  }
0x6f7: {  	[hbm4b:s12+s29] =	stream.linear.scatter [tilespmem:s15], [sflag:$0x6], $0x4000, $0x38;
	[tilespmem:$0x14000] =	vst v63  }
0x6f8: {  	_ =	swait.ge [sflag:s22], $0x4000  }
0x6f9: {  	[sflag:s22] =	ssyncset.done $0x0  }
0x6fa: {  	s30 =	simm.s32 $0x0;
	s31 =	simm.s32 $0x0;
	[sflag:s22] =	ssyncadd.s32 $0xFFFFC000  }
.LBB2_126:
0x6fb: {  	s0 =	sshll.u32 s30, $0x2;
	s2 =	sand.u32 $0x7, s29  }
0x6fc: {  	s0 =	sand.u32 $0xFFFF8000, s0;
	s2 =	sshll.u32 s2, $0x9  }
0x6fd: {  	s0 =	sor.u32 s2, s0  }
0x6fe: {  	s2 =	sshrl.u32 s0, $0x2  }
0x6ff: {  	s0 =	sadd.s32 $0xC040, s2  }
0x700: {  	s2 =	sadd.s32 $0x4040, s2;
	v1 =	vld [tilespmem:s0+$0x30]  }
0x701: {  	v2 =	vld [tilespmem:s2+$0x30]  }
0x702: {  	v0 =	vld [tilespmem:s2+$0xFFFFFFC0]  }
0x703: {  	v3 =	vld [tilespmem:s0+$0xFFFFFFD0]  }
0x704: {  	v4 =	vld [tilespmem:s2+$0xFFFFFFD0]  }
0x705: {  	v5 =	vld [tilespmem:s0+$0xFFFFFFE0]  }
0x706: {  	v6 =	vld [tilespmem:s2+$0xFFFFFFE0]  }
0x707: {  	v7 =	vld [tilespmem:s0+$0xFFFFFFF0]  }
0x708: {  	v8 =	vld [tilespmem:s2+$0xFFFFFFF0]  }
0x709: {  	v9 =	vld [tilespmem:s0+$0x0]  }
0x70a: {  	v10 =	vld [tilespmem:s2+$0x0];
	v2 =	vadd.f32 v2, v1  }
0x70b: {  	v4 =	vadd.f32 v4, v3;
	v1 =	vld [tilespmem:s0+$0x10]  }
0x70c: {  	v5 =	vadd.f32 v6, v5;
	v3 =	vld [tilespmem:s2+$0x10];
	[tilespmem:s0+$0x30] =	vst v2  }
0x70d: {  	v6 =	vadd.f32 v8, v7;
	[tilespmem:s0+$0xFFFFFFD0] =	vst v4;
	v2 =	vld [tilespmem:s0+$0x20]  }
0x70e: {  	[tilespmem:s0+$0xFFFFFFE0] =	vst v5;
	v5 =	vld [tilespmem:s2+$0x20]  }
0x70f: {  	s3 =	simm.s32 $0x0;
	s4 =	sadd.s32 $0x400, s0;
	v4 =	vld [tilespmem:s0+$0xFFFFFFC0];
	[tilespmem:s0+$0xFFFFFFF0] =	vst v6;
	v6 =	vadd.f32 v10, v9  }
.LBB2_127:
0x710: {  	v7 =	vld [tilespmem:s4+$0x30];
	s2 =	sadd.s32 $0x400, s2  }
0x711: {  	s3 =	sadd.s32 $0x80, s3;
	v8 =	vld [tilespmem:s2+$0x30];
	[tilespmem:s0+$0x0] =	vst v6;
	v1 =	vadd.f32 v3, v1  }
0x712: {  	p0 =	slt.u32 s3, $0x380;
	v3 =	vld [tilespmem:s2+$0xFFFFFFC0]  }
0x713: {  	v6 =	vld [tilespmem:s4+$0xFFFFFFD0];
	[tilespmem:s0+$0x10] =	vst v1;
	v1 =	vadd.f32 v5, v2  }
0x714: {  	v2 =	vld [tilespmem:s2+$0xFFFFFFD0];
	v9 =	vadd.f32 v0, v4  }
0x715: {  	v4 =	vld [tilespmem:s4+$0xFFFFFFE0];
	[tilespmem:s0+$0x20] =	vst v1  }
0x716: {  	v1 =	vld [tilespmem:s2+$0xFFFFFFE0];
	v5 =	vadd.f32 v8, v7;
	[tilespmem:s0+$0xFFFFFFC0] =	vst v9;
	s0 =	smov.u32 s4  }
0x717: {  	v7 =	vld [tilespmem:s4+$0xFFFFFFF0];
	v0 =	vmov v3  }
0x718: {  	v8 =	vld [tilespmem:s2+$0xFFFFFFF0];
	[tilespmem:s4+$0x30] =	vst v5  }
0x719: {  	v2 =	vadd.f32 v2, v6;
	v6 =	vld [tilespmem:s4+$0x0]  }
0x71a: {  	v9 =	vld [tilespmem:s2+$0x0]  }
.Ltmp62:
0x71b: {  	[tilespmem:s4+$0xFFFFFFD0] =	vst v2;
	v2 =	vadd.f32 v1, v4;
	v1 =	vld [tilespmem:s4+$0x10];
	(pc) =	sbr.rel @p0 .LBB2_127-.Ltmp62, $4  }
0x71c: {  	v3 =	vld [tilespmem:s2+$0x10]  }
0x71d: {  	[tilespmem:s4+$0xFFFFFFE0] =	vst v2;
	v7 =	vadd.f32 v8, v7;
	v2 =	vld [tilespmem:s4+$0x20]  }
0x71e: {  	v5 =	vld [tilespmem:s2+$0x20]  }
0x71f: {  	s4 =	sadd.s32 $0x400, s4;
	v4 =	vld [tilespmem:s0+$0xFFFFFFC0];
	[tilespmem:s0+$0xFFFFFFF0] =	vst v7;
	v6 =	vadd.f32 v9, v6  }
0x720: {  	s31 =	sadd.s32 $0x1, s31  }
0x721: {  	p0 =	sne.s32 s31, $0x10  }
.Ltmp63:
0x722: {  	v1 =	vadd.f32 v3, v1;
	(pc) =	sbr.rel @p0 .LBB2_126-.Ltmp63, $4  }
0x723: {  	[tilespmem:s0+$0x0] =	vst v6;
	v2 =	vadd.f32 v5, v2  }
0x724: {  	[tilespmem:s0+$0x10] =	vst v1;
	v0 =	vadd.f32 v0, v4  }
0x725: {  	[tilespmem:s0+$0x20] =	vst v2  }
0x726: {  	s30 =	sadd.s32 $0x400, s30;
	s29 =	sadd.s32 $0x1, s29;
	[tilespmem:s0+$0xFFFFFFC0] =	vst v0  }
0x727: {  	[hbm4b:s13+s1] =	stream.linear.scatter [tilespmem:s16], [sflag:$0x7], $0x4000, $0x38;
	[tilespmem:$0x14000] =	vst v63  }
0x728: {  	_ =	swait.ge [sflag:s25], $0x4000  }
0x729: {  	[sflag:s25] =	ssyncset.done $0x0  }
0x72a: {  	s28 =	sadd.s32 $0x1, s28;
	[sflag:s25] =	ssyncadd.s32 $0xFFFFC000  }
0x72b: {  	p0 =	sne.s32 s28, s14;
	_ =	swait.ge [sflag:s21], $0x4000  }
.Ltmp64:
0x72c: {  	[sflag:s21] =	ssyncset.done $0x0;
	(pc) =	sbr.rel @p0 .LBB2_1-.Ltmp64, $4  }
0x72d: {  	[sflag:s21] =	ssyncadd.s32 $0xFFFFC000  }
0x72e: {  	_ =	swait.ge [sflag:s23], $0x4000  }
0x72f: {  	[sflag:s23] =	ssyncset.done $0x0  }
0x730: {  	[sflag:s23] =	ssyncadd.s32 $0xFFFFC000  }
0x731: {  	_ =	sfence.sel $0x180000  }
0x732: {  	[bflag:$0x0] =	sbarrier.arrive $0xFFFF  }
0x733: {  	_ =	strace $0x90000047  }
0x734: {  	s0 =	stileid.u32;
	[bflag:$0x2] =	sbarrier.arrive $0xFFFF  }
0x735: {  	p0 =	sne.s32 s0, $0x0;
	s0 =	rddreg [dreg:$0x3]  }
0x736: {  	s0 =	sadd.s32 @!p0 $0x100000, s0  }
0x737: {  	[sflag:s0] =	ssyncadd.tile.s32 @!p0 $0x1;
	_ =	shalt  }
.Lfunc_end2:
_tile_overlayer_lowered:
.L_overlay_start_2:
0x738: {  	(tag) =	ssettag $0x2  }
0x739: {  	s0 =	rddreg [dreg:$0x0];
	s2 =	stileid.u32  }
0x73a: {  	s1 =	rddreg [dreg:$0x1];
	p0 =	sne.s32 s2, $0x0  }
0x73b: {  	s3 =	rddreg [dreg:$0x2];
	[bflag:$0x3] =	sbarrier.arrive $0xFFFF;
	s2 =	simm.s32 @!p0 $0x1C09  }
0x73c: {  	[timem:s3], [sflag:s2] =	dma.local @!p0 [hbm:s0], s1  }
0x73d: {  	s0 =	simm.s32 @!p0 $0x9  }
0x73e: {  	_ =	swait.ge @!p0 [sflag:s0], s1  }
0x73f: {  	s1 =	ssub.s32 @!p0 $0x0, s1;
	[sflag:s0] =	ssyncset.done @!p0 $0x0  }
0x740: {  	[sflag:s0] =	ssyncadd.s32 @!p0 s1  }
0x741: {  	[bflag:$0x3] =	sbarrier.arrive $0xFFFF  }
0x742: {  	_ =	shalt  }

</sc_bundles>
